<compile_context>
chip_gen: v7x
topology: tpu7x:2x2x1
jax: 0.10.2.dev20260603
libtpu: 0.0.44.dev20260713+nightly
codegen_flags: <defaults>
</compile_context>

<pallas_src>
import functools

import jax
import jax.numpy as jnp
from jax import lax
from jax.experimental import pallas as pl
from jax.experimental.pallas import tpu as pltpu
from jax.experimental.pallas import tpu_sc as plsc

N = 10000
E = 320000
B = 256
NPAD = 10240
EPAD = 327680
D1P = 128
D2P = 32
EROWS = EPAD // 128
ROWS_PER_W = EROWS // 32
CHUNK_ROWS = 2
NCHUNK = ROWS_PER_W // CHUNK_ROWS
TILE_ROWS = NPAD // 16



def _mm1_body(x_ref, w_ref, o_ref):
    y = jnp.dot(x_ref[...], w_ref[...], preferred_element_type=jnp.float32)
    lane = lax.broadcasted_iota(jnp.int32, y.shape, 1)
    o_ref[...] = (y + jnp.where(lane == 100, 1.0, 0.0)).astype(jnp.bfloat16)


def _mm1(x, w1p):
    return pl.pallas_call(
        _mm1_body,
        grid=(10,),
        in_specs=[pl.BlockSpec((1000, 128), lambda i: (i, 0)),
                  pl.BlockSpec((128, D1P), lambda i: (0, 0))],
        out_specs=pl.BlockSpec((1000, D1P), lambda i: (i, 0)),
        out_shape=jax.ShapeDtypeStruct((N, D1P), jnp.bfloat16),
    )(x, w1p)



def _make_agg(d, cr, n0, n1):
    assert (n0 + n1) * 16 * cr == EROWS and n0 % 2 == 0 and n1 % 2 == 0
    mesh = plsc.VectorSubcoreMesh(core_axis_name="c", subcore_axis_name="s")

    @functools.partial(
        pl.kernel,
        mesh=mesh,
        compiler_params=pltpu.CompilerParams(use_tc_tiling_on_sc=False),
        out_type=jax.ShapeDtypeStruct((2 * NPAD, d), jnp.bfloat16),
        scratch_types=[
            pltpu.VMEM((cr, 128), jnp.int32),
            pltpu.VMEM((cr, 128), jnp.int32),
            pltpu.VMEM((cr * 128, d), jnp.bfloat16),
            pltpu.VMEM((cr, 128), jnp.int32),
            pltpu.VMEM((cr, 128), jnp.int32),
            pltpu.VMEM((cr * 128, d), jnp.bfloat16),
            pltpu.VMEM_SHARED((NPAD, d), jnp.bfloat16),
            pltpu.SemaphoreType.DMA,
            pltpu.SemaphoreType.DMA,
        ],
    )
    def agg(y_hbm, src_hbm, dst_hbm, out_hbm,
            src0, dst0, rows0, src1, dst1, rows1, acc, sem0, sem1):
        c = lax.axis_index("c")
        s = lax.axis_index("s")
        my_n = jnp.where(c == 0, n0, n1)
        row0 = jnp.where(c == 0, s * (cr * n0),
                         16 * cr * n0 + s * (cr * n1))

        def fire(g, src_b, dst_b, rows_b, sem):
            base = row0 + g * cr
            pltpu.sync_copy(src_hbm.at[pl.ds(base, cr)], src_b)
            pltpu.sync_copy(dst_hbm.at[pl.ds(base, cr)], dst_b)
            for j in range(cr):
                pltpu.async_copy(y_hbm.at[src_b.at[j]],
                                 rows_b.at[pl.ds(j * 128, 128)], sem)

        def drain_scatter(src_b, dst_b, rows_b, sem):
            for j in range(cr):
                pltpu.make_async_copy(y_hbm.at[src_b.at[j]],
                                      rows_b.at[pl.ds(j * 128, 128)],
                                      sem).wait()
            for j in range(cr):
                pltpu.sync_copy(rows_b.at[pl.ds(j * 128, 128)],
                                acc.at[dst_b.at[j]], add=True)

        zr = TILE_ROWS
        while zr > cr * 128:
            zr //= 2

        def zrow(r, carry):
            for j in range(d // 32):
                rows0[r, pl.ds(j * 32, 32)] = jnp.zeros((32,), jnp.bfloat16)
            return carry
        lax.fori_loop(0, zr, zrow, 0)
        nz = TILE_ROWS // zr
        for q in range(nz):
            pltpu.sync_copy(rows0.at[pl.ds(0, zr)],
                            acc.at[pl.ds(s * TILE_ROWS + q * zr, zr)])
        plsc.subcore_barrier()

        fire(0, src0, dst0, rows0, sem0)

        def body(t, carry):
            g0 = 2 * t
            fire(g0 + 1, src1, dst1, rows1, sem1)
            drain_scatter(src0, dst0, rows0, sem0)

            @pl.when(g0 + 2 < my_n)
            def _():
                fire(g0 + 2, src0, dst0, rows0, sem0)
            drain_scatter(src1, dst1, rows1, sem1)
            return carry
        lax.fori_loop(0, my_n // 2, body, 0)
        plsc.subcore_barrier()

        pltpu.sync_copy(acc.at[pl.ds(s * TILE_ROWS, TILE_ROWS)],
                        out_hbm.at[pl.ds(c * NPAD + s * TILE_ROWS, TILE_ROWS)])

    return agg



def _layer2_body(acc_ref, b1_ref, w2_ref, o_ref):
    a = acc_ref[0].astype(jnp.float32) + acc_ref[1].astype(jnp.float32)
    lane = lax.broadcasted_iota(jnp.int32, a.shape, 1)
    deg = jnp.sum(jnp.where(lane == 100, a, 0.0), axis=1, keepdims=True)
    inv = 1.0 / jnp.maximum(deg, 1.0)
    h1 = jnp.maximum(a * inv + b1_ref[...], 0.0)
    y2 = jnp.dot(h1, w2_ref[...], preferred_element_type=jnp.float32)
    lane2 = lax.broadcasted_iota(jnp.int32, y2.shape, 1)
    o_ref[...] = (y2 + jnp.where(lane2 == 20, 1.0, 0.0)).astype(jnp.bfloat16)


def _layer2(acc1, b1p, w2p):
    return pl.pallas_call(
        _layer2_body,
        grid=(NPAD // 1024,),
        in_specs=[pl.BlockSpec((2, 1024, D1P), lambda i: (0, i, 0)),
                  pl.BlockSpec((1, D1P), lambda i: (0, 0)),
                  pl.BlockSpec((D1P, D2P), lambda i: (0, 0))],
        out_specs=pl.BlockSpec((1024, D2P), lambda i: (i, 0)),
        out_shape=jax.ShapeDtypeStruct((NPAD, D2P), jnp.bfloat16),
    )(acc1, b1p, w2p)



def _readout_body(acc_ref, gid_ref, b2_ref, o_ref):
    i = pl.program_id(0)
    a = acc_ref[0].astype(jnp.float32) + acc_ref[1].astype(jnp.float32)
    lane = lax.broadcasted_iota(jnp.int32, a.shape, 1)
    deg = jnp.sum(jnp.where(lane == 20, a, 0.0), axis=1, keepdims=True)
    inv = 1.0 / jnp.maximum(deg, 1.0)
    h2 = jnp.maximum(jnp.where(lane < 20, a * inv, 0.0) + b2_ref[...], 0.0)
    gid = gid_ref[0]
    bidx = lax.broadcasted_iota(jnp.int32, (B, 1024), 0)
    oh = (bidx == gid).astype(jnp.float32)
    ps = jnp.dot(oh, h2, preferred_element_type=jnp.float32)

    @pl.when(i == 0)
    def _():
        o_ref[...] = ps

    @pl.when(i != 0)
    def _():
        o_ref[...] += ps


def _readout(acc2, gidp, b2p):
    return pl.pallas_call(
        _readout_body,
        grid=(NPAD // 1024,),
        in_specs=[pl.BlockSpec((2, 1024, D2P), lambda i: (0, i, 0)),
                  pl.BlockSpec((1, 1, 1024), lambda i: (i, 0, 0)),
                  pl.BlockSpec((1, D2P), lambda i: (0, 0))],
        out_specs=pl.BlockSpec((B, D2P), lambda i: (0, 0)),
        out_shape=jax.ShapeDtypeStruct((B, D2P), jnp.float32),
    )(acc2, gidp, b2p)



def _final_body(hgs_ref, d2_ref, wg2_ref, bg2_ref, wtm_ref, wtl_ref, bf1_ref,
                wf2_ref, bf2_ref, wf3_ref, bf3_ref, g1_ref, be1_ref,
                g2_ref, be2_ref, o_ref):
    hgs = hgs_ref[...]
    lane = lax.broadcasted_iota(jnp.int32, hgs.shape, 1)
    cnt = jnp.sum(jnp.where(lane == 20, hgs, 0.0), axis=1, keepdims=True)
    hg = hgs * (1.0 / jnp.maximum(cnt, 1.0))
    z = jnp.dot(hg, wg2_ref[...], preferred_element_type=jnp.float32)
    g2v = 1.0 / (1.0 + jnp.exp(-(z + bg2_ref[...])))
    v2 = g2v * d2_ref[...]
    u = jnp.dot(v2, wtm_ref[...], preferred_element_type=jnp.float32)
    u = u + wtl_ref[...]
    out1 = u[:, 20 * 64:21 * 64]
    for i in range(20):
        coli = jnp.sum(jnp.where(lane == i, hg, 0.0), axis=1, keepdims=True)
        out1 = out1 + coli * u[:, i * 64:(i + 1) * 64]
    out1 = out1 + bf1_ref[...]
    m1 = jnp.mean(out1, axis=0, keepdims=True)
    v1 = jnp.mean((out1 - m1) ** 2, axis=0, keepdims=True)
    z1 = (out1 - m1) * lax.rsqrt(v1 + 1e-5) * g1_ref[...] + be1_ref[...]
    z1 = jnp.maximum(z1, 0.0)
    t2 = jnp.dot(z1, wf2_ref[...], preferred_element_type=jnp.float32)
    t2 = t2 + bf2_ref[...]
    m2 = jnp.mean(t2, axis=0, keepdims=True)
    vv2 = jnp.mean((t2 - m2) ** 2, axis=0, keepdims=True)
    z2 = (t2 - m2) * lax.rsqrt(vv2 + 1e-5) * g2_ref[...] + be2_ref[...]
    z2 = jnp.maximum(z2, 0.0)
    o_ref[...] = jnp.dot(z2, wf3_ref[...],
                         preferred_element_type=jnp.float32) + bf3_ref[...]


def _final(hgs, desc_2d, wg2p, bg2, wtm, wtl, bf1, wf2, bf2, wf3, bf3,
           gamma1, beta1, gamma2, beta2):
    full = lambda s: pl.BlockSpec(s, lambda: (0,) * len(s))
    return pl.pallas_call(
        _final_body,
        in_specs=[full((B, D2P)), full((B, 200)), full((D2P, 200)),
                  full((1, 200)), full((200, 21 * 64)), full((1, 21 * 64)),
                  full((1, 64)), full((64, 16)), full((1, 16)),
                  full((16, 1)), full((1, 1)), full((1, 64)), full((1, 64)),
                  full((1, 16)), full((1, 16))],
        out_specs=full((B, 1)),
        out_shape=jax.ShapeDtypeStruct((B, 1), jnp.float32),
    )(hgs, desc_2d, wg2p, bg2, wtm, wtl, bf1, wf2, bf2, wf3, bf3,
      gamma1, beta1, gamma2, beta2)



def kernel(x, edge_index, graph_ids, desc_2d, desc_3d, W1, b1, W2, b2,
           Wg2, bg2, Wg3, bg3, Wf1, bf1, Wf2, bf2, Wf3, bf3,
           gamma1, beta1, gamma2, beta2):
    f32 = jnp.float32
    i32 = jnp.int32

    w1p = jnp.pad(W1, ((0, 0), (0, D1P - 100)))
    b1p = jnp.pad(b1, (0, D1P - 100)).reshape(1, D1P)
    w2p = jnp.pad(W2, ((0, D1P - 100), (0, D2P - 20)))
    b2p = jnp.concatenate(
        [b2, jnp.ones((1,), f32), jnp.zeros((D2P - 21,), f32)]).reshape(1, D2P)
    src2 = jnp.concatenate(
        [edge_index[0].astype(i32), jnp.zeros((EPAD - E,), i32)]).reshape(EROWS, 128)
    dst2 = jnp.concatenate(
        [edge_index[1].astype(i32), jnp.full((EPAD - E,), N, i32)]).reshape(EROWS, 128)
    gidp = jnp.concatenate(
        [graph_ids.astype(i32), jnp.full((NPAD - N,), B, i32)]
    ).reshape(NPAD // 1024, 1, 1024)
    wg2p = jnp.pad(Wg2, ((0, D2P - 20), (0, 0)))
    wt = Wf1.reshape(21, 201, 64).transpose(1, 0, 2).reshape(201, 21 * 64)

    y1 = _mm1(x, w1p)
    acc1 = _make_agg(D1P, 2, 50, 30)(y1, src2, dst2).reshape(2, NPAD, D1P)
    y2 = _layer2(acc1, b1p, w2p)
    acc2 = _make_agg(D2P, 4, 26, 14)(y2, src2, dst2).reshape(2, NPAD, D2P)
    hgs = _readout(acc2, gidp, b2p)
    return _final(hgs, desc_2d, wg2p, bg2.reshape(1, 200), wt[:200],
                  wt[200:201], bf1.reshape(1, 64), Wf2, bf2.reshape(1, 16),
                  Wf3, bf3.reshape(1, 1), gamma1.reshape(1, 64),
                  beta1.reshape(1, 64), gamma2.reshape(1, 16),
                  beta2.reshape(1, 16))

# --- scband reference (transcript-rebuilt; emitter-appended) ---
"""Pipeline reference for scband-net-84954453115055 (READ-ONLY COPY).

The authoritative reference and input builder live on the scoring server;
editing this copy changes nothing except your own understanding.
"""

import jax, jax.numpy as jnp
import numpy as np

N, E, B = 10000, 320000, 256
DIM_IN, D2, D3 = 128, 200, 300
DG = 20


def _lin_init(k, fan_in, fan_out):
    s = 1.0 / np.sqrt(fan_in)
    kw, kb = jax.random.split(k)
    W = jax.random.uniform(kw, (fan_in, fan_out), jnp.float32, -s, s)
    b = jax.random.uniform(kb, (fan_out,), jnp.float32, -s, s)
    return W, b


def _init_params(key):
    ks = jax.random.split(key, 7)
    p = {}
    p['W1'], p['b1'] = _lin_init(ks[0], DIM_IN, 100)
    p['W2'], p['b2'] = _lin_init(ks[1], 100, DG)
    p['Wg2'], p['bg2'] = _lin_init(ks[2], DG, D2)
    p['Wg3'], p['bg3'] = _lin_init(ks[3], DG, D3)
    p['Wf1'], p['bf1'] = _lin_init(ks[4], (DG + 1) * (D2 + 1), 64)
    p['Wf2'], p['bf2'] = _lin_init(ks[5], 64, 16)
    p['Wf3'], p['bf3'] = _lin_init(ks[6], 16, 1)
    p['gamma1'] = jnp.ones((64,), jnp.float32)
    p['beta1'] = jnp.zeros((64,), jnp.float32)
    p['gamma2'] = jnp.ones((16,), jnp.float32)
    p['beta2'] = jnp.zeros((16,), jnp.float32)
    return p


def setup_inputs(seed: int = 0) -> dict:
    key = jax.random.key(seed)
    k1, k2, k3, k4, k5, k6 = jax.random.split(key, 6)
    inp = {
        'x': jax.random.normal(k1, (N, DIM_IN), jnp.float32),
        'edge_index': jax.random.randint(k2, (2, E), 0, N),
        'graph_ids': jnp.sort(jax.random.randint(k3, (N,), 0, B)),
        'desc_2d': jax.random.normal(k4, (B, D2), jnp.float32),
        'desc_3d': jax.random.normal(k5, (B, D3), jnp.float32),
    }
    inp.update(_init_params(k6))
    return inp


def _gcn_mean(h, src, dst, n):
    # DGL update_all(copy_u, mean): mean of incoming src features per dst node; 0 if no in-edges
    msum = jax.ops.segment_sum(h[src], dst, num_segments=n)
    deg = jax.ops.segment_sum(jnp.ones((src.shape[0],), h.dtype), dst, num_segments=n)
    return msum / jnp.maximum(deg, 1.0)[:, None]


def _bn(x, gamma, beta):
    # BatchNorm1d with batch statistics (torch default training mode, biased var)
    m = jnp.mean(x, axis=0)
    v = jnp.var(x, axis=0)
    return (x - m) / jnp.sqrt(v + 1e-5) * gamma + beta


def reference(x, edge_index, graph_ids, desc_2d, desc_3d, W1, b1, W2, b2, Wg2, bg2, Wg3, bg3, Wf1, bf1, Wf2, bf2, Wf3, bf3, gamma1, beta1, gamma2, beta2):
    src, dst = edge_index[0], edge_index[1]
    n = x.shape[0]
    # gc1 / gc2: mean-aggregate then linear (apply_nodes), relu outside
    h = jax.nn.relu(_gcn_mean(x, src, dst, n) @ W1 + b1)
    h = jax.nn.relu(_gcn_mean(h, src, dst, n) @ W2 + b2)
    # dgl.mean_nodes: per-graph mean readout
    nsum = jax.ops.segment_sum(h, graph_ids, num_segments=B)
    cnt = jax.ops.segment_sum(jnp.ones((n,), h.dtype), graph_ids, num_segments=B)
    hg = nsum / jnp.maximum(cnt, 1.0)[:, None]
    g2 = jax.nn.sigmoid(hg @ Wg2 + bg2)
    g3 = jax.nn.sigmoid(hg @ Wg3 + bg3)
    v2 = g2 * desc_2d
    v3 = g3 * desc_3d  # computed in the original forward but unused downstream
    ones = jnp.ones((B, 1), hg.dtype)
    hga = jnp.concatenate([hg, ones], axis=1)
    v2a = jnp.concatenate([v2, ones], axis=1)
    fusion = (hga[:, :, None] * v2a[:, None, :]).reshape(B, -1)
    out = jax.nn.relu(_bn(fusion @ Wf1 + bf1, gamma1, beta1))
    # dropout treated as identity (deterministic reference)
    out = jax.nn.relu(_bn(out @ Wf2 + bf2, gamma2, beta2))
    out = out @ Wf3 + bf3
    return out

if __name__ == "__main__":
    import jax
    _d = setup_inputs()
    print(jax.jit(kernel)(*tuple(_d.values())))

</pallas_src>

<mosaic_0001>
#map = affine_map<(d0, d1) -> (0, 0)>
module attributes {stable_mosaic.version = 14 : i64} {
  func.func @agg(%arg0: i32, %arg1: i32, %arg2: memref<10000x128xbf16, #tpu.memory_space<hbm>>, %arg3: memref<2560x128xi32, #tpu.memory_space<hbm>>, %arg4: memref<2560x128xi32, #tpu.memory_space<hbm>>, %arg5: memref<20480x128xbf16, #tpu.memory_space<hbm>>, %arg6: memref<2x128xi32, #tpu.memory_space<vmem>>, %arg7: memref<2x128xi32, #tpu.memory_space<vmem>>, %arg8: memref<256x128xbf16, #tpu.memory_space<vmem>>, %arg9: memref<2x128xi32, #tpu.memory_space<vmem>>, %arg10: memref<2x128xi32, #tpu.memory_space<vmem>>, %arg11: memref<256x128xbf16, #tpu.memory_space<vmem>>, %arg12: memref<10240x128xbf16, #tpu.memory_space<vmem_shared>>, %arg13: memref<!tpu.dma_semaphore, #tpu.memory_space<semaphore_mem>>, %arg14: memref<!tpu.dma_semaphore, #tpu.memory_space<semaphore_mem>>) attributes {dimension_semantics = [#tpu.dimension_semantics<core_parallel>, #tpu.dimension_semantics<subcore_parallel>], iteration_bounds = array<i64: 2, 16>, scalar_prefetch = 0 : i64, scratch_operands = 9 : i64, tpu.core_type = #tpu.core_type<sc_vector_subcore>, window_params = [{transform_indices = #map}, {transform_indices = #map}, {transform_indices = #map}, {transform_indices = #map}]} {
    %eq3A = arith.constant 0 : i32
    %eq3A_0 = arith.cmpi eq, %arg0, %eq3A : i32
    %jit3A = arith.constant 50 : i32
    %jit3A_1 = arith.constant 30 : i32
    %select_n3A = arith.select %eq3A_0, %jit3A, %jit3A_1 : i32
    %eq3A_2 = arith.constant 0 : i32
    %eq3A_3 = arith.cmpi eq, %arg0, %eq3A_2 : i32
    %mul3A = arith.constant 100 : i32
    %mul3A_4 = arith.muli %arg1, %mul3A : i32
    %mul3A_5 = arith.constant 60 : i32
    %mul3A_6 = arith.muli %arg1, %mul3A_5 : i32
    %add3A = arith.constant 1600 : i32
    %add3A_7 = arith.addi %add3A, %mul3A_6 : i32
    %select_n3A_8 = arith.select %eq3A_3, %mul3A_4, %add3A_7 : i32
    %scan3A = arith.constant 0 : i32
    %scan3A_9 = arith.constant 0 : i32
    %scan3A_10 = arith.constant 160 : i32
    %scan3A_11 = arith.addi %scan3A_9, %scan3A_10 : i32
    %scan3A_12 = arith.constant 1 : i32
    scf.for %scan3A_86 = %scan3A_9 to %scan3A_11 step %scan3A_12  : i32 {
      %broadcast_in_dim3A = arith.constant 0.000000e+00 : bf16
      %broadcast_in_dim3A_87 = vector.broadcast %broadcast_in_dim3A : bf16 to vector<32xbf16>
      %swap3A = arith.index_cast %scan3A_86 : i32 to index
      %swap3A_88 = arith.constant 0 : index
      %swap3A_89 = tpu.vector_load %arg8[%swap3A, %swap3A_88] {strides = array<i32>} : memref<256x128xbf16, #tpu.memory_space<vmem>>, vector<1x32xbf16>,
      %swap3A_90 = vector.shape_cast %swap3A_89 : vector<1x32xbf16> to vector<32xbf16>
      %swap3A_91 = vector.shape_cast %broadcast_in_dim3A_87 : vector<32xbf16> to vector<1x32xbf16>
      tpu.vector_store %arg8[%swap3A, %swap3A_88], %swap3A_91 {strides = array<i32>} : memref<256x128xbf16, #tpu.memory_space<vmem>>, vector<1x32xbf16>,
      %broadcast_in_dim3A_92 = arith.constant 0.000000e+00 : bf16
      %broadcast_in_dim3A_93 = vector.broadcast %broadcast_in_dim3A_92 : bf16 to vector<32xbf16>
      %swap3A_94 = arith.index_cast %scan3A_86 : i32 to index
      %swap3A_95 = arith.constant 32 : index
      %swap3A_96 = tpu.vector_load %arg8[%swap3A_94, %swap3A_95] {strides = array<i32>} : memref<256x128xbf16, #tpu.memory_space<vmem>>, vector<1x32xbf16>,
      %swap3A_97 = vector.shape_cast %swap3A_96 : vector<1x32xbf16> to vector<32xbf16>
      %swap3A_98 = vector.shape_cast %broadcast_in_dim3A_93 : vector<32xbf16> to vector<1x32xbf16>
      tpu.vector_store %arg8[%swap3A_94, %swap3A_95], %swap3A_98 {strides = array<i32>} : memref<256x128xbf16, #tpu.memory_space<vmem>>, vector<1x32xbf16>,
      %broadcast_in_dim3A_99 = arith.constant 0.000000e+00 : bf16
      %broadcast_in_dim3A_100 = vector.broadcast %broadcast_in_dim3A_99 : bf16 to vector<32xbf16>
      %swap3A_101 = arith.index_cast %scan3A_86 : i32 to index
      %swap3A_102 = arith.constant 64 : index
      %swap3A_103 = tpu.vector_load %arg8[%swap3A_101, %swap3A_102] {strides = array<i32>} : memref<256x128xbf16, #tpu.memory_space<vmem>>, vector<1x32xbf16>,
      %swap3A_104 = vector.shape_cast %swap3A_103 : vector<1x32xbf16> to vector<32xbf16>
      %swap3A_105 = vector.shape_cast %broadcast_in_dim3A_100 : vector<32xbf16> to vector<1x32xbf16>
      tpu.vector_store %arg8[%swap3A_101, %swap3A_102], %swap3A_105 {strides = array<i32>} : memref<256x128xbf16, #tpu.memory_space<vmem>>, vector<1x32xbf16>,
      %broadcast_in_dim3A_106 = arith.constant 0.000000e+00 : bf16
      %broadcast_in_dim3A_107 = vector.broadcast %broadcast_in_dim3A_106 : bf16 to vector<32xbf16>
      %swap3A_108 = arith.index_cast %scan3A_86 : i32 to index
      %swap3A_109 = arith.constant 96 : index
      %swap3A_110 = tpu.vector_load %arg8[%swap3A_108, %swap3A_109] {strides = array<i32>} : memref<256x128xbf16, #tpu.memory_space<vmem>>, vector<1x32xbf16>,
      %swap3A_111 = vector.shape_cast %swap3A_110 : vector<1x32xbf16> to vector<32xbf16>
      %swap3A_112 = vector.shape_cast %broadcast_in_dim3A_107 : vector<32xbf16> to vector<1x32xbf16>
      tpu.vector_store %arg8[%swap3A_108, %swap3A_109], %swap3A_112 {strides = array<i32>} : memref<256x128xbf16, #tpu.memory_space<vmem>>, vector<1x32xbf16>,
    }
    %scan3A_13 = arith.constant 160 : i32
    %mul3A_14 = arith.constant 640 : i32
    %mul3A_15 = arith.muli %arg1, %mul3A_14 : i32
    %add3A_16 = arith.constant 0 : i32
    %add3A_17 = arith.addi %mul3A_15, %add3A_16 : i32
    "tpu.region"() ({
      %run_scoped3A = tpu.sem_alloc : memref<!tpu.dma_semaphore, #tpu.memory_space<semaphore_mem>>
      %dma_start3A_86 = arith.constant 0 : i32
      %dma_start3A_87 = arith.constant 0 : i32
      %dma_start3A_88 = tpu.memref_slice %arg8[%dma_start3A_86, %dma_start3A_87] : memref<256x128xbf16, #tpu.memory_space<vmem>> -> memref<160x128xbf16, #tpu.memory_space<vmem>>
      %dma_start3A_89 = arith.constant 0 : i32
      %dma_start3A_90 = tpu.memref_slice %arg12[%add3A_17, %dma_start3A_89] : memref<10240x128xbf16, #tpu.memory_space<vmem_shared>> -> memref<160x128xbf16, #tpu.memory_space<vmem_shared>>
      %dma_start3A_91 = arith.constant 0 : i32
      %dma_start3A_92 = tpu.memref_slice %arg12[%add3A_17, %dma_start3A_91] : memref<10240x128xbf16, #tpu.memory_space<vmem_shared>> -> memref<160x128xbf16, #tpu.memory_space<vmem_shared>>
      %dma_start3A_93 = arith.constant 0 : i32
      %dma_start3A_94 = arith.constant 0 : i32
      %dma_start3A_95 = tpu.memref_slice %arg8[%dma_start3A_93, %dma_start3A_94] : memref<256x128xbf16, #tpu.memory_space<vmem>> -> memref<160x128xbf16, #tpu.memory_space<vmem>>
      tpu.enqueue_dma source(%dma_start3A_95 : memref<160x128xbf16, #tpu.memory_space<vmem>>) target(%dma_start3A_92 : memref<160x128xbf16, #tpu.memory_space<vmem_shared>>) target_semaphore(%run_scoped3A : memref<!tpu.dma_semaphore, #tpu.memory_space<semaphore_mem>>)
      %dma_wait3A = arith.constant 0 : i32
      %dma_wait3A_96 = arith.constant 0 : i32
      %dma_wait3A_97 = tpu.memref_slice %arg8[%dma_wait3A, %dma_wait3A_96] : memref<256x128xbf16, #tpu.memory_space<vmem>> -> memref<160x128xbf16, #tpu.memory_space<vmem>>
      %dma_wait3A_98 = arith.constant 0 : i32
      %dma_wait3A_99 = tpu.memref_slice %arg12[%add3A_17, %dma_wait3A_98] : memref<10240x128xbf16, #tpu.memory_space<vmem_shared>> -> memref<160x128xbf16, #tpu.memory_space<vmem_shared>>
      %dma_wait3A_100 = arith.constant 0 : i32
      %dma_wait3A_101 = tpu.memref_slice %arg12[%add3A_17, %dma_wait3A_100] : memref<10240x128xbf16, #tpu.memory_space<vmem_shared>> -> memref<160x128xbf16, #tpu.memory_space<vmem_shared>>
      %dma_wait3A_102 = arith.constant 0 : i32
      %dma_wait3A_103 = arith.constant 0 : i32
      %dma_wait3A_104 = tpu.memref_slice %arg8[%dma_wait3A_102, %dma_wait3A_103] : memref<256x128xbf16, #tpu.memory_space<vmem>> -> memref<160x128xbf16, #tpu.memory_space<vmem>>
      tpu.wait_dma2 semaphore(%run_scoped3A : memref<!tpu.dma_semaphore, #tpu.memory_space<semaphore_mem>>) src(%dma_wait3A_104 : memref<160x128xbf16, #tpu.memory_space<vmem>>) dst(%dma_wait3A_101 : memref<160x128xbf16, #tpu.memory_space<vmem_shared>>)
      tpu.yield
    }) : () -> ()
    %mul3A_18 = arith.constant 640 : i32
    %mul3A_19 = arith.muli %arg1, %mul3A_18 : i32
    %add3A_20 = arith.constant 160 : i32
    %add3A_21 = arith.addi %mul3A_19, %add3A_20 : i32
    "tpu.region"() ({
      %run_scoped3A = tpu.sem_alloc : memref<!tpu.dma_semaphore, #tpu.memory_space<semaphore_mem>>
      %dma_start3A_86 = arith.constant 0 : i32
      %dma_start3A_87 = arith.constant 0 : i32
      %dma_start3A_88 = tpu.memref_slice %arg8[%dma_start3A_86, %dma_start3A_87] : memref<256x128xbf16, #tpu.memory_space<vmem>> -> memref<160x128xbf16, #tpu.memory_space<vmem>>
      %dma_start3A_89 = arith.constant 0 : i32
      %dma_start3A_90 = tpu.memref_slice %arg12[%add3A_21, %dma_start3A_89] : memref<10240x128xbf16, #tpu.memory_space<vmem_shared>> -> memref<160x128xbf16, #tpu.memory_space<vmem_shared>>
      %dma_start3A_91 = arith.constant 0 : i32
      %dma_start3A_92 = tpu.memref_slice %arg12[%add3A_21, %dma_start3A_91] : memref<10240x128xbf16, #tpu.memory_space<vmem_shared>> -> memref<160x128xbf16, #tpu.memory_space<vmem_shared>>
      %dma_start3A_93 = arith.constant 0 : i32
      %dma_start3A_94 = arith.constant 0 : i32
      %dma_start3A_95 = tpu.memref_slice %arg8[%dma_start3A_93, %dma_start3A_94] : memref<256x128xbf16, #tpu.memory_space<vmem>> -> memref<160x128xbf16, #tpu.memory_space<vmem>>
      tpu.enqueue_dma source(%dma_start3A_95 : memref<160x128xbf16, #tpu.memory_space<vmem>>) target(%dma_start3A_92 : memref<160x128xbf16, #tpu.memory_space<vmem_shared>>) target_semaphore(%run_scoped3A : memref<!tpu.dma_semaphore, #tpu.memory_space<semaphore_mem>>)
      %dma_wait3A = arith.constant 0 : i32
      %dma_wait3A_96 = arith.constant 0 : i32
      %dma_wait3A_97 = tpu.memref_slice %arg8[%dma_wait3A, %dma_wait3A_96] : memref<256x128xbf16, #tpu.memory_space<vmem>> -> memref<160x128xbf16, #tpu.memory_space<vmem>>
      %dma_wait3A_98 = arith.constant 0 : i32
      %dma_wait3A_99 = tpu.memref_slice %arg12[%add3A_21, %dma_wait3A_98] : memref<10240x128xbf16, #tpu.memory_space<vmem_shared>> -> memref<160x128xbf16, #tpu.memory_space<vmem_shared>>
      %dma_wait3A_100 = arith.constant 0 : i32
      %dma_wait3A_101 = tpu.memref_slice %arg12[%add3A_21, %dma_wait3A_100] : memref<10240x128xbf16, #tpu.memory_space<vmem_shared>> -> memref<160x128xbf16, #tpu.memory_space<vmem_shared>>
      %dma_wait3A_102 = arith.constant 0 : i32
      %dma_wait3A_103 = arith.constant 0 : i32
      %dma_wait3A_104 = tpu.memref_slice %arg8[%dma_wait3A_102, %dma_wait3A_103] : memref<256x128xbf16, #tpu.memory_space<vmem>> -> memref<160x128xbf16, #tpu.memory_space<vmem>>
      tpu.wait_dma2 semaphore(%run_scoped3A : memref<!tpu.dma_semaphore, #tpu.memory_space<semaphore_mem>>) src(%dma_wait3A_104 : memref<160x128xbf16, #tpu.memory_space<vmem>>) dst(%dma_wait3A_101 : memref<160x128xbf16, #tpu.memory_space<vmem_shared>>)
      tpu.yield
    }) : () -> ()
    %mul3A_22 = arith.constant 640 : i32
    %mul3A_23 = arith.muli %arg1, %mul3A_22 : i32
    %add3A_24 = arith.constant 320 : i32
    %add3A_25 = arith.addi %mul3A_23, %add3A_24 : i32
    "tpu.region"() ({
      %run_scoped3A = tpu.sem_alloc : memref<!tpu.dma_semaphore, #tpu.memory_space<semaphore_mem>>
      %dma_start3A_86 = arith.constant 0 : i32
      %dma_start3A_87 = arith.constant 0 : i32
      %dma_start3A_88 = tpu.memref_slice %arg8[%dma_start3A_86, %dma_start3A_87] : memref<256x128xbf16, #tpu.memory_space<vmem>> -> memref<160x128xbf16, #tpu.memory_space<vmem>>
      %dma_start3A_89 = arith.constant 0 : i32
      %dma_start3A_90 = tpu.memref_slice %arg12[%add3A_25, %dma_start3A_89] : memref<10240x128xbf16, #tpu.memory_space<vmem_shared>> -> memref<160x128xbf16, #tpu.memory_space<vmem_shared>>
      %dma_start3A_91 = arith.constant 0 : i32
      %dma_start3A_92 = tpu.memref_slice %arg12[%add3A_25, %dma_start3A_91] : memref<10240x128xbf16, #tpu.memory_space<vmem_shared>> -> memref<160x128xbf16, #tpu.memory_space<vmem_shared>>
      %dma_start3A_93 = arith.constant 0 : i32
      %dma_start3A_94 = arith.constant 0 : i32
      %dma_start3A_95 = tpu.memref_slice %arg8[%dma_start3A_93, %dma_start3A_94] : memref<256x128xbf16, #tpu.memory_space<vmem>> -> memref<160x128xbf16, #tpu.memory_space<vmem>>
      tpu.enqueue_dma source(%dma_start3A_95 : memref<160x128xbf16, #tpu.memory_space<vmem>>) target(%dma_start3A_92 : memref<160x128xbf16, #tpu.memory_space<vmem_shared>>) target_semaphore(%run_scoped3A : memref<!tpu.dma_semaphore, #tpu.memory_space<semaphore_mem>>)
      %dma_wait3A = arith.constant 0 : i32
      %dma_wait3A_96 = arith.constant 0 : i32
      %dma_wait3A_97 = tpu.memref_slice %arg8[%dma_wait3A, %dma_wait3A_96] : memref<256x128xbf16, #tpu.memory_space<vmem>> -> memref<160x128xbf16, #tpu.memory_space<vmem>>
      %dma_wait3A_98 = arith.constant 0 : i32
      %dma_wait3A_99 = tpu.memref_slice %arg12[%add3A_25, %dma_wait3A_98] : memref<10240x128xbf16, #tpu.memory_space<vmem_shared>> -> memref<160x128xbf16, #tpu.memory_space<vmem_shared>>
      %dma_wait3A_100 = arith.constant 0 : i32
      %dma_wait3A_101 = tpu.memref_slice %arg12[%add3A_25, %dma_wait3A_100] : memref<10240x128xbf16, #tpu.memory_space<vmem_shared>> -> memref<160x128xbf16, #tpu.memory_space<vmem_shared>>
      %dma_wait3A_102 = arith.constant 0 : i32
      %dma_wait3A_103 = arith.constant 0 : i32
      %dma_wait3A_104 = tpu.memref_slice %arg8[%dma_wait3A_102, %dma_wait3A_103] : memref<256x128xbf16, #tpu.memory_space<vmem>> -> memref<160x128xbf16, #tpu.memory_space<vmem>>
      tpu.wait_dma2 semaphore(%run_scoped3A : memref<!tpu.dma_semaphore, #tpu.memory_space<semaphore_mem>>) src(%dma_wait3A_104 : memref<160x128xbf16, #tpu.memory_space<vmem>>) dst(%dma_wait3A_101 : memref<160x128xbf16, #tpu.memory_space<vmem_shared>>)
      tpu.yield
    }) : () -> ()
    %mul3A_26 = arith.constant 640 : i32
    %mul3A_27 = arith.muli %arg1, %mul3A_26 : i32
    %add3A_28 = arith.constant 480 : i32
    %add3A_29 = arith.addi %mul3A_27, %add3A_28 : i32
    "tpu.region"() ({
      %run_scoped3A = tpu.sem_alloc : memref<!tpu.dma_semaphore, #tpu.memory_space<semaphore_mem>>
      %dma_start3A_86 = arith.constant 0 : i32
      %dma_start3A_87 = arith.constant 0 : i32
      %dma_start3A_88 = tpu.memref_slice %arg8[%dma_start3A_86, %dma_start3A_87] : memref<256x128xbf16, #tpu.memory_space<vmem>> -> memref<160x128xbf16, #tpu.memory_space<vmem>>
      %dma_start3A_89 = arith.constant 0 : i32
      %dma_start3A_90 = tpu.memref_slice %arg12[%add3A_29, %dma_start3A_89] : memref<10240x128xbf16, #tpu.memory_space<vmem_shared>> -> memref<160x128xbf16, #tpu.memory_space<vmem_shared>>
      %dma_start3A_91 = arith.constant 0 : i32
      %dma_start3A_92 = tpu.memref_slice %arg12[%add3A_29, %dma_start3A_91] : memref<10240x128xbf16, #tpu.memory_space<vmem_shared>> -> memref<160x128xbf16, #tpu.memory_space<vmem_shared>>
      %dma_start3A_93 = arith.constant 0 : i32
      %dma_start3A_94 = arith.constant 0 : i32
      %dma_start3A_95 = tpu.memref_slice %arg8[%dma_start3A_93, %dma_start3A_94] : memref<256x128xbf16, #tpu.memory_space<vmem>> -> memref<160x128xbf16, #tpu.memory_space<vmem>>
      tpu.enqueue_dma source(%dma_start3A_95 : memref<160x128xbf16, #tpu.memory_space<vmem>>) target(%dma_start3A_92 : memref<160x128xbf16, #tpu.memory_space<vmem_shared>>) target_semaphore(%run_scoped3A : memref<!tpu.dma_semaphore, #tpu.memory_space<semaphore_mem>>)
      %dma_wait3A = arith.constant 0 : i32
      %dma_wait3A_96 = arith.constant 0 : i32
      %dma_wait3A_97 = tpu.memref_slice %arg8[%dma_wait3A, %dma_wait3A_96] : memref<256x128xbf16, #tpu.memory_space<vmem>> -> memref<160x128xbf16, #tpu.memory_space<vmem>>
      %dma_wait3A_98 = arith.constant 0 : i32
      %dma_wait3A_99 = tpu.memref_slice %arg12[%add3A_29, %dma_wait3A_98] : memref<10240x128xbf16, #tpu.memory_space<vmem_shared>> -> memref<160x128xbf16, #tpu.memory_space<vmem_shared>>
      %dma_wait3A_100 = arith.constant 0 : i32
      %dma_wait3A_101 = tpu.memref_slice %arg12[%add3A_29, %dma_wait3A_100] : memref<10240x128xbf16, #tpu.memory_space<vmem_shared>> -> memref<160x128xbf16, #tpu.memory_space<vmem_shared>>
      %dma_wait3A_102 = arith.constant 0 : i32
      %dma_wait3A_103 = arith.constant 0 : i32
      %dma_wait3A_104 = tpu.memref_slice %arg8[%dma_wait3A_102, %dma_wait3A_103] : memref<256x128xbf16, #tpu.memory_space<vmem>> -> memref<160x128xbf16, #tpu.memory_space<vmem>>
      tpu.wait_dma2 semaphore(%run_scoped3A : memref<!tpu.dma_semaphore, #tpu.memory_space<semaphore_mem>>) src(%dma_wait3A_104 : memref<160x128xbf16, #tpu.memory_space<vmem>>) dst(%dma_wait3A_101 : memref<160x128xbf16, #tpu.memory_space<vmem_shared>>)
      tpu.yield
    }) : () -> ()
    %barrier3A = arith.constant 0 : index
    tpu.barrier barrier_id(%barrier3A)
    %add3A_30 = arith.constant 0 : i32
    %add3A_31 = arith.addi %select_n3A_8, %add3A_30 : i32
    "tpu.region"() ({
      %run_scoped3A = tpu.sem_alloc : memref<!tpu.dma_semaphore, #tpu.memory_space<semaphore_mem>>
      %dma_start3A_86 = arith.constant 0 : i32
      %dma_start3A_87 = tpu.memref_slice %arg3[%add3A_31, %dma_start3A_86] : memref<2560x128xi32, #tpu.memory_space<hbm>> -> memref<2x128xi32, #tpu.memory_space<hbm>>
      %dma_start3A_88 = arith.constant 0 : i32
      %dma_start3A_89 = tpu.memref_slice %arg3[%add3A_31, %dma_start3A_88] : memref<2560x128xi32, #tpu.memory_space<hbm>> -> memref<2x128xi32, #tpu.memory_space<hbm>>
      tpu.enqueue_dma source(%dma_start3A_89 : memref<2x128xi32, #tpu.memory_space<hbm>>) target(%arg6 : memref<2x128xi32, #tpu.memory_space<vmem>>) target_semaphore(%run_scoped3A : memref<!tpu.dma_semaphore, #tpu.memory_space<semaphore_mem>>)
      %dma_wait3A = arith.constant 0 : i32
      %dma_wait3A_90 = tpu.memref_slice %arg3[%add3A_31, %dma_wait3A] : memref<2560x128xi32, #tpu.memory_space<hbm>> -> memref<2x128xi32, #tpu.memory_space<hbm>>
      %dma_wait3A_91 = arith.constant 0 : i32
      %dma_wait3A_92 = tpu.memref_slice %arg3[%add3A_31, %dma_wait3A_91] : memref<2560x128xi32, #tpu.memory_space<hbm>> -> memref<2x128xi32, #tpu.memory_space<hbm>>
      tpu.wait_dma2 semaphore(%run_scoped3A : memref<!tpu.dma_semaphore, #tpu.memory_space<semaphore_mem>>) src(%dma_wait3A_92 : memref<2x128xi32, #tpu.memory_space<hbm>>) dst(%arg6 : memref<2x128xi32, #tpu.memory_space<vmem>>)
      tpu.yield
    }) : () -> ()
    "tpu.region"() ({
      %run_scoped3A = tpu.sem_alloc : memref<!tpu.dma_semaphore, #tpu.memory_space<semaphore_mem>>
      %dma_start3A_86 = arith.constant 0 : i32
      %dma_start3A_87 = tpu.memref_slice %arg4[%add3A_31, %dma_start3A_86] : memref<2560x128xi32, #tpu.memory_space<hbm>> -> memref<2x128xi32, #tpu.memory_space<hbm>>
      %dma_start3A_88 = arith.constant 0 : i32
      %dma_start3A_89 = tpu.memref_slice %arg4[%add3A_31, %dma_start3A_88] : memref<2560x128xi32, #tpu.memory_space<hbm>> -> memref<2x128xi32, #tpu.memory_space<hbm>>
      tpu.enqueue_dma source(%dma_start3A_89 : memref<2x128xi32, #tpu.memory_space<hbm>>) target(%arg7 : memref<2x128xi32, #tpu.memory_space<vmem>>) target_semaphore(%run_scoped3A : memref<!tpu.dma_semaphore, #tpu.memory_space<semaphore_mem>>)
      %dma_wait3A = arith.constant 0 : i32
      %dma_wait3A_90 = tpu.memref_slice %arg4[%add3A_31, %dma_wait3A] : memref<2560x128xi32, #tpu.memory_space<hbm>> -> memref<2x128xi32, #tpu.memory_space<hbm>>
      %dma_wait3A_91 = arith.constant 0 : i32
      %dma_wait3A_92 = tpu.memref_slice %arg4[%add3A_31, %dma_wait3A_91] : memref<2560x128xi32, #tpu.memory_space<hbm>> -> memref<2x128xi32, #tpu.memory_space<hbm>>
      tpu.wait_dma2 semaphore(%run_scoped3A : memref<!tpu.dma_semaphore, #tpu.memory_space<semaphore_mem>>) src(%dma_wait3A_92 : memref<2x128xi32, #tpu.memory_space<hbm>>) dst(%arg7 : memref<2x128xi32, #tpu.memory_space<vmem>>)
      tpu.yield
    }) : () -> ()
    %dma_start3A = arith.constant 0 : i32
    %dma_start3A_32 = arith.constant 0 : i32
    %dma_start3A_33 = arith.constant 0 : i32
    %dma_start3A_34 = tpu.memref_slice %arg8[%dma_start3A_32, %dma_start3A_33] : memref<256x128xbf16, #tpu.memory_space<vmem>> -> memref<128x128xbf16, #tpu.memory_space<vmem>>
    %dma_start3A_35 = arith.constant 0 : i32
    %dma_start3A_36 = tpu.memref_slice %arg6[%dma_start3A, %dma_start3A_35] : memref<2x128xi32, #tpu.memory_space<vmem>> -> memref<1x128xi32, #tpu.memory_space<vmem>>
    %dma_start3A_37 = tpu.memref_squeeze %dma_start3A_36 : memref<1x128xi32, #tpu.memory_space<vmem>> -> memref<128xi32, #tpu.memory_space<vmem>>
    %dma_start3A_38 = arith.constant 0 : i32
    %dma_start3A_39 = arith.constant 0 : i32
    %dma_start3A_40 = tpu.memref_slice %arg2[%dma_start3A_38, %dma_start3A_39] : memref<10000x128xbf16, #tpu.memory_space<hbm>> -> memref<10000x128xbf16, #tpu.memory_space<hbm>>
    tpu.enqueue_indirect_dma source(%dma_start3A_40 : memref<10000x128xbf16, #tpu.memory_space<hbm>>) target(%dma_start3A_34 : memref<128x128xbf16, #tpu.memory_space<vmem>>) offsets(%dma_start3A_37 : memref<128xi32, #tpu.memory_space<vmem>>) semaphore(%arg13 : memref<!tpu.dma_semaphore, #tpu.memory_space<semaphore_mem>>)
    %dma_start3A_41 = arith.constant 1 : i32
    %dma_start3A_42 = arith.constant 128 : i32
    %dma_start3A_43 = arith.constant 0 : i32
    %dma_start3A_44 = tpu.memref_slice %arg8[%dma_start3A_42, %dma_start3A_43] : memref<256x128xbf16, #tpu.memory_space<vmem>> -> memref<128x128xbf16, #tpu.memory_space<vmem>>
    %dma_start3A_45 = arith.constant 0 : i32
    %dma_start3A_46 = tpu.memref_slice %arg6[%dma_start3A_41, %dma_start3A_45] : memref<2x128xi32, #tpu.memory_space<vmem>> -> memref<1x128xi32, #tpu.memory_space<vmem>>
    %dma_start3A_47 = tpu.memref_squeeze %dma_start3A_46 : memref<1x128xi32, #tpu.memory_space<vmem>> -> memref<128xi32, #tpu.memory_space<vmem>>
    %dma_start3A_48 = arith.constant 0 : i32
    %dma_start3A_49 = arith.constant 0 : i32
    %dma_start3A_50 = tpu.memref_slice %arg2[%dma_start3A_48, %dma_start3A_49] : memref<10000x128xbf16, #tpu.memory_space<hbm>> -> memref<10000x128xbf16, #tpu.memory_space<hbm>>
    tpu.enqueue_indirect_dma source(%dma_start3A_50 : memref<10000x128xbf16, #tpu.memory_space<hbm>>) target(%dma_start3A_44 : memref<128x128xbf16, #tpu.memory_space<vmem>>) offsets(%dma_start3A_47 : memref<128xi32, #tpu.memory_space<vmem>>) semaphore(%arg13 : memref<!tpu.dma_semaphore, #tpu.memory_space<semaphore_mem>>)
    %jit3A_51 = arith.constant 2 : i32
    %div3A = arith.divsi %select_n3A, %jit3A_51 : i32
    %sign3A = arith.constant 0 : i32
    %sign3A_52 = arith.cmpi sgt, %select_n3A, %sign3A : i32
    %sign3A_53 = arith.extui %sign3A_52 : i1 to i32
    %sign3A_54 = arith.constant 0 : i32
    %sign3A_55 = arith.cmpi slt, %select_n3A, %sign3A_54 : i32
    %sign3A_56 = arith.extui %sign3A_55 : i1 to i32
    %sign3A_57 = arith.subi %sign3A_53, %sign3A_56 : i32
    %sign3A_58 = arith.constant 0 : i32
    %sign3A_59 = arith.cmpi sgt, %jit3A_51, %sign3A_58 : i32
    %sign3A_60 = arith.extui %sign3A_59 : i1 to i32
    %sign3A_61 = arith.constant 0 : i32
    %sign3A_62 = arith.cmpi slt, %jit3A_51, %sign3A_61 : i32
    %sign3A_63 = arith.extui %sign3A_62 : i1 to i32
    %sign3A_64 = arith.subi %sign3A_60, %sign3A_63 : i32
    %ne3A = arith.cmpi ne, %sign3A_57, %sign3A_64 : i32
    %rem3A = arith.remsi %select_n3A, %jit3A_51 : i32
    %ne3A_65 = arith.constant 0 : i32
    %ne3A_66 = arith.cmpi ne, %rem3A, %ne3A_65 : i32
    %and3A = arith.andi %ne3A, %ne3A_66 : i1
    %sub3A = arith.constant 1 : i32
    %sub3A_67 = arith.subi %div3A, %sub3A : i32
    %select_n3A_68 = arith.select %and3A, %sub3A_67, %div3A : i32
    %while3A = arith.constant 0 : i32
    %while3A_69 = arith.constant 0 : i32
    %while3A_70 = arith.subi %select_n3A_68, %while3A_69 : i32
    %while3A_71 = arith.addi %while3A_69, %while3A_70 : i32
    %while3A_72 = arith.constant 1 : i32
    %while3A_73 = arith.divsi %while3A_70, %while3A_72 : i32
    %while3A_74 = arith.muli %while3A_73, %while3A_72 : i32
    %while3A_75 = arith.addi %while3A_69, %while3A_74 : i32
    %while3A_76 = arith.constant 1 : i32
    scf.for %while3A_86 = %while3A_69 to %while3A_75 step %while3A_76  : i32 {
      %mul3A_87 = arith.constant 2 : i32
      %mul3A_88 = arith.muli %mul3A_87, %while3A_86 : i32
      %add3A_89 = arith.constant 1 : i32
      %add3A_90 = arith.addi %mul3A_88, %add3A_89 : i32
      %mul3A_91 = arith.constant 2 : i32
      %mul3A_92 = arith.muli %add3A_90, %mul3A_91 : i32
      %add3A_93 = arith.addi %select_n3A_8, %mul3A_92 : i32
      "tpu.region"() ({
        %run_scoped3A_159 = tpu.sem_alloc : memref<!tpu.dma_semaphore, #tpu.memory_space<semaphore_mem>>
        %dma_start3A_160 = arith.constant 0 : i32
        %dma_start3A_161 = tpu.memref_slice %arg3[%add3A_93, %dma_start3A_160] : memref<2560x128xi32, #tpu.memory_space<hbm>> -> memref<2x128xi32, #tpu.memory_space<hbm>>
        %dma_start3A_162 = arith.constant 0 : i32
        %dma_start3A_163 = tpu.memref_slice %arg3[%add3A_93, %dma_start3A_162] : memref<2560x128xi32, #tpu.memory_space<hbm>> -> memref<2x128xi32, #tpu.memory_space<hbm>>
        tpu.enqueue_dma source(%dma_start3A_163 : memref<2x128xi32, #tpu.memory_space<hbm>>) target(%arg9 : memref<2x128xi32, #tpu.memory_space<vmem>>) target_semaphore(%run_scoped3A_159 : memref<!tpu.dma_semaphore, #tpu.memory_space<semaphore_mem>>)
        %dma_wait3A_164 = arith.constant 0 : i32
        %dma_wait3A_165 = tpu.memref_slice %arg3[%add3A_93, %dma_wait3A_164] : memref<2560x128xi32, #tpu.memory_space<hbm>> -> memref<2x128xi32, #tpu.memory_space<hbm>>
        %dma_wait3A_166 = arith.constant 0 : i32
        %dma_wait3A_167 = tpu.memref_slice %arg3[%add3A_93, %dma_wait3A_166] : memref<2560x128xi32, #tpu.memory_space<hbm>> -> memref<2x128xi32, #tpu.memory_space<hbm>>
        tpu.wait_dma2 semaphore(%run_scoped3A_159 : memref<!tpu.dma_semaphore, #tpu.memory_space<semaphore_mem>>) src(%dma_wait3A_167 : memref<2x128xi32, #tpu.memory_space<hbm>>) dst(%arg9 : memref<2x128xi32, #tpu.memory_space<vmem>>)
        tpu.yield
      }) : () -> ()
      "tpu.region"() ({
        %run_scoped3A_159 = tpu.sem_alloc : memref<!tpu.dma_semaphore, #tpu.memory_space<semaphore_mem>>
        %dma_start3A_160 = arith.constant 0 : i32
        %dma_start3A_161 = tpu.memref_slice %arg4[%add3A_93, %dma_start3A_160] : memref<2560x128xi32, #tpu.memory_space<hbm>> -> memref<2x128xi32, #tpu.memory_space<hbm>>
        %dma_start3A_162 = arith.constant 0 : i32
        %dma_start3A_163 = tpu.memref_slice %arg4[%add3A_93, %dma_start3A_162] : memref<2560x128xi32, #tpu.memory_space<hbm>> -> memref<2x128xi32, #tpu.memory_space<hbm>>
        tpu.enqueue_dma source(%dma_start3A_163 : memref<2x128xi32, #tpu.memory_space<hbm>>) target(%arg10 : memref<2x128xi32, #tpu.memory_space<vmem>>) target_semaphore(%run_scoped3A_159 : memref<!tpu.dma_semaphore, #tpu.memory_space<semaphore_mem>>)
        %dma_wait3A_164 = arith.constant 0 : i32
        %dma_wait3A_165 = tpu.memref_slice %arg4[%add3A_93, %dma_wait3A_164] : memref<2560x128xi32, #tpu.memory_space<hbm>> -> memref<2x128xi32, #tpu.memory_space<hbm>>
        %dma_wait3A_166 = arith.constant 0 : i32
        %dma_wait3A_167 = tpu.memref_slice %arg4[%add3A_93, %dma_wait3A_166] : memref<2560x128xi32, #tpu.memory_space<hbm>> -> memref<2x128xi32, #tpu.memory_space<hbm>>
        tpu.wait_dma2 semaphore(%run_scoped3A_159 : memref<!tpu.dma_semaphore, #tpu.memory_space<semaphore_mem>>) src(%dma_wait3A_167 : memref<2x128xi32, #tpu.memory_space<hbm>>) dst(%arg10 : memref<2x128xi32, #tpu.memory_space<vmem>>)
        tpu.yield
      }) : () -> ()
      %dma_start3A_94 = arith.constant 0 : i32
      %dma_start3A_95 = arith.constant 0 : i32
      %dma_start3A_96 = arith.constant 0 : i32
      %dma_start3A_97 = tpu.memref_slice %arg11[%dma_start3A_95, %dma_start3A_96] : memref<256x128xbf16, #tpu.memory_space<vmem>> -> memref<128x128xbf16, #tpu.memory_space<vmem>>
      %dma_start3A_98 = arith.constant 0 : i32
      %dma_start3A_99 = tpu.memref_slice %arg9[%dma_start3A_94, %dma_start3A_98] : memref<2x128xi32, #tpu.memory_space<vmem>> -> memref<1x128xi32, #tpu.memory_space<vmem>>
      %dma_start3A_100 = tpu.memref_squeeze %dma_start3A_99 : memref<1x128xi32, #tpu.memory_space<vmem>> -> memref<128xi32, #tpu.memory_space<vmem>>
      %dma_start3A_101 = arith.constant 0 : i32
      %dma_start3A_102 = arith.constant 0 : i32
      %dma_start3A_103 = tpu.memref_slice %arg2[%dma_start3A_101, %dma_start3A_102] : memref<10000x128xbf16, #tpu.memory_space<hbm>> -> memref<10000x128xbf16, #tpu.memory_space<hbm>>
      tpu.enqueue_indirect_dma source(%dma_start3A_103 : memref<10000x128xbf16, #tpu.memory_space<hbm>>) target(%dma_start3A_97 : memref<128x128xbf16, #tpu.memory_space<vmem>>) offsets(%dma_start3A_100 : memref<128xi32, #tpu.memory_space<vmem>>) semaphore(%arg14 : memref<!tpu.dma_semaphore, #tpu.memory_space<semaphore_mem>>)
      %dma_start3A_104 = arith.constant 1 : i32
      %dma_start3A_105 = arith.constant 128 : i32
      %dma_start3A_106 = arith.constant 0 : i32
      %dma_start3A_107 = tpu.memref_slice %arg11[%dma_start3A_105, %dma_start3A_106] : memref<256x128xbf16, #tpu.memory_space<vmem>> -> memref<128x128xbf16, #tpu.memory_space<vmem>>
      %dma_start3A_108 = arith.constant 0 : i32
      %dma_start3A_109 = tpu.memref_slice %arg9[%dma_start3A_104, %dma_start3A_108] : memref<2x128xi32, #tpu.memory_space<vmem>> -> memref<1x128xi32, #tpu.memory_space<vmem>>
      %dma_start3A_110 = tpu.memref_squeeze %dma_start3A_109 : memref<1x128xi32, #tpu.memory_space<vmem>> -> memref<128xi32, #tpu.memory_space<vmem>>
      %dma_start3A_111 = arith.constant 0 : i32
      %dma_start3A_112 = arith.constant 0 : i32
      %dma_start3A_113 = tpu.memref_slice %arg2[%dma_start3A_111, %dma_start3A_112] : memref<10000x128xbf16, #tpu.memory_space<hbm>> -> memref<10000x128xbf16, #tpu.memory_space<hbm>>
      tpu.enqueue_indirect_dma source(%dma_start3A_113 : memref<10000x128xbf16, #tpu.memory_space<hbm>>) target(%dma_start3A_107 : memref<128x128xbf16, #tpu.memory_space<vmem>>) offsets(%dma_start3A_110 : memref<128xi32, #tpu.memory_space<vmem>>) semaphore(%arg14 : memref<!tpu.dma_semaphore, #tpu.memory_space<semaphore_mem>>)
      %dma_wait3A = arith.constant 0 : i32
      %dma_wait3A_114 = arith.constant 0 : i32
      %dma_wait3A_115 = arith.constant 0 : i32
      %dma_wait3A_116 = tpu.memref_slice %arg8[%dma_wait3A_114, %dma_wait3A_115] : memref<256x128xbf16, #tpu.memory_space<vmem>> -> memref<128x128xbf16, #tpu.memory_space<vmem>>
      %dma_wait3A_117 = arith.constant 0 : i32
      %dma_wait3A_118 = tpu.memref_slice %arg6[%dma_wait3A, %dma_wait3A_117] : memref<2x128xi32, #tpu.memory_space<vmem>> -> memref<1x128xi32, #tpu.memory_space<vmem>>
      %dma_wait3A_119 = tpu.memref_squeeze %dma_wait3A_118 : memref<1x128xi32, #tpu.memory_space<vmem>> -> memref<128xi32, #tpu.memory_space<vmem>>
      %dma_wait3A_120 = arith.constant 0 : i32
      %dma_wait3A_121 = arith.constant 0 : i32
      %dma_wait3A_122 = tpu.memref_slice %arg2[%dma_wait3A_120, %dma_wait3A_121] : memref<10000x128xbf16, #tpu.memory_space<hbm>> -> memref<10000x128xbf16, #tpu.memory_space<hbm>>
      tpu.wait_indirect_dma semaphore(%arg13 : memref<!tpu.dma_semaphore, #tpu.memory_space<semaphore_mem>>) src(%dma_wait3A_122 : memref<10000x128xbf16, #tpu.memory_space<hbm>>) dst(%dma_wait3A_116 : memref<128x128xbf16, #tpu.memory_space<vmem>>)
      %dma_wait3A_123 = arith.constant 1 : i32
      %dma_wait3A_124 = arith.constant 128 : i32
      %dma_wait3A_125 = arith.constant 0 : i32
      %dma_wait3A_126 = tpu.memref_slice %arg8[%dma_wait3A_124, %dma_wait3A_125] : memref<256x128xbf16, #tpu.memory_space<vmem>> -> memref<128x128xbf16, #tpu.memory_space<vmem>>
      %dma_wait3A_127 = arith.constant 0 : i32
      %dma_wait3A_128 = tpu.memref_slice %arg6[%dma_wait3A_123, %dma_wait3A_127] : memref<2x128xi32, #tpu.memory_space<vmem>> -> memref<1x128xi32, #tpu.memory_space<vmem>>
      %dma_wait3A_129 = tpu.memref_squeeze %dma_wait3A_128 : memref<1x128xi32, #tpu.memory_space<vmem>> -> memref<128xi32, #tpu.memory_space<vmem>>
      %dma_wait3A_130 = arith.constant 0 : i32
      %dma_wait3A_131 = arith.constant 0 : i32
      %dma_wait3A_132 = tpu.memref_slice %arg2[%dma_wait3A_130, %dma_wait3A_131] : memref<10000x128xbf16, #tpu.memory_space<hbm>> -> memref<10000x128xbf16, #tpu.memory_space<hbm>>
      tpu.wait_indirect_dma semaphore(%arg13 : memref<!tpu.dma_semaphore, #tpu.memory_space<semaphore_mem>>) src(%dma_wait3A_132 : memref<10000x128xbf16, #tpu.memory_space<hbm>>) dst(%dma_wait3A_126 : memref<128x128xbf16, #tpu.memory_space<vmem>>)
      %run_scoped3A = arith.constant 0 : i32
      "tpu.region"() ({
        %run_scoped3A_159 = tpu.sem_alloc : memref<!tpu.dma_semaphore, #tpu.memory_space<semaphore_mem>>
        %dma_start3A_160 = arith.constant 0 : i32
        %dma_start3A_161 = arith.constant 0 : i32
        %dma_start3A_162 = tpu.memref_slice %arg8[%dma_start3A_160, %dma_start3A_161] : memref<256x128xbf16, #tpu.memory_space<vmem>> -> memref<128x128xbf16, #tpu.memory_space<vmem>>
        %dma_start3A_163 = arith.constant 0 : i32
        %dma_start3A_164 = tpu.memref_slice %arg7[%run_scoped3A, %dma_start3A_163] : memref<2x128xi32, #tpu.memory_space<vmem>> -> memref<1x128xi32, #tpu.memory_space<vmem>>
        %dma_start3A_165 = tpu.memref_squeeze %dma_start3A_164 : memref<1x128xi32, #tpu.memory_space<vmem>> -> memref<128xi32, #tpu.memory_space<vmem>>
        %dma_start3A_166 = arith.constant 0 : i32
        %dma_start3A_167 = arith.constant 0 : i32
        %dma_start3A_168 = tpu.memref_slice %arg12[%dma_start3A_166, %dma_start3A_167] : memref<10240x128xbf16, #tpu.memory_space<vmem_shared>> -> memref<10240x128xbf16, #tpu.memory_space<vmem_shared>>
        tpu.enqueue_indirect_dma source(%dma_start3A_162 : memref<128x128xbf16, #tpu.memory_space<vmem>>) target(%dma_start3A_168 : memref<10240x128xbf16, #tpu.memory_space<vmem_shared>>) offsets(%dma_start3A_165 : memref<128xi32, #tpu.memory_space<vmem>>) semaphore(%run_scoped3A_159 : memref<!tpu.dma_semaphore, #tpu.memory_space<semaphore_mem>>) {add = true}
        %dma_wait3A_169 = arith.constant 0 : i32
        %dma_wait3A_170 = arith.constant 0 : i32
        %dma_wait3A_171 = tpu.memref_slice %arg8[%dma_wait3A_169, %dma_wait3A_170] : memref<256x128xbf16, #tpu.memory_space<vmem>> -> memref<128x128xbf16, #tpu.memory_space<vmem>>
        %dma_wait3A_172 = arith.constant 0 : i32
        %dma_wait3A_173 = tpu.memref_slice %arg7[%run_scoped3A, %dma_wait3A_172] : memref<2x128xi32, #tpu.memory_space<vmem>> -> memref<1x128xi32, #tpu.memory_space<vmem>>
        %dma_wait3A_174 = tpu.memref_squeeze %dma_wait3A_173 : memref<1x128xi32, #tpu.memory_space<vmem>> -> memref<128xi32, #tpu.memory_space<vmem>>
        %dma_wait3A_175 = arith.constant 0 : i32
        %dma_wait3A_176 = arith.constant 0 : i32
        %dma_wait3A_177 = tpu.memref_slice %arg12[%dma_wait3A_175, %dma_wait3A_176] : memref<10240x128xbf16, #tpu.memory_space<vmem_shared>> -> memref<10240x128xbf16, #tpu.memory_space<vmem_shared>>
        tpu.wait_indirect_dma semaphore(%run_scoped3A_159 : memref<!tpu.dma_semaphore, #tpu.memory_space<semaphore_mem>>) src(%dma_wait3A_171 : memref<128x128xbf16, #tpu.memory_space<vmem>>) dst(%dma_wait3A_177 : memref<10240x128xbf16, #tpu.memory_space<vmem_shared>>)
        tpu.yield
      }) : () -> ()
      %run_scoped3A_133 = arith.constant 1 : i32
      "tpu.region"() ({
        %run_scoped3A_159 = tpu.sem_alloc : memref<!tpu.dma_semaphore, #tpu.memory_space<semaphore_mem>>
        %dma_start3A_160 = arith.constant 128 : i32
        %dma_start3A_161 = arith.constant 0 : i32
        %dma_start3A_162 = tpu.memref_slice %arg8[%dma_start3A_160, %dma_start3A_161] : memref<256x128xbf16, #tpu.memory_space<vmem>> -> memref<128x128xbf16, #tpu.memory_space<vmem>>
        %dma_start3A_163 = arith.constant 0 : i32
        %dma_start3A_164 = tpu.memref_slice %arg7[%run_scoped3A_133, %dma_start3A_163] : memref<2x128xi32, #tpu.memory_space<vmem>> -> memref<1x128xi32, #tpu.memory_space<vmem>>
        %dma_start3A_165 = tpu.memref_squeeze %dma_start3A_164 : memref<1x128xi32, #tpu.memory_space<vmem>> -> memref<128xi32, #tpu.memory_space<vmem>>
        %dma_start3A_166 = arith.constant 0 : i32
        %dma_start3A_167 = arith.constant 0 : i32
        %dma_start3A_168 = tpu.memref_slice %arg12[%dma_start3A_166, %dma_start3A_167] : memref<10240x128xbf16, #tpu.memory_space<vmem_shared>> -> memref<10240x128xbf16, #tpu.memory_space<vmem_shared>>
        tpu.enqueue_indirect_dma source(%dma_start3A_162 : memref<128x128xbf16, #tpu.memory_space<vmem>>) target(%dma_start3A_168 : memref<10240x128xbf16, #tpu.memory_space<vmem_shared>>) offsets(%dma_start3A_165 : memref<128xi32, #tpu.memory_space<vmem>>) semaphore(%run_scoped3A_159 : memref<!tpu.dma_semaphore, #tpu.memory_space<semaphore_mem>>) {add = true}
        %dma_wait3A_169 = arith.constant 128 : i32
        %dma_wait3A_170 = arith.constant 0 : i32
        %dma_wait3A_171 = tpu.memref_slice %arg8[%dma_wait3A_169, %dma_wait3A_170] : memref<256x128xbf16, #tpu.memory_space<vmem>> -> memref<128x128xbf16, #tpu.memory_space<vmem>>
        %dma_wait3A_172 = arith.constant 0 : i32
        %dma_wait3A_173 = tpu.memref_slice %arg7[%run_scoped3A_133, %dma_wait3A_172] : memref<2x128xi32, #tpu.memory_space<vmem>> -> memref<1x128xi32, #tpu.memory_space<vmem>>
        %dma_wait3A_174 = tpu.memref_squeeze %dma_wait3A_173 : memref<1x128xi32, #tpu.memory_space<vmem>> -> memref<128xi32, #tpu.memory_space<vmem>>
        %dma_wait3A_175 = arith.constant 0 : i32
        %dma_wait3A_176 = arith.constant 0 : i32
        %dma_wait3A_177 = tpu.memref_slice %arg12[%dma_wait3A_175, %dma_wait3A_176] : memref<10240x128xbf16, #tpu.memory_space<vmem_shared>> -> memref<10240x128xbf16, #tpu.memory_space<vmem_shared>>
        tpu.wait_indirect_dma semaphore(%run_scoped3A_159 : memref<!tpu.dma_semaphore, #tpu.memory_space<semaphore_mem>>) src(%dma_wait3A_171 : memref<128x128xbf16, #tpu.memory_space<vmem>>) dst(%dma_wait3A_177 : memref<10240x128xbf16, #tpu.memory_space<vmem_shared>>)
        tpu.yield
      }) : () -> ()
      %add3A_134 = arith.constant 2 : i32
      %add3A_135 = arith.addi %mul3A_88, %add3A_134 : i32
      %lt3A = arith.cmpi slt, %add3A_135, %select_n3A : i32
      %convert_element_type3A = arith.extui %lt3A : i1 to i32
      %cond3A = arith.constant 0 : i32
      %cond3A_136 = arith.cmpi ne, %convert_element_type3A, %cond3A : i32
      scf.if %cond3A_136 {
        %add3A_159 = arith.constant 2 : i32
        %add3A_160 = arith.addi %mul3A_88, %add3A_159 : i32
        %mul3A_161 = arith.constant 2 : i32
        %mul3A_162 = arith.muli %add3A_160, %mul3A_161 : i32
        %add3A_163 = arith.addi %select_n3A_8, %mul3A_162 : i32
        "tpu.region"() ({
          %run_scoped3A_184 = tpu.sem_alloc : memref<!tpu.dma_semaphore, #tpu.memory_space<semaphore_mem>>
          %dma_start3A_185 = arith.constant 0 : i32
          %dma_start3A_186 = tpu.memref_slice %arg3[%add3A_163, %dma_start3A_185] : memref<2560x128xi32, #tpu.memory_space<hbm>> -> memref<2x128xi32, #tpu.memory_space<hbm>>
          %dma_start3A_187 = arith.constant 0 : i32
          %dma_start3A_188 = tpu.memref_slice %arg3[%add3A_163, %dma_start3A_187] : memref<2560x128xi32, #tpu.memory_space<hbm>> -> memref<2x128xi32, #tpu.memory_space<hbm>>
          tpu.enqueue_dma source(%dma_start3A_188 : memref<2x128xi32, #tpu.memory_space<hbm>>) target(%arg6 : memref<2x128xi32, #tpu.memory_space<vmem>>) target_semaphore(%run_scoped3A_184 : memref<!tpu.dma_semaphore, #tpu.memory_space<semaphore_mem>>)
          %dma_wait3A_189 = arith.constant 0 : i32
          %dma_wait3A_190 = tpu.memref_slice %arg3[%add3A_163, %dma_wait3A_189] : memref<2560x128xi32, #tpu.memory_space<hbm>> -> memref<2x128xi32, #tpu.memory_space<hbm>>
          %dma_wait3A_191 = arith.constant 0 : i32
          %dma_wait3A_192 = tpu.memref_slice %arg3[%add3A_163, %dma_wait3A_191] : memref<2560x128xi32, #tpu.memory_space<hbm>> -> memref<2x128xi32, #tpu.memory_space<hbm>>
          tpu.wait_dma2 semaphore(%run_scoped3A_184 : memref<!tpu.dma_semaphore, #tpu.memory_space<semaphore_mem>>) src(%dma_wait3A_192 : memref<2x128xi32, #tpu.memory_space<hbm>>) dst(%arg6 : memref<2x128xi32, #tpu.memory_space<vmem>>)
          tpu.yield
        }) : () -> ()
        "tpu.region"() ({
          %run_scoped3A_184 = tpu.sem_alloc : memref<!tpu.dma_semaphore, #tpu.memory_space<semaphore_mem>>
          %dma_start3A_185 = arith.constant 0 : i32
          %dma_start3A_186 = tpu.memref_slice %arg4[%add3A_163, %dma_start3A_185] : memref<2560x128xi32, #tpu.memory_space<hbm>> -> memref<2x128xi32, #tpu.memory_space<hbm>>
          %dma_start3A_187 = arith.constant 0 : i32
          %dma_start3A_188 = tpu.memref_slice %arg4[%add3A_163, %dma_start3A_187] : memref<2560x128xi32, #tpu.memory_space<hbm>> -> memref<2x128xi32, #tpu.memory_space<hbm>>
          tpu.enqueue_dma source(%dma_start3A_188 : memref<2x128xi32, #tpu.memory_space<hbm>>) target(%arg7 : memref<2x128xi32, #tpu.memory_space<vmem>>) target_semaphore(%run_scoped3A_184 : memref<!tpu.dma_semaphore, #tpu.memory_space<semaphore_mem>>)
          %dma_wait3A_189 = arith.constant 0 : i32
          %dma_wait3A_190 = tpu.memref_slice %arg4[%add3A_163, %dma_wait3A_189] : memref<2560x128xi32, #tpu.memory_space<hbm>> -> memref<2x128xi32, #tpu.memory_space<hbm>>
          %dma_wait3A_191 = arith.constant 0 : i32
          %dma_wait3A_192 = tpu.memref_slice %arg4[%add3A_163, %dma_wait3A_191] : memref<2560x128xi32, #tpu.memory_space<hbm>> -> memref<2x128xi32, #tpu.memory_space<hbm>>
          tpu.wait_dma2 semaphore(%run_scoped3A_184 : memref<!tpu.dma_semaphore, #tpu.memory_space<semaphore_mem>>) src(%dma_wait3A_192 : memref<2x128xi32, #tpu.memory_space<hbm>>) dst(%arg7 : memref<2x128xi32, #tpu.memory_space<vmem>>)
          tpu.yield
        }) : () -> ()
        %dma_start3A_164 = arith.constant 0 : i32
        %dma_start3A_165 = arith.constant 0 : i32
        %dma_start3A_166 = arith.constant 0 : i32
        %dma_start3A_167 = tpu.memref_slice %arg8[%dma_start3A_165, %dma_start3A_166] : memref<256x128xbf16, #tpu.memory_space<vmem>> -> memref<128x128xbf16, #tpu.memory_space<vmem>>
        %dma_start3A_168 = arith.constant 0 : i32
        %dma_start3A_169 = tpu.memref_slice %arg6[%dma_start3A_164, %dma_start3A_168] : memref<2x128xi32, #tpu.memory_space<vmem>> -> memref<1x128xi32, #tpu.memory_space<vmem>>
        %dma_start3A_170 = tpu.memref_squeeze %dma_start3A_169 : memref<1x128xi32, #tpu.memory_space<vmem>> -> memref<128xi32, #tpu.memory_space<vmem>>
        %dma_start3A_171 = arith.constant 0 : i32
        %dma_start3A_172 = arith.constant 0 : i32
        %dma_start3A_173 = tpu.memref_slice %arg2[%dma_start3A_171, %dma_start3A_172] : memref<10000x128xbf16, #tpu.memory_space<hbm>> -> memref<10000x128xbf16, #tpu.memory_space<hbm>>
        tpu.enqueue_indirect_dma source(%dma_start3A_173 : memref<10000x128xbf16, #tpu.memory_space<hbm>>) target(%dma_start3A_167 : memref<128x128xbf16, #tpu.memory_space<vmem>>) offsets(%dma_start3A_170 : memref<128xi32, #tpu.memory_space<vmem>>) semaphore(%arg13 : memref<!tpu.dma_semaphore, #tpu.memory_space<semaphore_mem>>)
        %dma_start3A_174 = arith.constant 1 : i32
        %dma_start3A_175 = arith.constant 128 : i32
        %dma_start3A_176 = arith.constant 0 : i32
        %dma_start3A_177 = tpu.memref_slice %arg8[%dma_start3A_175, %dma_start3A_176] : memref<256x128xbf16, #tpu.memory_space<vmem>> -> memref<128x128xbf16, #tpu.memory_space<vmem>>
        %dma_start3A_178 = arith.constant 0 : i32
        %dma_start3A_179 = tpu.memref_slice %arg6[%dma_start3A_174, %dma_start3A_178] : memref<2x128xi32, #tpu.memory_space<vmem>> -> memref<1x128xi32, #tpu.memory_space<vmem>>
        %dma_start3A_180 = tpu.memref_squeeze %dma_start3A_179 : memref<1x128xi32, #tpu.memory_space<vmem>> -> memref<128xi32, #tpu.memory_space<vmem>>
        %dma_start3A_181 = arith.constant 0 : i32
        %dma_start3A_182 = arith.constant 0 : i32
        %dma_start3A_183 = tpu.memref_slice %arg2[%dma_start3A_181, %dma_start3A_182] : memref<10000x128xbf16, #tpu.memory_space<hbm>> -> memref<10000x128xbf16, #tpu.memory_space<hbm>>
        tpu.enqueue_indirect_dma source(%dma_start3A_183 : memref<10000x128xbf16, #tpu.memory_space<hbm>>) target(%dma_start3A_177 : memref<128x128xbf16, #tpu.memory_space<vmem>>) offsets(%dma_start3A_180 : memref<128xi32, #tpu.memory_space<vmem>>) semaphore(%arg13 : memref<!tpu.dma_semaphore, #tpu.memory_space<semaphore_mem>>)
      } else {
      }
      %dma_wait3A_137 = arith.constant 0 : i32
      %dma_wait3A_138 = arith.constant 0 : i32
      %dma_wait3A_139 = arith.constant 0 : i32
      %dma_wait3A_140 = tpu.memref_slice %arg11[%dma_wait3A_138, %dma_wait3A_139] : memref<256x128xbf16, #tpu.memory_space<vmem>> -> memref<128x128xbf16, #tpu.memory_space<vmem>>
      %dma_wait3A_141 = arith.constant 0 : i32
      %dma_wait3A_142 = tpu.memref_slice %arg9[%dma_wait3A_137, %dma_wait3A_141] : memref<2x128xi32, #tpu.memory_space<vmem>> -> memref<1x128xi32, #tpu.memory_space<vmem>>
      %dma_wait3A_143 = tpu.memref_squeeze %dma_wait3A_142 : memref<1x128xi32, #tpu.memory_space<vmem>> -> memref<128xi32, #tpu.memory_space<vmem>>
      %dma_wait3A_144 = arith.constant 0 : i32
      %dma_wait3A_145 = arith.constant 0 : i32
      %dma_wait3A_146 = tpu.memref_slice %arg2[%dma_wait3A_144, %dma_wait3A_145] : memref<10000x128xbf16, #tpu.memory_space<hbm>> -> memref<10000x128xbf16, #tpu.memory_space<hbm>>
      tpu.wait_indirect_dma semaphore(%arg14 : memref<!tpu.dma_semaphore, #tpu.memory_space<semaphore_mem>>) src(%dma_wait3A_146 : memref<10000x128xbf16, #tpu.memory_space<hbm>>) dst(%dma_wait3A_140 : memref<128x128xbf16, #tpu.memory_space<vmem>>)
      %dma_wait3A_147 = arith.constant 1 : i32
      %dma_wait3A_148 = arith.constant 128 : i32
      %dma_wait3A_149 = arith.constant 0 : i32
      %dma_wait3A_150 = tpu.memref_slice %arg11[%dma_wait3A_148, %dma_wait3A_149] : memref<256x128xbf16, #tpu.memory_space<vmem>> -> memref<128x128xbf16, #tpu.memory_space<vmem>>
      %dma_wait3A_151 = arith.constant 0 : i32
      %dma_wait3A_152 = tpu.memref_slice %arg9[%dma_wait3A_147, %dma_wait3A_151] : memref<2x128xi32, #tpu.memory_space<vmem>> -> memref<1x128xi32, #tpu.memory_space<vmem>>
      %dma_wait3A_153 = tpu.memref_squeeze %dma_wait3A_152 : memref<1x128xi32, #tpu.memory_space<vmem>> -> memref<128xi32, #tpu.memory_space<vmem>>
      %dma_wait3A_154 = arith.constant 0 : i32
      %dma_wait3A_155 = arith.constant 0 : i32
      %dma_wait3A_156 = tpu.memref_slice %arg2[%dma_wait3A_154, %dma_wait3A_155] : memref<10000x128xbf16, #tpu.memory_space<hbm>> -> memref<10000x128xbf16, #tpu.memory_space<hbm>>
      tpu.wait_indirect_dma semaphore(%arg14 : memref<!tpu.dma_semaphore, #tpu.memory_space<semaphore_mem>>) src(%dma_wait3A_156 : memref<10000x128xbf16, #tpu.memory_space<hbm>>) dst(%dma_wait3A_150 : memref<128x128xbf16, #tpu.memory_space<vmem>>)
      %run_scoped3A_157 = arith.constant 0 : i32
      "tpu.region"() ({
        %run_scoped3A_159 = tpu.sem_alloc : memref<!tpu.dma_semaphore, #tpu.memory_space<semaphore_mem>>
        %dma_start3A_160 = arith.constant 0 : i32
        %dma_start3A_161 = arith.constant 0 : i32
        %dma_start3A_162 = tpu.memref_slice %arg11[%dma_start3A_160, %dma_start3A_161] : memref<256x128xbf16, #tpu.memory_space<vmem>> -> memref<128x128xbf16, #tpu.memory_space<vmem>>
        %dma_start3A_163 = arith.constant 0 : i32
        %dma_start3A_164 = tpu.memref_slice %arg10[%run_scoped3A_157, %dma_start3A_163] : memref<2x128xi32, #tpu.memory_space<vmem>> -> memref<1x128xi32, #tpu.memory_space<vmem>>
        %dma_start3A_165 = tpu.memref_squeeze %dma_start3A_164 : memref<1x128xi32, #tpu.memory_space<vmem>> -> memref<128xi32, #tpu.memory_space<vmem>>
        %dma_start3A_166 = arith.constant 0 : i32
        %dma_start3A_167 = arith.constant 0 : i32
        %dma_start3A_168 = tpu.memref_slice %arg12[%dma_start3A_166, %dma_start3A_167] : memref<10240x128xbf16, #tpu.memory_space<vmem_shared>> -> memref<10240x128xbf16, #tpu.memory_space<vmem_shared>>
        tpu.enqueue_indirect_dma source(%dma_start3A_162 : memref<128x128xbf16, #tpu.memory_space<vmem>>) target(%dma_start3A_168 : memref<10240x128xbf16, #tpu.memory_space<vmem_shared>>) offsets(%dma_start3A_165 : memref<128xi32, #tpu.memory_space<vmem>>) semaphore(%run_scoped3A_159 : memref<!tpu.dma_semaphore, #tpu.memory_space<semaphore_mem>>) {add = true}
        %dma_wait3A_169 = arith.constant 0 : i32
        %dma_wait3A_170 = arith.constant 0 : i32
        %dma_wait3A_171 = tpu.memref_slice %arg11[%dma_wait3A_169, %dma_wait3A_170] : memref<256x128xbf16, #tpu.memory_space<vmem>> -> memref<128x128xbf16, #tpu.memory_space<vmem>>
        %dma_wait3A_172 = arith.constant 0 : i32
        %dma_wait3A_173 = tpu.memref_slice %arg10[%run_scoped3A_157, %dma_wait3A_172] : memref<2x128xi32, #tpu.memory_space<vmem>> -> memref<1x128xi32, #tpu.memory_space<vmem>>
        %dma_wait3A_174 = tpu.memref_squeeze %dma_wait3A_173 : memref<1x128xi32, #tpu.memory_space<vmem>> -> memref<128xi32, #tpu.memory_space<vmem>>
        %dma_wait3A_175 = arith.constant 0 : i32
        %dma_wait3A_176 = arith.constant 0 : i32
        %dma_wait3A_177 = tpu.memref_slice %arg12[%dma_wait3A_175, %dma_wait3A_176] : memref<10240x128xbf16, #tpu.memory_space<vmem_shared>> -> memref<10240x128xbf16, #tpu.memory_space<vmem_shared>>
        tpu.wait_indirect_dma semaphore(%run_scoped3A_159 : memref<!tpu.dma_semaphore, #tpu.memory_space<semaphore_mem>>) src(%dma_wait3A_171 : memref<128x128xbf16, #tpu.memory_space<vmem>>) dst(%dma_wait3A_177 : memref<10240x128xbf16, #tpu.memory_space<vmem_shared>>)
        tpu.yield
      }) : () -> ()
      %run_scoped3A_158 = arith.constant 1 : i32
      "tpu.region"() ({
        %run_scoped3A_159 = tpu.sem_alloc : memref<!tpu.dma_semaphore, #tpu.memory_space<semaphore_mem>>
        %dma_start3A_160 = arith.constant 128 : i32
        %dma_start3A_161 = arith.constant 0 : i32
        %dma_start3A_162 = tpu.memref_slice %arg11[%dma_start3A_160, %dma_start3A_161] : memref<256x128xbf16, #tpu.memory_space<vmem>> -> memref<128x128xbf16, #tpu.memory_space<vmem>>
        %dma_start3A_163 = arith.constant 0 : i32
        %dma_start3A_164 = tpu.memref_slice %arg10[%run_scoped3A_158, %dma_start3A_163] : memref<2x128xi32, #tpu.memory_space<vmem>> -> memref<1x128xi32, #tpu.memory_space<vmem>>
        %dma_start3A_165 = tpu.memref_squeeze %dma_start3A_164 : memref<1x128xi32, #tpu.memory_space<vmem>> -> memref<128xi32, #tpu.memory_space<vmem>>
        %dma_start3A_166 = arith.constant 0 : i32
        %dma_start3A_167 = arith.constant 0 : i32
        %dma_start3A_168 = tpu.memref_slice %arg12[%dma_start3A_166, %dma_start3A_167] : memref<10240x128xbf16, #tpu.memory_space<vmem_shared>> -> memref<10240x128xbf16, #tpu.memory_space<vmem_shared>>
        tpu.enqueue_indirect_dma source(%dma_start3A_162 : memref<128x128xbf16, #tpu.memory_space<vmem>>) target(%dma_start3A_168 : memref<10240x128xbf16, #tpu.memory_space<vmem_shared>>) offsets(%dma_start3A_165 : memref<128xi32, #tpu.memory_space<vmem>>) semaphore(%run_scoped3A_159 : memref<!tpu.dma_semaphore, #tpu.memory_space<semaphore_mem>>) {add = true}
        %dma_wait3A_169 = arith.constant 128 : i32
        %dma_wait3A_170 = arith.constant 0 : i32
        %dma_wait3A_171 = tpu.memref_slice %arg11[%dma_wait3A_169, %dma_wait3A_170] : memref<256x128xbf16, #tpu.memory_space<vmem>> -> memref<128x128xbf16, #tpu.memory_space<vmem>>
        %dma_wait3A_172 = arith.constant 0 : i32
        %dma_wait3A_173 = tpu.memref_slice %arg10[%run_scoped3A_158, %dma_wait3A_172] : memref<2x128xi32, #tpu.memory_space<vmem>> -> memref<1x128xi32, #tpu.memory_space<vmem>>
        %dma_wait3A_174 = tpu.memref_squeeze %dma_wait3A_173 : memref<1x128xi32, #tpu.memory_space<vmem>> -> memref<128xi32, #tpu.memory_space<vmem>>
        %dma_wait3A_175 = arith.constant 0 : i32
        %dma_wait3A_176 = arith.constant 0 : i32
        %dma_wait3A_177 = tpu.memref_slice %arg12[%dma_wait3A_175, %dma_wait3A_176] : memref<10240x128xbf16, #tpu.memory_space<vmem_shared>> -> memref<10240x128xbf16, #tpu.memory_space<vmem_shared>>
        tpu.wait_indirect_dma semaphore(%run_scoped3A_159 : memref<!tpu.dma_semaphore, #tpu.memory_space<semaphore_mem>>) src(%dma_wait3A_171 : memref<128x128xbf16, #tpu.memory_space<vmem>>) dst(%dma_wait3A_177 : memref<10240x128xbf16, #tpu.memory_space<vmem_shared>>)
        tpu.yield
      }) : () -> ()
    }
    %while3A_77 = arith.constant 1 : i32
    scf.for %while3A_86 = %while3A_75 to %while3A_71 step %while3A_77  : i32 {
      %mul3A_87 = arith.constant 2 : i32
      %mul3A_88 = arith.muli %mul3A_87, %while3A_86 : i32
      %add3A_89 = arith.constant 1 : i32
      %add3A_90 = arith.addi %mul3A_88, %add3A_89 : i32
      %mul3A_91 = arith.constant 2 : i32
      %mul3A_92 = arith.muli %add3A_90, %mul3A_91 : i32
      %add3A_93 = arith.addi %select_n3A_8, %mul3A_92 : i32
      "tpu.region"() ({
        %run_scoped3A_159 = tpu.sem_alloc : memref<!tpu.dma_semaphore, #tpu.memory_space<semaphore_mem>>
        %dma_start3A_160 = arith.constant 0 : i32
        %dma_start3A_161 = tpu.memref_slice %arg3[%add3A_93, %dma_start3A_160] : memref<2560x128xi32, #tpu.memory_space<hbm>> -> memref<2x128xi32, #tpu.memory_space<hbm>>
        %dma_start3A_162 = arith.constant 0 : i32
        %dma_start3A_163 = tpu.memref_slice %arg3[%add3A_93, %dma_start3A_162] : memref<2560x128xi32, #tpu.memory_space<hbm>> -> memref<2x128xi32, #tpu.memory_space<hbm>>
        tpu.enqueue_dma source(%dma_start3A_163 : memref<2x128xi32, #tpu.memory_space<hbm>>) target(%arg9 : memref<2x128xi32, #tpu.memory_space<vmem>>) target_semaphore(%run_scoped3A_159 : memref<!tpu.dma_semaphore, #tpu.memory_space<semaphore_mem>>)
        %dma_wait3A_164 = arith.constant 0 : i32
        %dma_wait3A_165 = tpu.memref_slice %arg3[%add3A_93, %dma_wait3A_164] : memref<2560x128xi32, #tpu.memory_space<hbm>> -> memref<2x128xi32, #tpu.memory_space<hbm>>
        %dma_wait3A_166 = arith.constant 0 : i32
        %dma_wait3A_167 = tpu.memref_slice %arg3[%add3A_93, %dma_wait3A_166] : memref<2560x128xi32, #tpu.memory_space<hbm>> -> memref<2x128xi32, #tpu.memory_space<hbm>>
        tpu.wait_dma2 semaphore(%run_scoped3A_159 : memref<!tpu.dma_semaphore, #tpu.memory_space<semaphore_mem>>) src(%dma_wait3A_167 : memref<2x128xi32, #tpu.memory_space<hbm>>) dst(%arg9 : memref<2x128xi32, #tpu.memory_space<vmem>>)
        tpu.yield
      }) : () -> ()
      "tpu.region"() ({
        %run_scoped3A_159 = tpu.sem_alloc : memref<!tpu.dma_semaphore, #tpu.memory_space<semaphore_mem>>
        %dma_start3A_160 = arith.constant 0 : i32
        %dma_start3A_161 = tpu.memref_slice %arg4[%add3A_93, %dma_start3A_160] : memref<2560x128xi32, #tpu.memory_space<hbm>> -> memref<2x128xi32, #tpu.memory_space<hbm>>
        %dma_start3A_162 = arith.constant 0 : i32
        %dma_start3A_163 = tpu.memref_slice %arg4[%add3A_93, %dma_start3A_162] : memref<2560x128xi32, #tpu.memory_space<hbm>> -> memref<2x128xi32, #tpu.memory_space<hbm>>
        tpu.enqueue_dma source(%dma_start3A_163 : memref<2x128xi32, #tpu.memory_space<hbm>>) target(%arg10 : memref<2x128xi32, #tpu.memory_space<vmem>>) target_semaphore(%run_scoped3A_159 : memref<!tpu.dma_semaphore, #tpu.memory_space<semaphore_mem>>)
        %dma_wait3A_164 = arith.constant 0 : i32
        %dma_wait3A_165 = tpu.memref_slice %arg4[%add3A_93, %dma_wait3A_164] : memref<2560x128xi32, #tpu.memory_space<hbm>> -> memref<2x128xi32, #tpu.memory_space<hbm>>
        %dma_wait3A_166 = arith.constant 0 : i32
        %dma_wait3A_167 = tpu.memref_slice %arg4[%add3A_93, %dma_wait3A_166] : memref<2560x128xi32, #tpu.memory_space<hbm>> -> memref<2x128xi32, #tpu.memory_space<hbm>>
        tpu.wait_dma2 semaphore(%run_scoped3A_159 : memref<!tpu.dma_semaphore, #tpu.memory_space<semaphore_mem>>) src(%dma_wait3A_167 : memref<2x128xi32, #tpu.memory_space<hbm>>) dst(%arg10 : memref<2x128xi32, #tpu.memory_space<vmem>>)
        tpu.yield
      }) : () -> ()
      %dma_start3A_94 = arith.constant 0 : i32
      %dma_start3A_95 = arith.constant 0 : i32
      %dma_start3A_96 = arith.constant 0 : i32
      %dma_start3A_97 = tpu.memref_slice %arg11[%dma_start3A_95, %dma_start3A_96] : memref<256x128xbf16, #tpu.memory_space<vmem>> -> memref<128x128xbf16, #tpu.memory_space<vmem>>
      %dma_start3A_98 = arith.constant 0 : i32
      %dma_start3A_99 = tpu.memref_slice %arg9[%dma_start3A_94, %dma_start3A_98] : memref<2x128xi32, #tpu.memory_space<vmem>> -> memref<1x128xi32, #tpu.memory_space<vmem>>
      %dma_start3A_100 = tpu.memref_squeeze %dma_start3A_99 : memref<1x128xi32, #tpu.memory_space<vmem>> -> memref<128xi32, #tpu.memory_space<vmem>>
      %dma_start3A_101 = arith.constant 0 : i32
      %dma_start3A_102 = arith.constant 0 : i32
      %dma_start3A_103 = tpu.memref_slice %arg2[%dma_start3A_101, %dma_start3A_102] : memref<10000x128xbf16, #tpu.memory_space<hbm>> -> memref<10000x128xbf16, #tpu.memory_space<hbm>>
      tpu.enqueue_indirect_dma source(%dma_start3A_103 : memref<10000x128xbf16, #tpu.memory_space<hbm>>) target(%dma_start3A_97 : memref<128x128xbf16, #tpu.memory_space<vmem>>) offsets(%dma_start3A_100 : memref<128xi32, #tpu.memory_space<vmem>>) semaphore(%arg14 : memref<!tpu.dma_semaphore, #tpu.memory_space<semaphore_mem>>)
      %dma_start3A_104 = arith.constant 1 : i32
      %dma_start3A_105 = arith.constant 128 : i32
      %dma_start3A_106 = arith.constant 0 : i32
      %dma_start3A_107 = tpu.memref_slice %arg11[%dma_start3A_105, %dma_start3A_106] : memref<256x128xbf16, #tpu.memory_space<vmem>> -> memref<128x128xbf16, #tpu.memory_space<vmem>>
      %dma_start3A_108 = arith.constant 0 : i32
      %dma_start3A_109 = tpu.memref_slice %arg9[%dma_start3A_104, %dma_start3A_108] : memref<2x128xi32, #tpu.memory_space<vmem>> -> memref<1x128xi32, #tpu.memory_space<vmem>>
      %dma_start3A_110 = tpu.memref_squeeze %dma_start3A_109 : memref<1x128xi32, #tpu.memory_space<vmem>> -> memref<128xi32, #tpu.memory_space<vmem>>
      %dma_start3A_111 = arith.constant 0 : i32
      %dma_start3A_112 = arith.constant 0 : i32
      %dma_start3A_113 = tpu.memref_slice %arg2[%dma_start3A_111, %dma_start3A_112] : memref<10000x128xbf16, #tpu.memory_space<hbm>> -> memref<10000x128xbf16, #tpu.memory_space<hbm>>
      tpu.enqueue_indirect_dma source(%dma_start3A_113 : memref<10000x128xbf16, #tpu.memory_space<hbm>>) target(%dma_start3A_107 : memref<128x128xbf16, #tpu.memory_space<vmem>>) offsets(%dma_start3A_110 : memref<128xi32, #tpu.memory_space<vmem>>) semaphore(%arg14 : memref<!tpu.dma_semaphore, #tpu.memory_space<semaphore_mem>>)
      %dma_wait3A = arith.constant 0 : i32
      %dma_wait3A_114 = arith.constant 0 : i32
      %dma_wait3A_115 = arith.constant 0 : i32
      %dma_wait3A_116 = tpu.memref_slice %arg8[%dma_wait3A_114, %dma_wait3A_115] : memref<256x128xbf16, #tpu.memory_space<vmem>> -> memref<128x128xbf16, #tpu.memory_space<vmem>>
      %dma_wait3A_117 = arith.constant 0 : i32
      %dma_wait3A_118 = tpu.memref_slice %arg6[%dma_wait3A, %dma_wait3A_117] : memref<2x128xi32, #tpu.memory_space<vmem>> -> memref<1x128xi32, #tpu.memory_space<vmem>>
      %dma_wait3A_119 = tpu.memref_squeeze %dma_wait3A_118 : memref<1x128xi32, #tpu.memory_space<vmem>> -> memref<128xi32, #tpu.memory_space<vmem>>
      %dma_wait3A_120 = arith.constant 0 : i32
      %dma_wait3A_121 = arith.constant 0 : i32
      %dma_wait3A_122 = tpu.memref_slice %arg2[%dma_wait3A_120, %dma_wait3A_121] : memref<10000x128xbf16, #tpu.memory_space<hbm>> -> memref<10000x128xbf16, #tpu.memory_space<hbm>>
      tpu.wait_indirect_dma semaphore(%arg13 : memref<!tpu.dma_semaphore, #tpu.memory_space<semaphore_mem>>) src(%dma_wait3A_122 : memref<10000x128xbf16, #tpu.memory_space<hbm>>) dst(%dma_wait3A_116 : memref<128x128xbf16, #tpu.memory_space<vmem>>)
      %dma_wait3A_123 = arith.constant 1 : i32
      %dma_wait3A_124 = arith.constant 128 : i32
      %dma_wait3A_125 = arith.constant 0 : i32
      %dma_wait3A_126 = tpu.memref_slice %arg8[%dma_wait3A_124, %dma_wait3A_125] : memref<256x128xbf16, #tpu.memory_space<vmem>> -> memref<128x128xbf16, #tpu.memory_space<vmem>>
      %dma_wait3A_127 = arith.constant 0 : i32
      %dma_wait3A_128 = tpu.memref_slice %arg6[%dma_wait3A_123, %dma_wait3A_127] : memref<2x128xi32, #tpu.memory_space<vmem>> -> memref<1x128xi32, #tpu.memory_space<vmem>>
      %dma_wait3A_129 = tpu.memref_squeeze %dma_wait3A_128 : memref<1x128xi32, #tpu.memory_space<vmem>> -> memref<128xi32, #tpu.memory_space<vmem>>
      %dma_wait3A_130 = arith.constant 0 : i32
      %dma_wait3A_131 = arith.constant 0 : i32
      %dma_wait3A_132 = tpu.memref_slice %arg2[%dma_wait3A_130, %dma_wait3A_131] : memref<10000x128xbf16, #tpu.memory_space<hbm>> -> memref<10000x128xbf16, #tpu.memory_space<hbm>>
      tpu.wait_indirect_dma semaphore(%arg13 : memref<!tpu.dma_semaphore, #tpu.memory_space<semaphore_mem>>) src(%dma_wait3A_132 : memref<10000x128xbf16, #tpu.memory_space<hbm>>) dst(%dma_wait3A_126 : memref<128x128xbf16, #tpu.memory_space<vmem>>)
      %run_scoped3A = arith.constant 0 : i32
      "tpu.region"() ({
        %run_scoped3A_159 = tpu.sem_alloc : memref<!tpu.dma_semaphore, #tpu.memory_space<semaphore_mem>>
        %dma_start3A_160 = arith.constant 0 : i32
        %dma_start3A_161 = arith.constant 0 : i32
        %dma_start3A_162 = tpu.memref_slice %arg8[%dma_start3A_160, %dma_start3A_161] : memref<256x128xbf16, #tpu.memory_space<vmem>> -> memref<128x128xbf16, #tpu.memory_space<vmem>>
        %dma_start3A_163 = arith.constant 0 : i32
        %dma_start3A_164 = tpu.memref_slice %arg7[%run_scoped3A, %dma_start3A_163] : memref<2x128xi32, #tpu.memory_space<vmem>> -> memref<1x128xi32, #tpu.memory_space<vmem>>
        %dma_start3A_165 = tpu.memref_squeeze %dma_start3A_164 : memref<1x128xi32, #tpu.memory_space<vmem>> -> memref<128xi32, #tpu.memory_space<vmem>>
        %dma_start3A_166 = arith.constant 0 : i32
        %dma_start3A_167 = arith.constant 0 : i32
        %dma_start3A_168 = tpu.memref_slice %arg12[%dma_start3A_166, %dma_start3A_167] : memref<10240x128xbf16, #tpu.memory_space<vmem_shared>> -> memref<10240x128xbf16, #tpu.memory_space<vmem_shared>>
        tpu.enqueue_indirect_dma source(%dma_start3A_162 : memref<128x128xbf16, #tpu.memory_space<vmem>>) target(%dma_start3A_168 : memref<10240x128xbf16, #tpu.memory_space<vmem_shared>>) offsets(%dma_start3A_165 : memref<128xi32, #tpu.memory_space<vmem>>) semaphore(%run_scoped3A_159 : memref<!tpu.dma_semaphore, #tpu.memory_space<semaphore_mem>>) {add = true}
        %dma_wait3A_169 = arith.constant 0 : i32
        %dma_wait3A_170 = arith.constant 0 : i32
        %dma_wait3A_171 = tpu.memref_slice %arg8[%dma_wait3A_169, %dma_wait3A_170] : memref<256x128xbf16, #tpu.memory_space<vmem>> -> memref<128x128xbf16, #tpu.memory_space<vmem>>
        %dma_wait3A_172 = arith.constant 0 : i32
        %dma_wait3A_173 = tpu.memref_slice %arg7[%run_scoped3A, %dma_wait3A_172] : memref<2x128xi32, #tpu.memory_space<vmem>> -> memref<1x128xi32, #tpu.memory_space<vmem>>
        %dma_wait3A_174 = tpu.memref_squeeze %dma_wait3A_173 : memref<1x128xi32, #tpu.memory_space<vmem>> -> memref<128xi32, #tpu.memory_space<vmem>>
        %dma_wait3A_175 = arith.constant 0 : i32
        %dma_wait3A_176 = arith.constant 0 : i32
        %dma_wait3A_177 = tpu.memref_slice %arg12[%dma_wait3A_175, %dma_wait3A_176] : memref<10240x128xbf16, #tpu.memory_space<vmem_shared>> -> memref<10240x128xbf16, #tpu.memory_space<vmem_shared>>
        tpu.wait_indirect_dma semaphore(%run_scoped3A_159 : memref<!tpu.dma_semaphore, #tpu.memory_space<semaphore_mem>>) src(%dma_wait3A_171 : memref<128x128xbf16, #tpu.memory_space<vmem>>) dst(%dma_wait3A_177 : memref<10240x128xbf16, #tpu.memory_space<vmem_shared>>)
        tpu.yield
      }) : () -> ()
      %run_scoped3A_133 = arith.constant 1 : i32
      "tpu.region"() ({
        %run_scoped3A_159 = tpu.sem_alloc : memref<!tpu.dma_semaphore, #tpu.memory_space<semaphore_mem>>
        %dma_start3A_160 = arith.constant 128 : i32
        %dma_start3A_161 = arith.constant 0 : i32
        %dma_start3A_162 = tpu.memref_slice %arg8[%dma_start3A_160, %dma_start3A_161] : memref<256x128xbf16, #tpu.memory_space<vmem>> -> memref<128x128xbf16, #tpu.memory_space<vmem>>
        %dma_start3A_163 = arith.constant 0 : i32
        %dma_start3A_164 = tpu.memref_slice %arg7[%run_scoped3A_133, %dma_start3A_163] : memref<2x128xi32, #tpu.memory_space<vmem>> -> memref<1x128xi32, #tpu.memory_space<vmem>>
        %dma_start3A_165 = tpu.memref_squeeze %dma_start3A_164 : memref<1x128xi32, #tpu.memory_space<vmem>> -> memref<128xi32, #tpu.memory_space<vmem>>
        %dma_start3A_166 = arith.constant 0 : i32
        %dma_start3A_167 = arith.constant 0 : i32
        %dma_start3A_168 = tpu.memref_slice %arg12[%dma_start3A_166, %dma_start3A_167] : memref<10240x128xbf16, #tpu.memory_space<vmem_shared>> -> memref<10240x128xbf16, #tpu.memory_space<vmem_shared>>
        tpu.enqueue_indirect_dma source(%dma_start3A_162 : memref<128x128xbf16, #tpu.memory_space<vmem>>) target(%dma_start3A_168 : memref<10240x128xbf16, #tpu.memory_space<vmem_shared>>) offsets(%dma_start3A_165 : memref<128xi32, #tpu.memory_space<vmem>>) semaphore(%run_scoped3A_159 : memref<!tpu.dma_semaphore, #tpu.memory_space<semaphore_mem>>) {add = true}
        %dma_wait3A_169 = arith.constant 128 : i32
        %dma_wait3A_170 = arith.constant 0 : i32
        %dma_wait3A_171 = tpu.memref_slice %arg8[%dma_wait3A_169, %dma_wait3A_170] : memref<256x128xbf16, #tpu.memory_space<vmem>> -> memref<128x128xbf16, #tpu.memory_space<vmem>>
        %dma_wait3A_172 = arith.constant 0 : i32
        %dma_wait3A_173 = tpu.memref_slice %arg7[%run_scoped3A_133, %dma_wait3A_172] : memref<2x128xi32, #tpu.memory_space<vmem>> -> memref<1x128xi32, #tpu.memory_space<vmem>>
        %dma_wait3A_174 = tpu.memref_squeeze %dma_wait3A_173 : memref<1x128xi32, #tpu.memory_space<vmem>> -> memref<128xi32, #tpu.memory_space<vmem>>
        %dma_wait3A_175 = arith.constant 0 : i32
        %dma_wait3A_176 = arith.constant 0 : i32
        %dma_wait3A_177 = tpu.memref_slice %arg12[%dma_wait3A_175, %dma_wait3A_176] : memref<10240x128xbf16, #tpu.memory_space<vmem_shared>> -> memref<10240x128xbf16, #tpu.memory_space<vmem_shared>>
        tpu.wait_indirect_dma semaphore(%run_scoped3A_159 : memref<!tpu.dma_semaphore, #tpu.memory_space<semaphore_mem>>) src(%dma_wait3A_171 : memref<128x128xbf16, #tpu.memory_space<vmem>>) dst(%dma_wait3A_177 : memref<10240x128xbf16, #tpu.memory_space<vmem_shared>>)
        tpu.yield
      }) : () -> ()
      %add3A_134 = arith.constant 2 : i32
      %add3A_135 = arith.addi %mul3A_88, %add3A_134 : i32
      %lt3A = arith.cmpi slt, %add3A_135, %select_n3A : i32
      %convert_element_type3A = arith.extui %lt3A : i1 to i32
      %cond3A = arith.constant 0 : i32
      %cond3A_136 = arith.cmpi ne, %convert_element_type3A, %cond3A : i32
      scf.if %cond3A_136 {
        %add3A_159 = arith.constant 2 : i32
        %add3A_160 = arith.addi %mul3A_88, %add3A_159 : i32
        %mul3A_161 = arith.constant 2 : i32
        %mul3A_162 = arith.muli %add3A_160, %mul3A_161 : i32
        %add3A_163 = arith.addi %select_n3A_8, %mul3A_162 : i32
        "tpu.region"() ({
          %run_scoped3A_184 = tpu.sem_alloc : memref<!tpu.dma_semaphore, #tpu.memory_space<semaphore_mem>>
          %dma_start3A_185 = arith.constant 0 : i32
          %dma_start3A_186 = tpu.memref_slice %arg3[%add3A_163, %dma_start3A_185] : memref<2560x128xi32, #tpu.memory_space<hbm>> -> memref<2x128xi32, #tpu.memory_space<hbm>>
          %dma_start3A_187 = arith.constant 0 : i32
          %dma_start3A_188 = tpu.memref_slice %arg3[%add3A_163, %dma_start3A_187] : memref<2560x128xi32, #tpu.memory_space<hbm>> -> memref<2x128xi32, #tpu.memory_space<hbm>>
          tpu.enqueue_dma source(%dma_start3A_188 : memref<2x128xi32, #tpu.memory_space<hbm>>) target(%arg6 : memref<2x128xi32, #tpu.memory_space<vmem>>) target_semaphore(%run_scoped3A_184 : memref<!tpu.dma_semaphore, #tpu.memory_space<semaphore_mem>>)
          %dma_wait3A_189 = arith.constant 0 : i32
          %dma_wait3A_190 = tpu.memref_slice %arg3[%add3A_163, %dma_wait3A_189] : memref<2560x128xi32, #tpu.memory_space<hbm>> -> memref<2x128xi32, #tpu.memory_space<hbm>>
          %dma_wait3A_191 = arith.constant 0 : i32
          %dma_wait3A_192 = tpu.memref_slice %arg3[%add3A_163, %dma_wait3A_191] : memref<2560x128xi32, #tpu.memory_space<hbm>> -> memref<2x128xi32, #tpu.memory_space<hbm>>
          tpu.wait_dma2 semaphore(%run_scoped3A_184 : memref<!tpu.dma_semaphore, #tpu.memory_space<semaphore_mem>>) src(%dma_wait3A_192 : memref<2x128xi32, #tpu.memory_space<hbm>>) dst(%arg6 : memref<2x128xi32, #tpu.memory_space<vmem>>)
          tpu.yield
        }) : () -> ()
        "tpu.region"() ({
          %run_scoped3A_184 = tpu.sem_alloc : memref<!tpu.dma_semaphore, #tpu.memory_space<semaphore_mem>>
          %dma_start3A_185 = arith.constant 0 : i32
          %dma_start3A_186 = tpu.memref_slice %arg4[%add3A_163, %dma_start3A_185] : memref<2560x128xi32, #tpu.memory_space<hbm>> -> memref<2x128xi32, #tpu.memory_space<hbm>>
          %dma_start3A_187 = arith.constant 0 : i32
          %dma_start3A_188 = tpu.memref_slice %arg4[%add3A_163, %dma_start3A_187] : memref<2560x128xi32, #tpu.memory_space<hbm>> -> memref<2x128xi32, #tpu.memory_space<hbm>>
          tpu.enqueue_dma source(%dma_start3A_188 : memref<2x128xi32, #tpu.memory_space<hbm>>) target(%arg7 : memref<2x128xi32, #tpu.memory_space<vmem>>) target_semaphore(%run_scoped3A_184 : memref<!tpu.dma_semaphore, #tpu.memory_space<semaphore_mem>>)
          %dma_wait3A_189 = arith.constant 0 : i32
          %dma_wait3A_190 = tpu.memref_slice %arg4[%add3A_163, %dma_wait3A_189] : memref<2560x128xi32, #tpu.memory_space<hbm>> -> memref<2x128xi32, #tpu.memory_space<hbm>>
          %dma_wait3A_191 = arith.constant 0 : i32
          %dma_wait3A_192 = tpu.memref_slice %arg4[%add3A_163, %dma_wait3A_191] : memref<2560x128xi32, #tpu.memory_space<hbm>> -> memref<2x128xi32, #tpu.memory_space<hbm>>
          tpu.wait_dma2 semaphore(%run_scoped3A_184 : memref<!tpu.dma_semaphore, #tpu.memory_space<semaphore_mem>>) src(%dma_wait3A_192 : memref<2x128xi32, #tpu.memory_space<hbm>>) dst(%arg7 : memref<2x128xi32, #tpu.memory_space<vmem>>)
          tpu.yield
        }) : () -> ()
        %dma_start3A_164 = arith.constant 0 : i32
        %dma_start3A_165 = arith.constant 0 : i32
        %dma_start3A_166 = arith.constant 0 : i32
        %dma_start3A_167 = tpu.memref_slice %arg8[%dma_start3A_165, %dma_start3A_166] : memref<256x128xbf16, #tpu.memory_space<vmem>> -> memref<128x128xbf16, #tpu.memory_space<vmem>>
        %dma_start3A_168 = arith.constant 0 : i32
        %dma_start3A_169 = tpu.memref_slice %arg6[%dma_start3A_164, %dma_start3A_168] : memref<2x128xi32, #tpu.memory_space<vmem>> -> memref<1x128xi32, #tpu.memory_space<vmem>>
        %dma_start3A_170 = tpu.memref_squeeze %dma_start3A_169 : memref<1x128xi32, #tpu.memory_space<vmem>> -> memref<128xi32, #tpu.memory_space<vmem>>
        %dma_start3A_171 = arith.constant 0 : i32
        %dma_start3A_172 = arith.constant 0 : i32
        %dma_start3A_173 = tpu.memref_slice %arg2[%dma_start3A_171, %dma_start3A_172] : memref<10000x128xbf16, #tpu.memory_space<hbm>> -> memref<10000x128xbf16, #tpu.memory_space<hbm>>
        tpu.enqueue_indirect_dma source(%dma_start3A_173 : memref<10000x128xbf16, #tpu.memory_space<hbm>>) target(%dma_start3A_167 : memref<128x128xbf16, #tpu.memory_space<vmem>>) offsets(%dma_start3A_170 : memref<128xi32, #tpu.memory_space<vmem>>) semaphore(%arg13 : memref<!tpu.dma_semaphore, #tpu.memory_space<semaphore_mem>>)
        %dma_start3A_174 = arith.constant 1 : i32
        %dma_start3A_175 = arith.constant 128 : i32
        %dma_start3A_176 = arith.constant 0 : i32
        %dma_start3A_177 = tpu.memref_slice %arg8[%dma_start3A_175, %dma_start3A_176] : memref<256x128xbf16, #tpu.memory_space<vmem>> -> memref<128x128xbf16, #tpu.memory_space<vmem>>
        %dma_start3A_178 = arith.constant 0 : i32
        %dma_start3A_179 = tpu.memref_slice %arg6[%dma_start3A_174, %dma_start3A_178] : memref<2x128xi32, #tpu.memory_space<vmem>> -> memref<1x128xi32, #tpu.memory_space<vmem>>
        %dma_start3A_180 = tpu.memref_squeeze %dma_start3A_179 : memref<1x128xi32, #tpu.memory_space<vmem>> -> memref<128xi32, #tpu.memory_space<vmem>>
        %dma_start3A_181 = arith.constant 0 : i32
        %dma_start3A_182 = arith.constant 0 : i32
        %dma_start3A_183 = tpu.memref_slice %arg2[%dma_start3A_181, %dma_start3A_182] : memref<10000x128xbf16, #tpu.memory_space<hbm>> -> memref<10000x128xbf16, #tpu.memory_space<hbm>>
        tpu.enqueue_indirect_dma source(%dma_start3A_183 : memref<10000x128xbf16, #tpu.memory_space<hbm>>) target(%dma_start3A_177 : memref<128x128xbf16, #tpu.memory_space<vmem>>) offsets(%dma_start3A_180 : memref<128xi32, #tpu.memory_space<vmem>>) semaphore(%arg13 : memref<!tpu.dma_semaphore, #tpu.memory_space<semaphore_mem>>)
      } else {
      }
      %dma_wait3A_137 = arith.constant 0 : i32
      %dma_wait3A_138 = arith.constant 0 : i32
      %dma_wait3A_139 = arith.constant 0 : i32
      %dma_wait3A_140 = tpu.memref_slice %arg11[%dma_wait3A_138, %dma_wait3A_139] : memref<256x128xbf16, #tpu.memory_space<vmem>> -> memref<128x128xbf16, #tpu.memory_space<vmem>>
      %dma_wait3A_141 = arith.constant 0 : i32
      %dma_wait3A_142 = tpu.memref_slice %arg9[%dma_wait3A_137, %dma_wait3A_141] : memref<2x128xi32, #tpu.memory_space<vmem>> -> memref<1x128xi32, #tpu.memory_space<vmem>>
      %dma_wait3A_143 = tpu.memref_squeeze %dma_wait3A_142 : memref<1x128xi32, #tpu.memory_space<vmem>> -> memref<128xi32, #tpu.memory_space<vmem>>
      %dma_wait3A_144 = arith.constant 0 : i32
      %dma_wait3A_145 = arith.constant 0 : i32
      %dma_wait3A_146 = tpu.memref_slice %arg2[%dma_wait3A_144, %dma_wait3A_145] : memref<10000x128xbf16, #tpu.memory_space<hbm>> -> memref<10000x128xbf16, #tpu.memory_space<hbm>>
      tpu.wait_indirect_dma semaphore(%arg14 : memref<!tpu.dma_semaphore, #tpu.memory_space<semaphore_mem>>) src(%dma_wait3A_146 : memref<10000x128xbf16, #tpu.memory_space<hbm>>) dst(%dma_wait3A_140 : memref<128x128xbf16, #tpu.memory_space<vmem>>)
      %dma_wait3A_147 = arith.constant 1 : i32
      %dma_wait3A_148 = arith.constant 128 : i32
      %dma_wait3A_149 = arith.constant 0 : i32
      %dma_wait3A_150 = tpu.memref_slice %arg11[%dma_wait3A_148, %dma_wait3A_149] : memref<256x128xbf16, #tpu.memory_space<vmem>> -> memref<128x128xbf16, #tpu.memory_space<vmem>>
      %dma_wait3A_151 = arith.constant 0 : i32
      %dma_wait3A_152 = tpu.memref_slice %arg9[%dma_wait3A_147, %dma_wait3A_151] : memref<2x128xi32, #tpu.memory_space<vmem>> -> memref<1x128xi32, #tpu.memory_space<vmem>>
      %dma_wait3A_153 = tpu.memref_squeeze %dma_wait3A_152 : memref<1x128xi32, #tpu.memory_space<vmem>> -> memref<128xi32, #tpu.memory_space<vmem>>
      %dma_wait3A_154 = arith.constant 0 : i32
      %dma_wait3A_155 = arith.constant 0 : i32
      %dma_wait3A_156 = tpu.memref_slice %arg2[%dma_wait3A_154, %dma_wait3A_155] : memref<10000x128xbf16, #tpu.memory_space<hbm>> -> memref<10000x128xbf16, #tpu.memory_space<hbm>>
      tpu.wait_indirect_dma semaphore(%arg14 : memref<!tpu.dma_semaphore, #tpu.memory_space<semaphore_mem>>) src(%dma_wait3A_156 : memref<10000x128xbf16, #tpu.memory_space<hbm>>) dst(%dma_wait3A_150 : memref<128x128xbf16, #tpu.memory_space<vmem>>)
      %run_scoped3A_157 = arith.constant 0 : i32
      "tpu.region"() ({
        %run_scoped3A_159 = tpu.sem_alloc : memref<!tpu.dma_semaphore, #tpu.memory_space<semaphore_mem>>
        %dma_start3A_160 = arith.constant 0 : i32
        %dma_start3A_161 = arith.constant 0 : i32
        %dma_start3A_162 = tpu.memref_slice %arg11[%dma_start3A_160, %dma_start3A_161] : memref<256x128xbf16, #tpu.memory_space<vmem>> -> memref<128x128xbf16, #tpu.memory_space<vmem>>
        %dma_start3A_163 = arith.constant 0 : i32
        %dma_start3A_164 = tpu.memref_slice %arg10[%run_scoped3A_157, %dma_start3A_163] : memref<2x128xi32, #tpu.memory_space<vmem>> -> memref<1x128xi32, #tpu.memory_space<vmem>>
        %dma_start3A_165 = tpu.memref_squeeze %dma_start3A_164 : memref<1x128xi32, #tpu.memory_space<vmem>> -> memref<128xi32, #tpu.memory_space<vmem>>
        %dma_start3A_166 = arith.constant 0 : i32
        %dma_start3A_167 = arith.constant 0 : i32
        %dma_start3A_168 = tpu.memref_slice %arg12[%dma_start3A_166, %dma_start3A_167] : memref<10240x128xbf16, #tpu.memory_space<vmem_shared>> -> memref<10240x128xbf16, #tpu.memory_space<vmem_shared>>
        tpu.enqueue_indirect_dma source(%dma_start3A_162 : memref<128x128xbf16, #tpu.memory_space<vmem>>) target(%dma_start3A_168 : memref<10240x128xbf16, #tpu.memory_space<vmem_shared>>) offsets(%dma_start3A_165 : memref<128xi32, #tpu.memory_space<vmem>>) semaphore(%run_scoped3A_159 : memref<!tpu.dma_semaphore, #tpu.memory_space<semaphore_mem>>) {add = true}
        %dma_wait3A_169 = arith.constant 0 : i32
        %dma_wait3A_170 = arith.constant 0 : i32
        %dma_wait3A_171 = tpu.memref_slice %arg11[%dma_wait3A_169, %dma_wait3A_170] : memref<256x128xbf16, #tpu.memory_space<vmem>> -> memref<128x128xbf16, #tpu.memory_space<vmem>>
        %dma_wait3A_172 = arith.constant 0 : i32
        %dma_wait3A_173 = tpu.memref_slice %arg10[%run_scoped3A_157, %dma_wait3A_172] : memref<2x128xi32, #tpu.memory_space<vmem>> -> memref<1x128xi32, #tpu.memory_space<vmem>>
        %dma_wait3A_174 = tpu.memref_squeeze %dma_wait3A_173 : memref<1x128xi32, #tpu.memory_space<vmem>> -> memref<128xi32, #tpu.memory_space<vmem>>
        %dma_wait3A_175 = arith.constant 0 : i32
        %dma_wait3A_176 = arith.constant 0 : i32
        %dma_wait3A_177 = tpu.memref_slice %arg12[%dma_wait3A_175, %dma_wait3A_176] : memref<10240x128xbf16, #tpu.memory_space<vmem_shared>> -> memref<10240x128xbf16, #tpu.memory_space<vmem_shared>>
        tpu.wait_indirect_dma semaphore(%run_scoped3A_159 : memref<!tpu.dma_semaphore, #tpu.memory_space<semaphore_mem>>) src(%dma_wait3A_171 : memref<128x128xbf16, #tpu.memory_space<vmem>>) dst(%dma_wait3A_177 : memref<10240x128xbf16, #tpu.memory_space<vmem_shared>>)
        tpu.yield
      }) : () -> ()
      %run_scoped3A_158 = arith.constant 1 : i32
      "tpu.region"() ({
        %run_scoped3A_159 = tpu.sem_alloc : memref<!tpu.dma_semaphore, #tpu.memory_space<semaphore_mem>>
        %dma_start3A_160 = arith.constant 128 : i32
        %dma_start3A_161 = arith.constant 0 : i32
        %dma_start3A_162 = tpu.memref_slice %arg11[%dma_start3A_160, %dma_start3A_161] : memref<256x128xbf16, #tpu.memory_space<vmem>> -> memref<128x128xbf16, #tpu.memory_space<vmem>>
        %dma_start3A_163 = arith.constant 0 : i32
        %dma_start3A_164 = tpu.memref_slice %arg10[%run_scoped3A_158, %dma_start3A_163] : memref<2x128xi32, #tpu.memory_space<vmem>> -> memref<1x128xi32, #tpu.memory_space<vmem>>
        %dma_start3A_165 = tpu.memref_squeeze %dma_start3A_164 : memref<1x128xi32, #tpu.memory_space<vmem>> -> memref<128xi32, #tpu.memory_space<vmem>>
        %dma_start3A_166 = arith.constant 0 : i32
        %dma_start3A_167 = arith.constant 0 : i32
        %dma_start3A_168 = tpu.memref_slice %arg12[%dma_start3A_166, %dma_start3A_167] : memref<10240x128xbf16, #tpu.memory_space<vmem_shared>> -> memref<10240x128xbf16, #tpu.memory_space<vmem_shared>>
        tpu.enqueue_indirect_dma source(%dma_start3A_162 : memref<128x128xbf16, #tpu.memory_space<vmem>>) target(%dma_start3A_168 : memref<10240x128xbf16, #tpu.memory_space<vmem_shared>>) offsets(%dma_start3A_165 : memref<128xi32, #tpu.memory_space<vmem>>) semaphore(%run_scoped3A_159 : memref<!tpu.dma_semaphore, #tpu.memory_space<semaphore_mem>>) {add = true}
        %dma_wait3A_169 = arith.constant 128 : i32
        %dma_wait3A_170 = arith.constant 0 : i32
        %dma_wait3A_171 = tpu.memref_slice %arg11[%dma_wait3A_169, %dma_wait3A_170] : memref<256x128xbf16, #tpu.memory_space<vmem>> -> memref<128x128xbf16, #tpu.memory_space<vmem>>
        %dma_wait3A_172 = arith.constant 0 : i32
        %dma_wait3A_173 = tpu.memref_slice %arg10[%run_scoped3A_158, %dma_wait3A_172] : memref<2x128xi32, #tpu.memory_space<vmem>> -> memref<1x128xi32, #tpu.memory_space<vmem>>
        %dma_wait3A_174 = tpu.memref_squeeze %dma_wait3A_173 : memref<1x128xi32, #tpu.memory_space<vmem>> -> memref<128xi32, #tpu.memory_space<vmem>>
        %dma_wait3A_175 = arith.constant 0 : i32
        %dma_wait3A_176 = arith.constant 0 : i32
        %dma_wait3A_177 = tpu.memref_slice %arg12[%dma_wait3A_175, %dma_wait3A_176] : memref<10240x128xbf16, #tpu.memory_space<vmem_shared>> -> memref<10240x128xbf16, #tpu.memory_space<vmem_shared>>
        tpu.wait_indirect_dma semaphore(%run_scoped3A_159 : memref<!tpu.dma_semaphore, #tpu.memory_space<semaphore_mem>>) src(%dma_wait3A_171 : memref<128x128xbf16, #tpu.memory_space<vmem>>) dst(%dma_wait3A_177 : memref<10240x128xbf16, #tpu.memory_space<vmem_shared>>)
        tpu.yield
      }) : () -> ()
    }
    %barrier3A_78 = arith.constant 0 : index
    tpu.barrier barrier_id(%barrier3A_78)
    %mul3A_79 = arith.constant 640 : i32
    %mul3A_80 = arith.muli %arg1, %mul3A_79 : i32
    %mul3A_81 = arith.constant 10240 : i32
    %mul3A_82 = arith.muli %arg0, %mul3A_81 : i32
    %mul3A_83 = arith.constant 640 : i32
    %mul3A_84 = arith.muli %arg1, %mul3A_83 : i32
    %add3A_85 = arith.addi %mul3A_82, %mul3A_84 : i32
    "tpu.region"() ({
      %run_scoped3A = tpu.sem_alloc : memref<!tpu.dma_semaphore, #tpu.memory_space<semaphore_mem>>
      %dma_start3A_86 = arith.constant 0 : i32
      %dma_start3A_87 = tpu.memref_slice %arg5[%add3A_85, %dma_start3A_86] : memref<20480x128xbf16, #tpu.memory_space<hbm>> -> memref<640x128xbf16, #tpu.memory_space<hbm>>
      %dma_start3A_88 = arith.constant 0 : i32
      %dma_start3A_89 = tpu.memref_slice %arg12[%mul3A_80, %dma_start3A_88] : memref<10240x128xbf16, #tpu.memory_space<vmem_shared>> -> memref<640x128xbf16, #tpu.memory_space<vmem_shared>>
      tpu.enqueue_dma source(%dma_start3A_89 : memref<640x128xbf16, #tpu.memory_space<vmem_shared>>) target(%dma_start3A_87 : memref<640x128xbf16, #tpu.memory_space<hbm>>) target_semaphore(%run_scoped3A : memref<!tpu.dma_semaphore, #tpu.memory_space<semaphore_mem>>)
      %dma_wait3A = arith.constant 0 : i32
      %dma_wait3A_90 = tpu.memref_slice %arg5[%add3A_85, %dma_wait3A] : memref<20480x128xbf16, #tpu.memory_space<hbm>> -> memref<640x128xbf16, #tpu.memory_space<hbm>>
      %dma_wait3A_91 = arith.constant 0 : i32
      %dma_wait3A_92 = tpu.memref_slice %arg12[%mul3A_80, %dma_wait3A_91] : memref<10240x128xbf16, #tpu.memory_space<vmem_shared>> -> memref<640x128xbf16, #tpu.memory_space<vmem_shared>>
      tpu.wait_dma2 semaphore(%run_scoped3A : memref<!tpu.dma_semaphore, #tpu.memory_space<semaphore_mem>>) src(%dma_wait3A_92 : memref<640x128xbf16, #tpu.memory_space<vmem_shared>>) dst(%dma_wait3A_90 : memref<640x128xbf16, #tpu.memory_space<hbm>>)
      tpu.yield
    }) : () -> ()
    return
  }
}

#map = affine_map<(d0, d1) -> (0, 0)>
module attributes {stable_mosaic.version = 14 : i64} {
  func.func @agg(%arg0: i32, %arg1: i32, %arg2: memref<10240x32xbf16, #tpu.memory_space<hbm>>, %arg3: memref<2560x128xi32, #tpu.memory_space<hbm>>, %arg4: memref<2560x128xi32, #tpu.memory_space<hbm>>, %arg5: memref<20480x32xbf16, #tpu.memory_space<hbm>>, %arg6: memref<4x128xi32, #tpu.memory_space<vmem>>, %arg7: memref<4x128xi32, #tpu.memory_space<vmem>>, %arg8: memref<512x32xbf16, #tpu.memory_space<vmem>>, %arg9: memref<4x128xi32, #tpu.memory_space<vmem>>, %arg10: memref<4x128xi32, #tpu.memory_space<vmem>>, %arg11: memref<512x32xbf16, #tpu.memory_space<vmem>>, %arg12: memref<10240x32xbf16, #tpu.memory_space<vmem_shared>>, %arg13: memref<!tpu.dma_semaphore, #tpu.memory_space<semaphore_mem>>, %arg14: memref<!tpu.dma_semaphore, #tpu.memory_space<semaphore_mem>>) attributes {dimension_semantics = [#tpu.dimension_semantics<core_parallel>, #tpu.dimension_semantics<subcore_parallel>], iteration_bounds = array<i64: 2, 16>, scalar_prefetch = 0 : i64, scratch_operands = 9 : i64, tpu.core_type = #tpu.core_type<sc_vector_subcore>, window_params = [{transform_indices = #map}, {transform_indices = #map}, {transform_indices = #map}, {transform_indices = #map}]} {
    %eq3A = arith.constant 0 : i32
    %eq3A_0 = arith.cmpi eq, %arg0, %eq3A : i32
    %jit3A = arith.constant 26 : i32
    %jit3A_1 = arith.constant 14 : i32
    %select_n3A = arith.select %eq3A_0, %jit3A, %jit3A_1 : i32
    %eq3A_2 = arith.constant 0 : i32
    %eq3A_3 = arith.cmpi eq, %arg0, %eq3A_2 : i32
    %mul3A = arith.constant 104 : i32
    %mul3A_4 = arith.muli %arg1, %mul3A : i32
    %mul3A_5 = arith.constant 56 : i32
    %mul3A_6 = arith.muli %arg1, %mul3A_5 : i32
    %add3A = arith.constant 1664 : i32
    %add3A_7 = arith.addi %add3A, %mul3A_6 : i32
    %select_n3A_8 = arith.select %eq3A_3, %mul3A_4, %add3A_7 : i32
    %scan3A = arith.constant 0 : i32
    %scan3A_9 = arith.constant 0 : i32
    %scan3A_10 = arith.constant 320 : i32
    %scan3A_11 = arith.addi %scan3A_9, %scan3A_10 : i32
    %scan3A_12 = arith.constant 1 : i32
    scf.for %scan3A_98 = %scan3A_9 to %scan3A_11 step %scan3A_12  : i32 {
      %broadcast_in_dim3A = arith.constant 0.000000e+00 : bf16
      %broadcast_in_dim3A_99 = vector.broadcast %broadcast_in_dim3A : bf16 to vector<32xbf16>
      %swap3A = arith.index_cast %scan3A_98 : i32 to index
      %swap3A_100 = arith.constant 0 : index
      %swap3A_101 = tpu.vector_load %arg8[%swap3A, %swap3A_100] {strides = array<i32>} : memref<512x32xbf16, #tpu.memory_space<vmem>>, vector<1x32xbf16>,
      %swap3A_102 = vector.shape_cast %swap3A_101 : vector<1x32xbf16> to vector<32xbf16>
      %swap3A_103 = vector.shape_cast %broadcast_in_dim3A_99 : vector<32xbf16> to vector<1x32xbf16>
      tpu.vector_store %arg8[%swap3A, %swap3A_100], %swap3A_103 {strides = array<i32>} : memref<512x32xbf16, #tpu.memory_space<vmem>>, vector<1x32xbf16>,
    }
    %scan3A_13 = arith.constant 320 : i32
    %mul3A_14 = arith.constant 640 : i32
    %mul3A_15 = arith.muli %arg1, %mul3A_14 : i32
    %add3A_16 = arith.constant 0 : i32
    %add3A_17 = arith.addi %mul3A_15, %add3A_16 : i32
    "tpu.region"() ({
      %run_scoped3A = tpu.sem_alloc : memref<!tpu.dma_semaphore, #tpu.memory_space<semaphore_mem>>
      %dma_start3A_98 = arith.constant 0 : i32
      %dma_start3A_99 = arith.constant 0 : i32
      %dma_start3A_100 = tpu.memref_slice %arg8[%dma_start3A_98, %dma_start3A_99] : memref<512x32xbf16, #tpu.memory_space<vmem>> -> memref<320x32xbf16, #tpu.memory_space<vmem>>
      %dma_start3A_101 = arith.constant 0 : i32
      %dma_start3A_102 = tpu.memref_slice %arg12[%add3A_17, %dma_start3A_101] : memref<10240x32xbf16, #tpu.memory_space<vmem_shared>> -> memref<320x32xbf16, #tpu.memory_space<vmem_shared>>
      %dma_start3A_103 = arith.constant 0 : i32
      %dma_start3A_104 = tpu.memref_slice %arg12[%add3A_17, %dma_start3A_103] : memref<10240x32xbf16, #tpu.memory_space<vmem_shared>> -> memref<320x32xbf16, #tpu.memory_space<vmem_shared>>
      %dma_start3A_105 = arith.constant 0 : i32
      %dma_start3A_106 = arith.constant 0 : i32
      %dma_start3A_107 = tpu.memref_slice %arg8[%dma_start3A_105, %dma_start3A_106] : memref<512x32xbf16, #tpu.memory_space<vmem>> -> memref<320x32xbf16, #tpu.memory_space<vmem>>
      tpu.enqueue_dma source(%dma_start3A_107 : memref<320x32xbf16, #tpu.memory_space<vmem>>) target(%dma_start3A_104 : memref<320x32xbf16, #tpu.memory_space<vmem_shared>>) target_semaphore(%run_scoped3A : memref<!tpu.dma_semaphore, #tpu.memory_space<semaphore_mem>>)
      %dma_wait3A = arith.constant 0 : i32
      %dma_wait3A_108 = arith.constant 0 : i32
      %dma_wait3A_109 = tpu.memref_slice %arg8[%dma_wait3A, %dma_wait3A_108] : memref<512x32xbf16, #tpu.memory_space<vmem>> -> memref<320x32xbf16, #tpu.memory_space<vmem>>
      %dma_wait3A_110 = arith.constant 0 : i32
      %dma_wait3A_111 = tpu.memref_slice %arg12[%add3A_17, %dma_wait3A_110] : memref<10240x32xbf16, #tpu.memory_space<vmem_shared>> -> memref<320x32xbf16, #tpu.memory_space<vmem_shared>>
      %dma_wait3A_112 = arith.constant 0 : i32
      %dma_wait3A_113 = tpu.memref_slice %arg12[%add3A_17, %dma_wait3A_112] : memref<10240x32xbf16, #tpu.memory_space<vmem_shared>> -> memref<320x32xbf16, #tpu.memory_space<vmem_shared>>
      %dma_wait3A_114 = arith.constant 0 : i32
      %dma_wait3A_115 = arith.constant 0 : i32
      %dma_wait3A_116 = tpu.memref_slice %arg8[%dma_wait3A_114, %dma_wait3A_115] : memref<512x32xbf16, #tpu.memory_space<vmem>> -> memref<320x32xbf16, #tpu.memory_space<vmem>>
      tpu.wait_dma2 semaphore(%run_scoped3A : memref<!tpu.dma_semaphore, #tpu.memory_space<semaphore_mem>>) src(%dma_wait3A_116 : memref<320x32xbf16, #tpu.memory_space<vmem>>) dst(%dma_wait3A_113 : memref<320x32xbf16, #tpu.memory_space<vmem_shared>>)
      tpu.yield
    }) : () -> ()
    %mul3A_18 = arith.constant 640 : i32
    %mul3A_19 = arith.muli %arg1, %mul3A_18 : i32
    %add3A_20 = arith.constant 320 : i32
    %add3A_21 = arith.addi %mul3A_19, %add3A_20 : i32
    "tpu.region"() ({
      %run_scoped3A = tpu.sem_alloc : memref<!tpu.dma_semaphore, #tpu.memory_space<semaphore_mem>>
      %dma_start3A_98 = arith.constant 0 : i32
      %dma_start3A_99 = arith.constant 0 : i32
      %dma_start3A_100 = tpu.memref_slice %arg8[%dma_start3A_98, %dma_start3A_99] : memref<512x32xbf16, #tpu.memory_space<vmem>> -> memref<320x32xbf16, #tpu.memory_space<vmem>>
      %dma_start3A_101 = arith.constant 0 : i32
      %dma_start3A_102 = tpu.memref_slice %arg12[%add3A_21, %dma_start3A_101] : memref<10240x32xbf16, #tpu.memory_space<vmem_shared>> -> memref<320x32xbf16, #tpu.memory_space<vmem_shared>>
      %dma_start3A_103 = arith.constant 0 : i32
      %dma_start3A_104 = tpu.memref_slice %arg12[%add3A_21, %dma_start3A_103] : memref<10240x32xbf16, #tpu.memory_space<vmem_shared>> -> memref<320x32xbf16, #tpu.memory_space<vmem_shared>>
      %dma_start3A_105 = arith.constant 0 : i32
      %dma_start3A_106 = arith.constant 0 : i32
      %dma_start3A_107 = tpu.memref_slice %arg8[%dma_start3A_105, %dma_start3A_106] : memref<512x32xbf16, #tpu.memory_space<vmem>> -> memref<320x32xbf16, #tpu.memory_space<vmem>>
      tpu.enqueue_dma source(%dma_start3A_107 : memref<320x32xbf16, #tpu.memory_space<vmem>>) target(%dma_start3A_104 : memref<320x32xbf16, #tpu.memory_space<vmem_shared>>) target_semaphore(%run_scoped3A : memref<!tpu.dma_semaphore, #tpu.memory_space<semaphore_mem>>)
      %dma_wait3A = arith.constant 0 : i32
      %dma_wait3A_108 = arith.constant 0 : i32
      %dma_wait3A_109 = tpu.memref_slice %arg8[%dma_wait3A, %dma_wait3A_108] : memref<512x32xbf16, #tpu.memory_space<vmem>> -> memref<320x32xbf16, #tpu.memory_space<vmem>>
      %dma_wait3A_110 = arith.constant 0 : i32
      %dma_wait3A_111 = tpu.memref_slice %arg12[%add3A_21, %dma_wait3A_110] : memref<10240x32xbf16, #tpu.memory_space<vmem_shared>> -> memref<320x32xbf16, #tpu.memory_space<vmem_shared>>
      %dma_wait3A_112 = arith.constant 0 : i32
      %dma_wait3A_113 = tpu.memref_slice %arg12[%add3A_21, %dma_wait3A_112] : memref<10240x32xbf16, #tpu.memory_space<vmem_shared>> -> memref<320x32xbf16, #tpu.memory_space<vmem_shared>>
      %dma_wait3A_114 = arith.constant 0 : i32
      %dma_wait3A_115 = arith.constant 0 : i32
      %dma_wait3A_116 = tpu.memref_slice %arg8[%dma_wait3A_114, %dma_wait3A_115] : memref<512x32xbf16, #tpu.memory_space<vmem>> -> memref<320x32xbf16, #tpu.memory_space<vmem>>
      tpu.wait_dma2 semaphore(%run_scoped3A : memref<!tpu.dma_semaphore, #tpu.memory_space<semaphore_mem>>) src(%dma_wait3A_116 : memref<320x32xbf16, #tpu.memory_space<vmem>>) dst(%dma_wait3A_113 : memref<320x32xbf16, #tpu.memory_space<vmem_shared>>)
      tpu.yield
    }) : () -> ()
    %barrier3A = arith.constant 0 : index
    tpu.barrier barrier_id(%barrier3A)
    %add3A_22 = arith.constant 0 : i32
    %add3A_23 = arith.addi %select_n3A_8, %add3A_22 : i32
    "tpu.region"() ({
      %run_scoped3A = tpu.sem_alloc : memref<!tpu.dma_semaphore, #tpu.memory_space<semaphore_mem>>
      %dma_start3A_98 = arith.constant 0 : i32
      %dma_start3A_99 = tpu.memref_slice %arg3[%add3A_23, %dma_start3A_98] : memref<2560x128xi32, #tpu.memory_space<hbm>> -> memref<4x128xi32, #tpu.memory_space<hbm>>
      %dma_start3A_100 = arith.constant 0 : i32
      %dma_start3A_101 = tpu.memref_slice %arg3[%add3A_23, %dma_start3A_100] : memref<2560x128xi32, #tpu.memory_space<hbm>> -> memref<4x128xi32, #tpu.memory_space<hbm>>
      tpu.enqueue_dma source(%dma_start3A_101 : memref<4x128xi32, #tpu.memory_space<hbm>>) target(%arg6 : memref<4x128xi32, #tpu.memory_space<vmem>>) target_semaphore(%run_scoped3A : memref<!tpu.dma_semaphore, #tpu.memory_space<semaphore_mem>>)
      %dma_wait3A = arith.constant 0 : i32
      %dma_wait3A_102 = tpu.memref_slice %arg3[%add3A_23, %dma_wait3A] : memref<2560x128xi32, #tpu.memory_space<hbm>> -> memref<4x128xi32, #tpu.memory_space<hbm>>
      %dma_wait3A_103 = arith.constant 0 : i32
      %dma_wait3A_104 = tpu.memref_slice %arg3[%add3A_23, %dma_wait3A_103] : memref<2560x128xi32, #tpu.memory_space<hbm>> -> memref<4x128xi32, #tpu.memory_space<hbm>>
      tpu.wait_dma2 semaphore(%run_scoped3A : memref<!tpu.dma_semaphore, #tpu.memory_space<semaphore_mem>>) src(%dma_wait3A_104 : memref<4x128xi32, #tpu.memory_space<hbm>>) dst(%arg6 : memref<4x128xi32, #tpu.memory_space<vmem>>)
      tpu.yield
    }) : () -> ()
    "tpu.region"() ({
      %run_scoped3A = tpu.sem_alloc : memref<!tpu.dma_semaphore, #tpu.memory_space<semaphore_mem>>
      %dma_start3A_98 = arith.constant 0 : i32
      %dma_start3A_99 = tpu.memref_slice %arg4[%add3A_23, %dma_start3A_98] : memref<2560x128xi32, #tpu.memory_space<hbm>> -> memref<4x128xi32, #tpu.memory_space<hbm>>
      %dma_start3A_100 = arith.constant 0 : i32
      %dma_start3A_101 = tpu.memref_slice %arg4[%add3A_23, %dma_start3A_100] : memref<2560x128xi32, #tpu.memory_space<hbm>> -> memref<4x128xi32, #tpu.memory_space<hbm>>
      tpu.enqueue_dma source(%dma_start3A_101 : memref<4x128xi32, #tpu.memory_space<hbm>>) target(%arg7 : memref<4x128xi32, #tpu.memory_space<vmem>>) target_semaphore(%run_scoped3A : memref<!tpu.dma_semaphore, #tpu.memory_space<semaphore_mem>>)
      %dma_wait3A = arith.constant 0 : i32
      %dma_wait3A_102 = tpu.memref_slice %arg4[%add3A_23, %dma_wait3A] : memref<2560x128xi32, #tpu.memory_space<hbm>> -> memref<4x128xi32, #tpu.memory_space<hbm>>
      %dma_wait3A_103 = arith.constant 0 : i32
      %dma_wait3A_104 = tpu.memref_slice %arg4[%add3A_23, %dma_wait3A_103] : memref<2560x128xi32, #tpu.memory_space<hbm>> -> memref<4x128xi32, #tpu.memory_space<hbm>>
      tpu.wait_dma2 semaphore(%run_scoped3A : memref<!tpu.dma_semaphore, #tpu.memory_space<semaphore_mem>>) src(%dma_wait3A_104 : memref<4x128xi32, #tpu.memory_space<hbm>>) dst(%arg7 : memref<4x128xi32, #tpu.memory_space<vmem>>)
      tpu.yield
    }) : () -> ()
    %dma_start3A = arith.constant 0 : i32
    %dma_start3A_24 = arith.constant 0 : i32
    %dma_start3A_25 = arith.constant 0 : i32
    %dma_start3A_26 = tpu.memref_slice %arg8[%dma_start3A_24, %dma_start3A_25] : memref<512x32xbf16, #tpu.memory_space<vmem>> -> memref<128x32xbf16, #tpu.memory_space<vmem>>
    %dma_start3A_27 = arith.constant 0 : i32
    %dma_start3A_28 = tpu.memref_slice %arg6[%dma_start3A, %dma_start3A_27] : memref<4x128xi32, #tpu.memory_space<vmem>> -> memref<1x128xi32, #tpu.memory_space<vmem>>
    %dma_start3A_29 = tpu.memref_squeeze %dma_start3A_28 : memref<1x128xi32, #tpu.memory_space<vmem>> -> memref<128xi32, #tpu.memory_space<vmem>>
    %dma_start3A_30 = arith.constant 0 : i32
    %dma_start3A_31 = arith.constant 0 : i32
    %dma_start3A_32 = tpu.memref_slice %arg2[%dma_start3A_30, %dma_start3A_31] : memref<10240x32xbf16, #tpu.memory_space<hbm>> -> memref<10240x32xbf16, #tpu.memory_space<hbm>>
    tpu.enqueue_indirect_dma source(%dma_start3A_32 : memref<10240x32xbf16, #tpu.memory_space<hbm>>) target(%dma_start3A_26 : memref<128x32xbf16, #tpu.memory_space<vmem>>) offsets(%dma_start3A_29 : memref<128xi32, #tpu.memory_space<vmem>>) semaphore(%arg13 : memref<!tpu.dma_semaphore, #tpu.memory_space<semaphore_mem>>)
    %dma_start3A_33 = arith.constant 1 : i32
    %dma_start3A_34 = arith.constant 128 : i32
    %dma_start3A_35 = arith.constant 0 : i32
    %dma_start3A_36 = tpu.memref_slice %arg8[%dma_start3A_34, %dma_start3A_35] : memref<512x32xbf16, #tpu.memory_space<vmem>> -> memref<128x32xbf16, #tpu.memory_space<vmem>>
    %dma_start3A_37 = arith.constant 0 : i32
    %dma_start3A_38 = tpu.memref_slice %arg6[%dma_start3A_33, %dma_start3A_37] : memref<4x128xi32, #tpu.memory_space<vmem>> -> memref<1x128xi32, #tpu.memory_space<vmem>>
    %dma_start3A_39 = tpu.memref_squeeze %dma_start3A_38 : memref<1x128xi32, #tpu.memory_space<vmem>> -> memref<128xi32, #tpu.memory_space<vmem>>
    %dma_start3A_40 = arith.constant 0 : i32
    %dma_start3A_41 = arith.constant 0 : i32
    %dma_start3A_42 = tpu.memref_slice %arg2[%dma_start3A_40, %dma_start3A_41] : memref<10240x32xbf16, #tpu.memory_space<hbm>> -> memref<10240x32xbf16, #tpu.memory_space<hbm>>
    tpu.enqueue_indirect_dma source(%dma_start3A_42 : memref<10240x32xbf16, #tpu.memory_space<hbm>>) target(%dma_start3A_36 : memref<128x32xbf16, #tpu.memory_space<vmem>>) offsets(%dma_start3A_39 : memref<128xi32, #tpu.memory_space<vmem>>) semaphore(%arg13 : memref<!tpu.dma_semaphore, #tpu.memory_space<semaphore_mem>>)
    %dma_start3A_43 = arith.constant 2 : i32
    %dma_start3A_44 = arith.constant 256 : i32
    %dma_start3A_45 = arith.constant 0 : i32
    %dma_start3A_46 = tpu.memref_slice %arg8[%dma_start3A_44, %dma_start3A_45] : memref<512x32xbf16, #tpu.memory_space<vmem>> -> memref<128x32xbf16, #tpu.memory_space<vmem>>
    %dma_start3A_47 = arith.constant 0 : i32
    %dma_start3A_48 = tpu.memref_slice %arg6[%dma_start3A_43, %dma_start3A_47] : memref<4x128xi32, #tpu.memory_space<vmem>> -> memref<1x128xi32, #tpu.memory_space<vmem>>
    %dma_start3A_49 = tpu.memref_squeeze %dma_start3A_48 : memref<1x128xi32, #tpu.memory_space<vmem>> -> memref<128xi32, #tpu.memory_space<vmem>>
    %dma_start3A_50 = arith.constant 0 : i32
    %dma_start3A_51 = arith.constant 0 : i32
    %dma_start3A_52 = tpu.memref_slice %arg2[%dma_start3A_50, %dma_start3A_51] : memref<10240x32xbf16, #tpu.memory_space<hbm>> -> memref<10240x32xbf16, #tpu.memory_space<hbm>>
    tpu.enqueue_indirect_dma source(%dma_start3A_52 : memref<10240x32xbf16, #tpu.memory_space<hbm>>) target(%dma_start3A_46 : memref<128x32xbf16, #tpu.memory_space<vmem>>) offsets(%dma_start3A_49 : memref<128xi32, #tpu.memory_space<vmem>>) semaphore(%arg13 : memref<!tpu.dma_semaphore, #tpu.memory_space<semaphore_mem>>)
    %dma_start3A_53 = arith.constant 3 : i32
    %dma_start3A_54 = arith.constant 384 : i32
    %dma_start3A_55 = arith.constant 0 : i32
    %dma_start3A_56 = tpu.memref_slice %arg8[%dma_start3A_54, %dma_start3A_55] : memref<512x32xbf16, #tpu.memory_space<vmem>> -> memref<128x32xbf16, #tpu.memory_space<vmem>>
    %dma_start3A_57 = arith.constant 0 : i32
    %dma_start3A_58 = tpu.memref_slice %arg6[%dma_start3A_53, %dma_start3A_57] : memref<4x128xi32, #tpu.memory_space<vmem>> -> memref<1x128xi32, #tpu.memory_space<vmem>>
    %dma_start3A_59 = tpu.memref_squeeze %dma_start3A_58 : memref<1x128xi32, #tpu.memory_space<vmem>> -> memref<128xi32, #tpu.memory_space<vmem>>
    %dma_start3A_60 = arith.constant 0 : i32
    %dma_start3A_61 = arith.constant 0 : i32
    %dma_start3A_62 = tpu.memref_slice %arg2[%dma_start3A_60, %dma_start3A_61] : memref<10240x32xbf16, #tpu.memory_space<hbm>> -> memref<10240x32xbf16, #tpu.memory_space<hbm>>
    tpu.enqueue_indirect_dma source(%dma_start3A_62 : memref<10240x32xbf16, #tpu.memory_space<hbm>>) target(%dma_start3A_56 : memref<128x32xbf16, #tpu.memory_space<vmem>>) offsets(%dma_start3A_59 : memref<128xi32, #tpu.memory_space<vmem>>) semaphore(%arg13 : memref<!tpu.dma_semaphore, #tpu.memory_space<semaphore_mem>>)
    %jit3A_63 = arith.constant 2 : i32
    %div3A = arith.divsi %select_n3A, %jit3A_63 : i32
    %sign3A = arith.constant 0 : i32
    %sign3A_64 = arith.cmpi sgt, %select_n3A, %sign3A : i32
    %sign3A_65 = arith.extui %sign3A_64 : i1 to i32
    %sign3A_66 = arith.constant 0 : i32
    %sign3A_67 = arith.cmpi slt, %select_n3A, %sign3A_66 : i32
    %sign3A_68 = arith.extui %sign3A_67 : i1 to i32
    %sign3A_69 = arith.subi %sign3A_65, %sign3A_68 : i32
    %sign3A_70 = arith.constant 0 : i32
    %sign3A_71 = arith.cmpi sgt, %jit3A_63, %sign3A_70 : i32
    %sign3A_72 = arith.extui %sign3A_71 : i1 to i32
    %sign3A_73 = arith.constant 0 : i32
    %sign3A_74 = arith.cmpi slt, %jit3A_63, %sign3A_73 : i32
    %sign3A_75 = arith.extui %sign3A_74 : i1 to i32
    %sign3A_76 = arith.subi %sign3A_72, %sign3A_75 : i32
    %ne3A = arith.cmpi ne, %sign3A_69, %sign3A_76 : i32
    %rem3A = arith.remsi %select_n3A, %jit3A_63 : i32
    %ne3A_77 = arith.constant 0 : i32
    %ne3A_78 = arith.cmpi ne, %rem3A, %ne3A_77 : i32
    %and3A = arith.andi %ne3A, %ne3A_78 : i1
    %sub3A = arith.constant 1 : i32
    %sub3A_79 = arith.subi %div3A, %sub3A : i32
    %select_n3A_80 = arith.select %and3A, %sub3A_79, %div3A : i32
    %while3A = arith.constant 0 : i32
    %while3A_81 = arith.constant 0 : i32
    %while3A_82 = arith.subi %select_n3A_80, %while3A_81 : i32
    %while3A_83 = arith.addi %while3A_81, %while3A_82 : i32
    %while3A_84 = arith.constant 1 : i32
    %while3A_85 = arith.divsi %while3A_82, %while3A_84 : i32
    %while3A_86 = arith.muli %while3A_85, %while3A_84 : i32
    %while3A_87 = arith.addi %while3A_81, %while3A_86 : i32
    %while3A_88 = arith.constant 1 : i32
    scf.for %while3A_98 = %while3A_81 to %while3A_87 step %while3A_88  : i32 {
      %mul3A_99 = arith.constant 2 : i32
      %mul3A_100 = arith.muli %mul3A_99, %while3A_98 : i32
      %add3A_101 = arith.constant 1 : i32
      %add3A_102 = arith.addi %mul3A_100, %add3A_101 : i32
      %mul3A_103 = arith.constant 4 : i32
      %mul3A_104 = arith.muli %add3A_102, %mul3A_103 : i32
      %add3A_105 = arith.addi %select_n3A_8, %mul3A_104 : i32
      "tpu.region"() ({
        %run_scoped3A_235 = tpu.sem_alloc : memref<!tpu.dma_semaphore, #tpu.memory_space<semaphore_mem>>
        %dma_start3A_236 = arith.constant 0 : i32
        %dma_start3A_237 = tpu.memref_slice %arg3[%add3A_105, %dma_start3A_236] : memref<2560x128xi32, #tpu.memory_space<hbm>> -> memref<4x128xi32, #tpu.memory_space<hbm>>
        %dma_start3A_238 = arith.constant 0 : i32
        %dma_start3A_239 = tpu.memref_slice %arg3[%add3A_105, %dma_start3A_238] : memref<2560x128xi32, #tpu.memory_space<hbm>> -> memref<4x128xi32, #tpu.memory_space<hbm>>
        tpu.enqueue_dma source(%dma_start3A_239 : memref<4x128xi32, #tpu.memory_space<hbm>>) target(%arg9 : memref<4x128xi32, #tpu.memory_space<vmem>>) target_semaphore(%run_scoped3A_235 : memref<!tpu.dma_semaphore, #tpu.memory_space<semaphore_mem>>)
        %dma_wait3A_240 = arith.constant 0 : i32
        %dma_wait3A_241 = tpu.memref_slice %arg3[%add3A_105, %dma_wait3A_240] : memref<2560x128xi32, #tpu.memory_space<hbm>> -> memref<4x128xi32, #tpu.memory_space<hbm>>
        %dma_wait3A_242 = arith.constant 0 : i32
        %dma_wait3A_243 = tpu.memref_slice %arg3[%add3A_105, %dma_wait3A_242] : memref<2560x128xi32, #tpu.memory_space<hbm>> -> memref<4x128xi32, #tpu.memory_space<hbm>>
        tpu.wait_dma2 semaphore(%run_scoped3A_235 : memref<!tpu.dma_semaphore, #tpu.memory_space<semaphore_mem>>) src(%dma_wait3A_243 : memref<4x128xi32, #tpu.memory_space<hbm>>) dst(%arg9 : memref<4x128xi32, #tpu.memory_space<vmem>>)
        tpu.yield
      }) : () -> ()
      "tpu.region"() ({
        %run_scoped3A_235 = tpu.sem_alloc : memref<!tpu.dma_semaphore, #tpu.memory_space<semaphore_mem>>
        %dma_start3A_236 = arith.constant 0 : i32
        %dma_start3A_237 = tpu.memref_slice %arg4[%add3A_105, %dma_start3A_236] : memref<2560x128xi32, #tpu.memory_space<hbm>> -> memref<4x128xi32, #tpu.memory_space<hbm>>
        %dma_start3A_238 = arith.constant 0 : i32
        %dma_start3A_239 = tpu.memref_slice %arg4[%add3A_105, %dma_start3A_238] : memref<2560x128xi32, #tpu.memory_space<hbm>> -> memref<4x128xi32, #tpu.memory_space<hbm>>
        tpu.enqueue_dma source(%dma_start3A_239 : memref<4x128xi32, #tpu.memory_space<hbm>>) target(%arg10 : memref<4x128xi32, #tpu.memory_space<vmem>>) target_semaphore(%run_scoped3A_235 : memref<!tpu.dma_semaphore, #tpu.memory_space<semaphore_mem>>)
        %dma_wait3A_240 = arith.constant 0 : i32
        %dma_wait3A_241 = tpu.memref_slice %arg4[%add3A_105, %dma_wait3A_240] : memref<2560x128xi32, #tpu.memory_space<hbm>> -> memref<4x128xi32, #tpu.memory_space<hbm>>
        %dma_wait3A_242 = arith.constant 0 : i32
        %dma_wait3A_243 = tpu.memref_slice %arg4[%add3A_105, %dma_wait3A_242] : memref<2560x128xi32, #tpu.memory_space<hbm>> -> memref<4x128xi32, #tpu.memory_space<hbm>>
        tpu.wait_dma2 semaphore(%run_scoped3A_235 : memref<!tpu.dma_semaphore, #tpu.memory_space<semaphore_mem>>) src(%dma_wait3A_243 : memref<4x128xi32, #tpu.memory_space<hbm>>) dst(%arg10 : memref<4x128xi32, #tpu.memory_space<vmem>>)
        tpu.yield
      }) : () -> ()
      %dma_start3A_106 = arith.constant 0 : i32
      %dma_start3A_107 = arith.constant 0 : i32
      %dma_start3A_108 = arith.constant 0 : i32
      %dma_start3A_109 = tpu.memref_slice %arg11[%dma_start3A_107, %dma_start3A_108] : memref<512x32xbf16, #tpu.memory_space<vmem>> -> memref<128x32xbf16, #tpu.memory_space<vmem>>
      %dma_start3A_110 = arith.constant 0 : i32
      %dma_start3A_111 = tpu.memref_slice %arg9[%dma_start3A_106, %dma_start3A_110] : memref<4x128xi32, #tpu.memory_space<vmem>> -> memref<1x128xi32, #tpu.memory_space<vmem>>
      %dma_start3A_112 = tpu.memref_squeeze %dma_start3A_111 : memref<1x128xi32, #tpu.memory_space<vmem>> -> memref<128xi32, #tpu.memory_space<vmem>>
      %dma_start3A_113 = arith.constant 0 : i32
      %dma_start3A_114 = arith.constant 0 : i32
      %dma_start3A_115 = tpu.memref_slice %arg2[%dma_start3A_113, %dma_start3A_114] : memref<10240x32xbf16, #tpu.memory_space<hbm>> -> memref<10240x32xbf16, #tpu.memory_space<hbm>>
      tpu.enqueue_indirect_dma source(%dma_start3A_115 : memref<10240x32xbf16, #tpu.memory_space<hbm>>) target(%dma_start3A_109 : memref<128x32xbf16, #tpu.memory_space<vmem>>) offsets(%dma_start3A_112 : memref<128xi32, #tpu.memory_space<vmem>>) semaphore(%arg14 : memref<!tpu.dma_semaphore, #tpu.memory_space<semaphore_mem>>)
      %dma_start3A_116 = arith.constant 1 : i32
      %dma_start3A_117 = arith.constant 128 : i32
      %dma_start3A_118 = arith.constant 0 : i32
      %dma_start3A_119 = tpu.memref_slice %arg11[%dma_start3A_117, %dma_start3A_118] : memref<512x32xbf16, #tpu.memory_space<vmem>> -> memref<128x32xbf16, #tpu.memory_space<vmem>>
      %dma_start3A_120 = arith.constant 0 : i32
      %dma_start3A_121 = tpu.memref_slice %arg9[%dma_start3A_116, %dma_start3A_120] : memref<4x128xi32, #tpu.memory_space<vmem>> -> memref<1x128xi32, #tpu.memory_space<vmem>>
      %dma_start3A_122 = tpu.memref_squeeze %dma_start3A_121 : memref<1x128xi32, #tpu.memory_space<vmem>> -> memref<128xi32, #tpu.memory_space<vmem>>
      %dma_start3A_123 = arith.constant 0 : i32
      %dma_start3A_124 = arith.constant 0 : i32
      %dma_start3A_125 = tpu.memref_slice %arg2[%dma_start3A_123, %dma_start3A_124] : memref<10240x32xbf16, #tpu.memory_space<hbm>> -> memref<10240x32xbf16, #tpu.memory_space<hbm>>
      tpu.enqueue_indirect_dma source(%dma_start3A_125 : memref<10240x32xbf16, #tpu.memory_space<hbm>>) target(%dma_start3A_119 : memref<128x32xbf16, #tpu.memory_space<vmem>>) offsets(%dma_start3A_122 : memref<128xi32, #tpu.memory_space<vmem>>) semaphore(%arg14 : memref<!tpu.dma_semaphore, #tpu.memory_space<semaphore_mem>>)
      %dma_start3A_126 = arith.constant 2 : i32
      %dma_start3A_127 = arith.constant 256 : i32
      %dma_start3A_128 = arith.constant 0 : i32
      %dma_start3A_129 = tpu.memref_slice %arg11[%dma_start3A_127, %dma_start3A_128] : memref<512x32xbf16, #tpu.memory_space<vmem>> -> memref<128x32xbf16, #tpu.memory_space<vmem>>
      %dma_start3A_130 = arith.constant 0 : i32
      %dma_start3A_131 = tpu.memref_slice %arg9[%dma_start3A_126, %dma_start3A_130] : memref<4x128xi32, #tpu.memory_space<vmem>> -> memref<1x128xi32, #tpu.memory_space<vmem>>
      %dma_start3A_132 = tpu.memref_squeeze %dma_start3A_131 : memref<1x128xi32, #tpu.memory_space<vmem>> -> memref<128xi32, #tpu.memory_space<vmem>>
      %dma_start3A_133 = arith.constant 0 : i32
      %dma_start3A_134 = arith.constant 0 : i32
      %dma_start3A_135 = tpu.memref_slice %arg2[%dma_start3A_133, %dma_start3A_134] : memref<10240x32xbf16, #tpu.memory_space<hbm>> -> memref<10240x32xbf16, #tpu.memory_space<hbm>>
      tpu.enqueue_indirect_dma source(%dma_start3A_135 : memref<10240x32xbf16, #tpu.memory_space<hbm>>) target(%dma_start3A_129 : memref<128x32xbf16, #tpu.memory_space<vmem>>) offsets(%dma_start3A_132 : memref<128xi32, #tpu.memory_space<vmem>>) semaphore(%arg14 : memref<!tpu.dma_semaphore, #tpu.memory_space<semaphore_mem>>)
      %dma_start3A_136 = arith.constant 3 : i32
      %dma_start3A_137 = arith.constant 384 : i32
      %dma_start3A_138 = arith.constant 0 : i32
      %dma_start3A_139 = tpu.memref_slice %arg11[%dma_start3A_137, %dma_start3A_138] : memref<512x32xbf16, #tpu.memory_space<vmem>> -> memref<128x32xbf16, #tpu.memory_space<vmem>>
      %dma_start3A_140 = arith.constant 0 : i32
      %dma_start3A_141 = tpu.memref_slice %arg9[%dma_start3A_136, %dma_start3A_140] : memref<4x128xi32, #tpu.memory_space<vmem>> -> memref<1x128xi32, #tpu.memory_space<vmem>>
      %dma_start3A_142 = tpu.memref_squeeze %dma_start3A_141 : memref<1x128xi32, #tpu.memory_space<vmem>> -> memref<128xi32, #tpu.memory_space<vmem>>
      %dma_start3A_143 = arith.constant 0 : i32
      %dma_start3A_144 = arith.constant 0 : i32
      %dma_start3A_145 = tpu.memref_slice %arg2[%dma_start3A_143, %dma_start3A_144] : memref<10240x32xbf16, #tpu.memory_space<hbm>> -> memref<10240x32xbf16, #tpu.memory_space<hbm>>
      tpu.enqueue_indirect_dma source(%dma_start3A_145 : memref<10240x32xbf16, #tpu.memory_space<hbm>>) target(%dma_start3A_139 : memref<128x32xbf16, #tpu.memory_space<vmem>>) offsets(%dma_start3A_142 : memref<128xi32, #tpu.memory_space<vmem>>) semaphore(%arg14 : memref<!tpu.dma_semaphore, #tpu.memory_space<semaphore_mem>>)
      %dma_wait3A = arith.constant 0 : i32
      %dma_wait3A_146 = arith.constant 0 : i32
      %dma_wait3A_147 = arith.constant 0 : i32
      %dma_wait3A_148 = tpu.memref_slice %arg8[%dma_wait3A_146, %dma_wait3A_147] : memref<512x32xbf16, #tpu.memory_space<vmem>> -> memref<128x32xbf16, #tpu.memory_space<vmem>>
      %dma_wait3A_149 = arith.constant 0 : i32
      %dma_wait3A_150 = tpu.memref_slice %arg6[%dma_wait3A, %dma_wait3A_149] : memref<4x128xi32, #tpu.memory_space<vmem>> -> memref<1x128xi32, #tpu.memory_space<vmem>>
      %dma_wait3A_151 = tpu.memref_squeeze %dma_wait3A_150 : memref<1x128xi32, #tpu.memory_space<vmem>> -> memref<128xi32, #tpu.memory_space<vmem>>
      %dma_wait3A_152 = arith.constant 0 : i32
      %dma_wait3A_153 = arith.constant 0 : i32
      %dma_wait3A_154 = tpu.memref_slice %arg2[%dma_wait3A_152, %dma_wait3A_153] : memref<10240x32xbf16, #tpu.memory_space<hbm>> -> memref<10240x32xbf16, #tpu.memory_space<hbm>>
      tpu.wait_indirect_dma semaphore(%arg13 : memref<!tpu.dma_semaphore, #tpu.memory_space<semaphore_mem>>) src(%dma_wait3A_154 : memref<10240x32xbf16, #tpu.memory_space<hbm>>) dst(%dma_wait3A_148 : memref<128x32xbf16, #tpu.memory_space<vmem>>)
      %dma_wait3A_155 = arith.constant 1 : i32
      %dma_wait3A_156 = arith.constant 128 : i32
      %dma_wait3A_157 = arith.constant 0 : i32
      %dma_wait3A_158 = tpu.memref_slice %arg8[%dma_wait3A_156, %dma_wait3A_157] : memref<512x32xbf16, #tpu.memory_space<vmem>> -> memref<128x32xbf16, #tpu.memory_space<vmem>>
      %dma_wait3A_159 = arith.constant 0 : i32
      %dma_wait3A_160 = tpu.memref_slice %arg6[%dma_wait3A_155, %dma_wait3A_159] : memref<4x128xi32, #tpu.memory_space<vmem>> -> memref<1x128xi32, #tpu.memory_space<vmem>>
      %dma_wait3A_161 = tpu.memref_squeeze %dma_wait3A_160 : memref<1x128xi32, #tpu.memory_space<vmem>> -> memref<128xi32, #tpu.memory_space<vmem>>
      %dma_wait3A_162 = arith.constant 0 : i32
      %dma_wait3A_163 = arith.constant 0 : i32
      %dma_wait3A_164 = tpu.memref_slice %arg2[%dma_wait3A_162, %dma_wait3A_163] : memref<10240x32xbf16, #tpu.memory_space<hbm>> -> memref<10240x32xbf16, #tpu.memory_space<hbm>>
      tpu.wait_indirect_dma semaphore(%arg13 : memref<!tpu.dma_semaphore, #tpu.memory_space<semaphore_mem>>) src(%dma_wait3A_164 : memref<10240x32xbf16, #tpu.memory_space<hbm>>) dst(%dma_wait3A_158 : memref<128x32xbf16, #tpu.memory_space<vmem>>)
      %dma_wait3A_165 = arith.constant 2 : i32
      %dma_wait3A_166 = arith.constant 256 : i32
      %dma_wait3A_167 = arith.constant 0 : i32
      %dma_wait3A_168 = tpu.memref_slice %arg8[%dma_wait3A_166, %dma_wait3A_167] : memref<512x32xbf16, #tpu.memory_space<vmem>> -> memref<128x32xbf16, #tpu.memory_space<vmem>>
      %dma_wait3A_169 = arith.constant 0 : i32
      %dma_wait3A_170 = tpu.memref_slice %arg6[%dma_wait3A_165, %dma_wait3A_169] : memref<4x128xi32, #tpu.memory_space<vmem>> -> memref<1x128xi32, #tpu.memory_space<vmem>>
      %dma_wait3A_171 = tpu.memref_squeeze %dma_wait3A_170 : memref<1x128xi32, #tpu.memory_space<vmem>> -> memref<128xi32, #tpu.memory_space<vmem>>
      %dma_wait3A_172 = arith.constant 0 : i32
      %dma_wait3A_173 = arith.constant 0 : i32
      %dma_wait3A_174 = tpu.memref_slice %arg2[%dma_wait3A_172, %dma_wait3A_173] : memref<10240x32xbf16, #tpu.memory_space<hbm>> -> memref<10240x32xbf16, #tpu.memory_space<hbm>>
      tpu.wait_indirect_dma semaphore(%arg13 : memref<!tpu.dma_semaphore, #tpu.memory_space<semaphore_mem>>) src(%dma_wait3A_174 : memref<10240x32xbf16, #tpu.memory_space<hbm>>) dst(%dma_wait3A_168 : memref<128x32xbf16, #tpu.memory_space<vmem>>)
      %dma_wait3A_175 = arith.constant 3 : i32
      %dma_wait3A_176 = arith.constant 384 : i32
      %dma_wait3A_177 = arith.constant 0 : i32
      %dma_wait3A_178 = tpu.memref_slice %arg8[%dma_wait3A_176, %dma_wait3A_177] : memref<512x32xbf16, #tpu.memory_space<vmem>> -> memref<128x32xbf16, #tpu.memory_space<vmem>>
      %dma_wait3A_179 = arith.constant 0 : i32
      %dma_wait3A_180 = tpu.memref_slice %arg6[%dma_wait3A_175, %dma_wait3A_179] : memref<4x128xi32, #tpu.memory_space<vmem>> -> memref<1x128xi32, #tpu.memory_space<vmem>>
      %dma_wait3A_181 = tpu.memref_squeeze %dma_wait3A_180 : memref<1x128xi32, #tpu.memory_space<vmem>> -> memref<128xi32, #tpu.memory_space<vmem>>
      %dma_wait3A_182 = arith.constant 0 : i32
      %dma_wait3A_183 = arith.constant 0 : i32
      %dma_wait3A_184 = tpu.memref_slice %arg2[%dma_wait3A_182, %dma_wait3A_183] : memref<10240x32xbf16, #tpu.memory_space<hbm>> -> memref<10240x32xbf16, #tpu.memory_space<hbm>>
      tpu.wait_indirect_dma semaphore(%arg13 : memref<!tpu.dma_semaphore, #tpu.memory_space<semaphore_mem>>) src(%dma_wait3A_184 : memref<10240x32xbf16, #tpu.memory_space<hbm>>) dst(%dma_wait3A_178 : memref<128x32xbf16, #tpu.memory_space<vmem>>)
      %run_scoped3A = arith.constant 0 : i32
      "tpu.region"() ({
        %run_scoped3A_235 = tpu.sem_alloc : memref<!tpu.dma_semaphore, #tpu.memory_space<semaphore_mem>>
        %dma_start3A_236 = arith.constant 0 : i32
        %dma_start3A_237 = arith.constant 0 : i32
        %dma_start3A_238 = tpu.memref_slice %arg8[%dma_start3A_236, %dma_start3A_237] : memref<512x32xbf16, #tpu.memory_space<vmem>> -> memref<128x32xbf16, #tpu.memory_space<vmem>>
        %dma_start3A_239 = arith.constant 0 : i32
        %dma_start3A_240 = tpu.memref_slice %arg7[%run_scoped3A, %dma_start3A_239] : memref<4x128xi32, #tpu.memory_space<vmem>> -> memref<1x128xi32, #tpu.memory_space<vmem>>
        %dma_start3A_241 = tpu.memref_squeeze %dma_start3A_240 : memref<1x128xi32, #tpu.memory_space<vmem>> -> memref<128xi32, #tpu.memory_space<vmem>>
        %dma_start3A_242 = arith.constant 0 : i32
        %dma_start3A_243 = arith.constant 0 : i32
        %dma_start3A_244 = tpu.memref_slice %arg12[%dma_start3A_242, %dma_start3A_243] : memref<10240x32xbf16, #tpu.memory_space<vmem_shared>> -> memref<10240x32xbf16, #tpu.memory_space<vmem_shared>>
        tpu.enqueue_indirect_dma source(%dma_start3A_238 : memref<128x32xbf16, #tpu.memory_space<vmem>>) target(%dma_start3A_244 : memref<10240x32xbf16, #tpu.memory_space<vmem_shared>>) offsets(%dma_start3A_241 : memref<128xi32, #tpu.memory_space<vmem>>) semaphore(%run_scoped3A_235 : memref<!tpu.dma_semaphore, #tpu.memory_space<semaphore_mem>>) {add = true}
        %dma_wait3A_245 = arith.constant 0 : i32
        %dma_wait3A_246 = arith.constant 0 : i32
        %dma_wait3A_247 = tpu.memref_slice %arg8[%dma_wait3A_245, %dma_wait3A_246] : memref<512x32xbf16, #tpu.memory_space<vmem>> -> memref<128x32xbf16, #tpu.memory_space<vmem>>
        %dma_wait3A_248 = arith.constant 0 : i32
        %dma_wait3A_249 = tpu.memref_slice %arg7[%run_scoped3A, %dma_wait3A_248] : memref<4x128xi32, #tpu.memory_space<vmem>> -> memref<1x128xi32, #tpu.memory_space<vmem>>
        %dma_wait3A_250 = tpu.memref_squeeze %dma_wait3A_249 : memref<1x128xi32, #tpu.memory_space<vmem>> -> memref<128xi32, #tpu.memory_space<vmem>>
        %dma_wait3A_251 = arith.constant 0 : i32
        %dma_wait3A_252 = arith.constant 0 : i32
        %dma_wait3A_253 = tpu.memref_slice %arg12[%dma_wait3A_251, %dma_wait3A_252] : memref<10240x32xbf16, #tpu.memory_space<vmem_shared>> -> memref<10240x32xbf16, #tpu.memory_space<vmem_shared>>
        tpu.wait_indirect_dma semaphore(%run_scoped3A_235 : memref<!tpu.dma_semaphore, #tpu.memory_space<semaphore_mem>>) src(%dma_wait3A_247 : memref<128x32xbf16, #tpu.memory_space<vmem>>) dst(%dma_wait3A_253 : memref<10240x32xbf16, #tpu.memory_space<vmem_shared>>)
        tpu.yield
      }) : () -> ()
      %run_scoped3A_185 = arith.constant 1 : i32
      "tpu.region"() ({
        %run_scoped3A_235 = tpu.sem_alloc : memref<!tpu.dma_semaphore, #tpu.memory_space<semaphore_mem>>
        %dma_start3A_236 = arith.constant 128 : i32
        %dma_start3A_237 = arith.constant 0 : i32
        %dma_start3A_238 = tpu.memref_slice %arg8[%dma_start3A_236, %dma_start3A_237] : memref<512x32xbf16, #tpu.memory_space<vmem>> -> memref<128x32xbf16, #tpu.memory_space<vmem>>
        %dma_start3A_239 = arith.constant 0 : i32
        %dma_start3A_240 = tpu.memref_slice %arg7[%run_scoped3A_185, %dma_start3A_239] : memref<4x128xi32, #tpu.memory_space<vmem>> -> memref<1x128xi32, #tpu.memory_space<vmem>>
        %dma_start3A_241 = tpu.memref_squeeze %dma_start3A_240 : memref<1x128xi32, #tpu.memory_space<vmem>> -> memref<128xi32, #tpu.memory_space<vmem>>
        %dma_start3A_242 = arith.constant 0 : i32
        %dma_start3A_243 = arith.constant 0 : i32
        %dma_start3A_244 = tpu.memref_slice %arg12[%dma_start3A_242, %dma_start3A_243] : memref<10240x32xbf16, #tpu.memory_space<vmem_shared>> -> memref<10240x32xbf16, #tpu.memory_space<vmem_shared>>
        tpu.enqueue_indirect_dma source(%dma_start3A_238 : memref<128x32xbf16, #tpu.memory_space<vmem>>) target(%dma_start3A_244 : memref<10240x32xbf16, #tpu.memory_space<vmem_shared>>) offsets(%dma_start3A_241 : memref<128xi32, #tpu.memory_space<vmem>>) semaphore(%run_scoped3A_235 : memref<!tpu.dma_semaphore, #tpu.memory_space<semaphore_mem>>) {add = true}
        %dma_wait3A_245 = arith.constant 128 : i32
        %dma_wait3A_246 = arith.constant 0 : i32
        %dma_wait3A_247 = tpu.memref_slice %arg8[%dma_wait3A_245, %dma_wait3A_246] : memref<512x32xbf16, #tpu.memory_space<vmem>> -> memref<128x32xbf16, #tpu.memory_space<vmem>>
        %dma_wait3A_248 = arith.constant 0 : i32
        %dma_wait3A_249 = tpu.memref_slice %arg7[%run_scoped3A_185, %dma_wait3A_248] : memref<4x128xi32, #tpu.memory_space<vmem>> -> memref<1x128xi32, #tpu.memory_space<vmem>>
        %dma_wait3A_250 = tpu.memref_squeeze %dma_wait3A_249 : memref<1x128xi32, #tpu.memory_space<vmem>> -> memref<128xi32, #tpu.memory_space<vmem>>
        %dma_wait3A_251 = arith.constant 0 : i32
        %dma_wait3A_252 = arith.constant 0 : i32
        %dma_wait3A_253 = tpu.memref_slice %arg12[%dma_wait3A_251, %dma_wait3A_252] : memref<10240x32xbf16, #tpu.memory_space<vmem_shared>> -> memref<10240x32xbf16, #tpu.memory_space<vmem_shared>>
        tpu.wait_indirect_dma semaphore(%run_scoped3A_235 : memref<!tpu.dma_semaphore, #tpu.memory_space<semaphore_mem>>) src(%dma_wait3A_247 : memref<128x32xbf16, #tpu.memory_space<vmem>>) dst(%dma_wait3A_253 : memref<10240x32xbf16, #tpu.memory_space<vmem_shared>>)
        tpu.yield
      }) : () -> ()
      %run_scoped3A_186 = arith.constant 2 : i32
      "tpu.region"() ({
        %run_scoped3A_235 = tpu.sem_alloc : memref<!tpu.dma_semaphore, #tpu.memory_space<semaphore_mem>>
        %dma_start3A_236 = arith.constant 256 : i32
        %dma_start3A_237 = arith.constant 0 : i32
        %dma_start3A_238 = tpu.memref_slice %arg8[%dma_start3A_236, %dma_start3A_237] : memref<512x32xbf16, #tpu.memory_space<vmem>> -> memref<128x32xbf16, #tpu.memory_space<vmem>>
        %dma_start3A_239 = arith.constant 0 : i32
        %dma_start3A_240 = tpu.memref_slice %arg7[%run_scoped3A_186, %dma_start3A_239] : memref<4x128xi32, #tpu.memory_space<vmem>> -> memref<1x128xi32, #tpu.memory_space<vmem>>
        %dma_start3A_241 = tpu.memref_squeeze %dma_start3A_240 : memref<1x128xi32, #tpu.memory_space<vmem>> -> memref<128xi32, #tpu.memory_space<vmem>>
        %dma_start3A_242 = arith.constant 0 : i32
        %dma_start3A_243 = arith.constant 0 : i32
        %dma_start3A_244 = tpu.memref_slice %arg12[%dma_start3A_242, %dma_start3A_243] : memref<10240x32xbf16, #tpu.memory_space<vmem_shared>> -> memref<10240x32xbf16, #tpu.memory_space<vmem_shared>>
        tpu.enqueue_indirect_dma source(%dma_start3A_238 : memref<128x32xbf16, #tpu.memory_space<vmem>>) target(%dma_start3A_244 : memref<10240x32xbf16, #tpu.memory_space<vmem_shared>>) offsets(%dma_start3A_241 : memref<128xi32, #tpu.memory_space<vmem>>) semaphore(%run_scoped3A_235 : memref<!tpu.dma_semaphore, #tpu.memory_space<semaphore_mem>>) {add = true}
        %dma_wait3A_245 = arith.constant 256 : i32
        %dma_wait3A_246 = arith.constant 0 : i32
        %dma_wait3A_247 = tpu.memref_slice %arg8[%dma_wait3A_245, %dma_wait3A_246] : memref<512x32xbf16, #tpu.memory_space<vmem>> -> memref<128x32xbf16, #tpu.memory_space<vmem>>
        %dma_wait3A_248 = arith.constant 0 : i32
        %dma_wait3A_249 = tpu.memref_slice %arg7[%run_scoped3A_186, %dma_wait3A_248] : memref<4x128xi32, #tpu.memory_space<vmem>> -> memref<1x128xi32, #tpu.memory_space<vmem>>
        %dma_wait3A_250 = tpu.memref_squeeze %dma_wait3A_249 : memref<1x128xi32, #tpu.memory_space<vmem>> -> memref<128xi32, #tpu.memory_space<vmem>>
        %dma_wait3A_251 = arith.constant 0 : i32
        %dma_wait3A_252 = arith.constant 0 : i32
        %dma_wait3A_253 = tpu.memref_slice %arg12[%dma_wait3A_251, %dma_wait3A_252] : memref<10240x32xbf16, #tpu.memory_space<vmem_shared>> -> memref<10240x32xbf16, #tpu.memory_space<vmem_shared>>
        tpu.wait_indirect_dma semaphore(%run_scoped3A_235 : memref<!tpu.dma_semaphore, #tpu.memory_space<semaphore_mem>>) src(%dma_wait3A_247 : memref<128x32xbf16, #tpu.memory_space<vmem>>) dst(%dma_wait3A_253 : memref<10240x32xbf16, #tpu.memory_space<vmem_shared>>)
        tpu.yield
      }) : () -> ()
      %run_scoped3A_187 = arith.constant 3 : i32
      "tpu.region"() ({
        %run_scoped3A_235 = tpu.sem_alloc : memref<!tpu.dma_semaphore, #tpu.memory_space<semaphore_mem>>
        %dma_start3A_236 = arith.constant 384 : i32
        %dma_start3A_237 = arith.constant 0 : i32
        %dma_start3A_238 = tpu.memref_slice %arg8[%dma_start3A_236, %dma_start3A_237] : memref<512x32xbf16, #tpu.memory_space<vmem>> -> memref<128x32xbf16, #tpu.memory_space<vmem>>
        %dma_start3A_239 = arith.constant 0 : i32
        %dma_start3A_240 = tpu.memref_slice %arg7[%run_scoped3A_187, %dma_start3A_239] : memref<4x128xi32, #tpu.memory_space<vmem>> -> memref<1x128xi32, #tpu.memory_space<vmem>>
        %dma_start3A_241 = tpu.memref_squeeze %dma_start3A_240 : memref<1x128xi32, #tpu.memory_space<vmem>> -> memref<128xi32, #tpu.memory_space<vmem>>
        %dma_start3A_242 = arith.constant 0 : i32
        %dma_start3A_243 = arith.constant 0 : i32
        %dma_start3A_244 = tpu.memref_slice %arg12[%dma_start3A_242, %dma_start3A_243] : memref<10240x32xbf16, #tpu.memory_space<vmem_shared>> -> memref<10240x32xbf16, #tpu.memory_space<vmem_shared>>
        tpu.enqueue_indirect_dma source(%dma_start3A_238 : memref<128x32xbf16, #tpu.memory_space<vmem>>) target(%dma_start3A_244 : memref<10240x32xbf16, #tpu.memory_space<vmem_shared>>) offsets(%dma_start3A_241 : memref<128xi32, #tpu.memory_space<vmem>>) semaphore(%run_scoped3A_235 : memref<!tpu.dma_semaphore, #tpu.memory_space<semaphore_mem>>) {add = true}
        %dma_wait3A_245 = arith.constant 384 : i32
        %dma_wait3A_246 = arith.constant 0 : i32
        %dma_wait3A_247 = tpu.memref_slice %arg8[%dma_wait3A_245, %dma_wait3A_246] : memref<512x32xbf16, #tpu.memory_space<vmem>> -> memref<128x32xbf16, #tpu.memory_space<vmem>>
        %dma_wait3A_248 = arith.constant 0 : i32
        %dma_wait3A_249 = tpu.memref_slice %arg7[%run_scoped3A_187, %dma_wait3A_248] : memref<4x128xi32, #tpu.memory_space<vmem>> -> memref<1x128xi32, #tpu.memory_space<vmem>>
        %dma_wait3A_250 = tpu.memref_squeeze %dma_wait3A_249 : memref<1x128xi32, #tpu.memory_space<vmem>> -> memref<128xi32, #tpu.memory_space<vmem>>
        %dma_wait3A_251 = arith.constant 0 : i32
        %dma_wait3A_252 = arith.constant 0 : i32
        %dma_wait3A_253 = tpu.memref_slice %arg12[%dma_wait3A_251, %dma_wait3A_252] : memref<10240x32xbf16, #tpu.memory_space<vmem_shared>> -> memref<10240x32xbf16, #tpu.memory_space<vmem_shared>>
        tpu.wait_indirect_dma semaphore(%run_scoped3A_235 : memref<!tpu.dma_semaphore, #tpu.memory_space<semaphore_mem>>) src(%dma_wait3A_247 : memref<128x32xbf16, #tpu.memory_space<vmem>>) dst(%dma_wait3A_253 : memref<10240x32xbf16, #tpu.memory_space<vmem_shared>>)
        tpu.yield
      }) : () -> ()
      %add3A_188 = arith.constant 2 : i32
      %add3A_189 = arith.addi %mul3A_100, %add3A_188 : i32
      %lt3A = arith.cmpi slt, %add3A_189, %select_n3A : i32
      %convert_element_type3A = arith.extui %lt3A : i1 to i32
      %cond3A = arith.constant 0 : i32
      %cond3A_190 = arith.cmpi ne, %convert_element_type3A, %cond3A : i32
      scf.if %cond3A_190 {
        %add3A_235 = arith.constant 2 : i32
        %add3A_236 = arith.addi %mul3A_100, %add3A_235 : i32
        %mul3A_237 = arith.constant 4 : i32
        %mul3A_238 = arith.muli %add3A_236, %mul3A_237 : i32
        %add3A_239 = arith.addi %select_n3A_8, %mul3A_238 : i32
        "tpu.region"() ({
          %run_scoped3A_280 = tpu.sem_alloc : memref<!tpu.dma_semaphore, #tpu.memory_space<semaphore_mem>>
          %dma_start3A_281 = arith.constant 0 : i32
          %dma_start3A_282 = tpu.memref_slice %arg3[%add3A_239, %dma_start3A_281] : memref<2560x128xi32, #tpu.memory_space<hbm>> -> memref<4x128xi32, #tpu.memory_space<hbm>>
          %dma_start3A_283 = arith.constant 0 : i32
          %dma_start3A_284 = tpu.memref_slice %arg3[%add3A_239, %dma_start3A_283] : memref<2560x128xi32, #tpu.memory_space<hbm>> -> memref<4x128xi32, #tpu.memory_space<hbm>>
          tpu.enqueue_dma source(%dma_start3A_284 : memref<4x128xi32, #tpu.memory_space<hbm>>) target(%arg6 : memref<4x128xi32, #tpu.memory_space<vmem>>) target_semaphore(%run_scoped3A_280 : memref<!tpu.dma_semaphore, #tpu.memory_space<semaphore_mem>>)
          %dma_wait3A_285 = arith.constant 0 : i32
          %dma_wait3A_286 = tpu.memref_slice %arg3[%add3A_239, %dma_wait3A_285] : memref<2560x128xi32, #tpu.memory_space<hbm>> -> memref<4x128xi32, #tpu.memory_space<hbm>>
          %dma_wait3A_287 = arith.constant 0 : i32
          %dma_wait3A_288 = tpu.memref_slice %arg3[%add3A_239, %dma_wait3A_287] : memref<2560x128xi32, #tpu.memory_space<hbm>> -> memref<4x128xi32, #tpu.memory_space<hbm>>
          tpu.wait_dma2 semaphore(%run_scoped3A_280 : memref<!tpu.dma_semaphore, #tpu.memory_space<semaphore_mem>>) src(%dma_wait3A_288 : memref<4x128xi32, #tpu.memory_space<hbm>>) dst(%arg6 : memref<4x128xi32, #tpu.memory_space<vmem>>)
          tpu.yield
        }) : () -> ()
        "tpu.region"() ({
          %run_scoped3A_280 = tpu.sem_alloc : memref<!tpu.dma_semaphore, #tpu.memory_space<semaphore_mem>>
          %dma_start3A_281 = arith.constant 0 : i32
          %dma_start3A_282 = tpu.memref_slice %arg4[%add3A_239, %dma_start3A_281] : memref<2560x128xi32, #tpu.memory_space<hbm>> -> memref<4x128xi32, #tpu.memory_space<hbm>>
          %dma_start3A_283 = arith.constant 0 : i32
          %dma_start3A_284 = tpu.memref_slice %arg4[%add3A_239, %dma_start3A_283] : memref<2560x128xi32, #tpu.memory_space<hbm>> -> memref<4x128xi32, #tpu.memory_space<hbm>>
          tpu.enqueue_dma source(%dma_start3A_284 : memref<4x128xi32, #tpu.memory_space<hbm>>) target(%arg7 : memref<4x128xi32, #tpu.memory_space<vmem>>) target_semaphore(%run_scoped3A_280 : memref<!tpu.dma_semaphore, #tpu.memory_space<semaphore_mem>>)
          %dma_wait3A_285 = arith.constant 0 : i32
          %dma_wait3A_286 = tpu.memref_slice %arg4[%add3A_239, %dma_wait3A_285] : memref<2560x128xi32, #tpu.memory_space<hbm>> -> memref<4x128xi32, #tpu.memory_space<hbm>>
          %dma_wait3A_287 = arith.constant 0 : i32
          %dma_wait3A_288 = tpu.memref_slice %arg4[%add3A_239, %dma_wait3A_287] : memref<2560x128xi32, #tpu.memory_space<hbm>> -> memref<4x128xi32, #tpu.memory_space<hbm>>
          tpu.wait_dma2 semaphore(%run_scoped3A_280 : memref<!tpu.dma_semaphore, #tpu.memory_space<semaphore_mem>>) src(%dma_wait3A_288 : memref<4x128xi32, #tpu.memory_space<hbm>>) dst(%arg7 : memref<4x128xi32, #tpu.memory_space<vmem>>)
          tpu.yield
        }) : () -> ()
        %dma_start3A_240 = arith.constant 0 : i32
        %dma_start3A_241 = arith.constant 0 : i32
        %dma_start3A_242 = arith.constant 0 : i32
        %dma_start3A_243 = tpu.memref_slice %arg8[%dma_start3A_241, %dma_start3A_242] : memref<512x32xbf16, #tpu.memory_space<vmem>> -> memref<128x32xbf16, #tpu.memory_space<vmem>>
        %dma_start3A_244 = arith.constant 0 : i32
        %dma_start3A_245 = tpu.memref_slice %arg6[%dma_start3A_240, %dma_start3A_244] : memref<4x128xi32, #tpu.memory_space<vmem>> -> memref<1x128xi32, #tpu.memory_space<vmem>>
        %dma_start3A_246 = tpu.memref_squeeze %dma_start3A_245 : memref<1x128xi32, #tpu.memory_space<vmem>> -> memref<128xi32, #tpu.memory_space<vmem>>
        %dma_start3A_247 = arith.constant 0 : i32
        %dma_start3A_248 = arith.constant 0 : i32
        %dma_start3A_249 = tpu.memref_slice %arg2[%dma_start3A_247, %dma_start3A_248] : memref<10240x32xbf16, #tpu.memory_space<hbm>> -> memref<10240x32xbf16, #tpu.memory_space<hbm>>
        tpu.enqueue_indirect_dma source(%dma_start3A_249 : memref<10240x32xbf16, #tpu.memory_space<hbm>>) target(%dma_start3A_243 : memref<128x32xbf16, #tpu.memory_space<vmem>>) offsets(%dma_start3A_246 : memref<128xi32, #tpu.memory_space<vmem>>) semaphore(%arg13 : memref<!tpu.dma_semaphore, #tpu.memory_space<semaphore_mem>>)
        %dma_start3A_250 = arith.constant 1 : i32
        %dma_start3A_251 = arith.constant 128 : i32
        %dma_start3A_252 = arith.constant 0 : i32
        %dma_start3A_253 = tpu.memref_slice %arg8[%dma_start3A_251, %dma_start3A_252] : memref<512x32xbf16, #tpu.memory_space<vmem>> -> memref<128x32xbf16, #tpu.memory_space<vmem>>
        %dma_start3A_254 = arith.constant 0 : i32
        %dma_start3A_255 = tpu.memref_slice %arg6[%dma_start3A_250, %dma_start3A_254] : memref<4x128xi32, #tpu.memory_space<vmem>> -> memref<1x128xi32, #tpu.memory_space<vmem>>
        %dma_start3A_256 = tpu.memref_squeeze %dma_start3A_255 : memref<1x128xi32, #tpu.memory_space<vmem>> -> memref<128xi32, #tpu.memory_space<vmem>>
        %dma_start3A_257 = arith.constant 0 : i32
        %dma_start3A_258 = arith.constant 0 : i32
        %dma_start3A_259 = tpu.memref_slice %arg2[%dma_start3A_257, %dma_start3A_258] : memref<10240x32xbf16, #tpu.memory_space<hbm>> -> memref<10240x32xbf16, #tpu.memory_space<hbm>>
        tpu.enqueue_indirect_dma source(%dma_start3A_259 : memref<10240x32xbf16, #tpu.memory_space<hbm>>) target(%dma_start3A_253 : memref<128x32xbf16, #tpu.memory_space<vmem>>) offsets(%dma_start3A_256 : memref<128xi32, #tpu.memory_space<vmem>>) semaphore(%arg13 : memref<!tpu.dma_semaphore, #tpu.memory_space<semaphore_mem>>)
        %dma_start3A_260 = arith.constant 2 : i32
        %dma_start3A_261 = arith.constant 256 : i32
        %dma_start3A_262 = arith.constant 0 : i32
        %dma_start3A_263 = tpu.memref_slice %arg8[%dma_start3A_261, %dma_start3A_262] : memref<512x32xbf16, #tpu.memory_space<vmem>> -> memref<128x32xbf16, #tpu.memory_space<vmem>>
        %dma_start3A_264 = arith.constant 0 : i32
        %dma_start3A_265 = tpu.memref_slice %arg6[%dma_start3A_260, %dma_start3A_264] : memref<4x128xi32, #tpu.memory_space<vmem>> -> memref<1x128xi32, #tpu.memory_space<vmem>>
        %dma_start3A_266 = tpu.memref_squeeze %dma_start3A_265 : memref<1x128xi32, #tpu.memory_space<vmem>> -> memref<128xi32, #tpu.memory_space<vmem>>
        %dma_start3A_267 = arith.constant 0 : i32
        %dma_start3A_268 = arith.constant 0 : i32
        %dma_start3A_269 = tpu.memref_slice %arg2[%dma_start3A_267, %dma_start3A_268] : memref<10240x32xbf16, #tpu.memory_space<hbm>> -> memref<10240x32xbf16, #tpu.memory_space<hbm>>
        tpu.enqueue_indirect_dma source(%dma_start3A_269 : memref<10240x32xbf16, #tpu.memory_space<hbm>>) target(%dma_start3A_263 : memref<128x32xbf16, #tpu.memory_space<vmem>>) offsets(%dma_start3A_266 : memref<128xi32, #tpu.memory_space<vmem>>) semaphore(%arg13 : memref<!tpu.dma_semaphore, #tpu.memory_space<semaphore_mem>>)
        %dma_start3A_270 = arith.constant 3 : i32
        %dma_start3A_271 = arith.constant 384 : i32
        %dma_start3A_272 = arith.constant 0 : i32
        %dma_start3A_273 = tpu.memref_slice %arg8[%dma_start3A_271, %dma_start3A_272] : memref<512x32xbf16, #tpu.memory_space<vmem>> -> memref<128x32xbf16, #tpu.memory_space<vmem>>
        %dma_start3A_274 = arith.constant 0 : i32
        %dma_start3A_275 = tpu.memref_slice %arg6[%dma_start3A_270, %dma_start3A_274] : memref<4x128xi32, #tpu.memory_space<vmem>> -> memref<1x128xi32, #tpu.memory_space<vmem>>
        %dma_start3A_276 = tpu.memref_squeeze %dma_start3A_275 : memref<1x128xi32, #tpu.memory_space<vmem>> -> memref<128xi32, #tpu.memory_space<vmem>>
        %dma_start3A_277 = arith.constant 0 : i32
        %dma_start3A_278 = arith.constant 0 : i32
        %dma_start3A_279 = tpu.memref_slice %arg2[%dma_start3A_277, %dma_start3A_278] : memref<10240x32xbf16, #tpu.memory_space<hbm>> -> memref<10240x32xbf16, #tpu.memory_space<hbm>>
        tpu.enqueue_indirect_dma source(%dma_start3A_279 : memref<10240x32xbf16, #tpu.memory_space<hbm>>) target(%dma_start3A_273 : memref<128x32xbf16, #tpu.memory_space<vmem>>) offsets(%dma_start3A_276 : memref<128xi32, #tpu.memory_space<vmem>>) semaphore(%arg13 : memref<!tpu.dma_semaphore, #tpu.memory_space<semaphore_mem>>)
      } else {
      }
      %dma_wait3A_191 = arith.constant 0 : i32
      %dma_wait3A_192 = arith.constant 0 : i32
      %dma_wait3A_193 = arith.constant 0 : i32
      %dma_wait3A_194 = tpu.memref_slice %arg11[%dma_wait3A_192, %dma_wait3A_193] : memref<512x32xbf16, #tpu.memory_space<vmem>> -> memref<128x32xbf16, #tpu.memory_space<vmem>>
      %dma_wait3A_195 = arith.constant 0 : i32
      %dma_wait3A_196 = tpu.memref_slice %arg9[%dma_wait3A_191, %dma_wait3A_195] : memref<4x128xi32, #tpu.memory_space<vmem>> -> memref<1x128xi32, #tpu.memory_space<vmem>>
      %dma_wait3A_197 = tpu.memref_squeeze %dma_wait3A_196 : memref<1x128xi32, #tpu.memory_space<vmem>> -> memref<128xi32, #tpu.memory_space<vmem>>
      %dma_wait3A_198 = arith.constant 0 : i32
      %dma_wait3A_199 = arith.constant 0 : i32
      %dma_wait3A_200 = tpu.memref_slice %arg2[%dma_wait3A_198, %dma_wait3A_199] : memref<10240x32xbf16, #tpu.memory_space<hbm>> -> memref<10240x32xbf16, #tpu.memory_space<hbm>>
      tpu.wait_indirect_dma semaphore(%arg14 : memref<!tpu.dma_semaphore, #tpu.memory_space<semaphore_mem>>) src(%dma_wait3A_200 : memref<10240x32xbf16, #tpu.memory_space<hbm>>) dst(%dma_wait3A_194 : memref<128x32xbf16, #tpu.memory_space<vmem>>)
      %dma_wait3A_201 = arith.constant 1 : i32
      %dma_wait3A_202 = arith.constant 128 : i32
      %dma_wait3A_203 = arith.constant 0 : i32
      %dma_wait3A_204 = tpu.memref_slice %arg11[%dma_wait3A_202, %dma_wait3A_203] : memref<512x32xbf16, #tpu.memory_space<vmem>> -> memref<128x32xbf16, #tpu.memory_space<vmem>>
      %dma_wait3A_205 = arith.constant 0 : i32
      %dma_wait3A_206 = tpu.memref_slice %arg9[%dma_wait3A_201, %dma_wait3A_205] : memref<4x128xi32, #tpu.memory_space<vmem>> -> memref<1x128xi32, #tpu.memory_space<vmem>>
      %dma_wait3A_207 = tpu.memref_squeeze %dma_wait3A_206 : memref<1x128xi32, #tpu.memory_space<vmem>> -> memref<128xi32, #tpu.memory_space<vmem>>
      %dma_wait3A_208 = arith.constant 0 : i32
      %dma_wait3A_209 = arith.constant 0 : i32
      %dma_wait3A_210 = tpu.memref_slice %arg2[%dma_wait3A_208, %dma_wait3A_209] : memref<10240x32xbf16, #tpu.memory_space<hbm>> -> memref<10240x32xbf16, #tpu.memory_space<hbm>>
      tpu.wait_indirect_dma semaphore(%arg14 : memref<!tpu.dma_semaphore, #tpu.memory_space<semaphore_mem>>) src(%dma_wait3A_210 : memref<10240x32xbf16, #tpu.memory_space<hbm>>) dst(%dma_wait3A_204 : memref<128x32xbf16, #tpu.memory_space<vmem>>)
      %dma_wait3A_211 = arith.constant 2 : i32
      %dma_wait3A_212 = arith.constant 256 : i32
      %dma_wait3A_213 = arith.constant 0 : i32
      %dma_wait3A_214 = tpu.memref_slice %arg11[%dma_wait3A_212, %dma_wait3A_213] : memref<512x32xbf16, #tpu.memory_space<vmem>> -> memref<128x32xbf16, #tpu.memory_space<vmem>>
      %dma_wait3A_215 = arith.constant 0 : i32
      %dma_wait3A_216 = tpu.memref_slice %arg9[%dma_wait3A_211, %dma_wait3A_215] : memref<4x128xi32, #tpu.memory_space<vmem>> -> memref<1x128xi32, #tpu.memory_space<vmem>>
      %dma_wait3A_217 = tpu.memref_squeeze %dma_wait3A_216 : memref<1x128xi32, #tpu.memory_space<vmem>> -> memref<128xi32, #tpu.memory_space<vmem>>
      %dma_wait3A_218 = arith.constant 0 : i32
      %dma_wait3A_219 = arith.constant 0 : i32
      %dma_wait3A_220 = tpu.memref_slice %arg2[%dma_wait3A_218, %dma_wait3A_219] : memref<10240x32xbf16, #tpu.memory_space<hbm>> -> memref<10240x32xbf16, #tpu.memory_space<hbm>>
      tpu.wait_indirect_dma semaphore(%arg14 : memref<!tpu.dma_semaphore, #tpu.memory_space<semaphore_mem>>) src(%dma_wait3A_220 : memref<10240x32xbf16, #tpu.memory_space<hbm>>) dst(%dma_wait3A_214 : memref<128x32xbf16, #tpu.memory_space<vmem>>)
      %dma_wait3A_221 = arith.constant 3 : i32
      %dma_wait3A_222 = arith.constant 384 : i32
      %dma_wait3A_223 = arith.constant 0 : i32
      %dma_wait3A_224 = tpu.memref_slice %arg11[%dma_wait3A_222, %dma_wait3A_223] : memref<512x32xbf16, #tpu.memory_space<vmem>> -> memref<128x32xbf16, #tpu.memory_space<vmem>>
      %dma_wait3A_225 = arith.constant 0 : i32
      %dma_wait3A_226 = tpu.memref_slice %arg9[%dma_wait3A_221, %dma_wait3A_225] : memref<4x128xi32, #tpu.memory_space<vmem>> -> memref<1x128xi32, #tpu.memory_space<vmem>>
      %dma_wait3A_227 = tpu.memref_squeeze %dma_wait3A_226 : memref<1x128xi32, #tpu.memory_space<vmem>> -> memref<128xi32, #tpu.memory_space<vmem>>
      %dma_wait3A_228 = arith.constant 0 : i32
      %dma_wait3A_229 = arith.constant 0 : i32
      %dma_wait3A_230 = tpu.memref_slice %arg2[%dma_wait3A_228, %dma_wait3A_229] : memref<10240x32xbf16, #tpu.memory_space<hbm>> -> memref<10240x32xbf16, #tpu.memory_space<hbm>>
      tpu.wait_indirect_dma semaphore(%arg14 : memref<!tpu.dma_semaphore, #tpu.memory_space<semaphore_mem>>) src(%dma_wait3A_230 : memref<10240x32xbf16, #tpu.memory_space<hbm>>) dst(%dma_wait3A_224 : memref<128x32xbf16, #tpu.memory_space<vmem>>)
      %run_scoped3A_231 = arith.constant 0 : i32
      "tpu.region"() ({
        %run_scoped3A_235 = tpu.sem_alloc : memref<!tpu.dma_semaphore, #tpu.memory_space<semaphore_mem>>
        %dma_start3A_236 = arith.constant 0 : i32
        %dma_start3A_237 = arith.constant 0 : i32
        %dma_start3A_238 = tpu.memref_slice %arg11[%dma_start3A_236, %dma_start3A_237] : memref<512x32xbf16, #tpu.memory_space<vmem>> -> memref<128x32xbf16, #tpu.memory_space<vmem>>
        %dma_start3A_239 = arith.constant 0 : i32
        %dma_start3A_240 = tpu.memref_slice %arg10[%run_scoped3A_231, %dma_start3A_239] : memref<4x128xi32, #tpu.memory_space<vmem>> -> memref<1x128xi32, #tpu.memory_space<vmem>>
        %dma_start3A_241 = tpu.memref_squeeze %dma_start3A_240 : memref<1x128xi32, #tpu.memory_space<vmem>> -> memref<128xi32, #tpu.memory_space<vmem>>
        %dma_start3A_242 = arith.constant 0 : i32
        %dma_start3A_243 = arith.constant 0 : i32
        %dma_start3A_244 = tpu.memref_slice %arg12[%dma_start3A_242, %dma_start3A_243] : memref<10240x32xbf16, #tpu.memory_space<vmem_shared>> -> memref<10240x32xbf16, #tpu.memory_space<vmem_shared>>
        tpu.enqueue_indirect_dma source(%dma_start3A_238 : memref<128x32xbf16, #tpu.memory_space<vmem>>) target(%dma_start3A_244 : memref<10240x32xbf16, #tpu.memory_space<vmem_shared>>) offsets(%dma_start3A_241 : memref<128xi32, #tpu.memory_space<vmem>>) semaphore(%run_scoped3A_235 : memref<!tpu.dma_semaphore, #tpu.memory_space<semaphore_mem>>) {add = true}
        %dma_wait3A_245 = arith.constant 0 : i32
        %dma_wait3A_246 = arith.constant 0 : i32
        %dma_wait3A_247 = tpu.memref_slice %arg11[%dma_wait3A_245, %dma_wait3A_246] : memref<512x32xbf16, #tpu.memory_space<vmem>> -> memref<128x32xbf16, #tpu.memory_space<vmem>>
        %dma_wait3A_248 = arith.constant 0 : i32
        %dma_wait3A_249 = tpu.memref_slice %arg10[%run_scoped3A_231, %dma_wait3A_248] : memref<4x128xi32, #tpu.memory_space<vmem>> -> memref<1x128xi32, #tpu.memory_space<vmem>>
        %dma_wait3A_250 = tpu.memref_squeeze %dma_wait3A_249 : memref<1x128xi32, #tpu.memory_space<vmem>> -> memref<128xi32, #tpu.memory_space<vmem>>
        %dma_wait3A_251 = arith.constant 0 : i32
        %dma_wait3A_252 = arith.constant 0 : i32
        %dma_wait3A_253 = tpu.memref_slice %arg12[%dma_wait3A_251, %dma_wait3A_252] : memref<10240x32xbf16, #tpu.memory_space<vmem_shared>> -> memref<10240x32xbf16, #tpu.memory_space<vmem_shared>>
        tpu.wait_indirect_dma semaphore(%run_scoped3A_235 : memref<!tpu.dma_semaphore, #tpu.memory_space<semaphore_mem>>) src(%dma_wait3A_247 : memref<128x32xbf16, #tpu.memory_space<vmem>>) dst(%dma_wait3A_253 : memref<10240x32xbf16, #tpu.memory_space<vmem_shared>>)
        tpu.yield
      }) : () -> ()
      %run_scoped3A_232 = arith.constant 1 : i32
      "tpu.region"() ({
        %run_scoped3A_235 = tpu.sem_alloc : memref<!tpu.dma_semaphore, #tpu.memory_space<semaphore_mem>>
        %dma_start3A_236 = arith.constant 128 : i32
        %dma_start3A_237 = arith.constant 0 : i32
        %dma_start3A_238 = tpu.memref_slice %arg11[%dma_start3A_236, %dma_start3A_237] : memref<512x32xbf16, #tpu.memory_space<vmem>> -> memref<128x32xbf16, #tpu.memory_space<vmem>>
        %dma_start3A_239 = arith.constant 0 : i32
        %dma_start3A_240 = tpu.memref_slice %arg10[%run_scoped3A_232, %dma_start3A_239] : memref<4x128xi32, #tpu.memory_space<vmem>> -> memref<1x128xi32, #tpu.memory_space<vmem>>
        %dma_start3A_241 = tpu.memref_squeeze %dma_start3A_240 : memref<1x128xi32, #tpu.memory_space<vmem>> -> memref<128xi32, #tpu.memory_space<vmem>>
        %dma_start3A_242 = arith.constant 0 : i32
        %dma_start3A_243 = arith.constant 0 : i32
        %dma_start3A_244 = tpu.memref_slice %arg12[%dma_start3A_242, %dma_start3A_243] : memref<10240x32xbf16, #tpu.memory_space<vmem_shared>> -> memref<10240x32xbf16, #tpu.memory_space<vmem_shared>>
        tpu.enqueue_indirect_dma source(%dma_start3A_238 : memref<128x32xbf16, #tpu.memory_space<vmem>>) target(%dma_start3A_244 : memref<10240x32xbf16, #tpu.memory_space<vmem_shared>>) offsets(%dma_start3A_241 : memref<128xi32, #tpu.memory_space<vmem>>) semaphore(%run_scoped3A_235 : memref<!tpu.dma_semaphore, #tpu.memory_space<semaphore_mem>>) {add = true}
        %dma_wait3A_245 = arith.constant 128 : i32
        %dma_wait3A_246 = arith.constant 0 : i32
        %dma_wait3A_247 = tpu.memref_slice %arg11[%dma_wait3A_245, %dma_wait3A_246] : memref<512x32xbf16, #tpu.memory_space<vmem>> -> memref<128x32xbf16, #tpu.memory_space<vmem>>
        %dma_wait3A_248 = arith.constant 0 : i32
        %dma_wait3A_249 = tpu.memref_slice %arg10[%run_scoped3A_232, %dma_wait3A_248] : memref<4x128xi32, #tpu.memory_space<vmem>> -> memref<1x128xi32, #tpu.memory_space<vmem>>
        %dma_wait3A_250 = tpu.memref_squeeze %dma_wait3A_249 : memref<1x128xi32, #tpu.memory_space<vmem>> -> memref<128xi32, #tpu.memory_space<vmem>>
        %dma_wait3A_251 = arith.constant 0 : i32
        %dma_wait3A_252 = arith.constant 0 : i32
        %dma_wait3A_253 = tpu.memref_slice %arg12[%dma_wait3A_251, %dma_wait3A_252] : memref<10240x32xbf16, #tpu.memory_space<vmem_shared>> -> memref<10240x32xbf16, #tpu.memory_space<vmem_shared>>
        tpu.wait_indirect_dma semaphore(%run_scoped3A_235 : memref<!tpu.dma_semaphore, #tpu.memory_space<semaphore_mem>>) src(%dma_wait3A_247 : memref<128x32xbf16, #tpu.memory_space<vmem>>) dst(%dma_wait3A_253 : memref<10240x32xbf16, #tpu.memory_space<vmem_shared>>)
        tpu.yield
      }) : () -> ()
      %run_scoped3A_233 = arith.constant 2 : i32
      "tpu.region"() ({
        %run_scoped3A_235 = tpu.sem_alloc : memref<!tpu.dma_semaphore, #tpu.memory_space<semaphore_mem>>
        %dma_start3A_236 = arith.constant 256 : i32
        %dma_start3A_237 = arith.constant 0 : i32
        %dma_start3A_238 = tpu.memref_slice %arg11[%dma_start3A_236, %dma_start3A_237] : memref<512x32xbf16, #tpu.memory_space<vmem>> -> memref<128x32xbf16, #tpu.memory_space<vmem>>
        %dma_start3A_239 = arith.constant 0 : i32
        %dma_start3A_240 = tpu.memref_slice %arg10[%run_scoped3A_233, %dma_start3A_239] : memref<4x128xi32, #tpu.memory_space<vmem>> -> memref<1x128xi32, #tpu.memory_space<vmem>>
        %dma_start3A_241 = tpu.memref_squeeze %dma_start3A_240 : memref<1x128xi32, #tpu.memory_space<vmem>> -> memref<128xi32, #tpu.memory_space<vmem>>
        %dma_start3A_242 = arith.constant 0 : i32
        %dma_start3A_243 = arith.constant 0 : i32
        %dma_start3A_244 = tpu.memref_slice %arg12[%dma_start3A_242, %dma_start3A_243] : memref<10240x32xbf16, #tpu.memory_space<vmem_shared>> -> memref<10240x32xbf16, #tpu.memory_space<vmem_shared>>
        tpu.enqueue_indirect_dma source(%dma_start3A_238 : memref<128x32xbf16, #tpu.memory_space<vmem>>) target(%dma_start3A_244 : memref<10240x32xbf16, #tpu.memory_space<vmem_shared>>) offsets(%dma_start3A_241 : memref<128xi32, #tpu.memory_space<vmem>>) semaphore(%run_scoped3A_235 : memref<!tpu.dma_semaphore, #tpu.memory_space<semaphore_mem>>) {add = true}
        %dma_wait3A_245 = arith.constant 256 : i32
        %dma_wait3A_246 = arith.constant 0 : i32
        %dma_wait3A_247 = tpu.memref_slice %arg11[%dma_wait3A_245, %dma_wait3A_246] : memref<512x32xbf16, #tpu.memory_space<vmem>> -> memref<128x32xbf16, #tpu.memory_space<vmem>>
        %dma_wait3A_248 = arith.constant 0 : i32
        %dma_wait3A_249 = tpu.memref_slice %arg10[%run_scoped3A_233, %dma_wait3A_248] : memref<4x128xi32, #tpu.memory_space<vmem>> -> memref<1x128xi32, #tpu.memory_space<vmem>>
        %dma_wait3A_250 = tpu.memref_squeeze %dma_wait3A_249 : memref<1x128xi32, #tpu.memory_space<vmem>> -> memref<128xi32, #tpu.memory_space<vmem>>
        %dma_wait3A_251 = arith.constant 0 : i32
        %dma_wait3A_252 = arith.constant 0 : i32
        %dma_wait3A_253 = tpu.memref_slice %arg12[%dma_wait3A_251, %dma_wait3A_252] : memref<10240x32xbf16, #tpu.memory_space<vmem_shared>> -> memref<10240x32xbf16, #tpu.memory_space<vmem_shared>>
        tpu.wait_indirect_dma semaphore(%run_scoped3A_235 : memref<!tpu.dma_semaphore, #tpu.memory_space<semaphore_mem>>) src(%dma_wait3A_247 : memref<128x32xbf16, #tpu.memory_space<vmem>>) dst(%dma_wait3A_253 : memref<10240x32xbf16, #tpu.memory_space<vmem_shared>>)
        tpu.yield
      }) : () -> ()
      %run_scoped3A_234 = arith.constant 3 : i32
      "tpu.region"() ({
        %run_scoped3A_235 = tpu.sem_alloc : memref<!tpu.dma_semaphore, #tpu.memory_space<semaphore_mem>>
        %dma_start3A_236 = arith.constant 384 : i32
        %dma_start3A_237 = arith.constant 0 : i32
        %dma_start3A_238 = tpu.memref_slice %arg11[%dma_start3A_236, %dma_start3A_237] : memref<512x32xbf16, #tpu.memory_space<vmem>> -> memref<128x32xbf16, #tpu.memory_space<vmem>>
        %dma_start3A_239 = arith.constant 0 : i32
        %dma_start3A_240 = tpu.memref_slice %arg10[%run_scoped3A_234, %dma_start3A_239] : memref<4x128xi32, #tpu.memory_space<vmem>> -> memref<1x128xi32, #tpu.memory_space<vmem>>
        %dma_start3A_241 = tpu.memref_squeeze %dma_start3A_240 : memref<1x128xi32, #tpu.memory_space<vmem>> -> memref<128xi32, #tpu.memory_space<vmem>>
        %dma_start3A_242 = arith.constant 0 : i32
        %dma_start3A_243 = arith.constant 0 : i32
        %dma_start3A_244 = tpu.memref_slice %arg12[%dma_start3A_242, %dma_start3A_243] : memref<10240x32xbf16, #tpu.memory_space<vmem_shared>> -> memref<10240x32xbf16, #tpu.memory_space<vmem_shared>>
        tpu.enqueue_indirect_dma source(%dma_start3A_238 : memref<128x32xbf16, #tpu.memory_space<vmem>>) target(%dma_start3A_244 : memref<10240x32xbf16, #tpu.memory_space<vmem_shared>>) offsets(%dma_start3A_241 : memref<128xi32, #tpu.memory_space<vmem>>) semaphore(%run_scoped3A_235 : memref<!tpu.dma_semaphore, #tpu.memory_space<semaphore_mem>>) {add = true}
        %dma_wait3A_245 = arith.constant 384 : i32
        %dma_wait3A_246 = arith.constant 0 : i32
        %dma_wait3A_247 = tpu.memref_slice %arg11[%dma_wait3A_245, %dma_wait3A_246] : memref<512x32xbf16, #tpu.memory_space<vmem>> -> memref<128x32xbf16, #tpu.memory_space<vmem>>
        %dma_wait3A_248 = arith.constant 0 : i32
        %dma_wait3A_249 = tpu.memref_slice %arg10[%run_scoped3A_234, %dma_wait3A_248] : memref<4x128xi32, #tpu.memory_space<vmem>> -> memref<1x128xi32, #tpu.memory_space<vmem>>
        %dma_wait3A_250 = tpu.memref_squeeze %dma_wait3A_249 : memref<1x128xi32, #tpu.memory_space<vmem>> -> memref<128xi32, #tpu.memory_space<vmem>>
        %dma_wait3A_251 = arith.constant 0 : i32
        %dma_wait3A_252 = arith.constant 0 : i32
        %dma_wait3A_253 = tpu.memref_slice %arg12[%dma_wait3A_251, %dma_wait3A_252] : memref<10240x32xbf16, #tpu.memory_space<vmem_shared>> -> memref<10240x32xbf16, #tpu.memory_space<vmem_shared>>
        tpu.wait_indirect_dma semaphore(%run_scoped3A_235 : memref<!tpu.dma_semaphore, #tpu.memory_space<semaphore_mem>>) src(%dma_wait3A_247 : memref<128x32xbf16, #tpu.memory_space<vmem>>) dst(%dma_wait3A_253 : memref<10240x32xbf16, #tpu.memory_space<vmem_shared>>)
        tpu.yield
      }) : () -> ()
    }
    %while3A_89 = arith.constant 1 : i32
    scf.for %while3A_98 = %while3A_87 to %while3A_83 step %while3A_89  : i32 {
      %mul3A_99 = arith.constant 2 : i32
      %mul3A_100 = arith.muli %mul3A_99, %while3A_98 : i32
      %add3A_101 = arith.constant 1 : i32
      %add3A_102 = arith.addi %mul3A_100, %add3A_101 : i32
      %mul3A_103 = arith.constant 4 : i32
      %mul3A_104 = arith.muli %add3A_102, %mul3A_103 : i32
      %add3A_105 = arith.addi %select_n3A_8, %mul3A_104 : i32
      "tpu.region"() ({
        %run_scoped3A_235 = tpu.sem_alloc : memref<!tpu.dma_semaphore, #tpu.memory_space<semaphore_mem>>
        %dma_start3A_236 = arith.constant 0 : i32
        %dma_start3A_237 = tpu.memref_slice %arg3[%add3A_105, %dma_start3A_236] : memref<2560x128xi32, #tpu.memory_space<hbm>> -> memref<4x128xi32, #tpu.memory_space<hbm>>
        %dma_start3A_238 = arith.constant 0 : i32
        %dma_start3A_239 = tpu.memref_slice %arg3[%add3A_105, %dma_start3A_238] : memref<2560x128xi32, #tpu.memory_space<hbm>> -> memref<4x128xi32, #tpu.memory_space<hbm>>
        tpu.enqueue_dma source(%dma_start3A_239 : memref<4x128xi32, #tpu.memory_space<hbm>>) target(%arg9 : memref<4x128xi32, #tpu.memory_space<vmem>>) target_semaphore(%run_scoped3A_235 : memref<!tpu.dma_semaphore, #tpu.memory_space<semaphore_mem>>)
        %dma_wait3A_240 = arith.constant 0 : i32
        %dma_wait3A_241 = tpu.memref_slice %arg3[%add3A_105, %dma_wait3A_240] : memref<2560x128xi32, #tpu.memory_space<hbm>> -> memref<4x128xi32, #tpu.memory_space<hbm>>
        %dma_wait3A_242 = arith.constant 0 : i32
        %dma_wait3A_243 = tpu.memref_slice %arg3[%add3A_105, %dma_wait3A_242] : memref<2560x128xi32, #tpu.memory_space<hbm>> -> memref<4x128xi32, #tpu.memory_space<hbm>>
        tpu.wait_dma2 semaphore(%run_scoped3A_235 : memref<!tpu.dma_semaphore, #tpu.memory_space<semaphore_mem>>) src(%dma_wait3A_243 : memref<4x128xi32, #tpu.memory_space<hbm>>) dst(%arg9 : memref<4x128xi32, #tpu.memory_space<vmem>>)
        tpu.yield
      }) : () -> ()
      "tpu.region"() ({
        %run_scoped3A_235 = tpu.sem_alloc : memref<!tpu.dma_semaphore, #tpu.memory_space<semaphore_mem>>
        %dma_start3A_236 = arith.constant 0 : i32
        %dma_start3A_237 = tpu.memref_slice %arg4[%add3A_105, %dma_start3A_236] : memref<2560x128xi32, #tpu.memory_space<hbm>> -> memref<4x128xi32, #tpu.memory_space<hbm>>
        %dma_start3A_238 = arith.constant 0 : i32
        %dma_start3A_239 = tpu.memref_slice %arg4[%add3A_105, %dma_start3A_238] : memref<2560x128xi32, #tpu.memory_space<hbm>> -> memref<4x128xi32, #tpu.memory_space<hbm>>
        tpu.enqueue_dma source(%dma_start3A_239 : memref<4x128xi32, #tpu.memory_space<hbm>>) target(%arg10 : memref<4x128xi32, #tpu.memory_space<vmem>>) target_semaphore(%run_scoped3A_235 : memref<!tpu.dma_semaphore, #tpu.memory_space<semaphore_mem>>)
        %dma_wait3A_240 = arith.constant 0 : i32
        %dma_wait3A_241 = tpu.memref_slice %arg4[%add3A_105, %dma_wait3A_240] : memref<2560x128xi32, #tpu.memory_space<hbm>> -> memref<4x128xi32, #tpu.memory_space<hbm>>
        %dma_wait3A_242 = arith.constant 0 : i32
        %dma_wait3A_243 = tpu.memref_slice %arg4[%add3A_105, %dma_wait3A_242] : memref<2560x128xi32, #tpu.memory_space<hbm>> -> memref<4x128xi32, #tpu.memory_space<hbm>>
        tpu.wait_dma2 semaphore(%run_scoped3A_235 : memref<!tpu.dma_semaphore, #tpu.memory_space<semaphore_mem>>) src(%dma_wait3A_243 : memref<4x128xi32, #tpu.memory_space<hbm>>) dst(%arg10 : memref<4x128xi32, #tpu.memory_space<vmem>>)
        tpu.yield
      }) : () -> ()
      %dma_start3A_106 = arith.constant 0 : i32
      %dma_start3A_107 = arith.constant 0 : i32
      %dma_start3A_108 = arith.constant 0 : i32
      %dma_start3A_109 = tpu.memref_slice %arg11[%dma_start3A_107, %dma_start3A_108] : memref<512x32xbf16, #tpu.memory_space<vmem>> -> memref<128x32xbf16, #tpu.memory_space<vmem>>
      %dma_start3A_110 = arith.constant 0 : i32
      %dma_start3A_111 = tpu.memref_slice %arg9[%dma_start3A_106, %dma_start3A_110] : memref<4x128xi32, #tpu.memory_space<vmem>> -> memref<1x128xi32, #tpu.memory_space<vmem>>
      %dma_start3A_112 = tpu.memref_squeeze %dma_start3A_111 : memref<1x128xi32, #tpu.memory_space<vmem>> -> memref<128xi32, #tpu.memory_space<vmem>>
      %dma_start3A_113 = arith.constant 0 : i32
      %dma_start3A_114 = arith.constant 0 : i32
      %dma_start3A_115 = tpu.memref_slice %arg2[%dma_start3A_113, %dma_start3A_114] : memref<10240x32xbf16, #tpu.memory_space<hbm>> -> memref<10240x32xbf16, #tpu.memory_space<hbm>>
      tpu.enqueue_indirect_dma source(%dma_start3A_115 : memref<10240x32xbf16, #tpu.memory_space<hbm>>) target(%dma_start3A_109 : memref<128x32xbf16, #tpu.memory_space<vmem>>) offsets(%dma_start3A_112 : memref<128xi32, #tpu.memory_space<vmem>>) semaphore(%arg14 : memref<!tpu.dma_semaphore, #tpu.memory_space<semaphore_mem>>)
      %dma_start3A_116 = arith.constant 1 : i32
      %dma_start3A_117 = arith.constant 128 : i32
      %dma_start3A_118 = arith.constant 0 : i32
      %dma_start3A_119 = tpu.memref_slice %arg11[%dma_start3A_117, %dma_start3A_118] : memref<512x32xbf16, #tpu.memory_space<vmem>> -> memref<128x32xbf16, #tpu.memory_space<vmem>>
      %dma_start3A_120 = arith.constant 0 : i32
      %dma_start3A_121 = tpu.memref_slice %arg9[%dma_start3A_116, %dma_start3A_120] : memref<4x128xi32, #tpu.memory_space<vmem>> -> memref<1x128xi32, #tpu.memory_space<vmem>>
      %dma_start3A_122 = tpu.memref_squeeze %dma_start3A_121 : memref<1x128xi32, #tpu.memory_space<vmem>> -> memref<128xi32, #tpu.memory_space<vmem>>
      %dma_start3A_123 = arith.constant 0 : i32
      %dma_start3A_124 = arith.constant 0 : i32
      %dma_start3A_125 = tpu.memref_slice %arg2[%dma_start3A_123, %dma_start3A_124] : memref<10240x32xbf16, #tpu.memory_space<hbm>> -> memref<10240x32xbf16, #tpu.memory_space<hbm>>
      tpu.enqueue_indirect_dma source(%dma_start3A_125 : memref<10240x32xbf16, #tpu.memory_space<hbm>>) target(%dma_start3A_119 : memref<128x32xbf16, #tpu.memory_space<vmem>>) offsets(%dma_start3A_122 : memref<128xi32, #tpu.memory_space<vmem>>) semaphore(%arg14 : memref<!tpu.dma_semaphore, #tpu.memory_space<semaphore_mem>>)
      %dma_start3A_126 = arith.constant 2 : i32
      %dma_start3A_127 = arith.constant 256 : i32
      %dma_start3A_128 = arith.constant 0 : i32
      %dma_start3A_129 = tpu.memref_slice %arg11[%dma_start3A_127, %dma_start3A_128] : memref<512x32xbf16, #tpu.memory_space<vmem>> -> memref<128x32xbf16, #tpu.memory_space<vmem>>
      %dma_start3A_130 = arith.constant 0 : i32
      %dma_start3A_131 = tpu.memref_slice %arg9[%dma_start3A_126, %dma_start3A_130] : memref<4x128xi32, #tpu.memory_space<vmem>> -> memref<1x128xi32, #tpu.memory_space<vmem>>
      %dma_start3A_132 = tpu.memref_squeeze %dma_start3A_131 : memref<1x128xi32, #tpu.memory_space<vmem>> -> memref<128xi32, #tpu.memory_space<vmem>>
      %dma_start3A_133 = arith.constant 0 : i32
      %dma_start3A_134 = arith.constant 0 : i32
      %dma_start3A_135 = tpu.memref_slice %arg2[%dma_start3A_133, %dma_start3A_134] : memref<10240x32xbf16, #tpu.memory_space<hbm>> -> memref<10240x32xbf16, #tpu.memory_space<hbm>>
      tpu.enqueue_indirect_dma source(%dma_start3A_135 : memref<10240x32xbf16, #tpu.memory_space<hbm>>) target(%dma_start3A_129 : memref<128x32xbf16, #tpu.memory_space<vmem>>) offsets(%dma_start3A_132 : memref<128xi32, #tpu.memory_space<vmem>>) semaphore(%arg14 : memref<!tpu.dma_semaphore, #tpu.memory_space<semaphore_mem>>)
      %dma_start3A_136 = arith.constant 3 : i32
      %dma_start3A_137 = arith.constant 384 : i32
      %dma_start3A_138 = arith.constant 0 : i32
      %dma_start3A_139 = tpu.memref_slice %arg11[%dma_start3A_137, %dma_start3A_138] : memref<512x32xbf16, #tpu.memory_space<vmem>> -> memref<128x32xbf16, #tpu.memory_space<vmem>>
      %dma_start3A_140 = arith.constant 0 : i32
      %dma_start3A_141 = tpu.memref_slice %arg9[%dma_start3A_136, %dma_start3A_140] : memref<4x128xi32, #tpu.memory_space<vmem>> -> memref<1x128xi32, #tpu.memory_space<vmem>>
      %dma_start3A_142 = tpu.memref_squeeze %dma_start3A_141 : memref<1x128xi32, #tpu.memory_space<vmem>> -> memref<128xi32, #tpu.memory_space<vmem>>
      %dma_start3A_143 = arith.constant 0 : i32
      %dma_start3A_144 = arith.constant 0 : i32
      %dma_start3A_145 = tpu.memref_slice %arg2[%dma_start3A_143, %dma_start3A_144] : memref<10240x32xbf16, #tpu.memory_space<hbm>> -> memref<10240x32xbf16, #tpu.memory_space<hbm>>
      tpu.enqueue_indirect_dma source(%dma_start3A_145 : memref<10240x32xbf16, #tpu.memory_space<hbm>>) target(%dma_start3A_139 : memref<128x32xbf16, #tpu.memory_space<vmem>>) offsets(%dma_start3A_142 : memref<128xi32, #tpu.memory_space<vmem>>) semaphore(%arg14 : memref<!tpu.dma_semaphore, #tpu.memory_space<semaphore_mem>>)
      %dma_wait3A = arith.constant 0 : i32
      %dma_wait3A_146 = arith.constant 0 : i32
      %dma_wait3A_147 = arith.constant 0 : i32
      %dma_wait3A_148 = tpu.memref_slice %arg8[%dma_wait3A_146, %dma_wait3A_147] : memref<512x32xbf16, #tpu.memory_space<vmem>> -> memref<128x32xbf16, #tpu.memory_space<vmem>>
      %dma_wait3A_149 = arith.constant 0 : i32
      %dma_wait3A_150 = tpu.memref_slice %arg6[%dma_wait3A, %dma_wait3A_149] : memref<4x128xi32, #tpu.memory_space<vmem>> -> memref<1x128xi32, #tpu.memory_space<vmem>>
      %dma_wait3A_151 = tpu.memref_squeeze %dma_wait3A_150 : memref<1x128xi32, #tpu.memory_space<vmem>> -> memref<128xi32, #tpu.memory_space<vmem>>
      %dma_wait3A_152 = arith.constant 0 : i32
      %dma_wait3A_153 = arith.constant 0 : i32
      %dma_wait3A_154 = tpu.memref_slice %arg2[%dma_wait3A_152, %dma_wait3A_153] : memref<10240x32xbf16, #tpu.memory_space<hbm>> -> memref<10240x32xbf16, #tpu.memory_space<hbm>>
      tpu.wait_indirect_dma semaphore(%arg13 : memref<!tpu.dma_semaphore, #tpu.memory_space<semaphore_mem>>) src(%dma_wait3A_154 : memref<10240x32xbf16, #tpu.memory_space<hbm>>) dst(%dma_wait3A_148 : memref<128x32xbf16, #tpu.memory_space<vmem>>)
      %dma_wait3A_155 = arith.constant 1 : i32
      %dma_wait3A_156 = arith.constant 128 : i32
      %dma_wait3A_157 = arith.constant 0 : i32
      %dma_wait3A_158 = tpu.memref_slice %arg8[%dma_wait3A_156, %dma_wait3A_157] : memref<512x32xbf16, #tpu.memory_space<vmem>> -> memref<128x32xbf16, #tpu.memory_space<vmem>>
      %dma_wait3A_159 = arith.constant 0 : i32
      %dma_wait3A_160 = tpu.memref_slice %arg6[%dma_wait3A_155, %dma_wait3A_159] : memref<4x128xi32, #tpu.memory_space<vmem>> -> memref<1x128xi32, #tpu.memory_space<vmem>>
      %dma_wait3A_161 = tpu.memref_squeeze %dma_wait3A_160 : memref<1x128xi32, #tpu.memory_space<vmem>> -> memref<128xi32, #tpu.memory_space<vmem>>
      %dma_wait3A_162 = arith.constant 0 : i32
      %dma_wait3A_163 = arith.constant 0 : i32
      %dma_wait3A_164 = tpu.memref_slice %arg2[%dma_wait3A_162, %dma_wait3A_163] : memref<10240x32xbf16, #tpu.memory_space<hbm>> -> memref<10240x32xbf16, #tpu.memory_space<hbm>>
      tpu.wait_indirect_dma semaphore(%arg13 : memref<!tpu.dma_semaphore, #tpu.memory_space<semaphore_mem>>) src(%dma_wait3A_164 : memref<10240x32xbf16, #tpu.memory_space<hbm>>) dst(%dma_wait3A_158 : memref<128x32xbf16, #tpu.memory_space<vmem>>)
      %dma_wait3A_165 = arith.constant 2 : i32
      %dma_wait3A_166 = arith.constant 256 : i32
      %dma_wait3A_167 = arith.constant 0 : i32
      %dma_wait3A_168 = tpu.memref_slice %arg8[%dma_wait3A_166, %dma_wait3A_167] : memref<512x32xbf16, #tpu.memory_space<vmem>> -> memref<128x32xbf16, #tpu.memory_space<vmem>>
      %dma_wait3A_169 = arith.constant 0 : i32
      %dma_wait3A_170 = tpu.memref_slice %arg6[%dma_wait3A_165, %dma_wait3A_169] : memref<4x128xi32, #tpu.memory_space<vmem>> -> memref<1x128xi32, #tpu.memory_space<vmem>>
      %dma_wait3A_171 = tpu.memref_squeeze %dma_wait3A_170 : memref<1x128xi32, #tpu.memory_space<vmem>> -> memref<128xi32, #tpu.memory_space<vmem>>
      %dma_wait3A_172 = arith.constant 0 : i32
      %dma_wait3A_173 = arith.constant 0 : i32
      %dma_wait3A_174 = tpu.memref_slice %arg2[%dma_wait3A_172, %dma_wait3A_173] : memref<10240x32xbf16, #tpu.memory_space<hbm>> -> memref<10240x32xbf16, #tpu.memory_space<hbm>>
      tpu.wait_indirect_dma semaphore(%arg13 : memref<!tpu.dma_semaphore, #tpu.memory_space<semaphore_mem>>) src(%dma_wait3A_174 : memref<10240x32xbf16, #tpu.memory_space<hbm>>) dst(%dma_wait3A_168 : memref<128x32xbf16, #tpu.memory_space<vmem>>)
      %dma_wait3A_175 = arith.constant 3 : i32
      %dma_wait3A_176 = arith.constant 384 : i32
      %dma_wait3A_177 = arith.constant 0 : i32
      %dma_wait3A_178 = tpu.memref_slice %arg8[%dma_wait3A_176, %dma_wait3A_177] : memref<512x32xbf16, #tpu.memory_space<vmem>> -> memref<128x32xbf16, #tpu.memory_space<vmem>>
      %dma_wait3A_179 = arith.constant 0 : i32
      %dma_wait3A_180 = tpu.memref_slice %arg6[%dma_wait3A_175, %dma_wait3A_179] : memref<4x128xi32, #tpu.memory_space<vmem>> -> memref<1x128xi32, #tpu.memory_space<vmem>>
      %dma_wait3A_181 = tpu.memref_squeeze %dma_wait3A_180 : memref<1x128xi32, #tpu.memory_space<vmem>> -> memref<128xi32, #tpu.memory_space<vmem>>
      %dma_wait3A_182 = arith.constant 0 : i32
      %dma_wait3A_183 = arith.constant 0 : i32
      %dma_wait3A_184 = tpu.memref_slice %arg2[%dma_wait3A_182, %dma_wait3A_183] : memref<10240x32xbf16, #tpu.memory_space<hbm>> -> memref<10240x32xbf16, #tpu.memory_space<hbm>>
      tpu.wait_indirect_dma semaphore(%arg13 : memref<!tpu.dma_semaphore, #tpu.memory_space<semaphore_mem>>) src(%dma_wait3A_184 : memref<10240x32xbf16, #tpu.memory_space<hbm>>) dst(%dma_wait3A_178 : memref<128x32xbf16, #tpu.memory_space<vmem>>)
      %run_scoped3A = arith.constant 0 : i32
      "tpu.region"() ({
        %run_scoped3A_235 = tpu.sem_alloc : memref<!tpu.dma_semaphore, #tpu.memory_space<semaphore_mem>>
        %dma_start3A_236 = arith.constant 0 : i32
        %dma_start3A_237 = arith.constant 0 : i32
        %dma_start3A_238 = tpu.memref_slice %arg8[%dma_start3A_236, %dma_start3A_237] : memref<512x32xbf16, #tpu.memory_space<vmem>> -> memref<128x32xbf16, #tpu.memory_space<vmem>>
        %dma_start3A_239 = arith.constant 0 : i32
        %dma_start3A_240 = tpu.memref_slice %arg7[%run_scoped3A, %dma_start3A_239] : memref<4x128xi32, #tpu.memory_space<vmem>> -> memref<1x128xi32, #tpu.memory_space<vmem>>
        %dma_start3A_241 = tpu.memref_squeeze %dma_start3A_240 : memref<1x128xi32, #tpu.memory_space<vmem>> -> memref<128xi32, #tpu.memory_space<vmem>>
        %dma_start3A_242 = arith.constant 0 : i32
        %dma_start3A_243 = arith.constant 0 : i32
        %dma_start3A_244 = tpu.memref_slice %arg12[%dma_start3A_242, %dma_start3A_243] : memref<10240x32xbf16, #tpu.memory_space<vmem_shared>> -> memref<10240x32xbf16, #tpu.memory_space<vmem_shared>>
        tpu.enqueue_indirect_dma source(%dma_start3A_238 : memref<128x32xbf16, #tpu.memory_space<vmem>>) target(%dma_start3A_244 : memref<10240x32xbf16, #tpu.memory_space<vmem_shared>>) offsets(%dma_start3A_241 : memref<128xi32, #tpu.memory_space<vmem>>) semaphore(%run_scoped3A_235 : memref<!tpu.dma_semaphore, #tpu.memory_space<semaphore_mem>>) {add = true}
        %dma_wait3A_245 = arith.constant 0 : i32
        %dma_wait3A_246 = arith.constant 0 : i32
        %dma_wait3A_247 = tpu.memref_slice %arg8[%dma_wait3A_245, %dma_wait3A_246] : memref<512x32xbf16, #tpu.memory_space<vmem>> -> memref<128x32xbf16, #tpu.memory_space<vmem>>
        %dma_wait3A_248 = arith.constant 0 : i32
        %dma_wait3A_249 = tpu.memref_slice %arg7[%run_scoped3A, %dma_wait3A_248] : memref<4x128xi32, #tpu.memory_space<vmem>> -> memref<1x128xi32, #tpu.memory_space<vmem>>
        %dma_wait3A_250 = tpu.memref_squeeze %dma_wait3A_249 : memref<1x128xi32, #tpu.memory_space<vmem>> -> memref<128xi32, #tpu.memory_space<vmem>>
        %dma_wait3A_251 = arith.constant 0 : i32
        %dma_wait3A_252 = arith.constant 0 : i32
        %dma_wait3A_253 = tpu.memref_slice %arg12[%dma_wait3A_251, %dma_wait3A_252] : memref<10240x32xbf16, #tpu.memory_space<vmem_shared>> -> memref<10240x32xbf16, #tpu.memory_space<vmem_shared>>
        tpu.wait_indirect_dma semaphore(%run_scoped3A_235 : memref<!tpu.dma_semaphore, #tpu.memory_space<semaphore_mem>>) src(%dma_wait3A_247 : memref<128x32xbf16, #tpu.memory_space<vmem>>) dst(%dma_wait3A_253 : memref<10240x32xbf16, #tpu.memory_space<vmem_shared>>)
        tpu.yield
      }) : () -> ()
      %run_scoped3A_185 = arith.constant 1 : i32
      "tpu.region"() ({
        %run_scoped3A_235 = tpu.sem_alloc : memref<!tpu.dma_semaphore, #tpu.memory_space<semaphore_mem>>
        %dma_start3A_236 = arith.constant 128 : i32
        %dma_start3A_237 = arith.constant 0 : i32
        %dma_start3A_238 = tpu.memref_slice %arg8[%dma_start3A_236, %dma_start3A_237] : memref<512x32xbf16, #tpu.memory_space<vmem>> -> memref<128x32xbf16, #tpu.memory_space<vmem>>
        %dma_start3A_239 = arith.constant 0 : i32
        %dma_start3A_240 = tpu.memref_slice %arg7[%run_scoped3A_185, %dma_start3A_239] : memref<4x128xi32, #tpu.memory_space<vmem>> -> memref<1x128xi32, #tpu.memory_space<vmem>>
        %dma_start3A_241 = tpu.memref_squeeze %dma_start3A_240 : memref<1x128xi32, #tpu.memory_space<vmem>> -> memref<128xi32, #tpu.memory_space<vmem>>
        %dma_start3A_242 = arith.constant 0 : i32
        %dma_start3A_243 = arith.constant 0 : i32
        %dma_start3A_244 = tpu.memref_slice %arg12[%dma_start3A_242, %dma_start3A_243] : memref<10240x32xbf16, #tpu.memory_space<vmem_shared>> -> memref<10240x32xbf16, #tpu.memory_space<vmem_shared>>
        tpu.enqueue_indirect_dma source(%dma_start3A_238 : memref<128x32xbf16, #tpu.memory_space<vmem>>) target(%dma_start3A_244 : memref<10240x32xbf16, #tpu.memory_space<vmem_shared>>) offsets(%dma_start3A_241 : memref<128xi32, #tpu.memory_space<vmem>>) semaphore(%run_scoped3A_235 : memref<!tpu.dma_semaphore, #tpu.memory_space<semaphore_mem>>) {add = true}
        %dma_wait3A_245 = arith.constant 128 : i32
        %dma_wait3A_246 = arith.constant 0 : i32
        %dma_wait3A_247 = tpu.memref_slice %arg8[%dma_wait3A_245, %dma_wait3A_246] : memref<512x32xbf16, #tpu.memory_space<vmem>> -> memref<128x32xbf16, #tpu.memory_space<vmem>>
        %dma_wait3A_248 = arith.constant 0 : i32
        %dma_wait3A_249 = tpu.memref_slice %arg7[%run_scoped3A_185, %dma_wait3A_248] : memref<4x128xi32, #tpu.memory_space<vmem>> -> memref<1x128xi32, #tpu.memory_space<vmem>>
        %dma_wait3A_250 = tpu.memref_squeeze %dma_wait3A_249 : memref<1x128xi32, #tpu.memory_space<vmem>> -> memref<128xi32, #tpu.memory_space<vmem>>
        %dma_wait3A_251 = arith.constant 0 : i32
        %dma_wait3A_252 = arith.constant 0 : i32
        %dma_wait3A_253 = tpu.memref_slice %arg12[%dma_wait3A_251, %dma_wait3A_252] : memref<10240x32xbf16, #tpu.memory_space<vmem_shared>> -> memref<10240x32xbf16, #tpu.memory_space<vmem_shared>>
        tpu.wait_indirect_dma semaphore(%run_scoped3A_235 : memref<!tpu.dma_semaphore, #tpu.memory_space<semaphore_mem>>) src(%dma_wait3A_247 : memref<128x32xbf16, #tpu.memory_space<vmem>>) dst(%dma_wait3A_253 : memref<10240x32xbf16, #tpu.memory_space<vmem_shared>>)
        tpu.yield
      }) : () -> ()
      %run_scoped3A_186 = arith.constant 2 : i32
      "tpu.region"() ({
        %run_scoped3A_235 = tpu.sem_alloc : memref<!tpu.dma_semaphore, #tpu.memory_space<semaphore_mem>>
        %dma_start3A_236 = arith.constant 256 : i32
        %dma_start3A_237 = arith.constant 0 : i32
        %dma_start3A_238 = tpu.memref_slice %arg8[%dma_start3A_236, %dma_start3A_237] : memref<512x32xbf16, #tpu.memory_space<vmem>> -> memref<128x32xbf16, #tpu.memory_space<vmem>>
        %dma_start3A_239 = arith.constant 0 : i32
        %dma_start3A_240 = tpu.memref_slice %arg7[%run_scoped3A_186, %dma_start3A_239] : memref<4x128xi32, #tpu.memory_space<vmem>> -> memref<1x128xi32, #tpu.memory_space<vmem>>
        %dma_start3A_241 = tpu.memref_squeeze %dma_start3A_240 : memref<1x128xi32, #tpu.memory_space<vmem>> -> memref<128xi32, #tpu.memory_space<vmem>>
        %dma_start3A_242 = arith.constant 0 : i32
        %dma_start3A_243 = arith.constant 0 : i32
        %dma_start3A_244 = tpu.memref_slice %arg12[%dma_start3A_242, %dma_start3A_243] : memref<10240x32xbf16, #tpu.memory_space<vmem_shared>> -> memref<10240x32xbf16, #tpu.memory_space<vmem_shared>>
        tpu.enqueue_indirect_dma source(%dma_start3A_238 : memref<128x32xbf16, #tpu.memory_space<vmem>>) target(%dma_start3A_244 : memref<10240x32xbf16, #tpu.memory_space<vmem_shared>>) offsets(%dma_start3A_241 : memref<128xi32, #tpu.memory_space<vmem>>) semaphore(%run_scoped3A_235 : memref<!tpu.dma_semaphore, #tpu.memory_space<semaphore_mem>>) {add = true}
        %dma_wait3A_245 = arith.constant 256 : i32
        %dma_wait3A_246 = arith.constant 0 : i32
        %dma_wait3A_247 = tpu.memref_slice %arg8[%dma_wait3A_245, %dma_wait3A_246] : memref<512x32xbf16, #tpu.memory_space<vmem>> -> memref<128x32xbf16, #tpu.memory_space<vmem>>
        %dma_wait3A_248 = arith.constant 0 : i32
        %dma_wait3A_249 = tpu.memref_slice %arg7[%run_scoped3A_186, %dma_wait3A_248] : memref<4x128xi32, #tpu.memory_space<vmem>> -> memref<1x128xi32, #tpu.memory_space<vmem>>
        %dma_wait3A_250 = tpu.memref_squeeze %dma_wait3A_249 : memref<1x128xi32, #tpu.memory_space<vmem>> -> memref<128xi32, #tpu.memory_space<vmem>>
        %dma_wait3A_251 = arith.constant 0 : i32
        %dma_wait3A_252 = arith.constant 0 : i32
        %dma_wait3A_253 = tpu.memref_slice %arg12[%dma_wait3A_251, %dma_wait3A_252] : memref<10240x32xbf16, #tpu.memory_space<vmem_shared>> -> memref<10240x32xbf16, #tpu.memory_space<vmem_shared>>
        tpu.wait_indirect_dma semaphore(%run_scoped3A_235 : memref<!tpu.dma_semaphore, #tpu.memory_space<semaphore_mem>>) src(%dma_wait3A_247 : memref<128x32xbf16, #tpu.memory_space<vmem>>) dst(%dma_wait3A_253 : memref<10240x32xbf16, #tpu.memory_space<vmem_shared>>)
        tpu.yield
      }) : () -> ()
      %run_scoped3A_187 = arith.constant 3 : i32
      "tpu.region"() ({
        %run_scoped3A_235 = tpu.sem_alloc : memref<!tpu.dma_semaphore, #tpu.memory_space<semaphore_mem>>
        %dma_start3A_236 = arith.constant 384 : i32
        %dma_start3A_237 = arith.constant 0 : i32
        %dma_start3A_238 = tpu.memref_slice %arg8[%dma_start3A_236, %dma_start3A_237] : memref<512x32xbf16, #tpu.memory_space<vmem>> -> memref<128x32xbf16, #tpu.memory_space<vmem>>
        %dma_start3A_239 = arith.constant 0 : i32
        %dma_start3A_240 = tpu.memref_slice %arg7[%run_scoped3A_187, %dma_start3A_239] : memref<4x128xi32, #tpu.memory_space<vmem>> -> memref<1x128xi32, #tpu.memory_space<vmem>>
        %dma_start3A_241 = tpu.memref_squeeze %dma_start3A_240 : memref<1x128xi32, #tpu.memory_space<vmem>> -> memref<128xi32, #tpu.memory_space<vmem>>
        %dma_start3A_242 = arith.constant 0 : i32
        %dma_start3A_243 = arith.constant 0 : i32
        %dma_start3A_244 = tpu.memref_slice %arg12[%dma_start3A_242, %dma_start3A_243] : memref<10240x32xbf16, #tpu.memory_space<vmem_shared>> -> memref<10240x32xbf16, #tpu.memory_space<vmem_shared>>
        tpu.enqueue_indirect_dma source(%dma_start3A_238 : memref<128x32xbf16, #tpu.memory_space<vmem>>) target(%dma_start3A_244 : memref<10240x32xbf16, #tpu.memory_space<vmem_shared>>) offsets(%dma_start3A_241 : memref<128xi32, #tpu.memory_space<vmem>>) semaphore(%run_scoped3A_235 : memref<!tpu.dma_semaphore, #tpu.memory_space<semaphore_mem>>) {add = true}
        %dma_wait3A_245 = arith.constant 384 : i32
        %dma_wait3A_246 = arith.constant 0 : i32
        %dma_wait3A_247 = tpu.memref_slice %arg8[%dma_wait3A_245, %dma_wait3A_246] : memref<512x32xbf16, #tpu.memory_space<vmem>> -> memref<128x32xbf16, #tpu.memory_space<vmem>>
        %dma_wait3A_248 = arith.constant 0 : i32
        %dma_wait3A_249 = tpu.memref_slice %arg7[%run_scoped3A_187, %dma_wait3A_248] : memref<4x128xi32, #tpu.memory_space<vmem>> -> memref<1x128xi32, #tpu.memory_space<vmem>>
        %dma_wait3A_250 = tpu.memref_squeeze %dma_wait3A_249 : memref<1x128xi32, #tpu.memory_space<vmem>> -> memref<128xi32, #tpu.memory_space<vmem>>
        %dma_wait3A_251 = arith.constant 0 : i32
        %dma_wait3A_252 = arith.constant 0 : i32
        %dma_wait3A_253 = tpu.memref_slice %arg12[%dma_wait3A_251, %dma_wait3A_252] : memref<10240x32xbf16, #tpu.memory_space<vmem_shared>> -> memref<10240x32xbf16, #tpu.memory_space<vmem_shared>>
        tpu.wait_indirect_dma semaphore(%run_scoped3A_235 : memref<!tpu.dma_semaphore, #tpu.memory_space<semaphore_mem>>) src(%dma_wait3A_247 : memref<128x32xbf16, #tpu.memory_space<vmem>>) dst(%dma_wait3A_253 : memref<10240x32xbf16, #tpu.memory_space<vmem_shared>>)
        tpu.yield
      }) : () -> ()
      %add3A_188 = arith.constant 2 : i32
      %add3A_189 = arith.addi %mul3A_100, %add3A_188 : i32
      %lt3A = arith.cmpi slt, %add3A_189, %select_n3A : i32
      %convert_element_type3A = arith.extui %lt3A : i1 to i32
      %cond3A = arith.constant 0 : i32
      %cond3A_190 = arith.cmpi ne, %convert_element_type3A, %cond3A : i32
      scf.if %cond3A_190 {
        %add3A_235 = arith.constant 2 : i32
        %add3A_236 = arith.addi %mul3A_100, %add3A_235 : i32
        %mul3A_237 = arith.constant 4 : i32
        %mul3A_238 = arith.muli %add3A_236, %mul3A_237 : i32
        %add3A_239 = arith.addi %select_n3A_8, %mul3A_238 : i32
        "tpu.region"() ({
          %run_scoped3A_280 = tpu.sem_alloc : memref<!tpu.dma_semaphore, #tpu.memory_space<semaphore_mem>>
          %dma_start3A_281 = arith.constant 0 : i32
          %dma_start3A_282 = tpu.memref_slice %arg3[%add3A_239, %dma_start3A_281] : memref<2560x128xi32, #tpu.memory_space<hbm>> -> memref<4x128xi32, #tpu.memory_space<hbm>>
          %dma_start3A_283 = arith.constant 0 : i32
          %dma_start3A_284 = tpu.memref_slice %arg3[%add3A_239, %dma_start3A_283] : memref<2560x128xi32, #tpu.memory_space<hbm>> -> memref<4x128xi32, #tpu.memory_space<hbm>>
          tpu.enqueue_dma source(%dma_start3A_284 : memref<4x128xi32, #tpu.memory_space<hbm>>) target(%arg6 : memref<4x128xi32, #tpu.memory_space<vmem>>) target_semaphore(%run_scoped3A_280 : memref<!tpu.dma_semaphore, #tpu.memory_space<semaphore_mem>>)
          %dma_wait3A_285 = arith.constant 0 : i32
          %dma_wait3A_286 = tpu.memref_slice %arg3[%add3A_239, %dma_wait3A_285] : memref<2560x128xi32, #tpu.memory_space<hbm>> -> memref<4x128xi32, #tpu.memory_space<hbm>>
          %dma_wait3A_287 = arith.constant 0 : i32
          %dma_wait3A_288 = tpu.memref_slice %arg3[%add3A_239, %dma_wait3A_287] : memref<2560x128xi32, #tpu.memory_space<hbm>> -> memref<4x128xi32, #tpu.memory_space<hbm>>
          tpu.wait_dma2 semaphore(%run_scoped3A_280 : memref<!tpu.dma_semaphore, #tpu.memory_space<semaphore_mem>>) src(%dma_wait3A_288 : memref<4x128xi32, #tpu.memory_space<hbm>>) dst(%arg6 : memref<4x128xi32, #tpu.memory_space<vmem>>)
          tpu.yield
        }) : () -> ()
        "tpu.region"() ({
          %run_scoped3A_280 = tpu.sem_alloc : memref<!tpu.dma_semaphore, #tpu.memory_space<semaphore_mem>>
          %dma_start3A_281 = arith.constant 0 : i32
          %dma_start3A_282 = tpu.memref_slice %arg4[%add3A_239, %dma_start3A_281] : memref<2560x128xi32, #tpu.memory_space<hbm>> -> memref<4x128xi32, #tpu.memory_space<hbm>>
          %dma_start3A_283 = arith.constant 0 : i32
          %dma_start3A_284 = tpu.memref_slice %arg4[%add3A_239, %dma_start3A_283] : memref<2560x128xi32, #tpu.memory_space<hbm>> -> memref<4x128xi32, #tpu.memory_space<hbm>>
          tpu.enqueue_dma source(%dma_start3A_284 : memref<4x128xi32, #tpu.memory_space<hbm>>) target(%arg7 : memref<4x128xi32, #tpu.memory_space<vmem>>) target_semaphore(%run_scoped3A_280 : memref<!tpu.dma_semaphore, #tpu.memory_space<semaphore_mem>>)
          %dma_wait3A_285 = arith.constant 0 : i32
          %dma_wait3A_286 = tpu.memref_slice %arg4[%add3A_239, %dma_wait3A_285] : memref<2560x128xi32, #tpu.memory_space<hbm>> -> memref<4x128xi32, #tpu.memory_space<hbm>>
          %dma_wait3A_287 = arith.constant 0 : i32
          %dma_wait3A_288 = tpu.memref_slice %arg4[%add3A_239, %dma_wait3A_287] : memref<2560x128xi32, #tpu.memory_space<hbm>> -> memref<4x128xi32, #tpu.memory_space<hbm>>
          tpu.wait_dma2 semaphore(%run_scoped3A_280 : memref<!tpu.dma_semaphore, #tpu.memory_space<semaphore_mem>>) src(%dma_wait3A_288 : memref<4x128xi32, #tpu.memory_space<hbm>>) dst(%arg7 : memref<4x128xi32, #tpu.memory_space<vmem>>)
          tpu.yield
        }) : () -> ()
        %dma_start3A_240 = arith.constant 0 : i32
        %dma_start3A_241 = arith.constant 0 : i32
        %dma_start3A_242 = arith.constant 0 : i32
        %dma_start3A_243 = tpu.memref_slice %arg8[%dma_start3A_241, %dma_start3A_242] : memref<512x32xbf16, #tpu.memory_space<vmem>> -> memref<128x32xbf16, #tpu.memory_space<vmem>>
        %dma_start3A_244 = arith.constant 0 : i32
        %dma_start3A_245 = tpu.memref_slice %arg6[%dma_start3A_240, %dma_start3A_244] : memref<4x128xi32, #tpu.memory_space<vmem>> -> memref<1x128xi32, #tpu.memory_space<vmem>>
        %dma_start3A_246 = tpu.memref_squeeze %dma_start3A_245 : memref<1x128xi32, #tpu.memory_space<vmem>> -> memref<128xi32, #tpu.memory_space<vmem>>
        %dma_start3A_247 = arith.constant 0 : i32
        %dma_start3A_248 = arith.constant 0 : i32
        %dma_start3A_249 = tpu.memref_slice %arg2[%dma_start3A_247, %dma_start3A_248] : memref<10240x32xbf16, #tpu.memory_space<hbm>> -> memref<10240x32xbf16, #tpu.memory_space<hbm>>
        tpu.enqueue_indirect_dma source(%dma_start3A_249 : memref<10240x32xbf16, #tpu.memory_space<hbm>>) target(%dma_start3A_243 : memref<128x32xbf16, #tpu.memory_space<vmem>>) offsets(%dma_start3A_246 : memref<128xi32, #tpu.memory_space<vmem>>) semaphore(%arg13 : memref<!tpu.dma_semaphore, #tpu.memory_space<semaphore_mem>>)
        %dma_start3A_250 = arith.constant 1 : i32
        %dma_start3A_251 = arith.constant 128 : i32
        %dma_start3A_252 = arith.constant 0 : i32
        %dma_start3A_253 = tpu.memref_slice %arg8[%dma_start3A_251, %dma_start3A_252] : memref<512x32xbf16, #tpu.memory_space<vmem>> -> memref<128x32xbf16, #tpu.memory_space<vmem>>
        %dma_start3A_254 = arith.constant 0 : i32
        %dma_start3A_255 = tpu.memref_slice %arg6[%dma_start3A_250, %dma_start3A_254] : memref<4x128xi32, #tpu.memory_space<vmem>> -> memref<1x128xi32, #tpu.memory_space<vmem>>
        %dma_start3A_256 = tpu.memref_squeeze %dma_start3A_255 : memref<1x128xi32, #tpu.memory_space<vmem>> -> memref<128xi32, #tpu.memory_space<vmem>>
        %dma_start3A_257 = arith.constant 0 : i32
        %dma_start3A_258 = arith.constant 0 : i32
        %dma_start3A_259 = tpu.memref_slice %arg2[%dma_start3A_257, %dma_start3A_258] : memref<10240x32xbf16, #tpu.memory_space<hbm>> -> memref<10240x32xbf16, #tpu.memory_space<hbm>>
        tpu.enqueue_indirect_dma source(%dma_start3A_259 : memref<10240x32xbf16, #tpu.memory_space<hbm>>) target(%dma_start3A_253 : memref<128x32xbf16, #tpu.memory_space<vmem>>) offsets(%dma_start3A_256 : memref<128xi32, #tpu.memory_space<vmem>>) semaphore(%arg13 : memref<!tpu.dma_semaphore, #tpu.memory_space<semaphore_mem>>)
        %dma_start3A_260 = arith.constant 2 : i32
        %dma_start3A_261 = arith.constant 256 : i32
        %dma_start3A_262 = arith.constant 0 : i32
        %dma_start3A_263 = tpu.memref_slice %arg8[%dma_start3A_261, %dma_start3A_262] : memref<512x32xbf16, #tpu.memory_space<vmem>> -> memref<128x32xbf16, #tpu.memory_space<vmem>>
        %dma_start3A_264 = arith.constant 0 : i32
        %dma_start3A_265 = tpu.memref_slice %arg6[%dma_start3A_260, %dma_start3A_264] : memref<4x128xi32, #tpu.memory_space<vmem>> -> memref<1x128xi32, #tpu.memory_space<vmem>>
        %dma_start3A_266 = tpu.memref_squeeze %dma_start3A_265 : memref<1x128xi32, #tpu.memory_space<vmem>> -> memref<128xi32, #tpu.memory_space<vmem>>
        %dma_start3A_267 = arith.constant 0 : i32
        %dma_start3A_268 = arith.constant 0 : i32
        %dma_start3A_269 = tpu.memref_slice %arg2[%dma_start3A_267, %dma_start3A_268] : memref<10240x32xbf16, #tpu.memory_space<hbm>> -> memref<10240x32xbf16, #tpu.memory_space<hbm>>
        tpu.enqueue_indirect_dma source(%dma_start3A_269 : memref<10240x32xbf16, #tpu.memory_space<hbm>>) target(%dma_start3A_263 : memref<128x32xbf16, #tpu.memory_space<vmem>>) offsets(%dma_start3A_266 : memref<128xi32, #tpu.memory_space<vmem>>) semaphore(%arg13 : memref<!tpu.dma_semaphore, #tpu.memory_space<semaphore_mem>>)
        %dma_start3A_270 = arith.constant 3 : i32
        %dma_start3A_271 = arith.constant 384 : i32
        %dma_start3A_272 = arith.constant 0 : i32
        %dma_start3A_273 = tpu.memref_slice %arg8[%dma_start3A_271, %dma_start3A_272] : memref<512x32xbf16, #tpu.memory_space<vmem>> -> memref<128x32xbf16, #tpu.memory_space<vmem>>
        %dma_start3A_274 = arith.constant 0 : i32
        %dma_start3A_275 = tpu.memref_slice %arg6[%dma_start3A_270, %dma_start3A_274] : memref<4x128xi32, #tpu.memory_space<vmem>> -> memref<1x128xi32, #tpu.memory_space<vmem>>
        %dma_start3A_276 = tpu.memref_squeeze %dma_start3A_275 : memref<1x128xi32, #tpu.memory_space<vmem>> -> memref<128xi32, #tpu.memory_space<vmem>>
        %dma_start3A_277 = arith.constant 0 : i32
        %dma_start3A_278 = arith.constant 0 : i32
        %dma_start3A_279 = tpu.memref_slice %arg2[%dma_start3A_277, %dma_start3A_278] : memref<10240x32xbf16, #tpu.memory_space<hbm>> -> memref<10240x32xbf16, #tpu.memory_space<hbm>>
        tpu.enqueue_indirect_dma source(%dma_start3A_279 : memref<10240x32xbf16, #tpu.memory_space<hbm>>) target(%dma_start3A_273 : memref<128x32xbf16, #tpu.memory_space<vmem>>) offsets(%dma_start3A_276 : memref<128xi32, #tpu.memory_space<vmem>>) semaphore(%arg13 : memref<!tpu.dma_semaphore, #tpu.memory_space<semaphore_mem>>)
      } else {
      }
      %dma_wait3A_191 = arith.constant 0 : i32
      %dma_wait3A_192 = arith.constant 0 : i32
      %dma_wait3A_193 = arith.constant 0 : i32
      %dma_wait3A_194 = tpu.memref_slice %arg11[%dma_wait3A_192, %dma_wait3A_193] : memref<512x32xbf16, #tpu.memory_space<vmem>> -> memref<128x32xbf16, #tpu.memory_space<vmem>>
      %dma_wait3A_195 = arith.constant 0 : i32
      %dma_wait3A_196 = tpu.memref_slice %arg9[%dma_wait3A_191, %dma_wait3A_195] : memref<4x128xi32, #tpu.memory_space<vmem>> -> memref<1x128xi32, #tpu.memory_space<vmem>>
      %dma_wait3A_197 = tpu.memref_squeeze %dma_wait3A_196 : memref<1x128xi32, #tpu.memory_space<vmem>> -> memref<128xi32, #tpu.memory_space<vmem>>
      %dma_wait3A_198 = arith.constant 0 : i32
      %dma_wait3A_199 = arith.constant 0 : i32
      %dma_wait3A_200 = tpu.memref_slice %arg2[%dma_wait3A_198, %dma_wait3A_199] : memref<10240x32xbf16, #tpu.memory_space<hbm>> -> memref<10240x32xbf16, #tpu.memory_space<hbm>>
      tpu.wait_indirect_dma semaphore(%arg14 : memref<!tpu.dma_semaphore, #tpu.memory_space<semaphore_mem>>) src(%dma_wait3A_200 : memref<10240x32xbf16, #tpu.memory_space<hbm>>) dst(%dma_wait3A_194 : memref<128x32xbf16, #tpu.memory_space<vmem>>)
      %dma_wait3A_201 = arith.constant 1 : i32
      %dma_wait3A_202 = arith.constant 128 : i32
      %dma_wait3A_203 = arith.constant 0 : i32
      %dma_wait3A_204 = tpu.memref_slice %arg11[%dma_wait3A_202, %dma_wait3A_203] : memref<512x32xbf16, #tpu.memory_space<vmem>> -> memref<128x32xbf16, #tpu.memory_space<vmem>>
      %dma_wait3A_205 = arith.constant 0 : i32
      %dma_wait3A_206 = tpu.memref_slice %arg9[%dma_wait3A_201, %dma_wait3A_205] : memref<4x128xi32, #tpu.memory_space<vmem>> -> memref<1x128xi32, #tpu.memory_space<vmem>>
      %dma_wait3A_207 = tpu.memref_squeeze %dma_wait3A_206 : memref<1x128xi32, #tpu.memory_space<vmem>> -> memref<128xi32, #tpu.memory_space<vmem>>
      %dma_wait3A_208 = arith.constant 0 : i32
      %dma_wait3A_209 = arith.constant 0 : i32
      %dma_wait3A_210 = tpu.memref_slice %arg2[%dma_wait3A_208, %dma_wait3A_209] : memref<10240x32xbf16, #tpu.memory_space<hbm>> -> memref<10240x32xbf16, #tpu.memory_space<hbm>>
      tpu.wait_indirect_dma semaphore(%arg14 : memref<!tpu.dma_semaphore, #tpu.memory_space<semaphore_mem>>) src(%dma_wait3A_210 : memref<10240x32xbf16, #tpu.memory_space<hbm>>) dst(%dma_wait3A_204 : memref<128x32xbf16, #tpu.memory_space<vmem>>)
      %dma_wait3A_211 = arith.constant 2 : i32
      %dma_wait3A_212 = arith.constant 256 : i32
      %dma_wait3A_213 = arith.constant 0 : i32
      %dma_wait3A_214 = tpu.memref_slice %arg11[%dma_wait3A_212, %dma_wait3A_213] : memref<512x32xbf16, #tpu.memory_space<vmem>> -> memref<128x32xbf16, #tpu.memory_space<vmem>>
      %dma_wait3A_215 = arith.constant 0 : i32
      %dma_wait3A_216 = tpu.memref_slice %arg9[%dma_wait3A_211, %dma_wait3A_215] : memref<4x128xi32, #tpu.memory_space<vmem>> -> memref<1x128xi32, #tpu.memory_space<vmem>>
      %dma_wait3A_217 = tpu.memref_squeeze %dma_wait3A_216 : memref<1x128xi32, #tpu.memory_space<vmem>> -> memref<128xi32, #tpu.memory_space<vmem>>
      %dma_wait3A_218 = arith.constant 0 : i32
      %dma_wait3A_219 = arith.constant 0 : i32
      %dma_wait3A_220 = tpu.memref_slice %arg2[%dma_wait3A_218, %dma_wait3A_219] : memref<10240x32xbf16, #tpu.memory_space<hbm>> -> memref<10240x32xbf16, #tpu.memory_space<hbm>>
      tpu.wait_indirect_dma semaphore(%arg14 : memref<!tpu.dma_semaphore, #tpu.memory_space<semaphore_mem>>) src(%dma_wait3A_220 : memref<10240x32xbf16, #tpu.memory_space<hbm>>) dst(%dma_wait3A_214 : memref<128x32xbf16, #tpu.memory_space<vmem>>)
      %dma_wait3A_221 = arith.constant 3 : i32
      %dma_wait3A_222 = arith.constant 384 : i32
      %dma_wait3A_223 = arith.constant 0 : i32
      %dma_wait3A_224 = tpu.memref_slice %arg11[%dma_wait3A_222, %dma_wait3A_223] : memref<512x32xbf16, #tpu.memory_space<vmem>> -> memref<128x32xbf16, #tpu.memory_space<vmem>>
      %dma_wait3A_225 = arith.constant 0 : i32
      %dma_wait3A_226 = tpu.memref_slice %arg9[%dma_wait3A_221, %dma_wait3A_225] : memref<4x128xi32, #tpu.memory_space<vmem>> -> memref<1x128xi32, #tpu.memory_space<vmem>>
      %dma_wait3A_227 = tpu.memref_squeeze %dma_wait3A_226 : memref<1x128xi32, #tpu.memory_space<vmem>> -> memref<128xi32, #tpu.memory_space<vmem>>
      %dma_wait3A_228 = arith.constant 0 : i32
      %dma_wait3A_229 = arith.constant 0 : i32
      %dma_wait3A_230 = tpu.memref_slice %arg2[%dma_wait3A_228, %dma_wait3A_229] : memref<10240x32xbf16, #tpu.memory_space<hbm>> -> memref<10240x32xbf16, #tpu.memory_space<hbm>>
      tpu.wait_indirect_dma semaphore(%arg14 : memref<!tpu.dma_semaphore, #tpu.memory_space<semaphore_mem>>) src(%dma_wait3A_230 : memref<10240x32xbf16, #tpu.memory_space<hbm>>) dst(%dma_wait3A_224 : memref<128x32xbf16, #tpu.memory_space<vmem>>)
      %run_scoped3A_231 = arith.constant 0 : i32
      "tpu.region"() ({
        %run_scoped3A_235 = tpu.sem_alloc : memref<!tpu.dma_semaphore, #tpu.memory_space<semaphore_mem>>
        %dma_start3A_236 = arith.constant 0 : i32
        %dma_start3A_237 = arith.constant 0 : i32
        %dma_start3A_238 = tpu.memref_slice %arg11[%dma_start3A_236, %dma_start3A_237] : memref<512x32xbf16, #tpu.memory_space<vmem>> -> memref<128x32xbf16, #tpu.memory_space<vmem>>
        %dma_start3A_239 = arith.constant 0 : i32
        %dma_start3A_240 = tpu.memref_slice %arg10[%run_scoped3A_231, %dma_start3A_239] : memref<4x128xi32, #tpu.memory_space<vmem>> -> memref<1x128xi32, #tpu.memory_space<vmem>>
        %dma_start3A_241 = tpu.memref_squeeze %dma_start3A_240 : memref<1x128xi32, #tpu.memory_space<vmem>> -> memref<128xi32, #tpu.memory_space<vmem>>
        %dma_start3A_242 = arith.constant 0 : i32
        %dma_start3A_243 = arith.constant 0 : i32
        %dma_start3A_244 = tpu.memref_slice %arg12[%dma_start3A_242, %dma_start3A_243] : memref<10240x32xbf16, #tpu.memory_space<vmem_shared>> -> memref<10240x32xbf16, #tpu.memory_space<vmem_shared>>
        tpu.enqueue_indirect_dma source(%dma_start3A_238 : memref<128x32xbf16, #tpu.memory_space<vmem>>) target(%dma_start3A_244 : memref<10240x32xbf16, #tpu.memory_space<vmem_shared>>) offsets(%dma_start3A_241 : memref<128xi32, #tpu.memory_space<vmem>>) semaphore(%run_scoped3A_235 : memref<!tpu.dma_semaphore, #tpu.memory_space<semaphore_mem>>) {add = true}
        %dma_wait3A_245 = arith.constant 0 : i32
        %dma_wait3A_246 = arith.constant 0 : i32
        %dma_wait3A_247 = tpu.memref_slice %arg11[%dma_wait3A_245, %dma_wait3A_246] : memref<512x32xbf16, #tpu.memory_space<vmem>> -> memref<128x32xbf16, #tpu.memory_space<vmem>>
        %dma_wait3A_248 = arith.constant 0 : i32
        %dma_wait3A_249 = tpu.memref_slice %arg10[%run_scoped3A_231, %dma_wait3A_248] : memref<4x128xi32, #tpu.memory_space<vmem>> -> memref<1x128xi32, #tpu.memory_space<vmem>>
        %dma_wait3A_250 = tpu.memref_squeeze %dma_wait3A_249 : memref<1x128xi32, #tpu.memory_space<vmem>> -> memref<128xi32, #tpu.memory_space<vmem>>
        %dma_wait3A_251 = arith.constant 0 : i32
        %dma_wait3A_252 = arith.constant 0 : i32
        %dma_wait3A_253 = tpu.memref_slice %arg12[%dma_wait3A_251, %dma_wait3A_252] : memref<10240x32xbf16, #tpu.memory_space<vmem_shared>> -> memref<10240x32xbf16, #tpu.memory_space<vmem_shared>>
        tpu.wait_indirect_dma semaphore(%run_scoped3A_235 : memref<!tpu.dma_semaphore, #tpu.memory_space<semaphore_mem>>) src(%dma_wait3A_247 : memref<128x32xbf16, #tpu.memory_space<vmem>>) dst(%dma_wait3A_253 : memref<10240x32xbf16, #tpu.memory_space<vmem_shared>>)
        tpu.yield
      }) : () -> ()
      %run_scoped3A_232 = arith.constant 1 : i32
      "tpu.region"() ({
        %run_scoped3A_235 = tpu.sem_alloc : memref<!tpu.dma_semaphore, #tpu.memory_space<semaphore_mem>>
        %dma_start3A_236 = arith.constant 128 : i32
        %dma_start3A_237 = arith.constant 0 : i32
        %dma_start3A_238 = tpu.memref_slice %arg11[%dma_start3A_236, %dma_start3A_237] : memref<512x32xbf16, #tpu.memory_space<vmem>> -> memref<128x32xbf16, #tpu.memory_space<vmem>>
        %dma_start3A_239 = arith.constant 0 : i32
        %dma_start3A_240 = tpu.memref_slice %arg10[%run_scoped3A_232, %dma_start3A_239] : memref<4x128xi32, #tpu.memory_space<vmem>> -> memref<1x128xi32, #tpu.memory_space<vmem>>
        %dma_start3A_241 = tpu.memref_squeeze %dma_start3A_240 : memref<1x128xi32, #tpu.memory_space<vmem>> -> memref<128xi32, #tpu.memory_space<vmem>>
        %dma_start3A_242 = arith.constant 0 : i32
        %dma_start3A_243 = arith.constant 0 : i32
        %dma_start3A_244 = tpu.memref_slice %arg12[%dma_start3A_242, %dma_start3A_243] : memref<10240x32xbf16, #tpu.memory_space<vmem_shared>> -> memref<10240x32xbf16, #tpu.memory_space<vmem_shared>>
        tpu.enqueue_indirect_dma source(%dma_start3A_238 : memref<128x32xbf16, #tpu.memory_space<vmem>>) target(%dma_start3A_244 : memref<10240x32xbf16, #tpu.memory_space<vmem_shared>>) offsets(%dma_start3A_241 : memref<128xi32, #tpu.memory_space<vmem>>) semaphore(%run_scoped3A_235 : memref<!tpu.dma_semaphore, #tpu.memory_space<semaphore_mem>>) {add = true}
        %dma_wait3A_245 = arith.constant 128 : i32
        %dma_wait3A_246 = arith.constant 0 : i32
        %dma_wait3A_247 = tpu.memref_slice %arg11[%dma_wait3A_245, %dma_wait3A_246] : memref<512x32xbf16, #tpu.memory_space<vmem>> -> memref<128x32xbf16, #tpu.memory_space<vmem>>
        %dma_wait3A_248 = arith.constant 0 : i32
        %dma_wait3A_249 = tpu.memref_slice %arg10[%run_scoped3A_232, %dma_wait3A_248] : memref<4x128xi32, #tpu.memory_space<vmem>> -> memref<1x128xi32, #tpu.memory_space<vmem>>
        %dma_wait3A_250 = tpu.memref_squeeze %dma_wait3A_249 : memref<1x128xi32, #tpu.memory_space<vmem>> -> memref<128xi32, #tpu.memory_space<vmem>>
        %dma_wait3A_251 = arith.constant 0 : i32
        %dma_wait3A_252 = arith.constant 0 : i32
        %dma_wait3A_253 = tpu.memref_slice %arg12[%dma_wait3A_251, %dma_wait3A_252] : memref<10240x32xbf16, #tpu.memory_space<vmem_shared>> -> memref<10240x32xbf16, #tpu.memory_space<vmem_shared>>
        tpu.wait_indirect_dma semaphore(%run_scoped3A_235 : memref<!tpu.dma_semaphore, #tpu.memory_space<semaphore_mem>>) src(%dma_wait3A_247 : memref<128x32xbf16, #tpu.memory_space<vmem>>) dst(%dma_wait3A_253 : memref<10240x32xbf16, #tpu.memory_space<vmem_shared>>)
        tpu.yield
      }) : () -> ()
      %run_scoped3A_233 = arith.constant 2 : i32
      "tpu.region"() ({
        %run_scoped3A_235 = tpu.sem_alloc : memref<!tpu.dma_semaphore, #tpu.memory_space<semaphore_mem>>
        %dma_start3A_236 = arith.constant 256 : i32
        %dma_start3A_237 = arith.constant 0 : i32
        %dma_start3A_238 = tpu.memref_slice %arg11[%dma_start3A_236, %dma_start3A_237] : memref<512x32xbf16, #tpu.memory_space<vmem>> -> memref<128x32xbf16, #tpu.memory_space<vmem>>
        %dma_start3A_239 = arith.constant 0 : i32
        %dma_start3A_240 = tpu.memref_slice %arg10[%run_scoped3A_233, %dma_start3A_239] : memref<4x128xi32, #tpu.memory_space<vmem>> -> memref<1x128xi32, #tpu.memory_space<vmem>>
        %dma_start3A_241 = tpu.memref_squeeze %dma_start3A_240 : memref<1x128xi32, #tpu.memory_space<vmem>> -> memref<128xi32, #tpu.memory_space<vmem>>
        %dma_start3A_242 = arith.constant 0 : i32
        %dma_start3A_243 = arith.constant 0 : i32
        %dma_start3A_244 = tpu.memref_slice %arg12[%dma_start3A_242, %dma_start3A_243] : memref<10240x32xbf16, #tpu.memory_space<vmem_shared>> -> memref<10240x32xbf16, #tpu.memory_space<vmem_shared>>
        tpu.enqueue_indirect_dma source(%dma_start3A_238 : memref<128x32xbf16, #tpu.memory_space<vmem>>) target(%dma_start3A_244 : memref<10240x32xbf16, #tpu.memory_space<vmem_shared>>) offsets(%dma_start3A_241 : memref<128xi32, #tpu.memory_space<vmem>>) semaphore(%run_scoped3A_235 : memref<!tpu.dma_semaphore, #tpu.memory_space<semaphore_mem>>) {add = true}
        %dma_wait3A_245 = arith.constant 256 : i32
        %dma_wait3A_246 = arith.constant 0 : i32
        %dma_wait3A_247 = tpu.memref_slice %arg11[%dma_wait3A_245, %dma_wait3A_246] : memref<512x32xbf16, #tpu.memory_space<vmem>> -> memref<128x32xbf16, #tpu.memory_space<vmem>>
        %dma_wait3A_248 = arith.constant 0 : i32
        %dma_wait3A_249 = tpu.memref_slice %arg10[%run_scoped3A_233, %dma_wait3A_248] : memref<4x128xi32, #tpu.memory_space<vmem>> -> memref<1x128xi32, #tpu.memory_space<vmem>>
        %dma_wait3A_250 = tpu.memref_squeeze %dma_wait3A_249 : memref<1x128xi32, #tpu.memory_space<vmem>> -> memref<128xi32, #tpu.memory_space<vmem>>
        %dma_wait3A_251 = arith.constant 0 : i32
        %dma_wait3A_252 = arith.constant 0 : i32
        %dma_wait3A_253 = tpu.memref_slice %arg12[%dma_wait3A_251, %dma_wait3A_252] : memref<10240x32xbf16, #tpu.memory_space<vmem_shared>> -> memref<10240x32xbf16, #tpu.memory_space<vmem_shared>>
        tpu.wait_indirect_dma semaphore(%run_scoped3A_235 : memref<!tpu.dma_semaphore, #tpu.memory_space<semaphore_mem>>) src(%dma_wait3A_247 : memref<128x32xbf16, #tpu.memory_space<vmem>>) dst(%dma_wait3A_253 : memref<10240x32xbf16, #tpu.memory_space<vmem_shared>>)
        tpu.yield
      }) : () -> ()
      %run_scoped3A_234 = arith.constant 3 : i32
      "tpu.region"() ({
        %run_scoped3A_235 = tpu.sem_alloc : memref<!tpu.dma_semaphore, #tpu.memory_space<semaphore_mem>>
        %dma_start3A_236 = arith.constant 384 : i32
        %dma_start3A_237 = arith.constant 0 : i32
        %dma_start3A_238 = tpu.memref_slice %arg11[%dma_start3A_236, %dma_start3A_237] : memref<512x32xbf16, #tpu.memory_space<vmem>> -> memref<128x32xbf16, #tpu.memory_space<vmem>>
        %dma_start3A_239 = arith.constant 0 : i32
        %dma_start3A_240 = tpu.memref_slice %arg10[%run_scoped3A_234, %dma_start3A_239] : memref<4x128xi32, #tpu.memory_space<vmem>> -> memref<1x128xi32, #tpu.memory_space<vmem>>
        %dma_start3A_241 = tpu.memref_squeeze %dma_start3A_240 : memref<1x128xi32, #tpu.memory_space<vmem>> -> memref<128xi32, #tpu.memory_space<vmem>>
        %dma_start3A_242 = arith.constant 0 : i32
        %dma_start3A_243 = arith.constant 0 : i32
        %dma_start3A_244 = tpu.memref_slice %arg12[%dma_start3A_242, %dma_start3A_243] : memref<10240x32xbf16, #tpu.memory_space<vmem_shared>> -> memref<10240x32xbf16, #tpu.memory_space<vmem_shared>>
        tpu.enqueue_indirect_dma source(%dma_start3A_238 : memref<128x32xbf16, #tpu.memory_space<vmem>>) target(%dma_start3A_244 : memref<10240x32xbf16, #tpu.memory_space<vmem_shared>>) offsets(%dma_start3A_241 : memref<128xi32, #tpu.memory_space<vmem>>) semaphore(%run_scoped3A_235 : memref<!tpu.dma_semaphore, #tpu.memory_space<semaphore_mem>>) {add = true}
        %dma_wait3A_245 = arith.constant 384 : i32
        %dma_wait3A_246 = arith.constant 0 : i32
        %dma_wait3A_247 = tpu.memref_slice %arg11[%dma_wait3A_245, %dma_wait3A_246] : memref<512x32xbf16, #tpu.memory_space<vmem>> -> memref<128x32xbf16, #tpu.memory_space<vmem>>
        %dma_wait3A_248 = arith.constant 0 : i32
        %dma_wait3A_249 = tpu.memref_slice %arg10[%run_scoped3A_234, %dma_wait3A_248] : memref<4x128xi32, #tpu.memory_space<vmem>> -> memref<1x128xi32, #tpu.memory_space<vmem>>
        %dma_wait3A_250 = tpu.memref_squeeze %dma_wait3A_249 : memref<1x128xi32, #tpu.memory_space<vmem>> -> memref<128xi32, #tpu.memory_space<vmem>>
        %dma_wait3A_251 = arith.constant 0 : i32
        %dma_wait3A_252 = arith.constant 0 : i32
        %dma_wait3A_253 = tpu.memref_slice %arg12[%dma_wait3A_251, %dma_wait3A_252] : memref<10240x32xbf16, #tpu.memory_space<vmem_shared>> -> memref<10240x32xbf16, #tpu.memory_space<vmem_shared>>
        tpu.wait_indirect_dma semaphore(%run_scoped3A_235 : memref<!tpu.dma_semaphore, #tpu.memory_space<semaphore_mem>>) src(%dma_wait3A_247 : memref<128x32xbf16, #tpu.memory_space<vmem>>) dst(%dma_wait3A_253 : memref<10240x32xbf16, #tpu.memory_space<vmem_shared>>)
        tpu.yield
      }) : () -> ()
    }
    %barrier3A_90 = arith.constant 0 : index
    tpu.barrier barrier_id(%barrier3A_90)
    %mul3A_91 = arith.constant 640 : i32
    %mul3A_92 = arith.muli %arg1, %mul3A_91 : i32
    %mul3A_93 = arith.constant 10240 : i32
    %mul3A_94 = arith.muli %arg0, %mul3A_93 : i32
    %mul3A_95 = arith.constant 640 : i32
    %mul3A_96 = arith.muli %arg1, %mul3A_95 : i32
    %add3A_97 = arith.addi %mul3A_94, %mul3A_96 : i32
    "tpu.region"() ({
      %run_scoped3A = tpu.sem_alloc : memref<!tpu.dma_semaphore, #tpu.memory_space<semaphore_mem>>
      %dma_start3A_98 = arith.constant 0 : i32
      %dma_start3A_99 = tpu.memref_slice %arg5[%add3A_97, %dma_start3A_98] : memref<20480x32xbf16, #tpu.memory_space<hbm>> -> memref<640x32xbf16, #tpu.memory_space<hbm>>
      %dma_start3A_100 = arith.constant 0 : i32
      %dma_start3A_101 = tpu.memref_slice %arg12[%mul3A_92, %dma_start3A_100] : memref<10240x32xbf16, #tpu.memory_space<vmem_shared>> -> memref<640x32xbf16, #tpu.memory_space<vmem_shared>>
      tpu.enqueue_dma source(%dma_start3A_101 : memref<640x32xbf16, #tpu.memory_space<vmem_shared>>) target(%dma_start3A_99 : memref<640x32xbf16, #tpu.memory_space<hbm>>) target_semaphore(%run_scoped3A : memref<!tpu.dma_semaphore, #tpu.memory_space<semaphore_mem>>)
      %dma_wait3A = arith.constant 0 : i32
      %dma_wait3A_102 = tpu.memref_slice %arg5[%add3A_97, %dma_wait3A] : memref<20480x32xbf16, #tpu.memory_space<hbm>> -> memref<640x32xbf16, #tpu.memory_space<hbm>>
      %dma_wait3A_103 = arith.constant 0 : i32
      %dma_wait3A_104 = tpu.memref_slice %arg12[%mul3A_92, %dma_wait3A_103] : memref<10240x32xbf16, #tpu.memory_space<vmem_shared>> -> memref<640x32xbf16, #tpu.memory_space<vmem_shared>>
      tpu.wait_dma2 semaphore(%run_scoped3A : memref<!tpu.dma_semaphore, #tpu.memory_space<semaphore_mem>>) src(%dma_wait3A_104 : memref<640x32xbf16, #tpu.memory_space<vmem_shared>>) dst(%dma_wait3A_102 : memref<640x32xbf16, #tpu.memory_space<hbm>>)
      tpu.yield
    }) : () -> ()
    return
  }
}

module attributes {stable_mosaic.version = 14 : i64} {
  func.func @_mm1_body(%arg0: i32, %arg1: memref<1000x128xf32, #tpu.memory_space<vmem>>, %arg2: memref<128x128xf32, #tpu.memory_space<vmem>>, %arg3: memref<1000x128xbf16, #tpu.memory_space<vmem>>) attributes {dimension_semantics = [#tpu.dimension_semantics<arbitrary>], iteration_bounds = array<i64: 10>, scalar_prefetch = 0 : i64, scratch_operands = 0 : i64, tpu.core_type = #tpu.core_type<tc>, window_params = [{transform_indices = @transform_0, window_bounds = array<i64: 1000, 128>}, {pipeline_mode = #tpu.pipeline_mode<synchronous>, transform_indices = @transform_1, window_bounds = array<i64: 128, 128>}, {transform_indices = @transform_2, window_bounds = array<i64: 1000, 128>}]} {
    %get3A = arith.constant 0 : index
    %get3A_0 = arith.constant 0 : index
    %get3A_1 = vector.load %arg1[%get3A, %get3A_0] : memref<1000x128xf32, #tpu.memory_space<vmem>>, vector<1000x128xf32>
    %get3A_2 = arith.constant 0 : index
    %get3A_3 = arith.constant 0 : index
    %get3A_4 = vector.load %arg2[%get3A_2, %get3A_3] : memref<128x128xf32, #tpu.memory_space<vmem>>, vector<128x128xf32>
    %dot_general3A = arith.constant dense<0.000000e+00> : vector<1000x128xf32>
    %dot_general3A_5 = tpu.matmul %get3A_1, %get3A_4, %dot_general3A {dimension_numbers = #tpu.dot_dimension_numbers<[1], [0], [0], [1], [0, 0, 1, 1], [], []>, transpose_lhs_hint = false} : vector<1000x128xf32>, vector<128x128xf32>, vector<1000x128xf32> -> vector<1000x128xf32>
    %iota3A = tpu.iota {dimensions = array<i32: 1>} : vector<1000x128xi32>
    %eq3A = arith.constant 100 : i32
    %eq3A_6 = vector.broadcast %eq3A : i32 to vector<1000x128xi32>
    %eq3A_7 = arith.cmpi eq, %iota3A, %eq3A_6 : vector<1000x128xi32>
    %jit3A = arith.constant 1.000000e+00 : f32
    %jit3A_8 = arith.constant 0.000000e+00 : f32
    %broadcast_in_dim3A = vector.broadcast %jit3A : f32 to vector<1000x128xf32>
    %broadcast_in_dim3A_9 = vector.broadcast %jit3A_8 : f32 to vector<1000x128xf32>
    %select_n3A = arith.select %eq3A_7, %broadcast_in_dim3A, %broadcast_in_dim3A_9 : vector<1000x128xi1>, vector<1000x128xf32>
    %add3A = arith.addf %dot_general3A_5, %select_n3A : vector<1000x128xf32>
    %convert_element_type3A = arith.truncf %add3A : vector<1000x128xf32> to vector<1000x128xbf16>
    %swap3A = arith.constant 0 : index
    %swap3A_10 = arith.constant 0 : index
    %swap3A_11 = vector.load %arg3[%swap3A, %swap3A_10] : memref<1000x128xbf16, #tpu.memory_space<vmem>>, vector<1000x128xbf16>
    tpu.vector_store %arg3[%swap3A, %swap3A_10], %convert_element_type3A {strides = array<i32>} : memref<1000x128xbf16, #tpu.memory_space<vmem>>, vector<1000x128xbf16>,
    return
  }
  func.func @transform_0(%arg0: i32) -> (i32, i32) {
    %c0_i32 = arith.constant 0 : i32
    %c0_i32_0 = arith.constant 0 : i32
    return %arg0, %c0_i32 : i32, i32
  }
  func.func @transform_1(%arg0: i32) -> (i32, i32) {
    %c0_i32 = arith.constant 0 : i32
    %c0_i32_0 = arith.constant 0 : i32
    %c0_i32_1 = arith.constant 0 : i32
    return %c0_i32, %c0_i32_0 : i32, i32
  }
  func.func @transform_2(%arg0: i32) -> (i32, i32) {
    %c0_i32 = arith.constant 0 : i32
    %c0_i32_0 = arith.constant 0 : i32
    return %arg0, %c0_i32 : i32, i32
  }
}

module attributes {stable_mosaic.version = 14 : i64} {
  func.func @_layer2_body(%arg0: i32, %arg1: memref<2x1024x128xbf16, #tpu.memory_space<vmem>>, %arg2: memref<1x128xf32, #tpu.memory_space<vmem>>, %arg3: memref<128x32xf32, #tpu.memory_space<vmem>>, %arg4: memref<1024x32xbf16, #tpu.memory_space<vmem>>) attributes {dimension_semantics = [#tpu.dimension_semantics<arbitrary>], iteration_bounds = array<i64: 10>, scalar_prefetch = 0 : i64, scratch_operands = 0 : i64, tpu.core_type = #tpu.core_type<tc>, window_params = [{transform_indices = @transform_0, window_bounds = array<i64: 2, 1024, 128>}, {pipeline_mode = #tpu.pipeline_mode<synchronous>, transform_indices = @transform_1, window_bounds = array<i64: 1, 128>}, {pipeline_mode = #tpu.pipeline_mode<synchronous>, transform_indices = @transform_2, window_bounds = array<i64: 128, 32>}, {transform_indices = @transform_3, window_bounds = array<i64: 1024, 32>}]} {
    %get3A = arith.constant 0 : index
    %get3A_0 = arith.constant 0 : index
    %get3A_1 = arith.constant 0 : index
    %get3A_2 = vector.load %arg1[%get3A, %get3A_0, %get3A_1] : memref<2x1024x128xbf16, #tpu.memory_space<vmem>>, vector<1x1024x128xbf16>
    %get3A_3 = vector.shape_cast %get3A_2 : vector<1x1024x128xbf16> to vector<1024x128xbf16>
    %convert_element_type3A = arith.extf %get3A_3 : vector<1024x128xbf16> to vector<1024x128xf32>
    %get3A_4 = arith.constant 1 : index
    %get3A_5 = arith.constant 0 : index
    %get3A_6 = arith.constant 0 : index
    %get3A_7 = vector.load %arg1[%get3A_4, %get3A_5, %get3A_6] : memref<2x1024x128xbf16, #tpu.memory_space<vmem>>, vector<1x1024x128xbf16>
    %get3A_8 = vector.shape_cast %get3A_7 : vector<1x1024x128xbf16> to vector<1024x128xbf16>
    %convert_element_type3A_9 = arith.extf %get3A_8 : vector<1024x128xbf16> to vector<1024x128xf32>
    %add3A = arith.addf %convert_element_type3A, %convert_element_type3A_9 : vector<1024x128xf32>
    %iota3A = tpu.iota {dimensions = array<i32: 1>} : vector<1024x128xi32>
    %eq3A = arith.constant 100 : i32
    %eq3A_10 = vector.broadcast %eq3A : i32 to vector<1024x128xi32>
    %eq3A_11 = arith.cmpi eq, %iota3A, %eq3A_10 : vector<1024x128xi32>
    %jit3A = arith.constant 0.000000e+00 : f32
    %broadcast_in_dim3A = vector.broadcast %jit3A : f32 to vector<1024x128xf32>
    %select_n3A = arith.select %eq3A_11, %add3A, %broadcast_in_dim3A : vector<1024x128xi1>, vector<1024x128xf32>
    %reduce_sum3A = arith.constant dense<0.000000e+00> : vector<1024xf32>
    %reduce_sum3A_12 = vector.multi_reduction <add>, %select_n3A, %reduce_sum3A [1] : vector<1024x128xf32> to vector<1024xf32>
    %broadcast_in_dim3A_13 = vector.shape_cast %reduce_sum3A_12 : vector<1024xf32> to vector<1024x1xf32>
    %max3A = arith.constant 1.000000e+00 : f32
    %max3A_14 = vector.broadcast %max3A : f32 to vector<1024x1xf32>
    %max3A_15 = arith.maximumf %broadcast_in_dim3A_13, %max3A_14 : vector<1024x1xf32>
    %div3A = arith.constant 1.000000e+00 : f32
    %div3A_16 = vector.broadcast %div3A : f32 to vector<1024x1xf32>
    %div3A_17 = arith.divf %div3A_16, %max3A_15 : vector<1024x1xf32>
    %mul3A = vector.broadcast %div3A_17 : vector<1024x1xf32> to vector<1024x128xf32>
    %mul3A_18 = arith.mulf %add3A, %mul3A : vector<1024x128xf32>
    %get3A_19 = arith.constant 0 : index
    %get3A_20 = arith.constant 0 : index
    %get3A_21 = vector.load %arg2[%get3A_19, %get3A_20] : memref<1x128xf32, #tpu.memory_space<vmem>>, vector<1x128xf32>
    %add3A_22 = vector.broadcast %get3A_21 : vector<1x128xf32> to vector<1024x128xf32>
    %add3A_23 = arith.addf %mul3A_18, %add3A_22 : vector<1024x128xf32>
    %max3A_24 = arith.constant 0.000000e+00 : f32
    %max3A_25 = vector.broadcast %max3A_24 : f32 to vector<1024x128xf32>
    %max3A_26 = arith.maximumf %add3A_23, %max3A_25 : vector<1024x128xf32>
    %get3A_27 = arith.constant 0 : index
    %get3A_28 = arith.constant 0 : index
    %get3A_29 = vector.load %arg3[%get3A_27, %get3A_28] : memref<128x32xf32, #tpu.memory_space<vmem>>, vector<128x32xf32>
    %dot_general3A = arith.constant dense<0.000000e+00> : vector<1024x32xf32>
    %dot_general3A_30 = tpu.matmul %max3A_26, %get3A_29, %dot_general3A {dimension_numbers = #tpu.dot_dimension_numbers<[1], [0], [0], [1], [0, 0, 1, 1], [], []>, transpose_lhs_hint = false} : vector<1024x128xf32>, vector<128x32xf32>, vector<1024x32xf32> -> vector<1024x32xf32>
    %iota3A_31 = tpu.iota {dimensions = array<i32: 1>} : vector<1024x32xi32>
    %eq3A_32 = arith.constant 20 : i32
    %eq3A_33 = vector.broadcast %eq3A_32 : i32 to vector<1024x32xi32>
    %eq3A_34 = arith.cmpi eq, %iota3A_31, %eq3A_33 : vector<1024x32xi32>
    %jit3A_35 = arith.constant 1.000000e+00 : f32
    %jit3A_36 = arith.constant 0.000000e+00 : f32
    %broadcast_in_dim3A_37 = vector.broadcast %jit3A_35 : f32 to vector<1024x32xf32>
    %broadcast_in_dim3A_38 = vector.broadcast %jit3A_36 : f32 to vector<1024x32xf32>
    %select_n3A_39 = arith.select %eq3A_34, %broadcast_in_dim3A_37, %broadcast_in_dim3A_38 : vector<1024x32xi1>, vector<1024x32xf32>
    %add3A_40 = arith.addf %dot_general3A_30, %select_n3A_39 : vector<1024x32xf32>
    %convert_element_type3A_41 = arith.truncf %add3A_40 : vector<1024x32xf32> to vector<1024x32xbf16>
    %swap3A = arith.constant 0 : index
    %swap3A_42 = arith.constant 0 : index
    %swap3A_43 = vector.load %arg4[%swap3A, %swap3A_42] : memref<1024x32xbf16, #tpu.memory_space<vmem>>, vector<1024x32xbf16>
    tpu.vector_store %arg4[%swap3A, %swap3A_42], %convert_element_type3A_41 {strides = array<i32>} : memref<1024x32xbf16, #tpu.memory_space<vmem>>, vector<1024x32xbf16>,
    return
  }
  func.func @transform_0(%arg0: i32) -> (i32, i32, i32) {
    %c0_i32 = arith.constant 0 : i32
    %c0_i32_0 = arith.constant 0 : i32
    %c0_i32_1 = arith.constant 0 : i32
    return %c0_i32, %arg0, %c0_i32_0 : i32, i32, i32
  }
  func.func @transform_1(%arg0: i32) -> (i32, i32) {
    %c0_i32 = arith.constant 0 : i32
    %c0_i32_0 = arith.constant 0 : i32
    %c0_i32_1 = arith.constant 0 : i32
    return %c0_i32, %c0_i32_0 : i32, i32
  }
  func.func @transform_2(%arg0: i32) -> (i32, i32) {
    %c0_i32 = arith.constant 0 : i32
    %c0_i32_0 = arith.constant 0 : i32
    %c0_i32_1 = arith.constant 0 : i32
    return %c0_i32, %c0_i32_0 : i32, i32
  }
  func.func @transform_3(%arg0: i32) -> (i32, i32) {
    %c0_i32 = arith.constant 0 : i32
    %c0_i32_0 = arith.constant 0 : i32
    return %arg0, %c0_i32 : i32, i32
  }
}

module attributes {stable_mosaic.version = 14 : i64} {
  func.func @_readout_body(%arg0: i32, %arg1: memref<2x1024x32xbf16, #tpu.memory_space<vmem>>, %arg2: memref<1x1x1024xi32, #tpu.memory_space<vmem>>, %arg3: memref<1x32xf32, #tpu.memory_space<vmem>>, %arg4: memref<256x32xf32, #tpu.memory_space<vmem>>) attributes {dimension_semantics = [#tpu.dimension_semantics<arbitrary>], iteration_bounds = array<i64: 10>, scalar_prefetch = 0 : i64, scratch_operands = 0 : i64, tpu.core_type = #tpu.core_type<tc>, window_params = [{transform_indices = @transform_0, window_bounds = array<i64: 2, 1024, 32>}, {transform_indices = @transform_1, window_bounds = array<i64: 1, 1, 1024>}, {pipeline_mode = #tpu.pipeline_mode<synchronous>, transform_indices = @transform_2, window_bounds = array<i64: 1, 32>}, {pipeline_mode = #tpu.pipeline_mode<synchronous>, transform_indices = @transform_3, window_bounds = array<i64: 256, 32>}]} {
    %get3A = arith.constant 0 : index
    %get3A_0 = arith.constant 0 : index
    %get3A_1 = arith.constant 0 : index
    %get3A_2 = vector.load %arg1[%get3A, %get3A_0, %get3A_1] : memref<2x1024x32xbf16, #tpu.memory_space<vmem>>, vector<1x1024x32xbf16>
    %get3A_3 = vector.shape_cast %get3A_2 : vector<1x1024x32xbf16> to vector<1024x32xbf16>
    %convert_element_type3A = arith.extf %get3A_3 : vector<1024x32xbf16> to vector<1024x32xf32>
    %get3A_4 = arith.constant 1 : index
    %get3A_5 = arith.constant 0 : index
    %get3A_6 = arith.constant 0 : index
    %get3A_7 = vector.load %arg1[%get3A_4, %get3A_5, %get3A_6] : memref<2x1024x32xbf16, #tpu.memory_space<vmem>>, vector<1x1024x32xbf16>
    %get3A_8 = vector.shape_cast %get3A_7 : vector<1x1024x32xbf16> to vector<1024x32xbf16>
    %convert_element_type3A_9 = arith.extf %get3A_8 : vector<1024x32xbf16> to vector<1024x32xf32>
    %add3A = arith.addf %convert_element_type3A, %convert_element_type3A_9 : vector<1024x32xf32>
    %iota3A = tpu.iota {dimensions = array<i32: 1>} : vector<1024x32xi32>
    %eq3A = arith.constant 20 : i32
    %eq3A_10 = vector.broadcast %eq3A : i32 to vector<1024x32xi32>
    %eq3A_11 = arith.cmpi eq, %iota3A, %eq3A_10 : vector<1024x32xi32>
    %jit3A = arith.constant 0.000000e+00 : f32
    %broadcast_in_dim3A = vector.broadcast %jit3A : f32 to vector<1024x32xf32>
    %select_n3A = arith.select %eq3A_11, %add3A, %broadcast_in_dim3A : vector<1024x32xi1>, vector<1024x32xf32>
    %reduce_sum3A = arith.constant dense<0.000000e+00> : vector<1024xf32>
    %reduce_sum3A_12 = vector.multi_reduction <add>, %select_n3A, %reduce_sum3A [1] : vector<1024x32xf32> to vector<1024xf32>
    %broadcast_in_dim3A_13 = vector.shape_cast %reduce_sum3A_12 : vector<1024xf32> to vector<1024x1xf32>
    %max3A = arith.constant 1.000000e+00 : f32
    %max3A_14 = vector.broadcast %max3A : f32 to vector<1024x1xf32>
    %max3A_15 = arith.maximumf %broadcast_in_dim3A_13, %max3A_14 : vector<1024x1xf32>
    %div3A = arith.constant 1.000000e+00 : f32
    %div3A_16 = vector.broadcast %div3A : f32 to vector<1024x1xf32>
    %div3A_17 = arith.divf %div3A_16, %max3A_15 : vector<1024x1xf32>
    %lt3A = arith.constant 20 : i32
    %lt3A_18 = vector.broadcast %lt3A : i32 to vector<1024x32xi32>
    %lt3A_19 = arith.cmpi slt, %iota3A, %lt3A_18 : vector<1024x32xi32>
    %mul3A = vector.broadcast %div3A_17 : vector<1024x1xf32> to vector<1024x32xf32>
    %mul3A_20 = arith.mulf %add3A, %mul3A : vector<1024x32xf32>
    %jit3A_21 = arith.constant 0.000000e+00 : f32
    %broadcast_in_dim3A_22 = vector.broadcast %jit3A_21 : f32 to vector<1024x32xf32>
    %select_n3A_23 = arith.select %lt3A_19, %mul3A_20, %broadcast_in_dim3A_22 : vector<1024x32xi1>, vector<1024x32xf32>
    %get3A_24 = arith.constant 0 : index
    %get3A_25 = arith.constant 0 : index
    %get3A_26 = vector.load %arg3[%get3A_24, %get3A_25] : memref<1x32xf32, #tpu.memory_space<vmem>>, vector<1x32xf32>
    %add3A_27 = vector.broadcast %get3A_26 : vector<1x32xf32> to vector<1024x32xf32>
    %add3A_28 = arith.addf %select_n3A_23, %add3A_27 : vector<1024x32xf32>
    %max3A_29 = arith.constant 0.000000e+00 : f32
    %max3A_30 = vector.broadcast %max3A_29 : f32 to vector<1024x32xf32>
    %max3A_31 = arith.maximumf %add3A_28, %max3A_30 : vector<1024x32xf32>
    %get3A_32 = arith.constant 0 : index
    %get3A_33 = arith.constant 0 : index
    %get3A_34 = arith.constant 0 : index
    %get3A_35 = vector.load %arg2[%get3A_32, %get3A_33, %get3A_34] : memref<1x1x1024xi32, #tpu.memory_space<vmem>>, vector<1x1x1024xi32>
    %get3A_36 = vector.shape_cast %get3A_35 : vector<1x1x1024xi32> to vector<1x1024xi32>
    %iota3A_37 = tpu.iota {dimensions = array<i32: 0>} : vector<256x1024xi32>
    %eq3A_38 = vector.broadcast %get3A_36 : vector<1x1024xi32> to vector<256x1024xi32>
    %eq3A_39 = arith.cmpi eq, %iota3A_37, %eq3A_38 : vector<256x1024xi32>
    %convert_element_type3A_40 = arith.extui %eq3A_39 : vector<256x1024xi1> to vector<256x1024xi32>
    %convert_element_type3A_41 = arith.sitofp %convert_element_type3A_40 : vector<256x1024xi32> to vector<256x1024xf32>
    %dot_general3A = arith.constant dense<0.000000e+00> : vector<256x32xf32>
    %dot_general3A_42 = tpu.matmul %convert_element_type3A_41, %max3A_31, %dot_general3A {dimension_numbers = #tpu.dot_dimension_numbers<[1], [0], [0], [1], [0, 0, 1, 1], [], []>, transpose_lhs_hint = false} : vector<256x1024xf32>, vector<1024x32xf32>, vector<256x32xf32> -> vector<256x32xf32>
    %eq3A_43 = arith.constant 0 : i32
    %eq3A_44 = arith.cmpi eq, %arg0, %eq3A_43 : i32
    %convert_element_type3A_45 = arith.extui %eq3A_44 : i1 to i32
    %cond3A = arith.constant 0 : i32
    %cond3A_46 = arith.cmpi ne, %convert_element_type3A_45, %cond3A : i32
    scf.if %cond3A_46 {
      %swap3A = arith.constant 0 : index
      %swap3A_51 = arith.constant 0 : index
      %swap3A_52 = vector.load %arg4[%swap3A, %swap3A_51] : memref<256x32xf32, #tpu.memory_space<vmem>>, vector<256x32xf32>
      tpu.vector_store %arg4[%swap3A, %swap3A_51], %dot_general3A_42 {strides = array<i32>} : memref<256x32xf32, #tpu.memory_space<vmem>>, vector<256x32xf32>,
    } else {
    }
    %ne3A = arith.constant 0 : i32
    %ne3A_47 = arith.cmpi ne, %arg0, %ne3A : i32
    %convert_element_type3A_48 = arith.extui %ne3A_47 : i1 to i32
    %cond3A_49 = arith.constant 0 : i32
    %cond3A_50 = arith.cmpi ne, %convert_element_type3A_48, %cond3A_49 : i32
    scf.if %cond3A_50 {
      %get3A_51 = arith.constant 0 : index
      %get3A_52 = arith.constant 0 : index
      %get3A_53 = vector.load %arg4[%get3A_51, %get3A_52] : memref<256x32xf32, #tpu.memory_space<vmem>>, vector<256x32xf32>
      %add3A_54 = arith.addf %get3A_53, %dot_general3A_42 : vector<256x32xf32>
      %swap3A = arith.constant 0 : index
      %swap3A_55 = arith.constant 0 : index
      %swap3A_56 = vector.load %arg4[%swap3A, %swap3A_55] : memref<256x32xf32, #tpu.memory_space<vmem>>, vector<256x32xf32>
      tpu.vector_store %arg4[%swap3A, %swap3A_55], %add3A_54 {strides = array<i32>} : memref<256x32xf32, #tpu.memory_space<vmem>>, vector<256x32xf32>,
    } else {
    }
    return
  }
  func.func @transform_0(%arg0: i32) -> (i32, i32, i32) {
    %c0_i32 = arith.constant 0 : i32
    %c0_i32_0 = arith.constant 0 : i32
    %c0_i32_1 = arith.constant 0 : i32
    return %c0_i32, %arg0, %c0_i32_0 : i32, i32, i32
  }
  func.func @transform_1(%arg0: i32) -> (i32, i32, i32) {
    %c0_i32 = arith.constant 0 : i32
    %c0_i32_0 = arith.constant 0 : i32
    %c0_i32_1 = arith.constant 0 : i32
    return %arg0, %c0_i32, %c0_i32_0 : i32, i32, i32
  }
  func.func @transform_2(%arg0: i32) -> (i32, i32) {
    %c0_i32 = arith.constant 0 : i32
    %c0_i32_0 = arith.constant 0 : i32
    %c0_i32_1 = arith.constant 0 : i32
    return %c0_i32, %c0_i32_0 : i32, i32
  }
  func.func @transform_3(%arg0: i32) -> (i32, i32) {
    %c0_i32 = arith.constant 0 : i32
    %c0_i32_0 = arith.constant 0 : i32
    %c0_i32_1 = arith.constant 0 : i32
    return %c0_i32, %c0_i32_0 : i32, i32
  }
}

module attributes {stable_mosaic.version = 14 : i64} {
  func.func @_final_body(%arg0: memref<256x32xf32, #tpu.memory_space<vmem>>, %arg1: memref<256x200xf32, #tpu.memory_space<vmem>>, %arg2: memref<32x200xf32, #tpu.memory_space<vmem>>, %arg3: memref<1x200xf32, #tpu.memory_space<vmem>>, %arg4: memref<200x1344xf32, #tpu.memory_space<vmem>>, %arg5: memref<1x1344xf32, #tpu.memory_space<vmem>>, %arg6: memref<1x64xf32, #tpu.memory_space<vmem>>, %arg7: memref<64x16xf32, #tpu.memory_space<vmem>>, %arg8: memref<1x16xf32, #tpu.memory_space<vmem>>, %arg9: memref<16x1xf32, #tpu.memory_space<vmem>>, %arg10: memref<1x1xf32, #tpu.memory_space<vmem>>, %arg11: memref<1x64xf32, #tpu.memory_space<vmem>>, %arg12: memref<1x64xf32, #tpu.memory_space<vmem>>, %arg13: memref<1x16xf32, #tpu.memory_space<vmem>>, %arg14: memref<1x16xf32, #tpu.memory_space<vmem>>, %arg15: memref<256x1xf32, #tpu.memory_space<vmem>>) attributes {dimension_semantics = [], scalar_prefetch = 0 : i64, scratch_operands = 0 : i64, tpu.core_type = #tpu.core_type<tc>} {
    %get3A = arith.constant 0 : index
    %get3A_0 = arith.constant 0 : index
    %get3A_1 = vector.load %arg0[%get3A, %get3A_0] : memref<256x32xf32, #tpu.memory_space<vmem>>, vector<256x32xf32>
    %iota3A = tpu.iota {dimensions = array<i32: 1>} : vector<256x32xi32>
    %eq3A = arith.constant 20 : i32
    %eq3A_2 = vector.broadcast %eq3A : i32 to vector<256x32xi32>
    %eq3A_3 = arith.cmpi eq, %iota3A, %eq3A_2 : vector<256x32xi32>
    %jit3A = arith.constant 0.000000e+00 : f32
    %broadcast_in_dim3A = vector.broadcast %jit3A : f32 to vector<256x32xf32>
    %select_n3A = arith.select %eq3A_3, %get3A_1, %broadcast_in_dim3A : vector<256x32xi1>, vector<256x32xf32>
    %reduce_sum3A = arith.constant dense<0.000000e+00> : vector<256xf32>
    %reduce_sum3A_4 = vector.multi_reduction <add>, %select_n3A, %reduce_sum3A [1] : vector<256x32xf32> to vector<256xf32>
    %broadcast_in_dim3A_5 = vector.shape_cast %reduce_sum3A_4 : vector<256xf32> to vector<256x1xf32>
    %max3A = arith.constant 1.000000e+00 : f32
    %max3A_6 = vector.broadcast %max3A : f32 to vector<256x1xf32>
    %max3A_7 = arith.maximumf %broadcast_in_dim3A_5, %max3A_6 : vector<256x1xf32>
    %div3A = arith.constant 1.000000e+00 : f32
    %div3A_8 = vector.broadcast %div3A : f32 to vector<256x1xf32>
    %div3A_9 = arith.divf %div3A_8, %max3A_7 : vector<256x1xf32>
    %mul3A = vector.broadcast %div3A_9 : vector<256x1xf32> to vector<256x32xf32>
    %mul3A_10 = arith.mulf %get3A_1, %mul3A : vector<256x32xf32>
    %get3A_11 = arith.constant 0 : index
    %get3A_12 = arith.constant 0 : index
    %get3A_13 = vector.load %arg2[%get3A_11, %get3A_12] : memref<32x200xf32, #tpu.memory_space<vmem>>, vector<32x200xf32>
    %dot_general3A = arith.constant dense<0.000000e+00> : vector<256x200xf32>
    %dot_general3A_14 = tpu.matmul %mul3A_10, %get3A_13, %dot_general3A {dimension_numbers = #tpu.dot_dimension_numbers<[1], [0], [0], [1], [0, 0, 1, 1], [], []>, transpose_lhs_hint = false} : vector<256x32xf32>, vector<32x200xf32>, vector<256x200xf32> -> vector<256x200xf32>
    %get3A_15 = arith.constant 0 : index
    %get3A_16 = arith.constant 0 : index
    %get3A_17 = vector.load %arg3[%get3A_15, %get3A_16] : memref<1x200xf32, #tpu.memory_space<vmem>>, vector<1x200xf32>
    %add3A = vector.broadcast %get3A_17 : vector<1x200xf32> to vector<256x200xf32>
    %add3A_18 = arith.addf %dot_general3A_14, %add3A : vector<256x200xf32>
    %neg3A = arith.constant 0.000000e+00 : f32
    %neg3A_19 = vector.broadcast %neg3A : f32 to vector<256x200xf32>
    %neg3A_20 = arith.subf %neg3A_19, %add3A_18 : vector<256x200xf32>
    %exp3A = math.exp %neg3A_20 : vector<256x200xf32>
    %add3A_21 = arith.constant 1.000000e+00 : f32
    %add3A_22 = vector.broadcast %add3A_21 : f32 to vector<256x200xf32>
    %add3A_23 = arith.addf %add3A_22, %exp3A : vector<256x200xf32>
    %div3A_24 = arith.constant 1.000000e+00 : f32
    %div3A_25 = vector.broadcast %div3A_24 : f32 to vector<256x200xf32>
    %div3A_26 = arith.divf %div3A_25, %add3A_23 : vector<256x200xf32>
    %get3A_27 = arith.constant 0 : index
    %get3A_28 = arith.constant 0 : index
    %get3A_29 = vector.load %arg1[%get3A_27, %get3A_28] : memref<256x200xf32, #tpu.memory_space<vmem>>, vector<256x200xf32>
    %mul3A_30 = arith.mulf %div3A_26, %get3A_29 : vector<256x200xf32>
    %get3A_31 = arith.constant 0 : index
    %get3A_32 = arith.constant 0 : index
    %get3A_33 = vector.load %arg4[%get3A_31, %get3A_32] : memref<200x1344xf32, #tpu.memory_space<vmem>>, vector<200x1344xf32>
    %dot_general3A_34 = arith.constant dense<0.000000e+00> : vector<256x1344xf32>
    %dot_general3A_35 = tpu.matmul %mul3A_30, %get3A_33, %dot_general3A_34 {dimension_numbers = #tpu.dot_dimension_numbers<[1], [0], [0], [1], [0, 0, 1, 1], [], []>, transpose_lhs_hint = false} : vector<256x200xf32>, vector<200x1344xf32>, vector<256x1344xf32> -> vector<256x1344xf32>
    %get3A_36 = arith.constant 0 : index
    %get3A_37 = arith.constant 0 : index
    %get3A_38 = vector.load %arg5[%get3A_36, %get3A_37] : memref<1x1344xf32, #tpu.memory_space<vmem>>, vector<1x1344xf32>
    %add3A_39 = vector.broadcast %get3A_38 : vector<1x1344xf32> to vector<256x1344xf32>
    %add3A_40 = arith.addf %dot_general3A_35, %add3A_39 : vector<256x1344xf32>
    %slice3A = vector.extract_strided_slice %add3A_40 {offsets = [0, 1280], sizes = [256, 64], strides = [1, 1]} : vector<256x1344xf32> to vector<256x64xf32>
    %eq3A_41 = arith.constant 0 : i32
    %eq3A_42 = vector.broadcast %eq3A_41 : i32 to vector<256x32xi32>
    %eq3A_43 = arith.cmpi eq, %iota3A, %eq3A_42 : vector<256x32xi32>
    %jit3A_44 = arith.constant 0.000000e+00 : f32
    %broadcast_in_dim3A_45 = vector.broadcast %jit3A_44 : f32 to vector<256x32xf32>
    %select_n3A_46 = arith.select %eq3A_43, %mul3A_10, %broadcast_in_dim3A_45 : vector<256x32xi1>, vector<256x32xf32>
    %reduce_sum3A_47 = arith.constant dense<0.000000e+00> : vector<256xf32>
    %reduce_sum3A_48 = vector.multi_reduction <add>, %select_n3A_46, %reduce_sum3A_47 [1] : vector<256x32xf32> to vector<256xf32>
    %broadcast_in_dim3A_49 = vector.shape_cast %reduce_sum3A_48 : vector<256xf32> to vector<256x1xf32>
    %slice3A_50 = vector.extract_strided_slice %add3A_40 {offsets = [0, 0], sizes = [256, 64], strides = [1, 1]} : vector<256x1344xf32> to vector<256x64xf32>
    %mul3A_51 = vector.broadcast %broadcast_in_dim3A_49 : vector<256x1xf32> to vector<256x64xf32>
    %mul3A_52 = arith.mulf %mul3A_51, %slice3A_50 : vector<256x64xf32>
    %add3A_53 = arith.addf %slice3A, %mul3A_52 : vector<256x64xf32>
    %eq3A_54 = arith.constant 1 : i32
    %eq3A_55 = vector.broadcast %eq3A_54 : i32 to vector<256x32xi32>
    %eq3A_56 = arith.cmpi eq, %iota3A, %eq3A_55 : vector<256x32xi32>
    %jit3A_57 = arith.constant 0.000000e+00 : f32
    %broadcast_in_dim3A_58 = vector.broadcast %jit3A_57 : f32 to vector<256x32xf32>
    %select_n3A_59 = arith.select %eq3A_56, %mul3A_10, %broadcast_in_dim3A_58 : vector<256x32xi1>, vector<256x32xf32>
    %reduce_sum3A_60 = arith.constant dense<0.000000e+00> : vector<256xf32>
    %reduce_sum3A_61 = vector.multi_reduction <add>, %select_n3A_59, %reduce_sum3A_60 [1] : vector<256x32xf32> to vector<256xf32>
    %broadcast_in_dim3A_62 = vector.shape_cast %reduce_sum3A_61 : vector<256xf32> to vector<256x1xf32>
    %slice3A_63 = vector.extract_strided_slice %add3A_40 {offsets = [0, 64], sizes = [256, 64], strides = [1, 1]} : vector<256x1344xf32> to vector<256x64xf32>
    %mul3A_64 = vector.broadcast %broadcast_in_dim3A_62 : vector<256x1xf32> to vector<256x64xf32>
    %mul3A_65 = arith.mulf %mul3A_64, %slice3A_63 : vector<256x64xf32>
    %add3A_66 = arith.addf %add3A_53, %mul3A_65 : vector<256x64xf32>
    %eq3A_67 = arith.constant 2 : i32
    %eq3A_68 = vector.broadcast %eq3A_67 : i32 to vector<256x32xi32>
    %eq3A_69 = arith.cmpi eq, %iota3A, %eq3A_68 : vector<256x32xi32>
    %jit3A_70 = arith.constant 0.000000e+00 : f32
    %broadcast_in_dim3A_71 = vector.broadcast %jit3A_70 : f32 to vector<256x32xf32>
    %select_n3A_72 = arith.select %eq3A_69, %mul3A_10, %broadcast_in_dim3A_71 : vector<256x32xi1>, vector<256x32xf32>
    %reduce_sum3A_73 = arith.constant dense<0.000000e+00> : vector<256xf32>
    %reduce_sum3A_74 = vector.multi_reduction <add>, %select_n3A_72, %reduce_sum3A_73 [1] : vector<256x32xf32> to vector<256xf32>
    %broadcast_in_dim3A_75 = vector.shape_cast %reduce_sum3A_74 : vector<256xf32> to vector<256x1xf32>
    %slice3A_76 = vector.extract_strided_slice %add3A_40 {offsets = [0, 128], sizes = [256, 64], strides = [1, 1]} : vector<256x1344xf32> to vector<256x64xf32>
    %mul3A_77 = vector.broadcast %broadcast_in_dim3A_75 : vector<256x1xf32> to vector<256x64xf32>
    %mul3A_78 = arith.mulf %mul3A_77, %slice3A_76 : vector<256x64xf32>
    %add3A_79 = arith.addf %add3A_66, %mul3A_78 : vector<256x64xf32>
    %eq3A_80 = arith.constant 3 : i32
    %eq3A_81 = vector.broadcast %eq3A_80 : i32 to vector<256x32xi32>
    %eq3A_82 = arith.cmpi eq, %iota3A, %eq3A_81 : vector<256x32xi32>
    %jit3A_83 = arith.constant 0.000000e+00 : f32
    %broadcast_in_dim3A_84 = vector.broadcast %jit3A_83 : f32 to vector<256x32xf32>
    %select_n3A_85 = arith.select %eq3A_82, %mul3A_10, %broadcast_in_dim3A_84 : vector<256x32xi1>, vector<256x32xf32>
    %reduce_sum3A_86 = arith.constant dense<0.000000e+00> : vector<256xf32>
    %reduce_sum3A_87 = vector.multi_reduction <add>, %select_n3A_85, %reduce_sum3A_86 [1] : vector<256x32xf32> to vector<256xf32>
    %broadcast_in_dim3A_88 = vector.shape_cast %reduce_sum3A_87 : vector<256xf32> to vector<256x1xf32>
    %slice3A_89 = vector.extract_strided_slice %add3A_40 {offsets = [0, 192], sizes = [256, 64], strides = [1, 1]} : vector<256x1344xf32> to vector<256x64xf32>
    %mul3A_90 = vector.broadcast %broadcast_in_dim3A_88 : vector<256x1xf32> to vector<256x64xf32>
    %mul3A_91 = arith.mulf %mul3A_90, %slice3A_89 : vector<256x64xf32>
    %add3A_92 = arith.addf %add3A_79, %mul3A_91 : vector<256x64xf32>
    %eq3A_93 = arith.constant 4 : i32
    %eq3A_94 = vector.broadcast %eq3A_93 : i32 to vector<256x32xi32>
    %eq3A_95 = arith.cmpi eq, %iota3A, %eq3A_94 : vector<256x32xi32>
    %jit3A_96 = arith.constant 0.000000e+00 : f32
    %broadcast_in_dim3A_97 = vector.broadcast %jit3A_96 : f32 to vector<256x32xf32>
    %select_n3A_98 = arith.select %eq3A_95, %mul3A_10, %broadcast_in_dim3A_97 : vector<256x32xi1>, vector<256x32xf32>
    %reduce_sum3A_99 = arith.constant dense<0.000000e+00> : vector<256xf32>
    %reduce_sum3A_100 = vector.multi_reduction <add>, %select_n3A_98, %reduce_sum3A_99 [1] : vector<256x32xf32> to vector<256xf32>
    %broadcast_in_dim3A_101 = vector.shape_cast %reduce_sum3A_100 : vector<256xf32> to vector<256x1xf32>
    %slice3A_102 = vector.extract_strided_slice %add3A_40 {offsets = [0, 256], sizes = [256, 64], strides = [1, 1]} : vector<256x1344xf32> to vector<256x64xf32>
    %mul3A_103 = vector.broadcast %broadcast_in_dim3A_101 : vector<256x1xf32> to vector<256x64xf32>
    %mul3A_104 = arith.mulf %mul3A_103, %slice3A_102 : vector<256x64xf32>
    %add3A_105 = arith.addf %add3A_92, %mul3A_104 : vector<256x64xf32>
    %eq3A_106 = arith.constant 5 : i32
    %eq3A_107 = vector.broadcast %eq3A_106 : i32 to vector<256x32xi32>
    %eq3A_108 = arith.cmpi eq, %iota3A, %eq3A_107 : vector<256x32xi32>
    %jit3A_109 = arith.constant 0.000000e+00 : f32
    %broadcast_in_dim3A_110 = vector.broadcast %jit3A_109 : f32 to vector<256x32xf32>
    %select_n3A_111 = arith.select %eq3A_108, %mul3A_10, %broadcast_in_dim3A_110 : vector<256x32xi1>, vector<256x32xf32>
    %reduce_sum3A_112 = arith.constant dense<0.000000e+00> : vector<256xf32>
    %reduce_sum3A_113 = vector.multi_reduction <add>, %select_n3A_111, %reduce_sum3A_112 [1] : vector<256x32xf32> to vector<256xf32>
    %broadcast_in_dim3A_114 = vector.shape_cast %reduce_sum3A_113 : vector<256xf32> to vector<256x1xf32>
    %slice3A_115 = vector.extract_strided_slice %add3A_40 {offsets = [0, 320], sizes = [256, 64], strides = [1, 1]} : vector<256x1344xf32> to vector<256x64xf32>
    %mul3A_116 = vector.broadcast %broadcast_in_dim3A_114 : vector<256x1xf32> to vector<256x64xf32>
    %mul3A_117 = arith.mulf %mul3A_116, %slice3A_115 : vector<256x64xf32>
    %add3A_118 = arith.addf %add3A_105, %mul3A_117 : vector<256x64xf32>
    %eq3A_119 = arith.constant 6 : i32
    %eq3A_120 = vector.broadcast %eq3A_119 : i32 to vector<256x32xi32>
    %eq3A_121 = arith.cmpi eq, %iota3A, %eq3A_120 : vector<256x32xi32>
    %jit3A_122 = arith.constant 0.000000e+00 : f32
    %broadcast_in_dim3A_123 = vector.broadcast %jit3A_122 : f32 to vector<256x32xf32>
    %select_n3A_124 = arith.select %eq3A_121, %mul3A_10, %broadcast_in_dim3A_123 : vector<256x32xi1>, vector<256x32xf32>
    %reduce_sum3A_125 = arith.constant dense<0.000000e+00> : vector<256xf32>
    %reduce_sum3A_126 = vector.multi_reduction <add>, %select_n3A_124, %reduce_sum3A_125 [1] : vector<256x32xf32> to vector<256xf32>
    %broadcast_in_dim3A_127 = vector.shape_cast %reduce_sum3A_126 : vector<256xf32> to vector<256x1xf32>
    %slice3A_128 = vector.extract_strided_slice %add3A_40 {offsets = [0, 384], sizes = [256, 64], strides = [1, 1]} : vector<256x1344xf32> to vector<256x64xf32>
    %mul3A_129 = vector.broadcast %broadcast_in_dim3A_127 : vector<256x1xf32> to vector<256x64xf32>
    %mul3A_130 = arith.mulf %mul3A_129, %slice3A_128 : vector<256x64xf32>
    %add3A_131 = arith.addf %add3A_118, %mul3A_130 : vector<256x64xf32>
    %eq3A_132 = arith.constant 7 : i32
    %eq3A_133 = vector.broadcast %eq3A_132 : i32 to vector<256x32xi32>
    %eq3A_134 = arith.cmpi eq, %iota3A, %eq3A_133 : vector<256x32xi32>
    %jit3A_135 = arith.constant 0.000000e+00 : f32
    %broadcast_in_dim3A_136 = vector.broadcast %jit3A_135 : f32 to vector<256x32xf32>
    %select_n3A_137 = arith.select %eq3A_134, %mul3A_10, %broadcast_in_dim3A_136 : vector<256x32xi1>, vector<256x32xf32>
    %reduce_sum3A_138 = arith.constant dense<0.000000e+00> : vector<256xf32>
    %reduce_sum3A_139 = vector.multi_reduction <add>, %select_n3A_137, %reduce_sum3A_138 [1] : vector<256x32xf32> to vector<256xf32>
    %broadcast_in_dim3A_140 = vector.shape_cast %reduce_sum3A_139 : vector<256xf32> to vector<256x1xf32>
    %slice3A_141 = vector.extract_strided_slice %add3A_40 {offsets = [0, 448], sizes = [256, 64], strides = [1, 1]} : vector<256x1344xf32> to vector<256x64xf32>
    %mul3A_142 = vector.broadcast %broadcast_in_dim3A_140 : vector<256x1xf32> to vector<256x64xf32>
    %mul3A_143 = arith.mulf %mul3A_142, %slice3A_141 : vector<256x64xf32>
    %add3A_144 = arith.addf %add3A_131, %mul3A_143 : vector<256x64xf32>
    %eq3A_145 = arith.constant 8 : i32
    %eq3A_146 = vector.broadcast %eq3A_145 : i32 to vector<256x32xi32>
    %eq3A_147 = arith.cmpi eq, %iota3A, %eq3A_146 : vector<256x32xi32>
    %jit3A_148 = arith.constant 0.000000e+00 : f32
    %broadcast_in_dim3A_149 = vector.broadcast %jit3A_148 : f32 to vector<256x32xf32>
    %select_n3A_150 = arith.select %eq3A_147, %mul3A_10, %broadcast_in_dim3A_149 : vector<256x32xi1>, vector<256x32xf32>
    %reduce_sum3A_151 = arith.constant dense<0.000000e+00> : vector<256xf32>
    %reduce_sum3A_152 = vector.multi_reduction <add>, %select_n3A_150, %reduce_sum3A_151 [1] : vector<256x32xf32> to vector<256xf32>
    %broadcast_in_dim3A_153 = vector.shape_cast %reduce_sum3A_152 : vector<256xf32> to vector<256x1xf32>
    %slice3A_154 = vector.extract_strided_slice %add3A_40 {offsets = [0, 512], sizes = [256, 64], strides = [1, 1]} : vector<256x1344xf32> to vector<256x64xf32>
    %mul3A_155 = vector.broadcast %broadcast_in_dim3A_153 : vector<256x1xf32> to vector<256x64xf32>
    %mul3A_156 = arith.mulf %mul3A_155, %slice3A_154 : vector<256x64xf32>
    %add3A_157 = arith.addf %add3A_144, %mul3A_156 : vector<256x64xf32>
    %eq3A_158 = arith.constant 9 : i32
    %eq3A_159 = vector.broadcast %eq3A_158 : i32 to vector<256x32xi32>
    %eq3A_160 = arith.cmpi eq, %iota3A, %eq3A_159 : vector<256x32xi32>
    %jit3A_161 = arith.constant 0.000000e+00 : f32
    %broadcast_in_dim3A_162 = vector.broadcast %jit3A_161 : f32 to vector<256x32xf32>
    %select_n3A_163 = arith.select %eq3A_160, %mul3A_10, %broadcast_in_dim3A_162 : vector<256x32xi1>, vector<256x32xf32>
    %reduce_sum3A_164 = arith.constant dense<0.000000e+00> : vector<256xf32>
    %reduce_sum3A_165 = vector.multi_reduction <add>, %select_n3A_163, %reduce_sum3A_164 [1] : vector<256x32xf32> to vector<256xf32>
    %broadcast_in_dim3A_166 = vector.shape_cast %reduce_sum3A_165 : vector<256xf32> to vector<256x1xf32>
    %slice3A_167 = vector.extract_strided_slice %add3A_40 {offsets = [0, 576], sizes = [256, 64], strides = [1, 1]} : vector<256x1344xf32> to vector<256x64xf32>
    %mul3A_168 = vector.broadcast %broadcast_in_dim3A_166 : vector<256x1xf32> to vector<256x64xf32>
    %mul3A_169 = arith.mulf %mul3A_168, %slice3A_167 : vector<256x64xf32>
    %add3A_170 = arith.addf %add3A_157, %mul3A_169 : vector<256x64xf32>
    %eq3A_171 = arith.constant 10 : i32
    %eq3A_172 = vector.broadcast %eq3A_171 : i32 to vector<256x32xi32>
    %eq3A_173 = arith.cmpi eq, %iota3A, %eq3A_172 : vector<256x32xi32>
    %jit3A_174 = arith.constant 0.000000e+00 : f32
    %broadcast_in_dim3A_175 = vector.broadcast %jit3A_174 : f32 to vector<256x32xf32>
    %select_n3A_176 = arith.select %eq3A_173, %mul3A_10, %broadcast_in_dim3A_175 : vector<256x32xi1>, vector<256x32xf32>
    %reduce_sum3A_177 = arith.constant dense<0.000000e+00> : vector<256xf32>
    %reduce_sum3A_178 = vector.multi_reduction <add>, %select_n3A_176, %reduce_sum3A_177 [1] : vector<256x32xf32> to vector<256xf32>
    %broadcast_in_dim3A_179 = vector.shape_cast %reduce_sum3A_178 : vector<256xf32> to vector<256x1xf32>
    %slice3A_180 = vector.extract_strided_slice %add3A_40 {offsets = [0, 640], sizes = [256, 64], strides = [1, 1]} : vector<256x1344xf32> to vector<256x64xf32>
    %mul3A_181 = vector.broadcast %broadcast_in_dim3A_179 : vector<256x1xf32> to vector<256x64xf32>
    %mul3A_182 = arith.mulf %mul3A_181, %slice3A_180 : vector<256x64xf32>
    %add3A_183 = arith.addf %add3A_170, %mul3A_182 : vector<256x64xf32>
    %eq3A_184 = arith.constant 11 : i32
    %eq3A_185 = vector.broadcast %eq3A_184 : i32 to vector<256x32xi32>
    %eq3A_186 = arith.cmpi eq, %iota3A, %eq3A_185 : vector<256x32xi32>
    %jit3A_187 = arith.constant 0.000000e+00 : f32
    %broadcast_in_dim3A_188 = vector.broadcast %jit3A_187 : f32 to vector<256x32xf32>
    %select_n3A_189 = arith.select %eq3A_186, %mul3A_10, %broadcast_in_dim3A_188 : vector<256x32xi1>, vector<256x32xf32>
    %reduce_sum3A_190 = arith.constant dense<0.000000e+00> : vector<256xf32>
    %reduce_sum3A_191 = vector.multi_reduction <add>, %select_n3A_189, %reduce_sum3A_190 [1] : vector<256x32xf32> to vector<256xf32>
    %broadcast_in_dim3A_192 = vector.shape_cast %reduce_sum3A_191 : vector<256xf32> to vector<256x1xf32>
    %slice3A_193 = vector.extract_strided_slice %add3A_40 {offsets = [0, 704], sizes = [256, 64], strides = [1, 1]} : vector<256x1344xf32> to vector<256x64xf32>
    %mul3A_194 = vector.broadcast %broadcast_in_dim3A_192 : vector<256x1xf32> to vector<256x64xf32>
    %mul3A_195 = arith.mulf %mul3A_194, %slice3A_193 : vector<256x64xf32>
    %add3A_196 = arith.addf %add3A_183, %mul3A_195 : vector<256x64xf32>
    %eq3A_197 = arith.constant 12 : i32
    %eq3A_198 = vector.broadcast %eq3A_197 : i32 to vector<256x32xi32>
    %eq3A_199 = arith.cmpi eq, %iota3A, %eq3A_198 : vector<256x32xi32>
    %jit3A_200 = arith.constant 0.000000e+00 : f32
    %broadcast_in_dim3A_201 = vector.broadcast %jit3A_200 : f32 to vector<256x32xf32>
    %select_n3A_202 = arith.select %eq3A_199, %mul3A_10, %broadcast_in_dim3A_201 : vector<256x32xi1>, vector<256x32xf32>
    %reduce_sum3A_203 = arith.constant dense<0.000000e+00> : vector<256xf32>
    %reduce_sum3A_204 = vector.multi_reduction <add>, %select_n3A_202, %reduce_sum3A_203 [1] : vector<256x32xf32> to vector<256xf32>
    %broadcast_in_dim3A_205 = vector.shape_cast %reduce_sum3A_204 : vector<256xf32> to vector<256x1xf32>
    %slice3A_206 = vector.extract_strided_slice %add3A_40 {offsets = [0, 768], sizes = [256, 64], strides = [1, 1]} : vector<256x1344xf32> to vector<256x64xf32>
    %mul3A_207 = vector.broadcast %broadcast_in_dim3A_205 : vector<256x1xf32> to vector<256x64xf32>
    %mul3A_208 = arith.mulf %mul3A_207, %slice3A_206 : vector<256x64xf32>
    %add3A_209 = arith.addf %add3A_196, %mul3A_208 : vector<256x64xf32>
    %eq3A_210 = arith.constant 13 : i32
    %eq3A_211 = vector.broadcast %eq3A_210 : i32 to vector<256x32xi32>
    %eq3A_212 = arith.cmpi eq, %iota3A, %eq3A_211 : vector<256x32xi32>
    %jit3A_213 = arith.constant 0.000000e+00 : f32
    %broadcast_in_dim3A_214 = vector.broadcast %jit3A_213 : f32 to vector<256x32xf32>
    %select_n3A_215 = arith.select %eq3A_212, %mul3A_10, %broadcast_in_dim3A_214 : vector<256x32xi1>, vector<256x32xf32>
    %reduce_sum3A_216 = arith.constant dense<0.000000e+00> : vector<256xf32>
    %reduce_sum3A_217 = vector.multi_reduction <add>, %select_n3A_215, %reduce_sum3A_216 [1] : vector<256x32xf32> to vector<256xf32>
    %broadcast_in_dim3A_218 = vector.shape_cast %reduce_sum3A_217 : vector<256xf32> to vector<256x1xf32>
    %slice3A_219 = vector.extract_strided_slice %add3A_40 {offsets = [0, 832], sizes = [256, 64], strides = [1, 1]} : vector<256x1344xf32> to vector<256x64xf32>
    %mul3A_220 = vector.broadcast %broadcast_in_dim3A_218 : vector<256x1xf32> to vector<256x64xf32>
    %mul3A_221 = arith.mulf %mul3A_220, %slice3A_219 : vector<256x64xf32>
    %add3A_222 = arith.addf %add3A_209, %mul3A_221 : vector<256x64xf32>
    %eq3A_223 = arith.constant 14 : i32
    %eq3A_224 = vector.broadcast %eq3A_223 : i32 to vector<256x32xi32>
    %eq3A_225 = arith.cmpi eq, %iota3A, %eq3A_224 : vector<256x32xi32>
    %jit3A_226 = arith.constant 0.000000e+00 : f32
    %broadcast_in_dim3A_227 = vector.broadcast %jit3A_226 : f32 to vector<256x32xf32>
    %select_n3A_228 = arith.select %eq3A_225, %mul3A_10, %broadcast_in_dim3A_227 : vector<256x32xi1>, vector<256x32xf32>
    %reduce_sum3A_229 = arith.constant dense<0.000000e+00> : vector<256xf32>
    %reduce_sum3A_230 = vector.multi_reduction <add>, %select_n3A_228, %reduce_sum3A_229 [1] : vector<256x32xf32> to vector<256xf32>
    %broadcast_in_dim3A_231 = vector.shape_cast %reduce_sum3A_230 : vector<256xf32> to vector<256x1xf32>
    %slice3A_232 = vector.extract_strided_slice %add3A_40 {offsets = [0, 896], sizes = [256, 64], strides = [1, 1]} : vector<256x1344xf32> to vector<256x64xf32>
    %mul3A_233 = vector.broadcast %broadcast_in_dim3A_231 : vector<256x1xf32> to vector<256x64xf32>
    %mul3A_234 = arith.mulf %mul3A_233, %slice3A_232 : vector<256x64xf32>
    %add3A_235 = arith.addf %add3A_222, %mul3A_234 : vector<256x64xf32>
    %eq3A_236 = arith.constant 15 : i32
    %eq3A_237 = vector.broadcast %eq3A_236 : i32 to vector<256x32xi32>
    %eq3A_238 = arith.cmpi eq, %iota3A, %eq3A_237 : vector<256x32xi32>
    %jit3A_239 = arith.constant 0.000000e+00 : f32
    %broadcast_in_dim3A_240 = vector.broadcast %jit3A_239 : f32 to vector<256x32xf32>
    %select_n3A_241 = arith.select %eq3A_238, %mul3A_10, %broadcast_in_dim3A_240 : vector<256x32xi1>, vector<256x32xf32>
    %reduce_sum3A_242 = arith.constant dense<0.000000e+00> : vector<256xf32>
    %reduce_sum3A_243 = vector.multi_reduction <add>, %select_n3A_241, %reduce_sum3A_242 [1] : vector<256x32xf32> to vector<256xf32>
    %broadcast_in_dim3A_244 = vector.shape_cast %reduce_sum3A_243 : vector<256xf32> to vector<256x1xf32>
    %slice3A_245 = vector.extract_strided_slice %add3A_40 {offsets = [0, 960], sizes = [256, 64], strides = [1, 1]} : vector<256x1344xf32> to vector<256x64xf32>
    %mul3A_246 = vector.broadcast %broadcast_in_dim3A_244 : vector<256x1xf32> to vector<256x64xf32>
    %mul3A_247 = arith.mulf %mul3A_246, %slice3A_245 : vector<256x64xf32>
    %add3A_248 = arith.addf %add3A_235, %mul3A_247 : vector<256x64xf32>
    %eq3A_249 = arith.constant 16 : i32
    %eq3A_250 = vector.broadcast %eq3A_249 : i32 to vector<256x32xi32>
    %eq3A_251 = arith.cmpi eq, %iota3A, %eq3A_250 : vector<256x32xi32>
    %jit3A_252 = arith.constant 0.000000e+00 : f32
    %broadcast_in_dim3A_253 = vector.broadcast %jit3A_252 : f32 to vector<256x32xf32>
    %select_n3A_254 = arith.select %eq3A_251, %mul3A_10, %broadcast_in_dim3A_253 : vector<256x32xi1>, vector<256x32xf32>
    %reduce_sum3A_255 = arith.constant dense<0.000000e+00> : vector<256xf32>
    %reduce_sum3A_256 = vector.multi_reduction <add>, %select_n3A_254, %reduce_sum3A_255 [1] : vector<256x32xf32> to vector<256xf32>
    %broadcast_in_dim3A_257 = vector.shape_cast %reduce_sum3A_256 : vector<256xf32> to vector<256x1xf32>
    %slice3A_258 = vector.extract_strided_slice %add3A_40 {offsets = [0, 1024], sizes = [256, 64], strides = [1, 1]} : vector<256x1344xf32> to vector<256x64xf32>
    %mul3A_259 = vector.broadcast %broadcast_in_dim3A_257 : vector<256x1xf32> to vector<256x64xf32>
    %mul3A_260 = arith.mulf %mul3A_259, %slice3A_258 : vector<256x64xf32>
    %add3A_261 = arith.addf %add3A_248, %mul3A_260 : vector<256x64xf32>
    %eq3A_262 = arith.constant 17 : i32
    %eq3A_263 = vector.broadcast %eq3A_262 : i32 to vector<256x32xi32>
    %eq3A_264 = arith.cmpi eq, %iota3A, %eq3A_263 : vector<256x32xi32>
    %jit3A_265 = arith.constant 0.000000e+00 : f32
    %broadcast_in_dim3A_266 = vector.broadcast %jit3A_265 : f32 to vector<256x32xf32>
    %select_n3A_267 = arith.select %eq3A_264, %mul3A_10, %broadcast_in_dim3A_266 : vector<256x32xi1>, vector<256x32xf32>
    %reduce_sum3A_268 = arith.constant dense<0.000000e+00> : vector<256xf32>
    %reduce_sum3A_269 = vector.multi_reduction <add>, %select_n3A_267, %reduce_sum3A_268 [1] : vector<256x32xf32> to vector<256xf32>
    %broadcast_in_dim3A_270 = vector.shape_cast %reduce_sum3A_269 : vector<256xf32> to vector<256x1xf32>
    %slice3A_271 = vector.extract_strided_slice %add3A_40 {offsets = [0, 1088], sizes = [256, 64], strides = [1, 1]} : vector<256x1344xf32> to vector<256x64xf32>
    %mul3A_272 = vector.broadcast %broadcast_in_dim3A_270 : vector<256x1xf32> to vector<256x64xf32>
    %mul3A_273 = arith.mulf %mul3A_272, %slice3A_271 : vector<256x64xf32>
    %add3A_274 = arith.addf %add3A_261, %mul3A_273 : vector<256x64xf32>
    %eq3A_275 = arith.constant 18 : i32
    %eq3A_276 = vector.broadcast %eq3A_275 : i32 to vector<256x32xi32>
    %eq3A_277 = arith.cmpi eq, %iota3A, %eq3A_276 : vector<256x32xi32>
    %jit3A_278 = arith.constant 0.000000e+00 : f32
    %broadcast_in_dim3A_279 = vector.broadcast %jit3A_278 : f32 to vector<256x32xf32>
    %select_n3A_280 = arith.select %eq3A_277, %mul3A_10, %broadcast_in_dim3A_279 : vector<256x32xi1>, vector<256x32xf32>
    %reduce_sum3A_281 = arith.constant dense<0.000000e+00> : vector<256xf32>
    %reduce_sum3A_282 = vector.multi_reduction <add>, %select_n3A_280, %reduce_sum3A_281 [1] : vector<256x32xf32> to vector<256xf32>
    %broadcast_in_dim3A_283 = vector.shape_cast %reduce_sum3A_282 : vector<256xf32> to vector<256x1xf32>
    %slice3A_284 = vector.extract_strided_slice %add3A_40 {offsets = [0, 1152], sizes = [256, 64], strides = [1, 1]} : vector<256x1344xf32> to vector<256x64xf32>
    %mul3A_285 = vector.broadcast %broadcast_in_dim3A_283 : vector<256x1xf32> to vector<256x64xf32>
    %mul3A_286 = arith.mulf %mul3A_285, %slice3A_284 : vector<256x64xf32>
    %add3A_287 = arith.addf %add3A_274, %mul3A_286 : vector<256x64xf32>
    %eq3A_288 = arith.constant 19 : i32
    %eq3A_289 = vector.broadcast %eq3A_288 : i32 to vector<256x32xi32>
    %eq3A_290 = arith.cmpi eq, %iota3A, %eq3A_289 : vector<256x32xi32>
    %jit3A_291 = arith.constant 0.000000e+00 : f32
    %broadcast_in_dim3A_292 = vector.broadcast %jit3A_291 : f32 to vector<256x32xf32>
    %select_n3A_293 = arith.select %eq3A_290, %mul3A_10, %broadcast_in_dim3A_292 : vector<256x32xi1>, vector<256x32xf32>
    %reduce_sum3A_294 = arith.constant dense<0.000000e+00> : vector<256xf32>
    %reduce_sum3A_295 = vector.multi_reduction <add>, %select_n3A_293, %reduce_sum3A_294 [1] : vector<256x32xf32> to vector<256xf32>
    %broadcast_in_dim3A_296 = vector.shape_cast %reduce_sum3A_295 : vector<256xf32> to vector<256x1xf32>
    %slice3A_297 = vector.extract_strided_slice %add3A_40 {offsets = [0, 1216], sizes = [256, 64], strides = [1, 1]} : vector<256x1344xf32> to vector<256x64xf32>
    %mul3A_298 = vector.broadcast %broadcast_in_dim3A_296 : vector<256x1xf32> to vector<256x64xf32>
    %mul3A_299 = arith.mulf %mul3A_298, %slice3A_297 : vector<256x64xf32>
    %add3A_300 = arith.addf %add3A_287, %mul3A_299 : vector<256x64xf32>
    %get3A_301 = arith.constant 0 : index
    %get3A_302 = arith.constant 0 : index
    %get3A_303 = vector.load %arg6[%get3A_301, %get3A_302] : memref<1x64xf32, #tpu.memory_space<vmem>>, vector<1x64xf32>
    %add3A_304 = vector.broadcast %get3A_303 : vector<1x64xf32> to vector<256x64xf32>
    %add3A_305 = arith.addf %add3A_300, %add3A_304 : vector<256x64xf32>
    %reduce_sum3A_306 = arith.constant dense<0.000000e+00> : vector<64xf32>
    %reduce_sum3A_307 = vector.multi_reduction <add>, %add3A_305, %reduce_sum3A_306 [0] : vector<256x64xf32> to vector<64xf32>
    %broadcast_in_dim3A_308 = vector.shape_cast %reduce_sum3A_307 : vector<64xf32> to vector<1x64xf32>
    %div3A_309 = arith.constant 2.560000e+02 : f32
    %div3A_310 = vector.broadcast %div3A_309 : f32 to vector<1x64xf32>
    %div3A_311 = arith.divf %broadcast_in_dim3A_308, %div3A_310 : vector<1x64xf32>
    %sub3A = vector.broadcast %div3A_311 : vector<1x64xf32> to vector<256x64xf32>
    %sub3A_312 = arith.subf %add3A_305, %sub3A : vector<256x64xf32>
    %integer_pow3A = arith.mulf %sub3A_312, %sub3A_312 : vector<256x64xf32>
    %reduce_sum3A_313 = arith.constant dense<0.000000e+00> : vector<64xf32>
    %reduce_sum3A_314 = vector.multi_reduction <add>, %integer_pow3A, %reduce_sum3A_313 [0] : vector<256x64xf32> to vector<64xf32>
    %broadcast_in_dim3A_315 = vector.shape_cast %reduce_sum3A_314 : vector<64xf32> to vector<1x64xf32>
    %div3A_316 = arith.constant 2.560000e+02 : f32
    %div3A_317 = vector.broadcast %div3A_316 : f32 to vector<1x64xf32>
    %div3A_318 = arith.divf %broadcast_in_dim3A_315, %div3A_317 : vector<1x64xf32>
    %sub3A_319 = vector.broadcast %div3A_311 : vector<1x64xf32> to vector<256x64xf32>
    %sub3A_320 = arith.subf %add3A_305, %sub3A_319 : vector<256x64xf32>
    %add3A_321 = arith.constant 9.99999974E-6 : f32
    %add3A_322 = vector.broadcast %add3A_321 : f32 to vector<1x64xf32>
    %add3A_323 = arith.addf %div3A_318, %add3A_322 : vector<1x64xf32>
    %rsqrt3A = math.rsqrt %add3A_323 : vector<1x64xf32>
    %mul3A_324 = vector.broadcast %rsqrt3A : vector<1x64xf32> to vector<256x64xf32>
    %mul3A_325 = arith.mulf %sub3A_320, %mul3A_324 : vector<256x64xf32>
    %get3A_326 = arith.constant 0 : index
    %get3A_327 = arith.constant 0 : index
    %get3A_328 = vector.load %arg11[%get3A_326, %get3A_327] : memref<1x64xf32, #tpu.memory_space<vmem>>, vector<1x64xf32>
    %mul3A_329 = vector.broadcast %get3A_328 : vector<1x64xf32> to vector<256x64xf32>
    %mul3A_330 = arith.mulf %mul3A_325, %mul3A_329 : vector<256x64xf32>
    %get3A_331 = arith.constant 0 : index
    %get3A_332 = arith.constant 0 : index
    %get3A_333 = vector.load %arg12[%get3A_331, %get3A_332] : memref<1x64xf32, #tpu.memory_space<vmem>>, vector<1x64xf32>
    %add3A_334 = vector.broadcast %get3A_333 : vector<1x64xf32> to vector<256x64xf32>
    %add3A_335 = arith.addf %mul3A_330, %add3A_334 : vector<256x64xf32>
    %max3A_336 = arith.constant 0.000000e+00 : f32
    %max3A_337 = vector.broadcast %max3A_336 : f32 to vector<256x64xf32>
    %max3A_338 = arith.maximumf %add3A_335, %max3A_337 : vector<256x64xf32>
    %get3A_339 = arith.constant 0 : index
    %get3A_340 = arith.constant 0 : index
    %get3A_341 = vector.load %arg7[%get3A_339, %get3A_340] : memref<64x16xf32, #tpu.memory_space<vmem>>, vector<64x16xf32>
    %dot_general3A_342 = arith.constant dense<0.000000e+00> : vector<256x16xf32>
    %dot_general3A_343 = tpu.matmul %max3A_338, %get3A_341, %dot_general3A_342 {dimension_numbers = #tpu.dot_dimension_numbers<[1], [0], [0], [1], [0, 0, 1, 1], [], []>, transpose_lhs_hint = false} : vector<256x64xf32>, vector<64x16xf32>, vector<256x16xf32> -> vector<256x16xf32>
    %get3A_344 = arith.constant 0 : index
    %get3A_345 = arith.constant 0 : index
    %get3A_346 = vector.load %arg8[%get3A_344, %get3A_345] : memref<1x16xf32, #tpu.memory_space<vmem>>, vector<1x16xf32>
    %add3A_347 = vector.broadcast %get3A_346 : vector<1x16xf32> to vector<256x16xf32>
    %add3A_348 = arith.addf %dot_general3A_343, %add3A_347 : vector<256x16xf32>
    %reduce_sum3A_349 = arith.constant dense<0.000000e+00> : vector<16xf32>
    %reduce_sum3A_350 = vector.multi_reduction <add>, %add3A_348, %reduce_sum3A_349 [0] : vector<256x16xf32> to vector<16xf32>
    %broadcast_in_dim3A_351 = vector.shape_cast %reduce_sum3A_350 : vector<16xf32> to vector<1x16xf32>
    %div3A_352 = arith.constant 2.560000e+02 : f32
    %div3A_353 = vector.broadcast %div3A_352 : f32 to vector<1x16xf32>
    %div3A_354 = arith.divf %broadcast_in_dim3A_351, %div3A_353 : vector<1x16xf32>
    %sub3A_355 = vector.broadcast %div3A_354 : vector<1x16xf32> to vector<256x16xf32>
    %sub3A_356 = arith.subf %add3A_348, %sub3A_355 : vector<256x16xf32>
    %integer_pow3A_357 = arith.mulf %sub3A_356, %sub3A_356 : vector<256x16xf32>
    %reduce_sum3A_358 = arith.constant dense<0.000000e+00> : vector<16xf32>
    %reduce_sum3A_359 = vector.multi_reduction <add>, %integer_pow3A_357, %reduce_sum3A_358 [0] : vector<256x16xf32> to vector<16xf32>
    %broadcast_in_dim3A_360 = vector.shape_cast %reduce_sum3A_359 : vector<16xf32> to vector<1x16xf32>
    %div3A_361 = arith.constant 2.560000e+02 : f32
    %div3A_362 = vector.broadcast %div3A_361 : f32 to vector<1x16xf32>
    %div3A_363 = arith.divf %broadcast_in_dim3A_360, %div3A_362 : vector<1x16xf32>
    %sub3A_364 = vector.broadcast %div3A_354 : vector<1x16xf32> to vector<256x16xf32>
    %sub3A_365 = arith.subf %add3A_348, %sub3A_364 : vector<256x16xf32>
    %add3A_366 = arith.constant 9.99999974E-6 : f32
    %add3A_367 = vector.broadcast %add3A_366 : f32 to vector<1x16xf32>
    %add3A_368 = arith.addf %div3A_363, %add3A_367 : vector<1x16xf32>
    %rsqrt3A_369 = math.rsqrt %add3A_368 : vector<1x16xf32>
    %mul3A_370 = vector.broadcast %rsqrt3A_369 : vector<1x16xf32> to vector<256x16xf32>
    %mul3A_371 = arith.mulf %sub3A_365, %mul3A_370 : vector<256x16xf32>
    %get3A_372 = arith.constant 0 : index
    %get3A_373 = arith.constant 0 : index
    %get3A_374 = vector.load %arg13[%get3A_372, %get3A_373] : memref<1x16xf32, #tpu.memory_space<vmem>>, vector<1x16xf32>
    %mul3A_375 = vector.broadcast %get3A_374 : vector<1x16xf32> to vector<256x16xf32>
    %mul3A_376 = arith.mulf %mul3A_371, %mul3A_375 : vector<256x16xf32>
    %get3A_377 = arith.constant 0 : index
    %get3A_378 = arith.constant 0 : index
    %get3A_379 = vector.load %arg14[%get3A_377, %get3A_378] : memref<1x16xf32, #tpu.memory_space<vmem>>, vector<1x16xf32>
    %add3A_380 = vector.broadcast %get3A_379 : vector<1x16xf32> to vector<256x16xf32>
    %add3A_381 = arith.addf %mul3A_376, %add3A_380 : vector<256x16xf32>
    %max3A_382 = arith.constant 0.000000e+00 : f32
    %max3A_383 = vector.broadcast %max3A_382 : f32 to vector<256x16xf32>
    %max3A_384 = arith.maximumf %add3A_381, %max3A_383 : vector<256x16xf32>
    %get3A_385 = arith.constant 0 : index
    %get3A_386 = arith.constant 0 : index
    %get3A_387 = vector.load %arg9[%get3A_385, %get3A_386] : memref<16x1xf32, #tpu.memory_space<vmem>>, vector<16x1xf32>
    %dot_general3A_388 = arith.constant dense<0.000000e+00> : vector<256x1xf32>
    %dot_general3A_389 = tpu.matmul %max3A_384, %get3A_387, %dot_general3A_388 {dimension_numbers = #tpu.dot_dimension_numbers<[1], [0], [0], [1], [0, 0, 1, 1], [], []>, transpose_lhs_hint = false} : vector<256x16xf32>, vector<16x1xf32>, vector<256x1xf32> -> vector<256x1xf32>
    %get3A_390 = arith.constant 0 : index
    %get3A_391 = arith.constant 0 : index
    %get3A_392 = vector.load %arg10[%get3A_390, %get3A_391] : memref<1x1xf32, #tpu.memory_space<vmem>>, vector<1x1xf32>
    %add3A_393 = vector.broadcast %get3A_392 : vector<1x1xf32> to vector<256x1xf32>
    %add3A_394 = arith.addf %dot_general3A_389, %add3A_393 : vector<256x1xf32>
    %swap3A = arith.constant 0 : index
    %swap3A_395 = arith.constant 0 : index
    %swap3A_396 = vector.load %arg15[%swap3A, %swap3A_395] : memref<256x1xf32, #tpu.memory_space<vmem>>, vector<256x1xf32>
    tpu.vector_store %arg15[%swap3A, %swap3A_395], %add3A_394 {strides = array<i32>} : memref<256x1xf32, #tpu.memory_space<vmem>>, vector<256x1xf32>,
    return
  }
}

</mosaic_0001>

<sc_bundles>
// kernel: kernel.11.cloned.1.call-start
scs
__scs_entry_jumppad:
0x0: {  	(pc) =	sbr.rel $0x88, $3  }
0x1: {  	(tag) =	ssettag $0x0;
	lr =	simm.s32 $0x1  }
0x2: {  	[smem:$0x3F8D] =	sst lr;
	_ =	strace $0xD0000000  }
0x3: {  	_ = 	snop  }
0x4: {  	_ = 	snop  }
0x5: {  	_ = 	snop  }
0x6: {  	_ = 	snop  }
0x7: {  	_ = 	snop  }
__scs_overlays_trampoline_lowered:
0x8: {  	[smem:$0x3F9C] =	sst s0  }
0x9: {  	[smem:$0x3F9D] =	sst s1  }
0xa: {  	[smem:$0x3F9E] =	sst s2  }
0xb: {  	[smem:$0x3F9F] =	sst s3  }
0xc: {  	[smem:$0x3FA0] =	sst s4  }
0xd: {  	[smem:$0x3FA1] =	sst s5  }
0xe: {  	[smem:$0x3FA2] =	sst s6  }
0xf: {  	[smem:$0x3FA3] =	sst s7  }
0x10: {  	[smem:$0x3FA4] =	sst s8  }
0x11: {  	[smem:$0x3FA5] =	sst s9;
	s0 =	simm.s32 @!p0 $0x0  }
0x12: {  	s1 =	sld [smem:$0x3F8B];
	s0 =	simm.s32 @p0 $0x1  }
0x13: {  	[smem:$0x3FA6] =	sst s0;
	s0 =	simm.s32 @!p1 $0x0  }
0x14: {  	s2 =	sld [smem:$0x3F8A];
	s0 =	simm.s32 @p1 $0x1  }
0x15: {  	[smem:$0x3FA7] =	sst s0;
	s0 =	simm.s32 @!p2 $0x0  }
0x16: {  	s3 =	sld [smem:$0x3FDB];
	s0 =	simm.s32 @p2 $0x1  }
0x17: {  	s4 =	simm.s32 $0x1BF5;
	[smem:$0x3FA9] =	sst s0  }
0x18: {  	s0 =	sld [smem:$0x3F8C];
	_ =	swait.ge [sflag:s4], $0x0  }
0x19: {  	s7 =	sld [smem:$0x3F8D]  }
0x1a: {  	s8 =	sadd.s32 $0xFFFFE003, lr  }
0x1b: {  	s9 =	sadd.s32 $0xFFFFFEF7, lr;
	s5 =	simm.s32 $0xFFFFFFFF;
	p2 =	slt.u32 s8, $0xFFFFF086  }
0x1c: {  	p1 =	slt.u32 s9, $0xF7A;
	s5 =	simm.s32 @!p2 $0x0  }
0x1d: {  	s5 =	simm.s32 @p1 $0x1;
	p0 =	seq.s32 s7, s2  }
0x1e: {  	s7 =	smul.u32 @!p0 $0xF7A, s2;
	p2 =	seq.s32 @!p0 s5, $0x0  }
0x1f: {  	s9 =	smul.u32 $0xF7A, s1;
	s8 =	simm.s32 @!p0 $0x1BF5;
	p2 =	por !p2, p0  }
0x20: {  	[sflag:s8] =	ssyncset.s32 @!p0 $0xFFFFF086;
	s6 =	sadd.s32 @!p0 s3, s7;
	s7 =	simm.s32 @!p0 $0x108  }
0x21: {  	s3 =	sadd.s32 s3, s9;
	s6 =	sadd.s32 @!p0 $0x88, s6;
	s7 =	simm.s32 @p2 $0x1082  }
0x22: {  	[simem:s7], [sflag:s8] =	dma.local @!p0 [hbm:s6], $0xF7A  }
0x23: {  	s9 =	sor.u32 $0xD0000000, s2;
	s6 =	simm.s32 $0x108;
	_ =	swait.ge @!p0 [sflag:s8], $0x0  }
0x24: {  	s3 =	sadd.s32 $0x88, s3;
	s6 =	simm.s32 @!p1 $0x1082;
	[sflag:s4] =	ssyncset.s32 $0xFFFFF086  }
0x25: {  	[simem:s6], [sflag:s4] =	dma.local [hbm:s3], $0xF7A  }
0x26: {  	[smem:$0x3F8D] =	sst s1;
	(tag) =	ssettag s2;
	_ =	strace s9  }
0x27: {  	s1 =	sld [smem:$0x3F9D]  }
0x28: {  	s2 =	sld [smem:$0x3F9E]  }
0x29: {  	s4 =	sld [smem:$0x3FA0]  }
0x2a: {  	p0 =	seq.s32 s5, $0x0;
	s5 =	sld [smem:$0x3FA1]  }
0x2b: {  	s6 =	sld [smem:$0x3FA2]  }
0x2c: {  	s7 =	sld [smem:$0x3FA3]  }
0x2d: {  	s3 =	simm.s32 $0x108;
	s8 =	sld [smem:$0x3FA4]  }
0x2e: {  	s3 =	simm.s32 @!p0 $0x1082;
	s9 =	sld [smem:$0x3FA5]  }
0x2f: {  	lr =	sadd.s32 s0, s3;
	s0 =	sld [smem:$0x3F9C]  }
0x30: {  	s3 =	sld [smem:$0x3F9F]  }
0x31: {  	[smem:$0x3FA8] =	sst s10  }
0x32: {  	s10 =	sld [smem:$0x3FA6];
	_ =	sdelay $0x3  }
0x33: {  	p0 =	seq.s32 s10, $0x1;
	s10 =	sld [smem:$0x3FA8];
	_ =	sdelay $0x3  }
0x34: {  	[smem:$0x3FA8] =	sst s10  }
0x35: {  	s10 =	sld [smem:$0x3FA7];
	_ =	sdelay $0x3  }
0x36: {  	p1 =	seq.s32 s10, $0x1;
	s10 =	sld [smem:$0x3FA8];
	_ =	sdelay $0x3  }
0x37: {  	[smem:$0x3FA8] =	sst s10  }
0x38: {  	s10 =	sld [smem:$0x3FA9]  }
0x39: {  	_ = 	snop;
	(pc) =	sbr.ind lr, $3  }
0x3a: {  	_ = 	snop  }
0x3b: {  	_ = 	snop  }
0x3c: {  	p2 =	seq.s32 s10, $0x1;
	s10 =	sld [smem:$0x3FA8]  }
0x3d: {  	_ =	shalt  }
0x3e: {  	_ =	shalt  }
0x3f: {  	_ =	shalt  }
0x40: {  	_ =	shalt  }
0x41: {  	_ =	shalt  }
0x42: {  	_ =	shalt  }
0x43: {  	_ =	shalt  }
0x44: {  	_ =	shalt  }
0x45: {  	_ =	shalt  }
0x46: {  	_ =	shalt  }
0x47: {  	_ =	shalt  }
0x48: {  	_ =	shalt  }
0x49: {  	_ =	shalt  }
0x4a: {  	_ =	shalt  }
0x4b: {  	_ =	shalt  }
0x4c: {  	_ =	shalt  }
0x4d: {  	_ =	shalt  }
0x4e: {  	_ =	shalt  }
0x4f: {  	_ =	shalt  }
0x50: {  	_ =	shalt  }
0x51: {  	_ =	shalt  }
0x52: {  	_ =	shalt  }
0x53: {  	_ =	shalt  }
0x54: {  	_ =	shalt  }
0x55: {  	_ =	shalt  }
0x56: {  	_ =	shalt  }
0x57: {  	_ =	shalt  }
0x58: {  	_ =	shalt  }
0x59: {  	_ =	shalt  }
0x5a: {  	_ =	shalt  }
0x5b: {  	_ =	shalt  }
0x5c: {  	_ =	shalt  }
0x5d: {  	_ =	shalt  }
0x5e: {  	_ =	shalt  }
0x5f: {  	_ =	shalt  }
0x60: {  	_ =	shalt  }
0x61: {  	_ =	shalt  }
0x62: {  	_ =	shalt  }
0x63: {  	_ =	shalt  }
0x64: {  	_ =	shalt  }
0x65: {  	_ =	shalt  }
0x66: {  	_ =	shalt  }
0x67: {  	_ =	shalt  }
0x68: {  	_ =	shalt  }
0x69: {  	_ =	shalt  }
0x6a: {  	_ =	shalt  }
0x6b: {  	_ =	shalt  }
0x6c: {  	_ =	shalt  }
0x6d: {  	_ =	shalt  }
0x6e: {  	_ =	shalt  }
0x6f: {  	_ =	shalt  }
0x70: {  	_ =	shalt  }
0x71: {  	_ =	shalt  }
0x72: {  	_ =	shalt  }
0x73: {  	_ =	shalt  }
0x74: {  	_ =	shalt  }
0x75: {  	_ =	shalt  }
0x76: {  	_ =	shalt  }
0x77: {  	_ =	shalt  }
0x78: {  	_ =	shalt  }
0x79: {  	_ =	shalt  }
0x7a: {  	_ =	shalt  }
0x7b: {  	_ =	shalt  }
0x7c: {  	_ =	shalt  }
0x7d: {  	_ =	shalt  }
0x7e: {  	_ =	shalt  }
0x7f: {  	_ =	shalt  }
0x80: {  	_ =	shalt  }
0x81: {  	_ =	shalt  }
0x82: {  	_ =	shalt  }
0x83: {  	_ =	shalt  }
0x84: {  	_ =	shalt  }
0x85: {  	_ =	shalt  }
0x86: {  	_ =	shalt  }
0x87: {  	_ =	shalt  }
.Lfunc_end0:
.L_simem_size_0:
called_computation.1_lowered:
.L_overlay_start_0:
0x88: {  	s2 =	sld [smem:$0x3FD9]  }
0x89: {  	s3 =	sld [smem:$0x3FFE];
	_ =	sdelay $0x1  }
0x8a: {  	s1 =	srdreg.scid  }
0x8b: {  	s0 =	sand.u32 $0x1, s1  }
0x8c: {  	s16 =	sshll.u32 s0, $0xA;
	s2 =	sadd.s32 s3, s2  }
0x8d: {  	s2 =	sadd.s32 s2, s16  }
0x8e: {  	[smem:$0x3FB4] =	sst s2  }
0x8f: {  	_ = 	snop  }
0x90: {  	(tm) =	ssettm $0x1  }
0x91: {  	s17 =	sld [smem:$0x3FFB];
	_ =	sdelay $0x3  }
0x92: {  	_ =	strace s17  }
0x93: {  	s2 =	sld [smem:$0x3FFC];
	_ =	sdelay $0x3  }
0x94: {  	_ =	strace s2  }
0x95: {  	s2 =	sld [smem:$0x3FFD];
	_ =	sdelay $0x3  }
0x96: {  	_ =	strace s2  }
0x97: {  	_ =	strace $0x8FFFFFFF  }
0x98: {  	s18 =	sld [smem:$0x3FDB];
	_ =	sdelay $0x1  }
0x99: {  	s19 =	simm.s32 $_scs_section_size  }
0x9a: {  	s4 =	simm.s32 $_size__tile_overlayer_lowered;
	s5 =	simm.s32 $_tile_overlayer_lowered  }
0x9b: {  	s22 =	simm.s32 $0x1BFF;
	s21 =	sshll.u32 s5, $0x1;
	s2 =	sadd.s32 s19, s18  }
0x9c: {  	s6 =	simm.s32 $0x0;
	s20 =	sshll.u32 s4, $0x1;
	s4 =	sadd.s32 s21, s2  }
0x9d: {  	[timem:s6], [sflag:s22] =	dma.local [hbm:s4], s20  }
0x9e: {  	_ =	swait.ge [sflag:s22], s20  }
0x9f: {  	s3 =	ssub.s32 $0x0, s20;
	[sflag:s22] =	ssyncset.done $0x0  }
0xa0: {  	[sflag:s22] =	ssyncadd.s32 s3;
	_ =	sdelay $0x1  }
0xa1: {  	s23 =	simm.s32 $0x1B8B  }
0xa2: {  	_ =	swait.ge [sflag:s23], $0x1  }
0xa3: {  	[sflag:s23] =	ssyncset.done $0x0  }
0xa4: {  	s25 =	simm.s32 $0x1B8E;
	s24 =	sld [smem:$0x3FFE];
	[sflag:s23] =	ssyncadd.s32 $0xFFFFFFFF  }
0xa5: {  	s26 =	simm.s32 $execute0_lowered;
	[smem:$0x3FD2] =	sst s25  }
0xa6: {  	s4 =	sshll.u32 s26, $0x1;
	_ =	strace $0x80000049;
	[dreg:$0x1] =	wrdreg $0xFFFFFFFF  }
0xa7: {  	s28 =	simm.s32 $_size_execute0_lowered;
	s2 =	sadd.s32 s2, s4;
	[dreg:$0x0] =	wrdreg $0x0  }
0xa8: {  	s4 =	sshll.u32 s28, $0x1;
	[dreg:$0x2] =	wrdreg s2  }
0xa9: {  	[dreg:$0x3] =	wrdreg s4  }
0xaa: {  	[dreg:$0x4] =	wrdreg $0xC0  }
0xab: {  	_ =	task [dreg:s6], $0x5FFFF  }
0xac: {  	[dreg:$0x1] =	wrdreg $0xFFFFFFFF  }
0xad: {  	[dreg:$0x0] =	wrdreg $0x60  }
0xae: {  	[dreg:$0x2] =	wrdreg s24  }
0xaf: {  	[dreg:$0x3] =	wrdreg $0x48000  }
0xb0: {  	[dreg:$0x4] =	wrdreg $0x9  }
0xb1: {  	_ =	task.clear_ibuf [dreg:s6], $0x5FFFF;
	_ =	strace $0x90000049  }
0xb2: {  	s29 =	simm.s32 $0x9;
	_ =	strace $0x8000004B  }
0xb3: {  	_ =	swait.ge [sflag:s29], $0x1  }
0xb4: {  	[sflag:s29] =	ssyncadd.s32 $0xFFFFFFFF  }
0xb5: {  	_ =	strace $0x9000004B  }
0xb6: {  	_ =	sfence  }
0xb7: {  	s30 =	sld [smem:$0x0];
	_ =	sdelay $0x2  }
0xb8: {  	s31 =	sshll.u32 s1, $0xD;
	s1 =	sshrl.u32 s1, $0x2  }
0xb9: {  	s3 =	sand.u32 $0x4000, s31;
	s1 =	sadd.s32 s1, s30  }
0xba: {  	s0 =	sor.u32 s3, s0;
	s1 =	sshll.u32 s1, $0x11  }
0xbb: {  	s0 =	sor.u32 s1, s0  }
0xbc: {  	s0 =	sadd.s32 $0x8F2B, s0  }
0xbd: {  	[sflag:s0] =	ssyncadd.remote.s32 $0x1  }
0xbe: {  	_ =	sfence.sel $0xFFFF  }
0xbf: {  	[dreg:$0x0] =	wrdreg $0xFFFFFFFF;
	(pc) =	sbr.abs _section_cstart, $3  }
0xc0: {  	[dreg:$0x1] =	wrdreg $0xFFFFFFFF  }
0xc1: {  	_ =	task.clear_ibuf [dreg:s6], $0x2FFFF;
	_ =	strace $0x9FFFFFFF  }
0xc2: {  	(tm) =	ssettm $0x7FFFFFFF  }
0xc3: {  	_ =	shalt  }
tec
execute0_lowered:
.L_overlay_start_1:
0x0: {  	(tag) =	ssettag $0x1  }
0x1: {  	s0 =	rddreg [dreg:$0x0]  }
0x2: {  	s2 =	rddreg [dreg:$0x1]  }
0x3: {  	s8 =	stileid.u32;
	s3 =	simm.s32 $0x0;
	s1 =	srdreg.scid  }
0x4: {  	s18 =	simm.s32 $0x2480;
	s19 =	simm.s32 $0x2500;
	s20 =	simm.s32 $0x2580  }
0x5: {  	s21 =	simm.s32 $0x280;
	s22 =	simm.s32 $0x300;
	s23 =	simm.s32 $0x380  }
0x6: {  	s24 =	simm.s32 $0x2680;
	s25 =	simm.s32 $0x2700;
	s26 =	simm.s32 $0x2780  }
0x7: {  	s28 =	simm.s32 $0x3000;
	s29 =	simm.s32 $0x3800;
	[smem:$0x7FF] =	sst s3  }
0x8: {  	s4 =	smul.u32 $0x38, s8;
	_ =	strace $0x8000004A;
	[dreg:$0x3] =	wrdreg s18  }
0x9: {  	s30 =	simm.s32 $0x4000;
	s5 =	smul.u32 $0x68, s8;
	[dreg:$0x4] =	wrdreg s19  }
0xa: {  	s31 =	simm.s32 $0x1;
	s7 =	smul.u32 $0x500, s8;
	[dreg:$0x5] =	wrdreg s20  }
0xb: {  	s1 =	sand.u32 $0x1, s1;
	s8 =	smul.u32 $0xA000, s8;
	[dreg:$0x6] =	wrdreg s21  }
0xc: {  	p0 =	seq.s32 s1, $0x0;
	s10 =	smul.u32 $0x5000, s1;
	[dreg:$0x7] =	wrdreg s22  }
0xd: {  	s1 =	ssub.s32 $0x2, s1;
	s18 =	simm.s32 $0x80;
	[dreg:$0x8] =	wrdreg s23  }
0xe: {  	s19 =	simm.s32 $0xC00;
	s21 =	simm.s32 $0x1400;
	[dreg:$0x9] =	wrdreg s24  }
0xf: {  	s23 =	simm.s32 $0x1C00;
	s24 =	simm.s32 $0x2400;
	[dreg:$0xa] =	wrdreg s25  }
0x10: {  	[dreg:$0xb] =	wrdreg s26;
	s25 =	simm.s32 $0x2600;
	s26 =	simm.s32 $0x2800  }
0x11: {  	s20 =	simm.s32 $0x0;
	s6 =	sadd.s32 $0x680, s4;
	s4 =	sadd.s32 $0x2200, s0  }
0x12: {  	s11 =	sshrl.u32 s1, $0x1;
	s12 =	sshrl.u32 s8, $0x2;
	s6 =	smov.u32 @p0 s5  }
0x13: {  	s5 =	sadd.s32 s7, s10;
	s1 =	ssub.s32 s1, s11;
	s9 =	sadd.s32 s12, s2  }
0x14: {  	s6 =	sshll.u32 s6, $0x4;
	s17 =	smax.u32 s1, $0x1;
	[dreg:$0xc] =	wrdreg s9  }
0x15: {  	s13 =	sadd.s32 s6, s0;
	s0 =	sadd.s32 s5, s0;
	s5 =	simm.s32 $0x1A  }
0x16: {  	s6 =	sadd.s32 $0x1400, s9;
	[dreg:$0x12] =	wrdreg s17;
	s17 =	simm.s32 $0x200  }
0x17: {  	s5 =	simm.s32 @!p0 $0xE;
	[dreg:$0xd] =	wrdreg s6;
	s14 =	sadd.s32 $0x15C00, s13  }
0x18: {  	s15 =	sadd.s32 $0x1FC00, s13;
	s0 =	sadd.s32 $0x7200, s0;
	[dreg:$0xe] =	wrdreg s14  }
0x19: {  	s8 =	sadd.s32 $0x1FC40, s13;
	[dreg:$0xf] =	wrdreg s15;
	s16 =	sshrl.u32 s5, $0x1  }
0x1a: {  	[dreg:$0x11] =	wrdreg s0;
	s14 =	sadd.s32 $0x15C40, s13;
	s15 =	simm.s32 $0x400  }
0x1b: {  	v0 =	vimm.bf16 $0.0e+00;
	s0 =	simm.s32 $0x2;
	[dreg:$0x10] =	wrdreg s16;
	s16 =	simm.s32 $0x3  }
.LBB2_1:
0x1c: {  	s1 =	simm.s32 $0x40;
	s7 =	simm.s32 $0x0  }
.LBB2_2:
0x1d: {  	p0 =	sne.s32 s1, $0x4FC0;
	[tilespmem:s7+$0x400] =	vst v0;
	s7 =	smov.u32 s1;
	s1 =	sadd.s32 $0x40, s1  }
.Ltmp0:
0x1e: {  	(pc) =	sbr.rel @p0 .LBB2_2-.Ltmp0, $2  }
0x1f: {  	_ =	sdelay $0x2  }
0x20: {  	s7 =	sshra.s32 s7, $0x2  }
0x21: {  	[tilespmem:s7+$0x400] =	vst v0  }
0x22: {  	[spmem:s9] =	stream.linear.scatter [tilespmem:s15], [sflag:$0x3], $0x1400, $0x38;
	[tilespmem:$0x7000] =	vst v63  }
0x23: {  	_ =	swait.ge [sflag:s16], $0x1400  }
0x24: {  	[sflag:s16] =	ssyncset.done $0x0  }
0x25: {  	s1 =	rddreg [dreg:$0xd];
	[sflag:s16] =	ssyncadd.s32 $0xFFFFEC00  }
0x26: {  	[spmem:s1] =	stream.linear.scatter [tilespmem:s15], [sflag:$0x3], $0x1400, $0x38;
	[tilespmem:$0x7000] =	vst v63  }
0x27: {  	_ =	swait.ge [sflag:s16], $0x1400  }
0x28: {  	[sflag:s16] =	ssyncset.done $0x0  }
0x29: {  	[sflag:s16] =	ssyncadd.s32 $0xFFFFEC00  }
0x2a: {  	[bflag:$0x0] =	sbarrier.arrive $0xFFFF  }
0x2b: {  	s9 =	rddreg [dreg:$0xe]  }
0x2c: {  	[tilespmem:s3], [sflag:$0x3] =	stream.linear.gather [hbm4b:s9+s3], $0x200, $0x38;
	[tilespmem:$0x7000] =	vst v63  }
0x2d: {  	_ =	swait.ge [sflag:s16], $0x200  }
0x2e: {  	[sflag:s16] =	ssyncset.done $0x0  }
0x2f: {  	s10 =	rddreg [dreg:$0xf];
	[sflag:s16] =	ssyncadd.s32 $0xFFFFFE00  }
0x30: {  	[tilespmem:s17], [sflag:$0x3] =	stream.linear.gather [hbm4b:s10+s3], $0x200, $0x38;
	[tilespmem:$0x7000] =	vst v63  }
0x31: {  	_ =	swait.ge [sflag:s16], $0x200  }
0x32: {  	[sflag:s16] =	ssyncset.done $0x0  }
0x33: {  	[sflag:s16] =	ssyncadd.s32 $0xFFFFFE00  }
0x34: {  	[tilespmem:s15], [sflag:$0x1] =	stream.indirect.gather [hbm4b:s4+s18], $0x10, s3, s18, $0xb8;
	[tilespmem:$0x7000] =	vst v63  }
0x35: {  	_ = 	snop  }
0x36: {  	[tilespmem:s19], [sflag:$0x1] =	stream.indirect.gather [hbm4b:s4+s18], $0x10, s18, s18, $0xb8;
	[tilespmem:$0x7000] =	vst v63  }
0x37: {  	s11 =	simm.s32 $0x100  }
0x38: {  	[tilespmem:s21], [sflag:$0x1] =	stream.indirect.gather [hbm4b:s4+s18], $0x10, s11, s18, $0xb8;
	[tilespmem:$0x7000] =	vst v63  }
0x39: {  	s12 =	simm.s32 $0x180  }
0x3a: {  	[tilespmem:s23], [sflag:$0x1] =	stream.indirect.gather [hbm4b:s4+s18], $0x10, s12, s18, $0xb8;
	[tilespmem:$0x7000] =	vst v63  }
0x3b: {  	_ = 	snop  }
0x3c: {  	[tilespmem:s24], [sflag:$0x3] =	stream.linear.gather [hbm4b:s14+s3], $0x200, $0x38;
	[tilespmem:$0x7000] =	vst v63  }
0x3d: {  	_ =	swait.ge [sflag:s16], $0x200  }
0x3e: {  	[sflag:s16] =	ssyncset.done $0x0  }
0x3f: {  	[sflag:s16] =	ssyncadd.s32 $0xFFFFFE00  }
0x40: {  	[tilespmem:s25], [sflag:$0x3] =	stream.linear.gather [hbm4b:s8+s3], $0x200, $0x38;
	[tilespmem:$0x7000] =	vst v63  }
0x41: {  	_ =	swait.ge [sflag:s16], $0x200  }
0x42: {  	[sflag:s16] =	ssyncset.done $0x0  }
0x43: {  	[sflag:s16] =	ssyncadd.s32 $0xFFFFFE00  }
0x44: {  	[tilespmem:s26], [sflag:$0x2] =	stream.indirect.gather [hbm4b:s4+s18], $0x10, s24, s18, $0xb8;
	[tilespmem:$0x7000] =	vst v63  }
0x45: {  	s13 =	rddreg [dreg:$0x3]  }
0x46: {  	[tilespmem:s28], [sflag:$0x2] =	stream.indirect.gather [hbm4b:s4+s18], $0x10, s13, s18, $0xb8;
	[tilespmem:$0x7000] =	vst v63  }
0x47: {  	s22 =	rddreg [dreg:$0x4]  }
0x48: {  	[tilespmem:s29], [sflag:$0x2] =	stream.indirect.gather [hbm4b:s4+s18], $0x10, s22, s18, $0xb8;
	[tilespmem:$0x7000] =	vst v63  }
0x49: {  	s6 =	rddreg [dreg:$0x5]  }
0x4a: {  	[tilespmem:s30], [sflag:$0x2] =	stream.indirect.gather [hbm4b:s4+s18], $0x10, s6, s18, $0xb8;
	[tilespmem:$0x7000] =	vst v63  }
0x4b: {  	_ =	swait.ge [sflag:s31], $0x800  }
0x4c: {  	[sflag:s31] =	ssyncset.done $0x0  }
0x4d: {  	[sflag:s31] =	ssyncadd.s32 $0xFFFFF800  }
0x4e: {  	_ =	swait.ge [sflag:s31], $0x800  }
0x4f: {  	[sflag:s31] =	ssyncset.done $0x0  }
0x50: {  	[sflag:s31] =	ssyncadd.s32 $0xFFFFF800  }
0x51: {  	_ =	swait.ge [sflag:s31], $0x800  }
0x52: {  	[sflag:s31] =	ssyncset.done $0x0  }
0x53: {  	[sflag:s31] =	ssyncadd.s32 $0xFFFFF800  }
0x54: {  	_ =	swait.ge [sflag:s31], $0x800  }
0x55: {  	[sflag:s31] =	ssyncset.done $0x0  }
0x56: {  	[sflag:s31] =	ssyncadd.s32 $0xFFFFF800  }
0x57: {  	[spmem:s2] =	stream.indirect.scatter.add.bf16 [tilespmem:s15], [sflag:$0x3], $0x10, s17, s18, $0xb8;
	[tilespmem:$0x7000] =	vst v63  }
0x58: {  	_ =	swait.ge [sflag:s16], $0x800  }
0x59: {  	[sflag:s16] =	ssyncset.done $0x0  }
0x5a: {  	s7 =	rddreg [dreg:$0x6];
	[sflag:s16] =	ssyncadd.s32 $0xFFFFF800  }
0x5b: {  	[spmem:s2] =	stream.indirect.scatter.add.bf16 [tilespmem:s19], [sflag:$0x3], $0x10, s7, s18, $0xb8;
	[tilespmem:$0x7000] =	vst v63  }
0x5c: {  	_ =	swait.ge [sflag:s16], $0x800  }
0x5d: {  	[sflag:s16] =	ssyncset.done $0x0  }
0x5e: {  	s9 =	rddreg [dreg:$0x7];
	[sflag:s16] =	ssyncadd.s32 $0xFFFFF800  }
0x5f: {  	[spmem:s2] =	stream.indirect.scatter.add.bf16 [tilespmem:s21], [sflag:$0x3], $0x10, s9, s18, $0xb8;
	[tilespmem:$0x7000] =	vst v63  }
0x60: {  	_ =	swait.ge [sflag:s16], $0x800  }
0x61: {  	[sflag:s16] =	ssyncset.done $0x0  }
0x62: {  	s10 =	rddreg [dreg:$0x8];
	[sflag:s16] =	ssyncadd.s32 $0xFFFFF800  }
0x63: {  	[spmem:s2] =	stream.indirect.scatter.add.bf16 [tilespmem:s23], [sflag:$0x3], $0x10, s10, s18, $0xb8;
	[tilespmem:$0x7000] =	vst v63  }
0x64: {  	p0 =	sle.u32 s5, $0x2;
	_ =	swait.ge [sflag:s16], $0x800  }
0x65: {  	s1 =	sadd.s32 @!p0 $0x40, s14;
	[sflag:s16] =	ssyncset.done $0x0  }
0x66: {  	s13 =	simm.s32 @!p0 $0x3;
	s7 =	simm.s32 @!p0 $0x0;
	[sflag:s16] =	ssyncadd.s32 $0xFFFFF800  }
0x67: {  	[tilespmem:s7], [sflag:$0x3] =	stream.linear.gather @!p0 [hbm4b:s1+s7], $0x200, $0x38;
	[tilespmem:$0x7000] =	vst v63  }
0x68: {  	_ =	swait.ge @!p0 [sflag:s13], $0x200  }
0x69: {  	[sflag:s13] =	ssyncset.done @!p0 $0x0  }
0x6a: {  	s22 =	simm.s32 @!p0 $0x200;
	s1 =	sadd.s32 @!p0 $0x40, s8;
	[sflag:s13] =	ssyncadd.s32 @!p0 $0xFFFFFE00  }
0x6b: {  	[tilespmem:s22], [sflag:$0x3] =	stream.linear.gather @!p0 [hbm4b:s1+s7], $0x200, $0x38;
	[tilespmem:$0x7000] =	vst v63  }
0x6c: {  	_ =	swait.ge @!p0 [sflag:s13], $0x200  }
0x6d: {  	[sflag:s13] =	ssyncset.done @!p0 $0x0  }
0x6e: {  	s1 =	simm.s32 @!p0 $0x80;
	s22 =	simm.s32 @!p0 $0x400;
	[sflag:s13] =	ssyncadd.s32 @!p0 $0xFFFFFE00  }
0x6f: {  	[tilespmem:s22], [sflag:$0x1] =	stream.indirect.gather @!p0 [hbm4b:s4+s1], $0x10, s7, s1, $0xb8;
	[tilespmem:$0x7000] =	vst v63  }
0x70: {  	s7 =	simm.s32 @!p0 $0xC00  }
0x71: {  	[tilespmem:s7], [sflag:$0x1] =	stream.indirect.gather @!p0 [hbm4b:s4+s1], $0x10, s1, s1, $0xb8;
	[tilespmem:$0x7000] =	vst v63  }
0x72: {  	s13 =	simm.s32 @!p0 $0x1400;
	s7 =	simm.s32 @!p0 $0x100  }
0x73: {  	[tilespmem:s13], [sflag:$0x1] =	stream.indirect.gather @!p0 [hbm4b:s4+s1], $0x10, s7, s1, $0xb8;
	[tilespmem:$0x7000] =	vst v63  }
0x74: {  	s7 =	simm.s32 @!p0 $0x180;
	s13 =	simm.s32 @!p0 $0x1C00  }
0x75: {  	[tilespmem:s13], [sflag:$0x1] =	stream.indirect.gather @!p0 [hbm4b:s4+s1], $0x10, s7, s1, $0xb8;
	[tilespmem:$0x7000] =	vst v63  }
0x76: {  	_ =	swait.ge [sflag:s0], $0x800  }
0x77: {  	[sflag:s0] =	ssyncset.done $0x0  }
0x78: {  	[sflag:s0] =	ssyncadd.s32 $0xFFFFF800  }
0x79: {  	_ =	swait.ge [sflag:s0], $0x800  }
0x7a: {  	[sflag:s0] =	ssyncset.done $0x0  }
0x7b: {  	[sflag:s0] =	ssyncadd.s32 $0xFFFFF800  }
0x7c: {  	_ =	swait.ge [sflag:s0], $0x800  }
0x7d: {  	[sflag:s0] =	ssyncset.done $0x0  }
0x7e: {  	[sflag:s0] =	ssyncadd.s32 $0xFFFFF800  }
0x7f: {  	_ =	swait.ge [sflag:s0], $0x800  }
0x80: {  	[sflag:s0] =	ssyncset.done $0x0  }
0x81: {  	[sflag:s0] =	ssyncadd.s32 $0xFFFFF800  }
0x82: {  	[spmem:s2] =	stream.indirect.scatter.add.bf16 [tilespmem:s26], [sflag:$0x3], $0x10, s25, s18, $0xb8;
	[tilespmem:$0x7000] =	vst v63  }
0x83: {  	_ =	swait.ge [sflag:s16], $0x800  }
0x84: {  	[sflag:s16] =	ssyncset.done $0x0  }
0x85: {  	s11 =	rddreg [dreg:$0x9];
	[sflag:s16] =	ssyncadd.s32 $0xFFFFF800  }
0x86: {  	[spmem:s2] =	stream.indirect.scatter.add.bf16 [tilespmem:s28], [sflag:$0x3], $0x10, s11, s18, $0xb8;
	[tilespmem:$0x7000] =	vst v63  }
0x87: {  	_ =	swait.ge [sflag:s16], $0x800  }
0x88: {  	[sflag:s16] =	ssyncset.done $0x0  }
0x89: {  	s12 =	rddreg [dreg:$0xa];
	[sflag:s16] =	ssyncadd.s32 $0xFFFFF800  }
0x8a: {  	[spmem:s2] =	stream.indirect.scatter.add.bf16 [tilespmem:s29], [sflag:$0x3], $0x10, s12, s18, $0xb8;
	[tilespmem:$0x7000] =	vst v63  }
0x8b: {  	_ =	swait.ge [sflag:s16], $0x800  }
0x8c: {  	s6 =	rddreg [dreg:$0x10]  }
0x8d: {  	s22 =	sadd.s32 $0xFFFFFFFF, s6  }
0x8e: {  	p0 =	sne.s32 s22, $0x0  }
.Ltmp1:
0x8f: {  	_ = 	snop;
	(pc) =	sbr.rel @!p0 .LBB2_5-.Ltmp1, $4  }
0x90: {  	[sflag:s16] =	ssyncset.done $0x0  }
0x91: {  	s1 =	sadd.s32 $0x80, s14;
	s13 =	rddreg [dreg:$0xb];
	[sflag:s16] =	ssyncadd.s32 $0xFFFFF800  }
0x92: {  	[spmem:s2] =	stream.indirect.scatter.add.bf16 [tilespmem:s30], [sflag:$0x3], $0x10, s13, s18, $0xb8;
	[tilespmem:$0x7000] =	vst v63  }
0x93: {  	s7 =	simm.s32 $0x4;
	s13 =	smov.u32 s8;
	_ =	swait.ge [sflag:s16], $0x800  }
.LBB2_4:
0x94: {  	[sflag:s16] =	ssyncset.done $0x0  }
0x95: {  	[sflag:s16] =	ssyncadd.s32 $0xFFFFF800  }
0x96: {  	[tilespmem:s24], [sflag:$0x3] =	stream.linear.gather [hbm4b:s1+s3], $0x200, $0x38;
	[tilespmem:$0x7000] =	vst v63  }
0x97: {  	_ =	swait.ge [sflag:s16], $0x200  }
0x98: {  	[sflag:s16] =	ssyncset.done $0x0  }
0x99: {  	s13 =	sadd.s32 $0x80, s13;
	[sflag:s16] =	ssyncadd.s32 $0xFFFFFE00  }
0x9a: {  	[tilespmem:s25], [sflag:$0x3] =	stream.linear.gather [hbm4b:s13+s3], $0x200, $0x38;
	[tilespmem:$0x7000] =	vst v63  }
0x9b: {  	_ =	swait.ge [sflag:s16], $0x200  }
0x9c: {  	[sflag:s16] =	ssyncset.done $0x0  }
0x9d: {  	[sflag:s16] =	ssyncadd.s32 $0xFFFFFE00  }
0x9e: {  	[tilespmem:s26], [sflag:$0x2] =	stream.indirect.gather [hbm4b:s4+s18], $0x10, s24, s18, $0xb8;
	[tilespmem:$0x7000] =	vst v63  }
0x9f: {  	s9 =	rddreg [dreg:$0x3]  }
0xa0: {  	[tilespmem:s28], [sflag:$0x2] =	stream.indirect.gather [hbm4b:s4+s18], $0x10, s9, s18, $0xb8;
	[tilespmem:$0x7000] =	vst v63  }
0xa1: {  	s10 =	rddreg [dreg:$0x4]  }
0xa2: {  	[tilespmem:s29], [sflag:$0x2] =	stream.indirect.gather [hbm4b:s4+s18], $0x10, s10, s18, $0xb8;
	[tilespmem:$0x7000] =	vst v63  }
0xa3: {  	s6 =	rddreg [dreg:$0x5]  }
0xa4: {  	[tilespmem:s30], [sflag:$0x2] =	stream.indirect.gather [hbm4b:s4+s18], $0x10, s6, s18, $0xb8;
	[tilespmem:$0x7000] =	vst v63  }
0xa5: {  	_ =	swait.ge [sflag:s31], $0x800  }
0xa6: {  	[sflag:s31] =	ssyncset.done $0x0  }
0xa7: {  	[sflag:s31] =	ssyncadd.s32 $0xFFFFF800  }
0xa8: {  	_ =	swait.ge [sflag:s31], $0x800  }
0xa9: {  	[sflag:s31] =	ssyncset.done $0x0  }
0xaa: {  	[sflag:s31] =	ssyncadd.s32 $0xFFFFF800  }
0xab: {  	_ =	swait.ge [sflag:s31], $0x800  }
0xac: {  	[sflag:s31] =	ssyncset.done $0x0  }
0xad: {  	[sflag:s31] =	ssyncadd.s32 $0xFFFFF800  }
0xae: {  	_ =	swait.ge [sflag:s31], $0x800  }
0xaf: {  	[sflag:s31] =	ssyncset.done $0x0  }
0xb0: {  	[sflag:s31] =	ssyncadd.s32 $0xFFFFF800  }
0xb1: {  	[spmem:s2] =	stream.indirect.scatter.add.bf16 [tilespmem:s15], [sflag:$0x3], $0x10, s17, s18, $0xb8;
	[tilespmem:$0x7000] =	vst v63  }
0xb2: {  	_ =	swait.ge [sflag:s16], $0x800  }
0xb3: {  	[sflag:s16] =	ssyncset.done $0x0  }
0xb4: {  	s11 =	rddreg [dreg:$0x6];
	[sflag:s16] =	ssyncadd.s32 $0xFFFFF800  }
0xb5: {  	[spmem:s2] =	stream.indirect.scatter.add.bf16 [tilespmem:s19], [sflag:$0x3], $0x10, s11, s18, $0xb8;
	[tilespmem:$0x7000] =	vst v63  }
0xb6: {  	_ =	swait.ge [sflag:s16], $0x800  }
0xb7: {  	[sflag:s16] =	ssyncset.done $0x0  }
0xb8: {  	s12 =	rddreg [dreg:$0x7];
	[sflag:s16] =	ssyncadd.s32 $0xFFFFF800  }
0xb9: {  	[spmem:s2] =	stream.indirect.scatter.add.bf16 [tilespmem:s21], [sflag:$0x3], $0x10, s12, s18, $0xb8;
	[tilespmem:$0x7000] =	vst v63  }
0xba: {  	_ =	swait.ge [sflag:s16], $0x800  }
0xbb: {  	[sflag:s16] =	ssyncset.done $0x0  }
0xbc: {  	s6 =	rddreg [dreg:$0x8];
	[sflag:s16] =	ssyncadd.s32 $0xFFFFF800  }
0xbd: {  	[spmem:s2] =	stream.indirect.scatter.add.bf16 [tilespmem:s23], [sflag:$0x3], $0x10, s6, s18, $0xb8;
	[tilespmem:$0x7000] =	vst v63  }
0xbe: {  	p1 =	sge.u32 s7, s5;
	_ =	swait.ge [sflag:s16], $0x800  }
0xbf: {  	s9 =	sadd.s32 @!p1 $0x40, s1;
	[sflag:s16] =	ssyncset.done $0x0  }
0xc0: {  	s10 =	simm.s32 @!p1 $0x0;
	s11 =	simm.s32 @!p1 $0x3;
	[sflag:s16] =	ssyncadd.s32 $0xFFFFF800  }
0xc1: {  	[tilespmem:s10], [sflag:$0x3] =	stream.linear.gather @!p1 [hbm4b:s9+s10], $0x200, $0x38;
	[tilespmem:$0x7000] =	vst v63  }
0xc2: {  	_ =	swait.ge @!p1 [sflag:s11], $0x200  }
0xc3: {  	[sflag:s11] =	ssyncset.done @!p1 $0x0  }
0xc4: {  	s12 =	simm.s32 @!p1 $0x200;
	s9 =	sadd.s32 @!p1 $0x40, s13;
	[sflag:s11] =	ssyncadd.s32 @!p1 $0xFFFFFE00  }
0xc5: {  	[tilespmem:s12], [sflag:$0x3] =	stream.linear.gather @!p1 [hbm4b:s9+s10], $0x200, $0x38;
	[tilespmem:$0x7000] =	vst v63  }
0xc6: {  	_ =	swait.ge @!p1 [sflag:s11], $0x200  }
0xc7: {  	[sflag:s11] =	ssyncset.done @!p1 $0x0  }
0xc8: {  	s9 =	simm.s32 @!p1 $0x80;
	s12 =	simm.s32 @!p1 $0x400;
	[sflag:s11] =	ssyncadd.s32 @!p1 $0xFFFFFE00  }
0xc9: {  	[tilespmem:s12], [sflag:$0x1] =	stream.indirect.gather @!p1 [hbm4b:s4+s9], $0x10, s10, s9, $0xb8;
	[tilespmem:$0x7000] =	vst v63  }
0xca: {  	s11 =	simm.s32 @!p1 $0xC00  }
0xcb: {  	[tilespmem:s11], [sflag:$0x1] =	stream.indirect.gather @!p1 [hbm4b:s4+s9], $0x10, s9, s9, $0xb8;
	[tilespmem:$0x7000] =	vst v63  }
0xcc: {  	s10 =	simm.s32 @!p1 $0x100;
	s12 =	simm.s32 @!p1 $0x1400  }
0xcd: {  	[tilespmem:s12], [sflag:$0x1] =	stream.indirect.gather @!p1 [hbm4b:s4+s9], $0x10, s10, s9, $0xb8;
	[tilespmem:$0x7000] =	vst v63  }
0xce: {  	s6 =	simm.s32 @!p1 $0x1C00;
	s11 =	simm.s32 @!p1 $0x180  }
0xcf: {  	[tilespmem:s6], [sflag:$0x1] =	stream.indirect.gather @!p1 [hbm4b:s4+s9], $0x10, s11, s9, $0xb8;
	[tilespmem:$0x7000] =	vst v63  }
0xd0: {  	_ =	swait.ge [sflag:s0], $0x800  }
0xd1: {  	[sflag:s0] =	ssyncset.done $0x0  }
0xd2: {  	[sflag:s0] =	ssyncadd.s32 $0xFFFFF800  }
0xd3: {  	_ =	swait.ge [sflag:s0], $0x800  }
0xd4: {  	[sflag:s0] =	ssyncset.done $0x0  }
0xd5: {  	[sflag:s0] =	ssyncadd.s32 $0xFFFFF800  }
0xd6: {  	_ =	swait.ge [sflag:s0], $0x800  }
0xd7: {  	[sflag:s0] =	ssyncset.done $0x0  }
0xd8: {  	[sflag:s0] =	ssyncadd.s32 $0xFFFFF800  }
0xd9: {  	_ =	swait.ge [sflag:s0], $0x800  }
0xda: {  	[sflag:s0] =	ssyncset.done $0x0  }
0xdb: {  	[sflag:s0] =	ssyncadd.s32 $0xFFFFF800  }
0xdc: {  	[spmem:s2] =	stream.indirect.scatter.add.bf16 [tilespmem:s26], [sflag:$0x3], $0x10, s25, s18, $0xb8;
	[tilespmem:$0x7000] =	vst v63  }
0xdd: {  	_ =	swait.ge [sflag:s16], $0x800  }
0xde: {  	[sflag:s16] =	ssyncset.done $0x0  }
0xdf: {  	s10 =	rddreg [dreg:$0x9];
	[sflag:s16] =	ssyncadd.s32 $0xFFFFF800  }
0xe0: {  	[spmem:s2] =	stream.indirect.scatter.add.bf16 [tilespmem:s28], [sflag:$0x3], $0x10, s10, s18, $0xb8;
	[tilespmem:$0x7000] =	vst v63  }
0xe1: {  	_ =	swait.ge [sflag:s16], $0x800  }
0xe2: {  	s22 =	sadd.s32 $0xFFFFFFFF, s22;
	[sflag:s16] =	ssyncset.done $0x0  }
0xe3: {  	p0 =	sne.s32 s22, $0x0;
	s11 =	rddreg [dreg:$0xa];
	[sflag:s16] =	ssyncadd.s32 $0xFFFFF800  }
0xe4: {  	[spmem:s2] =	stream.indirect.scatter.add.bf16 [tilespmem:s29], [sflag:$0x3], $0x10, s11, s18, $0xb8;
	[tilespmem:$0x7000] =	vst v63  }
.Ltmp2:
0xe5: {  	_ =	swait.ge [sflag:s16], $0x800;
	(pc) =	sbr.rel @p0 .LBB2_4-.Ltmp2, $4  }
0xe6: {  	[sflag:s16] =	ssyncset.done $0x0  }
0xe7: {  	s12 =	rddreg [dreg:$0xb];
	[sflag:s16] =	ssyncadd.s32 $0xFFFFF800  }
0xe8: {  	[spmem:s2] =	stream.indirect.scatter.add.bf16 [tilespmem:s30], [sflag:$0x3], $0x10, s12, s18, $0xb8;
	[tilespmem:$0x7000] =	vst v63  }
0xe9: {  	s7 =	sadd.s32 $0x2, s7;
	s1 =	sadd.s32 $0x80, s1;
	_ =	swait.ge [sflag:s16], $0x800  }
.LBB2_5:
0xea: {  	[sflag:s16] =	ssyncset.done $0x0  }
0xeb: {  	[sflag:s16] =	ssyncadd.s32 $0xFFFFF800  }
0xec: {  	s1 =	stileid.u32;
	[bflag:$0x0] =	sbarrier.arrive $0xFFFF  }
0xed: {  	s1 =	sshll.u32 s1, $0x6;
	s9 =	rddreg [dreg:$0xc]  }
0xee: {  	s1 =	sor.u32 $0x1C03, s1;
	s7 =	rddreg [dreg:$0x11];
	s6 =	sshrl.u32 s9, $0x3  }
0xef: {  	[hbm:s7], [sflag:s1] =	dma.local [spmem:s6], $0x500  }
0xf0: {  	_ =	swait.ge [sflag:s16], $0x500  }
0xf1: {  	s20 =	sadd.s32 $0x1, s20;
	s22 =	rddreg [dreg:$0x12]  }
0xf2: {  	p0 =	sne.s32 s20, s22  }
.Ltmp3:
0xf3: {  	_ = 	snop;
	(pc) =	sbr.rel @p0 .LBB2_1-.Ltmp3, $3  }
0xf4: {  	_ =	sdelay $0x1  }
0xf5: {  	[sflag:s16] =	ssyncset.done $0x0  }
0xf6: {  	[sflag:s16] =	ssyncadd.s32 $0xFFFFFB00  }
0xf7: {  	_ =	sfence.sel $0x180000  }
0xf8: {  	[bflag:$0x0] =	sbarrier.arrive $0xFFFF  }
0xf9: {  	_ =	strace $0x9000004A  }
0xfa: {  	s0 =	stileid.u32;
	[bflag:$0x2] =	sbarrier.arrive $0xFFFF  }
0xfb: {  	p0 =	sne.s32 s0, $0x0;
	s0 =	rddreg [dreg:$0x2]  }
0xfc: {  	s0 =	sadd.s32 @!p0 $0x100000, s0  }
0xfd: {  	[sflag:s0] =	ssyncadd.tile.s32 @!p0 $0x1;
	_ =	shalt  }
.Lfunc_end2:
_tile_overlayer_lowered:
.L_overlay_start_2:
0xfe: {  	(tag) =	ssettag $0x2  }
0xff: {  	s0 =	rddreg [dreg:$0x0];
	s2 =	stileid.u32  }
0x100: {  	s1 =	rddreg [dreg:$0x1];
	p0 =	sne.s32 s2, $0x0  }
0x101: {  	s3 =	rddreg [dreg:$0x2];
	[bflag:$0x3] =	sbarrier.arrive $0xFFFF;
	s2 =	simm.s32 @!p0 $0x1C03  }
0x102: {  	[timem:s3], [sflag:s2] =	dma.local @!p0 [hbm:s0], s1  }
0x103: {  	s0 =	simm.s32 @!p0 $0x3  }
0x104: {  	_ =	swait.ge @!p0 [sflag:s0], s1  }
0x105: {  	s1 =	ssub.s32 @!p0 $0x0, s1;
	[sflag:s0] =	ssyncset.done @!p0 $0x0  }
0x106: {  	[sflag:s0] =	ssyncadd.s32 @!p0 s1  }
0x107: {  	[bflag:$0x3] =	sbarrier.arrive $0xFFFF  }
0x108: {  	_ =	shalt  }

// kernel: kernel.8.cloned.1.call-start
scs
__scs_entry_jumppad:
0x0: {  	(pc) =	sbr.rel $0x88, $3  }
0x1: {  	(tag) =	ssettag $0x0;
	lr =	simm.s32 $0x1  }
0x2: {  	[smem:$0x3F8D] =	sst lr;
	_ =	strace $0xD0000000  }
0x3: {  	_ = 	snop  }
0x4: {  	_ = 	snop  }
0x5: {  	_ = 	snop  }
0x6: {  	_ = 	snop  }
0x7: {  	_ = 	snop  }
__scs_overlays_trampoline_lowered:
0x8: {  	[smem:$0x3F9C] =	sst s0  }
0x9: {  	[smem:$0x3F9D] =	sst s1  }
0xa: {  	[smem:$0x3F9E] =	sst s2  }
0xb: {  	[smem:$0x3F9F] =	sst s3  }
0xc: {  	[smem:$0x3FA0] =	sst s4  }
0xd: {  	[smem:$0x3FA1] =	sst s5  }
0xe: {  	[smem:$0x3FA2] =	sst s6  }
0xf: {  	[smem:$0x3FA3] =	sst s7  }
0x10: {  	[smem:$0x3FA4] =	sst s8  }
0x11: {  	[smem:$0x3FA5] =	sst s9;
	s0 =	simm.s32 @!p0 $0x0  }
0x12: {  	s1 =	sld [smem:$0x3F8B];
	s0 =	simm.s32 @p0 $0x1  }
0x13: {  	[smem:$0x3FA6] =	sst s0;
	s0 =	simm.s32 @!p1 $0x0  }
0x14: {  	s2 =	sld [smem:$0x3F8A];
	s0 =	simm.s32 @p1 $0x1  }
0x15: {  	[smem:$0x3FA7] =	sst s0;
	s0 =	simm.s32 @!p2 $0x0  }
0x16: {  	s3 =	sld [smem:$0x3FDB];
	s0 =	simm.s32 @p2 $0x1  }
0x17: {  	s4 =	simm.s32 $0x1BF5;
	[smem:$0x3FA9] =	sst s0  }
0x18: {  	s0 =	sld [smem:$0x3F8C];
	_ =	swait.ge [sflag:s4], $0x0  }
0x19: {  	s7 =	sld [smem:$0x3F8D]  }
0x1a: {  	s8 =	sadd.s32 $0xFFFFE003, lr  }
0x1b: {  	s9 =	sadd.s32 $0xFFFFFEF7, lr;
	s5 =	simm.s32 $0xFFFFFFFF;
	p2 =	slt.u32 s8, $0xFFFFF086  }
0x1c: {  	p1 =	slt.u32 s9, $0xF7A;
	s5 =	simm.s32 @!p2 $0x0  }
0x1d: {  	s5 =	simm.s32 @p1 $0x1;
	p0 =	seq.s32 s7, s2  }
0x1e: {  	s7 =	smul.u32 @!p0 $0xF7A, s2;
	p2 =	seq.s32 @!p0 s5, $0x0  }
0x1f: {  	s9 =	smul.u32 $0xF7A, s1;
	s8 =	simm.s32 @!p0 $0x1BF5;
	p2 =	por !p2, p0  }
0x20: {  	[sflag:s8] =	ssyncset.s32 @!p0 $0xFFFFF086;
	s6 =	sadd.s32 @!p0 s3, s7;
	s7 =	simm.s32 @!p0 $0x108  }
0x21: {  	s3 =	sadd.s32 s3, s9;
	s6 =	sadd.s32 @!p0 $0x88, s6;
	s7 =	simm.s32 @p2 $0x1082  }
0x22: {  	[simem:s7], [sflag:s8] =	dma.local @!p0 [hbm:s6], $0xF7A  }
0x23: {  	s9 =	sor.u32 $0xD0000000, s2;
	s6 =	simm.s32 $0x108;
	_ =	swait.ge @!p0 [sflag:s8], $0x0  }
0x24: {  	s3 =	sadd.s32 $0x88, s3;
	s6 =	simm.s32 @!p1 $0x1082;
	[sflag:s4] =	ssyncset.s32 $0xFFFFF086  }
0x25: {  	[simem:s6], [sflag:s4] =	dma.local [hbm:s3], $0xF7A  }
0x26: {  	[smem:$0x3F8D] =	sst s1;
	(tag) =	ssettag s2;
	_ =	strace s9  }
0x27: {  	s1 =	sld [smem:$0x3F9D]  }
0x28: {  	s2 =	sld [smem:$0x3F9E]  }
0x29: {  	s4 =	sld [smem:$0x3FA0]  }
0x2a: {  	p0 =	seq.s32 s5, $0x0;
	s5 =	sld [smem:$0x3FA1]  }
0x2b: {  	s6 =	sld [smem:$0x3FA2]  }
0x2c: {  	s7 =	sld [smem:$0x3FA3]  }
0x2d: {  	s3 =	simm.s32 $0x108;
	s8 =	sld [smem:$0x3FA4]  }
0x2e: {  	s3 =	simm.s32 @!p0 $0x1082;
	s9 =	sld [smem:$0x3FA5]  }
0x2f: {  	lr =	sadd.s32 s0, s3;
	s0 =	sld [smem:$0x3F9C]  }
0x30: {  	s3 =	sld [smem:$0x3F9F]  }
0x31: {  	[smem:$0x3FA8] =	sst s10  }
0x32: {  	s10 =	sld [smem:$0x3FA6];
	_ =	sdelay $0x3  }
0x33: {  	p0 =	seq.s32 s10, $0x1;
	s10 =	sld [smem:$0x3FA8];
	_ =	sdelay $0x3  }
0x34: {  	[smem:$0x3FA8] =	sst s10  }
0x35: {  	s10 =	sld [smem:$0x3FA7];
	_ =	sdelay $0x3  }
0x36: {  	p1 =	seq.s32 s10, $0x1;
	s10 =	sld [smem:$0x3FA8];
	_ =	sdelay $0x3  }
0x37: {  	[smem:$0x3FA8] =	sst s10  }
0x38: {  	s10 =	sld [smem:$0x3FA9]  }
0x39: {  	_ = 	snop;
	(pc) =	sbr.ind lr, $3  }
0x3a: {  	_ = 	snop  }
0x3b: {  	_ = 	snop  }
0x3c: {  	p2 =	seq.s32 s10, $0x1;
	s10 =	sld [smem:$0x3FA8]  }
0x3d: {  	_ =	shalt  }
0x3e: {  	_ =	shalt  }
0x3f: {  	_ =	shalt  }
0x40: {  	_ =	shalt  }
0x41: {  	_ =	shalt  }
0x42: {  	_ =	shalt  }
0x43: {  	_ =	shalt  }
0x44: {  	_ =	shalt  }
0x45: {  	_ =	shalt  }
0x46: {  	_ =	shalt  }
0x47: {  	_ =	shalt  }
0x48: {  	_ =	shalt  }
0x49: {  	_ =	shalt  }
0x4a: {  	_ =	shalt  }
0x4b: {  	_ =	shalt  }
0x4c: {  	_ =	shalt  }
0x4d: {  	_ =	shalt  }
0x4e: {  	_ =	shalt  }
0x4f: {  	_ =	shalt  }
0x50: {  	_ =	shalt  }
0x51: {  	_ =	shalt  }
0x52: {  	_ =	shalt  }
0x53: {  	_ =	shalt  }
0x54: {  	_ =	shalt  }
0x55: {  	_ =	shalt  }
0x56: {  	_ =	shalt  }
0x57: {  	_ =	shalt  }
0x58: {  	_ =	shalt  }
0x59: {  	_ =	shalt  }
0x5a: {  	_ =	shalt  }
0x5b: {  	_ =	shalt  }
0x5c: {  	_ =	shalt  }
0x5d: {  	_ =	shalt  }
0x5e: {  	_ =	shalt  }
0x5f: {  	_ =	shalt  }
0x60: {  	_ =	shalt  }
0x61: {  	_ =	shalt  }
0x62: {  	_ =	shalt  }
0x63: {  	_ =	shalt  }
0x64: {  	_ =	shalt  }
0x65: {  	_ =	shalt  }
0x66: {  	_ =	shalt  }
0x67: {  	_ =	shalt  }
0x68: {  	_ =	shalt  }
0x69: {  	_ =	shalt  }
0x6a: {  	_ =	shalt  }
0x6b: {  	_ =	shalt  }
0x6c: {  	_ =	shalt  }
0x6d: {  	_ =	shalt  }
0x6e: {  	_ =	shalt  }
0x6f: {  	_ =	shalt  }
0x70: {  	_ =	shalt  }
0x71: {  	_ =	shalt  }
0x72: {  	_ =	shalt  }
0x73: {  	_ =	shalt  }
0x74: {  	_ =	shalt  }
0x75: {  	_ =	shalt  }
0x76: {  	_ =	shalt  }
0x77: {  	_ =	shalt  }
0x78: {  	_ =	shalt  }
0x79: {  	_ =	shalt  }
0x7a: {  	_ =	shalt  }
0x7b: {  	_ =	shalt  }
0x7c: {  	_ =	shalt  }
0x7d: {  	_ =	shalt  }
0x7e: {  	_ =	shalt  }
0x7f: {  	_ =	shalt  }
0x80: {  	_ =	shalt  }
0x81: {  	_ =	shalt  }
0x82: {  	_ =	shalt  }
0x83: {  	_ =	shalt  }
0x84: {  	_ =	shalt  }
0x85: {  	_ =	shalt  }
0x86: {  	_ =	shalt  }
0x87: {  	_ =	shalt  }
.Lfunc_end0:
.L_simem_size_0:
called_computation_lowered:
.L_overlay_start_0:
0x88: {  	s2 =	sld [smem:$0x3FD9]  }
0x89: {  	s3 =	sld [smem:$0x3FFE];
	_ =	sdelay $0x1  }
0x8a: {  	s1 =	srdreg.scid  }
0x8b: {  	s0 =	sand.u32 $0x1, s1  }
0x8c: {  	s16 =	sshll.u32 s0, $0xA;
	s2 =	sadd.s32 s3, s2  }
0x8d: {  	s2 =	sadd.s32 s2, s16  }
0x8e: {  	[smem:$0x3FB4] =	sst s2  }
0x8f: {  	_ = 	snop  }
0x90: {  	(tm) =	ssettm $0x1  }
0x91: {  	s17 =	sld [smem:$0x3FFB];
	_ =	sdelay $0x3  }
0x92: {  	_ =	strace s17  }
0x93: {  	s2 =	sld [smem:$0x3FFC];
	_ =	sdelay $0x3  }
0x94: {  	_ =	strace s2  }
0x95: {  	s2 =	sld [smem:$0x3FFD];
	_ =	sdelay $0x3  }
0x96: {  	_ =	strace s2  }
0x97: {  	_ =	strace $0x8FFFFFFF  }
0x98: {  	s18 =	sld [smem:$0x3FDB];
	_ =	sdelay $0x1  }
0x99: {  	s19 =	simm.s32 $_scs_section_size  }
0x9a: {  	s4 =	simm.s32 $_size__tile_overlayer_lowered;
	s5 =	simm.s32 $_tile_overlayer_lowered  }
0x9b: {  	s22 =	simm.s32 $0x1BFF;
	s21 =	sshll.u32 s5, $0x1;
	s2 =	sadd.s32 s19, s18  }
0x9c: {  	s6 =	simm.s32 $0x0;
	s20 =	sshll.u32 s4, $0x1;
	s4 =	sadd.s32 s21, s2  }
0x9d: {  	[timem:s6], [sflag:s22] =	dma.local [hbm:s4], s20  }
0x9e: {  	_ =	swait.ge [sflag:s22], s20  }
0x9f: {  	s3 =	ssub.s32 $0x0, s20;
	[sflag:s22] =	ssyncset.done $0x0  }
0xa0: {  	[sflag:s22] =	ssyncadd.s32 s3;
	_ =	sdelay $0x1  }
0xa1: {  	s23 =	simm.s32 $0x1B8B  }
0xa2: {  	_ =	swait.ge [sflag:s23], $0x1  }
0xa3: {  	[sflag:s23] =	ssyncset.done $0x0  }
0xa4: {  	s25 =	simm.s32 $0x1B8E;
	s24 =	sld [smem:$0x3FFE];
	[sflag:s23] =	ssyncadd.s32 $0xFFFFFFFF  }
0xa5: {  	s26 =	simm.s32 $execute0_lowered;
	[smem:$0x3FD2] =	sst s25  }
0xa6: {  	s4 =	sshll.u32 s26, $0x1;
	_ =	strace $0x80000046;
	[dreg:$0x1] =	wrdreg $0xFFFFFFFF  }
0xa7: {  	s28 =	simm.s32 $_size_execute0_lowered;
	s2 =	sadd.s32 s2, s4;
	[dreg:$0x0] =	wrdreg $0x0  }
0xa8: {  	s4 =	sshll.u32 s28, $0x1;
	[dreg:$0x2] =	wrdreg s2  }
0xa9: {  	[dreg:$0x3] =	wrdreg s4  }
0xaa: {  	[dreg:$0x4] =	wrdreg $0xC0  }
0xab: {  	_ =	task [dreg:s6], $0x5FFFF  }
0xac: {  	[dreg:$0x1] =	wrdreg $0xFFFFFFFF  }
0xad: {  	[dreg:$0x0] =	wrdreg $0x60  }
0xae: {  	[dreg:$0x2] =	wrdreg s24  }
0xaf: {  	[dreg:$0x3] =	wrdreg $0x84000  }
0xb0: {  	[dreg:$0x4] =	wrdreg $0x9  }
0xb1: {  	_ =	task.clear_ibuf [dreg:s6], $0x5FFFF;
	_ =	strace $0x90000046  }
0xb2: {  	s29 =	simm.s32 $0x9;
	_ =	strace $0x80000048  }
0xb3: {  	_ =	swait.ge [sflag:s29], $0x1  }
0xb4: {  	[sflag:s29] =	ssyncadd.s32 $0xFFFFFFFF  }
0xb5: {  	_ =	strace $0x90000048  }
0xb6: {  	_ =	sfence  }
0xb7: {  	s30 =	sld [smem:$0x0];
	_ =	sdelay $0x2  }
0xb8: {  	s31 =	sshll.u32 s1, $0xD;
	s1 =	sshrl.u32 s1, $0x2  }
0xb9: {  	s3 =	sand.u32 $0x4000, s31;
	s1 =	sadd.s32 s1, s30  }
0xba: {  	s0 =	sor.u32 s3, s0;
	s1 =	sshll.u32 s1, $0x11  }
0xbb: {  	s0 =	sor.u32 s1, s0  }
0xbc: {  	s0 =	sadd.s32 $0x8F2B, s0  }
0xbd: {  	[sflag:s0] =	ssyncadd.remote.s32 $0x1  }
0xbe: {  	_ =	sfence.sel $0xFFFF  }
0xbf: {  	[dreg:$0x0] =	wrdreg $0xFFFFFFFF;
	(pc) =	sbr.abs _section_cstart, $3  }
0xc0: {  	[dreg:$0x1] =	wrdreg $0xFFFFFFFF  }
0xc1: {  	_ =	task.clear_ibuf [dreg:s6], $0x2FFFF;
	_ =	strace $0x9FFFFFFF  }
0xc2: {  	(tm) =	ssettm $0x7FFFFFFF  }
0xc3: {  	_ =	shalt  }
tec
execute0_lowered:
.L_overlay_start_1:
0x0: {  	(tag) =	ssettag $0x1  }
0x1: {  	s0 =	rddreg [dreg:$0x0]  }
0x2: {  	s2 =	rddreg [dreg:$0x1];
	s8 =	stileid.u32  }
0x3: {  	s3 =	simm.s32 $0x0;
	s1 =	srdreg.scid;
	s26 =	simm.s32 $0x4280  }
0x4: {  	s28 =	simm.s32 $0x180;
	s29 =	simm.s32 $0x2;
	s4 =	smul.u32 $0x3C, s8  }
0x5: {  	s30 =	simm.s32 $0x4380;
	s31 =	simm.s32 $0x0;
	s5 =	smul.u32 $0x64, s8  }
0x6: {  	[smem:$0x7FF] =	sst s3;
	s1 =	sand.u32 $0x1, s1;
	s7 =	smul.u32 $0x1400, s8  }
0x7: {  	s8 =	smul.u32 $0x28000, s8;
	p0 =	seq.s32 s1, $0x0;
	_ =	strace $0x80000047  }
0x8: {  	s17 =	smul.u32 $0x14000, s1;
	s1 =	ssub.s32 $0x2, s1;
	[dreg:$0x3] =	wrdreg s26  }
0x9: {  	s26 =	simm.s32 $0x1;
	s6 =	sadd.s32 $0x640, s4;
	s4 =	sadd.s32 $0x2200, s0  }
0xa: {  	s18 =	sshrl.u32 s1, $0x1;
	s19 =	sshrl.u32 s8, $0x2;
	s6 =	smov.u32 @p0 s5  }
0xb: {  	s5 =	sadd.s32 s7, s17;
	s1 =	ssub.s32 s1, s18;
	s17 =	simm.s32 $0x200  }
0xc: {  	s18 =	simm.s32 $0x3;
	s6 =	sshll.u32 s6, $0x4;
	s14 =	smax.u32 s1, $0x1  }
0xd: {  	s15 =	sadd.s32 s6, s0;
	s0 =	sadd.s32 s5, s0;
	s6 =	sadd.s32 s19, s2  }
0xe: {  	s5 =	simm.s32 $0x32;
	s19 =	simm.s32 $0x100;
	s20 =	sadd.s32 $0x2800, s6  }
0xf: {  	s5 =	simm.s32 @!p0 $0x1E;
	s21 =	sadd.s32 $0x5000, s6;
	[dreg:$0x4] =	wrdreg s20  }
0x10: {  	s22 =	sadd.s32 $0x7800, s6;
	s23 =	sadd.s32 $0x15C00, s15;
	[dreg:$0x5] =	wrdreg s21  }
0x11: {  	s24 =	sadd.s32 $0x1FC00, s15;
	s13 =	sadd.s32 $0x29C00, s0;
	[dreg:$0x6] =	wrdreg s22  }
0x12: {  	s8 =	sadd.s32 $0x1FC20, s15;
	s16 =	sadd.s32 $0x15C20, s15;
	[dreg:$0x7] =	wrdreg s23  }
0x13: {  	[dreg:$0x8] =	wrdreg s24;
	s25 =	sshrl.u32 s5, $0x1;
	s20 =	simm.s32 $0x80  }
0x14: {  	s21 =	simm.s32 $0x2200;
	s22 =	simm.s32 $0x4200;
	s23 =	simm.s32 $0x4300  }
0x15: {  	v0 =	vimm.bf16 $0.0e+00;
	s24 =	simm.s32 $0x4400;
	[dreg:$0x9] =	wrdreg s25;
	s25 =	simm.s32 $0x6400  }
.LBB2_1:
0x16: {  	s1 =	simm.s32 $0x100;
	s0 =	simm.s32 $0x0  }
.LBB2_2:
0x17: {  	p0 =	sne.s32 s1, $0x9F00;
	[tilespmem:s0+$0x230] =	vst v0;
	s7 =	smov.u32 s1;
	s1 =	sadd.s32 $0x100, s1  }
.Ltmp0:
0x18: {  	[tilespmem:s0+$0x220] =	vst v0;
	(pc) =	sbr.rel @p0 .LBB2_2-.Ltmp0, $3  }
0x19: {  	[tilespmem:s0+$0x200] =	vst v0  }
0x1a: {  	[tilespmem:s0+$0x210] =	vst v0;
	_ =	sdelay $0x1  }
0x1b: {  	s0 =	sshra.s32 s7, $0x2  }
0x1c: {  	[tilespmem:s0+$0x230] =	vst v0  }
0x1d: {  	[tilespmem:s0+$0x220] =	vst v0  }
0x1e: {  	[tilespmem:s0+$0x200] =	vst v0  }
0x1f: {  	[tilespmem:s0+$0x210] =	vst v0  }
0x20: {  	[spmem:s6] =	stream.linear.scatter [tilespmem:s17], [sflag:$0x3], $0x2800, $0x38;
	[tilespmem:$0x12400] =	vst v63  }
0x21: {  	_ =	swait.ge [sflag:s18], $0x2800  }
0x22: {  	[sflag:s18] =	ssyncset.done $0x0  }
0x23: {  	s1 =	rddreg [dreg:$0x4];
	[sflag:s18] =	ssyncadd.s32 $0xFFFFD800  }
0x24: {  	[spmem:s1] =	stream.linear.scatter [tilespmem:s17], [sflag:$0x3], $0x2800, $0x38;
	[tilespmem:$0x12400] =	vst v63  }
0x25: {  	_ =	swait.ge [sflag:s18], $0x2800  }
0x26: {  	[sflag:s18] =	ssyncset.done $0x0  }
0x27: {  	s7 =	rddreg [dreg:$0x5];
	[sflag:s18] =	ssyncadd.s32 $0xFFFFD800  }
0x28: {  	[spmem:s7] =	stream.linear.scatter [tilespmem:s17], [sflag:$0x3], $0x2800, $0x38;
	[tilespmem:$0x12400] =	vst v63  }
0x29: {  	_ =	swait.ge [sflag:s18], $0x2800  }
0x2a: {  	[sflag:s18] =	ssyncset.done $0x0  }
0x2b: {  	s9 =	rddreg [dreg:$0x6];
	[sflag:s18] =	ssyncadd.s32 $0xFFFFD800  }
0x2c: {  	[spmem:s9] =	stream.linear.scatter [tilespmem:s17], [sflag:$0x3], $0x2800, $0x38;
	[tilespmem:$0x12400] =	vst v63  }
0x2d: {  	_ =	swait.ge [sflag:s18], $0x2800  }
0x2e: {  	[sflag:s18] =	ssyncset.done $0x0  }
0x2f: {  	[sflag:s18] =	ssyncadd.s32 $0xFFFFD800  }
0x30: {  	[bflag:$0x0] =	sbarrier.arrive $0xFFFF  }
0x31: {  	s10 =	rddreg [dreg:$0x7]  }
0x32: {  	[tilespmem:s3], [sflag:$0x3] =	stream.linear.gather [hbm4b:s10+s3], $0x100, $0x38;
	[tilespmem:$0x12400] =	vst v63  }
0x33: {  	_ =	swait.ge [sflag:s18], $0x100  }
0x34: {  	[sflag:s18] =	ssyncset.done $0x0  }
0x35: {  	s11 =	rddreg [dreg:$0x8];
	[sflag:s18] =	ssyncadd.s32 $0xFFFFFF00  }
0x36: {  	[tilespmem:s19], [sflag:$0x3] =	stream.linear.gather [hbm4b:s11+s3], $0x100, $0x38;
	[tilespmem:$0x12400] =	vst v63  }
0x37: {  	_ =	swait.ge [sflag:s18], $0x100  }
0x38: {  	[sflag:s18] =	ssyncset.done $0x0  }
0x39: {  	[sflag:s18] =	ssyncadd.s32 $0xFFFFFF00  }
0x3a: {  	[tilespmem:s17], [sflag:$0x1] =	stream.indirect.gather [hbm4b:s4+s20], $0x40, s3, s20, $0xb8;
	[tilespmem:$0x12400] =	vst v63  }
0x3b: {  	_ = 	snop  }
0x3c: {  	[tilespmem:s21], [sflag:$0x1] =	stream.indirect.gather [hbm4b:s4+s20], $0x40, s20, s20, $0xb8;
	[tilespmem:$0x12400] =	vst v63  }
0x3d: {  	_ = 	snop  }
0x3e: {  	[tilespmem:s22], [sflag:$0x3] =	stream.linear.gather [hbm4b:s16+s3], $0x100, $0x38;
	[tilespmem:$0x12400] =	vst v63  }
0x3f: {  	_ =	swait.ge [sflag:s18], $0x100  }
0x40: {  	[sflag:s18] =	ssyncset.done $0x0  }
0x41: {  	[sflag:s18] =	ssyncadd.s32 $0xFFFFFF00  }
0x42: {  	[tilespmem:s23], [sflag:$0x3] =	stream.linear.gather [hbm4b:s8+s3], $0x100, $0x38;
	[tilespmem:$0x12400] =	vst v63  }
0x43: {  	_ =	swait.ge [sflag:s18], $0x100  }
0x44: {  	[sflag:s18] =	ssyncset.done $0x0  }
0x45: {  	[sflag:s18] =	ssyncadd.s32 $0xFFFFFF00  }
0x46: {  	[tilespmem:s24], [sflag:$0x2] =	stream.indirect.gather [hbm4b:s4+s20], $0x40, s22, s20, $0xb8;
	[tilespmem:$0x12400] =	vst v63  }
0x47: {  	s12 =	rddreg [dreg:$0x3]  }
0x48: {  	[tilespmem:s25], [sflag:$0x2] =	stream.indirect.gather [hbm4b:s4+s20], $0x40, s12, s20, $0xb8;
	[tilespmem:$0x12400] =	vst v63  }
0x49: {  	_ =	swait.ge [sflag:s26], $0x2000  }
0x4a: {  	[sflag:s26] =	ssyncset.done $0x0  }
0x4b: {  	[sflag:s26] =	ssyncadd.s32 $0xFFFFE000  }
0x4c: {  	_ =	swait.ge [sflag:s26], $0x2000  }
0x4d: {  	[sflag:s26] =	ssyncset.done $0x0  }
0x4e: {  	[sflag:s26] =	ssyncadd.s32 $0xFFFFE000  }
0x4f: {  	[spmem:s2] =	stream.indirect.scatter.add.bf16 [tilespmem:s17], [sflag:$0x3], $0x40, s19, s20, $0xb8;
	[tilespmem:$0x12400] =	vst v63  }
0x50: {  	_ =	swait.ge [sflag:s18], $0x2000  }
0x51: {  	[sflag:s18] =	ssyncset.done $0x0  }
0x52: {  	[sflag:s18] =	ssyncadd.s32 $0xFFFFE000  }
0x53: {  	[spmem:s2] =	stream.indirect.scatter.add.bf16 [tilespmem:s21], [sflag:$0x3], $0x40, s28, s20, $0xb8;
	[tilespmem:$0x12400] =	vst v63  }
0x54: {  	p0 =	sle.u32 s5, $0x2;
	_ =	swait.ge [sflag:s18], $0x2000  }
0x55: {  	s0 =	sadd.s32 @!p0 $0x20, s16;
	[sflag:s18] =	ssyncset.done $0x0  }
0x56: {  	s1 =	simm.s32 @!p0 $0x0;
	s7 =	simm.s32 @!p0 $0x3;
	[sflag:s18] =	ssyncadd.s32 $0xFFFFE000  }
0x57: {  	[tilespmem:s1], [sflag:$0x3] =	stream.linear.gather @!p0 [hbm4b:s0+s1], $0x100, $0x38;
	[tilespmem:$0x12400] =	vst v63  }
0x58: {  	_ =	swait.ge @!p0 [sflag:s7], $0x100  }
0x59: {  	[sflag:s7] =	ssyncset.done @!p0 $0x0  }
0x5a: {  	s15 =	simm.s32 @!p0 $0x100;
	s0 =	sadd.s32 @!p0 $0x20, s8;
	[sflag:s7] =	ssyncadd.s32 @!p0 $0xFFFFFF00  }
0x5b: {  	[tilespmem:s15], [sflag:$0x3] =	stream.linear.gather @!p0 [hbm4b:s0+s1], $0x100, $0x38;
	[tilespmem:$0x12400] =	vst v63  }
0x5c: {  	_ =	swait.ge @!p0 [sflag:s7], $0x100  }
0x5d: {  	[sflag:s7] =	ssyncset.done @!p0 $0x0  }
0x5e: {  	s0 =	simm.s32 @!p0 $0x80;
	s15 =	simm.s32 @!p0 $0x200;
	[sflag:s7] =	ssyncadd.s32 @!p0 $0xFFFFFF00  }
0x5f: {  	[tilespmem:s15], [sflag:$0x1] =	stream.indirect.gather @!p0 [hbm4b:s4+s0], $0x40, s1, s0, $0xb8;
	[tilespmem:$0x12400] =	vst v63  }
0x60: {  	s1 =	simm.s32 @!p0 $0x2200  }
0x61: {  	[tilespmem:s1], [sflag:$0x1] =	stream.indirect.gather @!p0 [hbm4b:s4+s0], $0x40, s0, s0, $0xb8;
	[tilespmem:$0x12400] =	vst v63  }
0x62: {  	_ =	swait.ge [sflag:s29], $0x2000  }
0x63: {  	[sflag:s29] =	ssyncset.done $0x0  }
0x64: {  	[sflag:s29] =	ssyncadd.s32 $0xFFFFE000  }
0x65: {  	_ =	swait.ge [sflag:s29], $0x2000  }
0x66: {  	[sflag:s29] =	ssyncset.done $0x0  }
0x67: {  	[sflag:s29] =	ssyncadd.s32 $0xFFFFE000  }
0x68: {  	[spmem:s2] =	stream.indirect.scatter.add.bf16 [tilespmem:s24], [sflag:$0x3], $0x40, s23, s20, $0xb8;
	[tilespmem:$0x12400] =	vst v63  }
0x69: {  	_ =	swait.ge [sflag:s18], $0x2000  }
0x6a: {  	s15 =	rddreg [dreg:$0x9]  }
0x6b: {  	s0 =	sadd.s32 $0xFFFFFFFF, s15  }
0x6c: {  	p0 =	sne.s32 s0, $0x0  }
.Ltmp1:
0x6d: {  	_ = 	snop;
	(pc) =	sbr.rel @!p0 .LBB2_5-.Ltmp1, $4  }
0x6e: {  	[sflag:s18] =	ssyncset.done $0x0  }
0x6f: {  	s7 =	simm.s32 $0x4;
	[sflag:s18] =	ssyncadd.s32 $0xFFFFE000  }
0x70: {  	[spmem:s2] =	stream.indirect.scatter.add.bf16 [tilespmem:s25], [sflag:$0x3], $0x40, s30, s20, $0xb8;
	[tilespmem:$0x12400] =	vst v63  }
0x71: {  	s1 =	sadd.s32 $0x40, s16;
	s15 =	smov.u32 s8;
	_ =	swait.ge [sflag:s18], $0x2000  }
.LBB2_4:
0x72: {  	[sflag:s18] =	ssyncset.done $0x0  }
0x73: {  	[sflag:s18] =	ssyncadd.s32 $0xFFFFE000  }
0x74: {  	[tilespmem:s22], [sflag:$0x3] =	stream.linear.gather [hbm4b:s1+s3], $0x100, $0x38;
	[tilespmem:$0x12400] =	vst v63  }
0x75: {  	_ =	swait.ge [sflag:s18], $0x100  }
0x76: {  	[sflag:s18] =	ssyncset.done $0x0  }
0x77: {  	s15 =	sadd.s32 $0x40, s15;
	[sflag:s18] =	ssyncadd.s32 $0xFFFFFF00  }
0x78: {  	[tilespmem:s23], [sflag:$0x3] =	stream.linear.gather [hbm4b:s15+s3], $0x100, $0x38;
	[tilespmem:$0x12400] =	vst v63  }
0x79: {  	_ =	swait.ge [sflag:s18], $0x100  }
0x7a: {  	[sflag:s18] =	ssyncset.done $0x0  }
0x7b: {  	[sflag:s18] =	ssyncadd.s32 $0xFFFFFF00  }
0x7c: {  	[tilespmem:s24], [sflag:$0x2] =	stream.indirect.gather [hbm4b:s4+s20], $0x40, s22, s20, $0xb8;
	[tilespmem:$0x12400] =	vst v63  }
0x7d: {  	s9 =	rddreg [dreg:$0x3]  }
0x7e: {  	[tilespmem:s25], [sflag:$0x2] =	stream.indirect.gather [hbm4b:s4+s20], $0x40, s9, s20, $0xb8;
	[tilespmem:$0x12400] =	vst v63  }
0x7f: {  	_ =	swait.ge [sflag:s26], $0x2000  }
0x80: {  	[sflag:s26] =	ssyncset.done $0x0  }
0x81: {  	[sflag:s26] =	ssyncadd.s32 $0xFFFFE000  }
0x82: {  	_ =	swait.ge [sflag:s26], $0x2000  }
0x83: {  	[sflag:s26] =	ssyncset.done $0x0  }
0x84: {  	[sflag:s26] =	ssyncadd.s32 $0xFFFFE000  }
0x85: {  	[spmem:s2] =	stream.indirect.scatter.add.bf16 [tilespmem:s17], [sflag:$0x3], $0x40, s19, s20, $0xb8;
	[tilespmem:$0x12400] =	vst v63  }
0x86: {  	_ =	swait.ge [sflag:s18], $0x2000  }
0x87: {  	[sflag:s18] =	ssyncset.done $0x0  }
0x88: {  	[sflag:s18] =	ssyncadd.s32 $0xFFFFE000  }
0x89: {  	[spmem:s2] =	stream.indirect.scatter.add.bf16 [tilespmem:s21], [sflag:$0x3], $0x40, s28, s20, $0xb8;
	[tilespmem:$0x12400] =	vst v63  }
0x8a: {  	p1 =	sge.u32 s7, s5;
	_ =	swait.ge [sflag:s18], $0x2000  }
0x8b: {  	s10 =	simm.s32 @!p1 $0x0;
	[sflag:s18] =	ssyncset.done $0x0  }
0x8c: {  	s11 =	simm.s32 @!p1 $0x3;
	s9 =	sadd.s32 @!p1 $0x20, s1;
	[sflag:s18] =	ssyncadd.s32 $0xFFFFE000  }
0x8d: {  	[tilespmem:s10], [sflag:$0x3] =	stream.linear.gather @!p1 [hbm4b:s9+s10], $0x100, $0x38;
	[tilespmem:$0x12400] =	vst v63  }
0x8e: {  	_ =	swait.ge @!p1 [sflag:s11], $0x100  }
0x8f: {  	[sflag:s11] =	ssyncset.done @!p1 $0x0  }
0x90: {  	s12 =	simm.s32 @!p1 $0x100;
	s9 =	sadd.s32 @!p1 $0x20, s15;
	[sflag:s11] =	ssyncadd.s32 @!p1 $0xFFFFFF00  }
0x91: {  	[tilespmem:s12], [sflag:$0x3] =	stream.linear.gather @!p1 [hbm4b:s9+s10], $0x100, $0x38;
	[tilespmem:$0x12400] =	vst v63  }
0x92: {  	_ =	swait.ge @!p1 [sflag:s11], $0x100  }
0x93: {  	[sflag:s11] =	ssyncset.done @!p1 $0x0  }
0x94: {  	s9 =	simm.s32 @!p1 $0x80;
	s12 =	simm.s32 @!p1 $0x200;
	[sflag:s11] =	ssyncadd.s32 @!p1 $0xFFFFFF00  }
0x95: {  	[tilespmem:s12], [sflag:$0x1] =	stream.indirect.gather @!p1 [hbm4b:s4+s9], $0x40, s10, s9, $0xb8;
	[tilespmem:$0x12400] =	vst v63  }
0x96: {  	s11 =	simm.s32 @!p1 $0x2200  }
0x97: {  	[tilespmem:s11], [sflag:$0x1] =	stream.indirect.gather @!p1 [hbm4b:s4+s9], $0x40, s9, s9, $0xb8;
	[tilespmem:$0x12400] =	vst v63  }
0x98: {  	_ =	swait.ge [sflag:s29], $0x2000  }
0x99: {  	[sflag:s29] =	ssyncset.done $0x0  }
0x9a: {  	[sflag:s29] =	ssyncadd.s32 $0xFFFFE000  }
0x9b: {  	_ =	swait.ge [sflag:s29], $0x2000  }
0x9c: {  	s0 =	sadd.s32 $0xFFFFFFFF, s0;
	[sflag:s29] =	ssyncset.done $0x0  }
0x9d: {  	p0 =	sne.s32 s0, $0x0;
	[sflag:s29] =	ssyncadd.s32 $0xFFFFE000  }
0x9e: {  	[spmem:s2] =	stream.indirect.scatter.add.bf16 [tilespmem:s24], [sflag:$0x3], $0x40, s23, s20, $0xb8;
	[tilespmem:$0x12400] =	vst v63  }
.Ltmp2:
0x9f: {  	_ =	swait.ge [sflag:s18], $0x2000;
	(pc) =	sbr.rel @p0 .LBB2_4-.Ltmp2, $4  }
0xa0: {  	[sflag:s18] =	ssyncset.done $0x0  }
0xa1: {  	[sflag:s18] =	ssyncadd.s32 $0xFFFFE000  }
0xa2: {  	[spmem:s2] =	stream.indirect.scatter.add.bf16 [tilespmem:s25], [sflag:$0x3], $0x40, s30, s20, $0xb8;
	[tilespmem:$0x12400] =	vst v63  }
0xa3: {  	s7 =	sadd.s32 $0x2, s7;
	s1 =	sadd.s32 $0x40, s1;
	_ =	swait.ge [sflag:s18], $0x2000  }
.LBB2_5:
0xa4: {  	[sflag:s18] =	ssyncset.done $0x0  }
0xa5: {  	s0 =	stileid.u32;
	s1 =	sshrl.u32 s6, $0x3;
	s31 =	sadd.s32 $0x1, s31  }
0xa6: {  	[sflag:s18] =	ssyncadd.s32 $0xFFFFE000;
	s0 =	sshll.u32 s0, $0x6;
	p0 =	sne.s32 s31, s14  }
.Ltmp3:
0xa7: {  	[bflag:$0x0] =	sbarrier.arrive $0xFFFF;
	s0 =	sor.u32 $0x1C03, s0;
	(pc) =	sbr.rel @p0 .LBB2_1-.Ltmp3, $4  }
0xa8: {  	[hbm:s13], [sflag:s0] =	dma.local [spmem:s1], $0x1400  }
0xa9: {  	_ =	swait.ge [sflag:s18], $0x1400  }
0xaa: {  	[sflag:s18] =	ssyncset.done $0x0  }
0xab: {  	[sflag:s18] =	ssyncadd.s32 $0xFFFFEC00  }
0xac: {  	_ =	sfence.sel $0x180000  }
0xad: {  	[bflag:$0x0] =	sbarrier.arrive $0xFFFF  }
0xae: {  	_ =	strace $0x90000047  }
0xaf: {  	s0 =	stileid.u32;
	[bflag:$0x2] =	sbarrier.arrive $0xFFFF  }
0xb0: {  	p0 =	sne.s32 s0, $0x0;
	s0 =	rddreg [dreg:$0x2]  }
0xb1: {  	s0 =	sadd.s32 @!p0 $0x100000, s0  }
0xb2: {  	[sflag:s0] =	ssyncadd.tile.s32 @!p0 $0x1;
	_ =	shalt  }
.Lfunc_end2:
_tile_overlayer_lowered:
.L_overlay_start_2:
0xb3: {  	(tag) =	ssettag $0x2  }
0xb4: {  	s0 =	rddreg [dreg:$0x0];
	s2 =	stileid.u32  }
0xb5: {  	s1 =	rddreg [dreg:$0x1];
	p0 =	sne.s32 s2, $0x0  }
0xb6: {  	s3 =	rddreg [dreg:$0x2];
	[bflag:$0x3] =	sbarrier.arrive $0xFFFF;
	s2 =	simm.s32 @!p0 $0x1C03  }
0xb7: {  	[timem:s3], [sflag:s2] =	dma.local @!p0 [hbm:s0], s1  }
0xb8: {  	s0 =	simm.s32 @!p0 $0x3  }
0xb9: {  	_ =	swait.ge @!p0 [sflag:s0], s1  }
0xba: {  	s1 =	ssub.s32 @!p0 $0x0, s1;
	[sflag:s0] =	ssyncset.done @!p0 $0x0  }
0xbb: {  	[sflag:s0] =	ssyncadd.s32 @!p0 s1  }
0xbc: {  	[bflag:$0x3] =	sbarrier.arrive $0xFFFF  }
0xbd: {  	_ =	shalt  }

</sc_bundles>
